<compile_context>
chip_gen: v7x
topology: tpu7x:2x2x1
jax: 0.10.2.dev20260603
libtpu: 0.0.44.dev20260713+nightly
codegen_flags: <defaults>
</compile_context>

<pallas_src>
import functools

import jax
import jax.numpy as jnp
from jax import lax
from jax.experimental import pallas as pl
from jax.experimental.pallas import tpu as pltpu
from jax.experimental.pallas import tpu_sc as plsc

NC = 2
NS = 16
NW = NC * NS
K = 128
TRASH = 16
NB = 6
PF = 5


def _ring_pipeline(nch, gather, scatter, wait_gather, wait_scatter,
                   prologue_done=False):
    if not prologue_done:
        for b in range(PF):
            gather(b, b % NB)

    def body(j, carry):
        slot = lax.rem(j, NB)
        wait_gather(j, slot)
        scatter(j, slot)
        j2 = j + PF
        slot2 = lax.rem(j2, NB)

        @pl.when(j2 < nch)
        def _():
            @pl.when(j2 >= NB)
            def _():
                wait_scatter(j2 - NB, slot2)

            gather(j2, slot2)

        return carry

    lax.fori_loop(0, nch, body, 0)
    for i in range(NB):
        m = nch - NB + i
        wait_scatter(m, m % NB)


def _make_prop_colsplit(n_out, n_pad, nch, dh):
    sp = n_pad // NS
    mesh = plsc.VectorSubcoreMesh(core_axis_name="c", subcore_axis_name="s")

    @functools.partial(
        pl.kernel,
        out_type=jax.ShapeDtypeStruct((NC, n_pad, dh), jnp.float32),
        mesh=mesh,
        compiler_params=pltpu.CompilerParams(use_tc_tiling_on_sc=False),
        scratch_types=[
            pltpu.VMEM((nch, K), jnp.int32),
            pltpu.VMEM((nch, K), jnp.int32),
            pltpu.VMEM((NB, K, dh), jnp.float32),
            pltpu.VMEM_SHARED((n_pad, dh), jnp.float32),
            pltpu.SemaphoreType.DMA((NB,)),
            pltpu.SemaphoreType.DMA((NB,)),
        ],
    )
    def prop(t_hbm, src_hbm, dst_hbm, out_hbm, src_v, dst_v, buf, acc,
             sem_g, sem_s):
        c = lax.axis_index("c")
        s = lax.axis_index("s")
        pltpu.sync_copy(src_hbm.at[s], src_v)
        pltpu.sync_copy(dst_hbm.at[s], dst_v)

        def gather(j, slot):
            pltpu.async_copy(t_hbm.at[c].at[src_v.at[j]], buf.at[slot],
                             sem_g.at[slot])

        def wait_gather(j, slot):
            pltpu.make_async_copy(t_hbm.at[c].at[src_v.at[j]], buf.at[slot],
                                  sem_g.at[slot]).wait()

        def scatter(j, slot):
            pltpu.async_copy(buf.at[slot], acc.at[dst_v.at[j]],
                             sem_s.at[slot], add=True)

        def wait_scatter(j, slot):
            pltpu.make_async_copy(buf.at[slot], acc.at[dst_v.at[j]],
                                  sem_s.at[slot]).wait()

        @pl.when(s == 0)
        def _():
            pltpu.sync_copy(t_hbm.at[c], acc)

        plsc.subcore_barrier()
        _ring_pipeline(nch, gather, scatter, wait_gather, wait_scatter)
        plsc.subcore_barrier()

        @pl.when(s == 0)
        def _():
            pltpu.sync_copy(acc, out_hbm.at[c])

    return prop


def _make_prop_edgesplit(n_out, n_pad, nch, dw):
    sp = n_pad // NS
    mesh = plsc.VectorSubcoreMesh(core_axis_name="c", subcore_axis_name="s")

    @functools.partial(
        pl.kernel,
        out_type=jax.ShapeDtypeStruct((NC, n_pad, dw), jnp.float32),
        mesh=mesh,
        compiler_params=pltpu.CompilerParams(use_tc_tiling_on_sc=False),
        scratch_types=[
            pltpu.VMEM((nch, K), jnp.int32),
            pltpu.VMEM((nch, K), jnp.int32),
            pltpu.VMEM((NB, K, dw), jnp.float32),
            pltpu.VMEM_SHARED((n_pad, dw), jnp.float32),
            pltpu.SemaphoreType.DMA((NB,)),
            pltpu.SemaphoreType.DMA((NB,)),
        ],
    )
    def prop(t_hbm, src_hbm, dst_hbm, zeros_hbm, out_hbm,
             src_v, dst_v, buf, acc, sem_g, sem_s):
        c = lax.axis_index("c")
        s = lax.axis_index("s")
        pltpu.sync_copy(src_hbm.at[c].at[s], src_v)
        pltpu.sync_copy(dst_hbm.at[c].at[s], dst_v)

        def gather(j, slot):
            pltpu.async_copy(t_hbm.at[src_v.at[j]], buf.at[slot],
                             sem_g.at[slot])

        def wait_gather(j, slot):
            pltpu.make_async_copy(t_hbm.at[src_v.at[j]], buf.at[slot],
                                  sem_g.at[slot]).wait()

        def scatter(j, slot):
            pltpu.async_copy(buf.at[slot], acc.at[dst_v.at[j]],
                             sem_s.at[slot], add=True)

        def wait_scatter(j, slot):
            pltpu.make_async_copy(buf.at[slot], acc.at[dst_v.at[j]],
                                  sem_s.at[slot]).wait()

        @pl.when(s == 0)
        def _():
            @pl.when(c == 0)
            def _():
                pltpu.sync_copy(t_hbm, acc)

            @pl.when(c != 0)
            def _():
                pltpu.sync_copy(zeros_hbm, acc)

        plsc.subcore_barrier()
        _ring_pipeline(nch, gather, scatter, wait_gather, wait_scatter)
        plsc.subcore_barrier()

        @pl.when(s == 0)
        def _():
            pltpu.sync_copy(acc, out_hbm.at[c])

    return prop


def _make_deg(n_out, n_pad, nch):
    sp = n_pad // NS
    mesh = plsc.VectorSubcoreMesh(core_axis_name="c", subcore_axis_name="s")

    @functools.partial(
        pl.kernel,
        out_type=jax.ShapeDtypeStruct((NC, n_pad, 16), jnp.float32),
        mesh=mesh,
        compiler_params=pltpu.CompilerParams(use_tc_tiling_on_sc=False),
        scratch_types=[
            pltpu.VMEM((nch, K), jnp.int32),
            pltpu.VMEM((K, 16), jnp.float32),
            pltpu.VMEM_SHARED((n_pad, 16), jnp.float32),
        ],
    )
    def deg(dst_hbm, ones_hbm, zeros_hbm, out_hbm, dst_v, ones_v, acc):
        c = lax.axis_index("c")
        s = lax.axis_index("s")
        pltpu.sync_copy(dst_hbm.at[c].at[s], dst_v)
        pltpu.sync_copy(ones_hbm, ones_v)

        @pl.when(s == 0)
        def _():
            pltpu.sync_copy(zeros_hbm, acc)

        plsc.subcore_barrier()

        def body(j, carry):
            pltpu.sync_copy(ones_v, acc.at[dst_v.at[j]], add=True)
            return carry

        lax.fori_loop(0, nch, body, 0)
        plsc.subcore_barrier()

        @pl.when(s == 0)
        def _():
            pltpu.sync_copy(acc, out_hbm.at[c])

    return deg


def _tc_call(body, out_shapes, *args):
    return pl.pallas_call(body, out_shape=out_shapes)(*args)


def kernel(x, edge_index, batch, W1, b1, W2, b2, W3, b3, W4, b4):
    n, d = x.shape
    e = edge_index.shape[1]
    dh = d // 2
    c_dim = W4.shape[1]
    g_dim = 16
    cp = 16
    n_pad = n + TRASH

    src = edge_index[0]
    dst = edge_index[1]

    epw2 = -(-e // NS)
    nch2 = -(-epw2 // K)
    pad2 = NS * nch2 * K - e
    pad2_src = jnp.full((pad2,), n, dtype=jnp.int32)
    pad2_dst = (jnp.arange(pad2, dtype=jnp.int32) % TRASH) + n
    srcs2 = jnp.concatenate([src, pad2_src]).reshape(NS, nch2, K)
    dsts2 = jnp.concatenate([dst, pad2_dst]).reshape(NS, nch2, K)

    epw = -(-e // NW)
    nch = -(-epw // K)
    pad1 = NW * nch * K - e
    pad1_src = jnp.full((pad1,), n, dtype=jnp.int32)
    pad1_dst = (jnp.arange(pad1, dtype=jnp.int32) % TRASH) + n
    srcs1 = jnp.concatenate([src, pad1_src]).reshape(NC, NS, nch, K)
    dsts1 = jnp.concatenate([dst, pad1_dst]).reshape(NC, NS, nch, K)

    zeros_cp = jnp.zeros((n_pad, cp), jnp.float32)
    zeros_16 = jnp.zeros((n_pad, 16), jnp.float32)
    ones_k = jnp.ones((K, 16), jnp.float32)

    prop_d = _make_prop_colsplit(n, n_pad, nch2, dh)
    prop_c = _make_prop_edgesplit(n, n_pad, nch, cp)
    deg_k = _make_deg(n, n_pad, nch)

    W4p = jnp.concatenate([W4, jnp.zeros((d, cp - c_dim), jnp.float32)], axis=1)
    b1r = b1.reshape(1, d)
    b2r = b2.reshape(1, d)
    b3r = b3.reshape(1, d)
    b4r = jnp.concatenate([b4, jnp.zeros((cp - c_dim,), jnp.float32)]).reshape(1, cp)
    batch_r = batch.reshape(1, n)

    degp = deg_k(dsts1, ones_k, zeros_16)

    def tc_split_store(t_ref, res):
        t_ref[0, :n, :] = res[:, :dh]
        t_ref[1, :n, :] = res[:, dh:]
        t_ref[0, n:, :] = jnp.zeros((TRASH, dh), jnp.float32)
        t_ref[1, n:, :] = jnp.zeros((TRASH, dh), jnp.float32)

    def tc0(x_ref, w_ref, u_ref):
        u_ref[...] = jnp.dot(x_ref[...], w_ref[...],
                             preferred_element_type=jnp.float32)

    u1 = _tc_call(tc0, jax.ShapeDtypeStruct((n, d), jnp.float32), x, W1)

    def tc1(u_ref, dp_ref, t_ref, dinv_ref):
        deg = dp_ref[0, :n, 0:1] + dp_ref[1, :n, 0:1] + 1.0
        dinv = lax.rsqrt(deg)
        dinv_ref[...] = dinv
        res = u_ref[...] * dinv
        tc_split_store(t_ref, res)

    t1, dinv = _tc_call(
        tc1,
        (jax.ShapeDtypeStruct((NC, n_pad, dh), jnp.float32),
         jax.ShapeDtypeStruct((n, 1), jnp.float32)),
        u1, degp)

    p1 = prop_d(t1, srcs2, dsts2)

    def tc2(p_ref, dinv_ref, b_ref, w_ref, t2_ref, h_ref):
        dinv = dinv_ref[...]
        ap = jnp.concatenate([p_ref[0, :n, :], p_ref[1, :n, :]], axis=1)
        h1c = jnp.maximum(dinv * ap + b_ref[...], 0.0)
        h_ref[...] = h1c
        res = jnp.dot(h1c, w_ref[...],
                      preferred_element_type=jnp.float32) * dinv
        tc_split_store(t2_ref, res)

    t2, h1c = _tc_call(
        tc2,
        (jax.ShapeDtypeStruct((NC, n_pad, dh), jnp.float32),
         jax.ShapeDtypeStruct((n, d), jnp.float32)),
        p1, dinv, b1r, W2)

    p2 = prop_d(t2, srcs2, dsts2)

    def tc3(p_ref, h_prev_ref, dinv_ref, b_ref, w_ref, t3_ref, h_ref):
        dinv = dinv_ref[...]
        ap = jnp.concatenate([p_ref[0, :n, :], p_ref[1, :n, :]], axis=1)
        h2 = dinv * ap + b_ref[...]
        h2c = jnp.maximum(jnp.maximum(h2, 0.0) + h_prev_ref[...], 0.0)
        h_ref[...] = h2c
        res = jnp.dot(h2c, w_ref[...],
                      preferred_element_type=jnp.float32) * dinv
        tc_split_store(t3_ref, res)

    t3, h2c = _tc_call(
        tc3,
        (jax.ShapeDtypeStruct((NC, n_pad, dh), jnp.float32),
         jax.ShapeDtypeStruct((n, d), jnp.float32)),
        p2, h1c, dinv, b2r, W3)

    p3 = prop_d(t3, srcs2, dsts2)

    def tc4(p_ref, h_prev_ref, dinv_ref, b_ref, w_ref, t4_ref):
        dinv = dinv_ref[...]
        ap = jnp.concatenate([p_ref[0, :n, :], p_ref[1, :n, :]], axis=1)
        h3 = dinv * ap + b_ref[...]
        h3r = jnp.maximum(jnp.maximum(h3, 0.0) + h_prev_ref[...], 0.0)
        res = jnp.dot(h3r, w_ref[...],
                      preferred_element_type=jnp.float32) * dinv
        t4_ref[:n, :] = res
        t4_ref[n:, :] = jnp.zeros((TRASH, cp), jnp.float32)

    t4 = _tc_call(
        tc4,
        jax.ShapeDtypeStruct((n_pad, cp), jnp.float32),
        p3, h2c, dinv, b3r, W4p)

    p4 = prop_c(t4, srcs1, dsts1, zeros_cp)

    def tc5(p_ref, dinv_ref, b_ref, batch_ref, out_ref):
        h4 = dinv_ref[...] * (p_ref[0, :n, :] + p_ref[1, :n, :]) + b_ref[...]
        gids = lax.broadcasted_iota(jnp.int32, (g_dim, n), 0)
        onehot = (gids == batch_ref[...]).astype(jnp.float32)
        sums = jnp.dot(onehot, h4, preferred_element_type=jnp.float32)
        counts = jnp.sum(onehot, axis=1, keepdims=True)
        out_ref[...] = sums[:, :c_dim] / jnp.maximum(counts, 1.0)

    out = _tc_call(
        tc5,
        jax.ShapeDtypeStruct((g_dim, c_dim), jnp.float32),
        p4, dinv, b4r, batch_r)

    return out

# --- scband reference (transcript-rebuilt; emitter-appended) ---
"""Pipeline reference for scband-gcn-29334626631943 (READ-ONLY COPY).

The authoritative reference and input builder live on the scoring server;
editing this copy changes nothing except your own understanding.
"""

import jax, jax.numpy as jnp
import numpy as np

N = 10000
E = 320000
D = 128
C = 10
G = 16


def gcn_conv(x, W, b, edge_index, num_nodes):
    # PyG-style GCNConv: add self-loops, symmetric normalization, linear, scatter-add, bias
    src = edge_index[0]
    dst = edge_index[1]
    loop = jnp.arange(num_nodes, dtype=src.dtype)
    src = jnp.concatenate([src, loop])
    dst = jnp.concatenate([dst, loop])
    h = x @ W
    deg = jnp.zeros((num_nodes,), dtype=h.dtype).at[dst].add(1.0)
    dinv = jnp.where(deg > 0, 1.0 / jnp.sqrt(deg), 0.0)
    norm = dinv[src] * dinv[dst]
    msg = h[src] * norm[:, None]
    out = jnp.zeros((num_nodes, h.shape[1]), dtype=h.dtype).at[dst].add(msg)
    return out + b


def setup_inputs(seed: int = 0) -> dict:
    key = jax.random.key(seed)
    ks = jax.random.split(key, 12)
    x = jax.random.normal(ks[0], (N, D), dtype=jnp.float32)
    edge_index = jax.random.randint(ks[1], (2, E), 0, N, dtype=jnp.int32)
    batch = jnp.sort(jax.random.randint(ks[2], (N,), 0, G, dtype=jnp.int32))
    W1 = jax.random.normal(ks[3], (D, D), dtype=jnp.float32) * 0.05
    b1 = jnp.zeros((D,), dtype=jnp.float32)
    W2 = jax.random.normal(ks[4], (D, D), dtype=jnp.float32) * 0.05
    b2 = jnp.zeros((D,), dtype=jnp.float32)
    W3 = jax.random.normal(ks[5], (D, D), dtype=jnp.float32) * 0.05
    b3 = jnp.zeros((D,), dtype=jnp.float32)
    W4 = jax.random.normal(ks[6], (D, C), dtype=jnp.float32) * 0.05
    b4 = jnp.zeros((C,), dtype=jnp.float32)
    return {"x": x, "edge_index": edge_index, "batch": batch,
            "W1": W1, "b1": b1, "W2": W2, "b2": b2,
            "W3": W3, "b3": b3, "W4": W4, "b4": b4}


def reference(x, edge_index, batch, W1, b1, W2, b2, W3, b3, W4, b4):
    num_nodes = x.shape[0]
    # conv1 + relu (dropout is identity in eval mode)
    h = gcn_conv(x, W1, b1, edge_index, num_nodes)
    h_copy = jax.nn.relu(h)
    # conv2 with residual
    h = gcn_conv(h_copy, W2, b2, edge_index, num_nodes)
    h_copy = jax.nn.relu(jax.nn.relu(h) + h_copy)
    # conv3 with residual
    h = gcn_conv(h_copy, W3, b3, edge_index, num_nodes)
    h = jax.nn.relu(jax.nn.relu(h) + h_copy)
    # conv4 -> classes
    h = gcn_conv(h, W4, b4, edge_index, num_nodes)
    # global mean pool by graph id
    sums = jax.ops.segment_sum(h, batch, num_segments=G)
    counts = jax.ops.segment_sum(jnp.ones((num_nodes, 1), dtype=h.dtype), batch, num_segments=G)
    return sums / jnp.maximum(counts, 1.0)

if __name__ == "__main__":
    import jax
    _d = setup_inputs()
    print(jax.jit(kernel)(*tuple(_d.values())))

</pallas_src>

<mosaic_0001>
#map = affine_map<(d0, d1) -> (0, 0, 0)>
module attributes {stable_mosaic.version = 14 : i64} {
  func.func @prop(%arg0: i32, %arg1: i32, %arg2: memref<2x10016x64xf32, #tpu.memory_space<hbm>>, %arg3: memref<16x157x128xi32, #tpu.memory_space<hbm>>, %arg4: memref<16x157x128xi32, #tpu.memory_space<hbm>>, %arg5: memref<2x10016x64xf32, #tpu.memory_space<hbm>>, %arg6: memref<157x128xi32, #tpu.memory_space<vmem>>, %arg7: memref<157x128xi32, #tpu.memory_space<vmem>>, %arg8: memref<6x128x64xf32, #tpu.memory_space<vmem>>, %arg9: memref<10016x64xf32, #tpu.memory_space<vmem_shared>>, %arg10: memref<6x!tpu.dma_semaphore, #tpu.memory_space<semaphore_mem>>, %arg11: memref<6x!tpu.dma_semaphore, #tpu.memory_space<semaphore_mem>>) attributes {dimension_semantics = [#tpu.dimension_semantics<core_parallel>, #tpu.dimension_semantics<subcore_parallel>], iteration_bounds = array<i64: 2, 16>, scalar_prefetch = 0 : i64, scratch_operands = 6 : i64, tpu.core_type = #tpu.core_type<sc_vector_subcore>, window_params = [{transform_indices = #map}, {transform_indices = #map}, {transform_indices = #map}, {transform_indices = #map}]} {
    "tpu.region"() ({
      %run_scoped3A = tpu.sem_alloc : memref<!tpu.dma_semaphore, #tpu.memory_space<semaphore_mem>>
      %dma_start3A_196 = arith.constant 0 : i32
      %dma_start3A_197 = arith.constant 0 : i32
      %dma_start3A_198 = tpu.memref_slice %arg3[%arg1, %dma_start3A_196, %dma_start3A_197] : memref<16x157x128xi32, #tpu.memory_space<hbm>> -> memref<1x157x128xi32, #tpu.memory_space<hbm>>
      %dma_start3A_199 = tpu.memref_squeeze %dma_start3A_198 : memref<1x157x128xi32, #tpu.memory_space<hbm>> -> memref<157x128xi32, #tpu.memory_space<hbm>>
      %dma_start3A_200 = arith.constant 0 : i32
      %dma_start3A_201 = arith.constant 0 : i32
      %dma_start3A_202 = tpu.memref_slice %arg3[%arg1, %dma_start3A_200, %dma_start3A_201] : memref<16x157x128xi32, #tpu.memory_space<hbm>> -> memref<1x157x128xi32, #tpu.memory_space<hbm>>
      %dma_start3A_203 = tpu.memref_squeeze %dma_start3A_202 : memref<1x157x128xi32, #tpu.memory_space<hbm>> -> memref<157x128xi32, #tpu.memory_space<hbm>>
      tpu.enqueue_dma source(%dma_start3A_203 : memref<157x128xi32, #tpu.memory_space<hbm>>) target(%arg6 : memref<157x128xi32, #tpu.memory_space<vmem>>) target_semaphore(%run_scoped3A : memref<!tpu.dma_semaphore, #tpu.memory_space<semaphore_mem>>)
      %dma_wait3A_204 = arith.constant 0 : i32
      %dma_wait3A_205 = arith.constant 0 : i32
      %dma_wait3A_206 = tpu.memref_slice %arg3[%arg1, %dma_wait3A_204, %dma_wait3A_205] : memref<16x157x128xi32, #tpu.memory_space<hbm>> -> memref<1x157x128xi32, #tpu.memory_space<hbm>>
      %dma_wait3A_207 = tpu.memref_squeeze %dma_wait3A_206 : memref<1x157x128xi32, #tpu.memory_space<hbm>> -> memref<157x128xi32, #tpu.memory_space<hbm>>
      %dma_wait3A_208 = arith.constant 0 : i32
      %dma_wait3A_209 = arith.constant 0 : i32
      %dma_wait3A_210 = tpu.memref_slice %arg3[%arg1, %dma_wait3A_208, %dma_wait3A_209] : memref<16x157x128xi32, #tpu.memory_space<hbm>> -> memref<1x157x128xi32, #tpu.memory_space<hbm>>
      %dma_wait3A_211 = tpu.memref_squeeze %dma_wait3A_210 : memref<1x157x128xi32, #tpu.memory_space<hbm>> -> memref<157x128xi32, #tpu.memory_space<hbm>>
      tpu.wait_dma2 semaphore(%run_scoped3A : memref<!tpu.dma_semaphore, #tpu.memory_space<semaphore_mem>>) src(%dma_wait3A_211 : memref<157x128xi32, #tpu.memory_space<hbm>>) dst(%arg6 : memref<157x128xi32, #tpu.memory_space<vmem>>)
      tpu.yield
    }) : () -> ()
    "tpu.region"() ({
      %run_scoped3A = tpu.sem_alloc : memref<!tpu.dma_semaphore, #tpu.memory_space<semaphore_mem>>
      %dma_start3A_196 = arith.constant 0 : i32
      %dma_start3A_197 = arith.constant 0 : i32
      %dma_start3A_198 = tpu.memref_slice %arg4[%arg1, %dma_start3A_196, %dma_start3A_197] : memref<16x157x128xi32, #tpu.memory_space<hbm>> -> memref<1x157x128xi32, #tpu.memory_space<hbm>>
      %dma_start3A_199 = tpu.memref_squeeze %dma_start3A_198 : memref<1x157x128xi32, #tpu.memory_space<hbm>> -> memref<157x128xi32, #tpu.memory_space<hbm>>
      %dma_start3A_200 = arith.constant 0 : i32
      %dma_start3A_201 = arith.constant 0 : i32
      %dma_start3A_202 = tpu.memref_slice %arg4[%arg1, %dma_start3A_200, %dma_start3A_201] : memref<16x157x128xi32, #tpu.memory_space<hbm>> -> memref<1x157x128xi32, #tpu.memory_space<hbm>>
      %dma_start3A_203 = tpu.memref_squeeze %dma_start3A_202 : memref<1x157x128xi32, #tpu.memory_space<hbm>> -> memref<157x128xi32, #tpu.memory_space<hbm>>
      tpu.enqueue_dma source(%dma_start3A_203 : memref<157x128xi32, #tpu.memory_space<hbm>>) target(%arg7 : memref<157x128xi32, #tpu.memory_space<vmem>>) target_semaphore(%run_scoped3A : memref<!tpu.dma_semaphore, #tpu.memory_space<semaphore_mem>>)
      %dma_wait3A_204 = arith.constant 0 : i32
      %dma_wait3A_205 = arith.constant 0 : i32
      %dma_wait3A_206 = tpu.memref_slice %arg4[%arg1, %dma_wait3A_204, %dma_wait3A_205] : memref<16x157x128xi32, #tpu.memory_space<hbm>> -> memref<1x157x128xi32, #tpu.memory_space<hbm>>
      %dma_wait3A_207 = tpu.memref_squeeze %dma_wait3A_206 : memref<1x157x128xi32, #tpu.memory_space<hbm>> -> memref<157x128xi32, #tpu.memory_space<hbm>>
      %dma_wait3A_208 = arith.constant 0 : i32
      %dma_wait3A_209 = arith.constant 0 : i32
      %dma_wait3A_210 = tpu.memref_slice %arg4[%arg1, %dma_wait3A_208, %dma_wait3A_209] : memref<16x157x128xi32, #tpu.memory_space<hbm>> -> memref<1x157x128xi32, #tpu.memory_space<hbm>>
      %dma_wait3A_211 = tpu.memref_squeeze %dma_wait3A_210 : memref<1x157x128xi32, #tpu.memory_space<hbm>> -> memref<157x128xi32, #tpu.memory_space<hbm>>
      tpu.wait_dma2 semaphore(%run_scoped3A : memref<!tpu.dma_semaphore, #tpu.memory_space<semaphore_mem>>) src(%dma_wait3A_211 : memref<157x128xi32, #tpu.memory_space<hbm>>) dst(%arg7 : memref<157x128xi32, #tpu.memory_space<vmem>>)
      tpu.yield
    }) : () -> ()
    %eq3A = arith.constant 0 : i32
    %eq3A_0 = arith.cmpi eq, %arg1, %eq3A : i32
    %convert_element_type3A = arith.extui %eq3A_0 : i1 to i32
    %cond3A = arith.constant 0 : i32
    %cond3A_1 = arith.cmpi ne, %convert_element_type3A, %cond3A : i32
    scf.if %cond3A_1 {
      "tpu.region"() ({
        %run_scoped3A = tpu.sem_alloc : memref<!tpu.dma_semaphore, #tpu.memory_space<semaphore_mem>>
        %dma_start3A_196 = arith.constant 0 : i32
        %dma_start3A_197 = arith.constant 0 : i32
        %dma_start3A_198 = tpu.memref_slice %arg2[%arg0, %dma_start3A_196, %dma_start3A_197] : memref<2x10016x64xf32, #tpu.memory_space<hbm>> -> memref<1x10016x64xf32, #tpu.memory_space<hbm>>
        %dma_start3A_199 = tpu.memref_squeeze %dma_start3A_198 : memref<1x10016x64xf32, #tpu.memory_space<hbm>> -> memref<10016x64xf32, #tpu.memory_space<hbm>>
        tpu.enqueue_dma source(%dma_start3A_199 : memref<10016x64xf32, #tpu.memory_space<hbm>>) target(%arg9 : memref<10016x64xf32, #tpu.memory_space<vmem_shared>>) target_semaphore(%run_scoped3A : memref<!tpu.dma_semaphore, #tpu.memory_space<semaphore_mem>>)
        %dma_wait3A_200 = arith.constant 0 : i32
        %dma_wait3A_201 = arith.constant 0 : i32
        %dma_wait3A_202 = tpu.memref_slice %arg2[%arg0, %dma_wait3A_200, %dma_wait3A_201] : memref<2x10016x64xf32, #tpu.memory_space<hbm>> -> memref<1x10016x64xf32, #tpu.memory_space<hbm>>
        %dma_wait3A_203 = tpu.memref_squeeze %dma_wait3A_202 : memref<1x10016x64xf32, #tpu.memory_space<hbm>> -> memref<10016x64xf32, #tpu.memory_space<hbm>>
        tpu.wait_dma2 semaphore(%run_scoped3A : memref<!tpu.dma_semaphore, #tpu.memory_space<semaphore_mem>>) src(%dma_wait3A_203 : memref<10016x64xf32, #tpu.memory_space<hbm>>) dst(%arg9 : memref<10016x64xf32, #tpu.memory_space<vmem_shared>>)
        tpu.yield
      }) : () -> ()
    } else {
    }
    %barrier3A = arith.constant 0 : index
    tpu.barrier barrier_id(%barrier3A)
    %dma_start3A = arith.constant 0 : i32
    %dma_start3A_2 = arith.constant 0 : i32
    %dma_start3A_3 = arith.constant 0 : i32
    %dma_start3A_4 = arith.constant 0 : i32
    %dma_start3A_5 = arith.constant 0 : i32
    %dma_start3A_6 = tpu.memref_slice %arg8[%dma_start3A_2, %dma_start3A_4, %dma_start3A_5] : memref<6x128x64xf32, #tpu.memory_space<vmem>> -> memref<1x128x64xf32, #tpu.memory_space<vmem>>
    %dma_start3A_7 = tpu.memref_squeeze %dma_start3A_6 : memref<1x128x64xf32, #tpu.memory_space<vmem>> -> memref<128x64xf32, #tpu.memory_space<vmem>>
    %dma_start3A_8 = arith.constant 0 : i32
    %dma_start3A_9 = tpu.memref_slice %arg6[%dma_start3A, %dma_start3A_8] : memref<157x128xi32, #tpu.memory_space<vmem>> -> memref<1x128xi32, #tpu.memory_space<vmem>>
    %dma_start3A_10 = tpu.memref_squeeze %dma_start3A_9 : memref<1x128xi32, #tpu.memory_space<vmem>> -> memref<128xi32, #tpu.memory_space<vmem>>
    %dma_start3A_11 = arith.constant 0 : i32
    %dma_start3A_12 = arith.constant 0 : i32
    %dma_start3A_13 = tpu.memref_slice %arg2[%arg0, %dma_start3A_11, %dma_start3A_12] : memref<2x10016x64xf32, #tpu.memory_space<hbm>> -> memref<1x10016x64xf32, #tpu.memory_space<hbm>>
    %dma_start3A_14 = tpu.memref_squeeze %dma_start3A_13 : memref<1x10016x64xf32, #tpu.memory_space<hbm>> -> memref<10016x64xf32, #tpu.memory_space<hbm>>
    %dma_start3A_15 = arith.constant 0 : i32
    %dma_start3A_16 = arith.constant 0 : i32
    %dma_start3A_17 = tpu.memref_slice %dma_start3A_14[%dma_start3A_15, %dma_start3A_16] : memref<10016x64xf32, #tpu.memory_space<hbm>> -> memref<10016x64xf32, #tpu.memory_space<hbm>>
    %dma_start3A_18 = tpu.memref_slice %arg10[%dma_start3A_3] : memref<6x!tpu.dma_semaphore, #tpu.memory_space<semaphore_mem>> -> memref<1x!tpu.dma_semaphore, #tpu.memory_space<semaphore_mem>>
    %dma_start3A_19 = tpu.memref_squeeze %dma_start3A_18 : memref<1x!tpu.dma_semaphore, #tpu.memory_space<semaphore_mem>> -> memref<!tpu.dma_semaphore, #tpu.memory_space<semaphore_mem>>
    tpu.enqueue_indirect_dma source(%dma_start3A_17 : memref<10016x64xf32, #tpu.memory_space<hbm>>) target(%dma_start3A_7 : memref<128x64xf32, #tpu.memory_space<vmem>>) offsets(%dma_start3A_10 : memref<128xi32, #tpu.memory_space<vmem>>) semaphore(%dma_start3A_19 : memref<!tpu.dma_semaphore, #tpu.memory_space<semaphore_mem>>)
    %dma_start3A_20 = arith.constant 1 : i32
    %dma_start3A_21 = arith.constant 1 : i32
    %dma_start3A_22 = arith.constant 1 : i32
    %dma_start3A_23 = arith.constant 0 : i32
    %dma_start3A_24 = arith.constant 0 : i32
    %dma_start3A_25 = tpu.memref_slice %arg8[%dma_start3A_21, %dma_start3A_23, %dma_start3A_24] : memref<6x128x64xf32, #tpu.memory_space<vmem>> -> memref<1x128x64xf32, #tpu.memory_space<vmem>>
    %dma_start3A_26 = tpu.memref_squeeze %dma_start3A_25 : memref<1x128x64xf32, #tpu.memory_space<vmem>> -> memref<128x64xf32, #tpu.memory_space<vmem>>
    %dma_start3A_27 = arith.constant 0 : i32
    %dma_start3A_28 = tpu.memref_slice %arg6[%dma_start3A_20, %dma_start3A_27] : memref<157x128xi32, #tpu.memory_space<vmem>> -> memref<1x128xi32, #tpu.memory_space<vmem>>
    %dma_start3A_29 = tpu.memref_squeeze %dma_start3A_28 : memref<1x128xi32, #tpu.memory_space<vmem>> -> memref<128xi32, #tpu.memory_space<vmem>>
    %dma_start3A_30 = arith.constant 0 : i32
    %dma_start3A_31 = arith.constant 0 : i32
    %dma_start3A_32 = tpu.memref_slice %arg2[%arg0, %dma_start3A_30, %dma_start3A_31] : memref<2x10016x64xf32, #tpu.memory_space<hbm>> -> memref<1x10016x64xf32, #tpu.memory_space<hbm>>
    %dma_start3A_33 = tpu.memref_squeeze %dma_start3A_32 : memref<1x10016x64xf32, #tpu.memory_space<hbm>> -> memref<10016x64xf32, #tpu.memory_space<hbm>>
    %dma_start3A_34 = arith.constant 0 : i32
    %dma_start3A_35 = arith.constant 0 : i32
    %dma_start3A_36 = tpu.memref_slice %dma_start3A_33[%dma_start3A_34, %dma_start3A_35] : memref<10016x64xf32, #tpu.memory_space<hbm>> -> memref<10016x64xf32, #tpu.memory_space<hbm>>
    %dma_start3A_37 = tpu.memref_slice %arg10[%dma_start3A_22] : memref<6x!tpu.dma_semaphore, #tpu.memory_space<semaphore_mem>> -> memref<1x!tpu.dma_semaphore, #tpu.memory_space<semaphore_mem>>
    %dma_start3A_38 = tpu.memref_squeeze %dma_start3A_37 : memref<1x!tpu.dma_semaphore, #tpu.memory_space<semaphore_mem>> -> memref<!tpu.dma_semaphore, #tpu.memory_space<semaphore_mem>>
    tpu.enqueue_indirect_dma source(%dma_start3A_36 : memref<10016x64xf32, #tpu.memory_space<hbm>>) target(%dma_start3A_26 : memref<128x64xf32, #tpu.memory_space<vmem>>) offsets(%dma_start3A_29 : memref<128xi32, #tpu.memory_space<vmem>>) semaphore(%dma_start3A_38 : memref<!tpu.dma_semaphore, #tpu.memory_space<semaphore_mem>>)
    %dma_start3A_39 = arith.constant 2 : i32
    %dma_start3A_40 = arith.constant 2 : i32
    %dma_start3A_41 = arith.constant 2 : i32
    %dma_start3A_42 = arith.constant 0 : i32
    %dma_start3A_43 = arith.constant 0 : i32
    %dma_start3A_44 = tpu.memref_slice %arg8[%dma_start3A_40, %dma_start3A_42, %dma_start3A_43] : memref<6x128x64xf32, #tpu.memory_space<vmem>> -> memref<1x128x64xf32, #tpu.memory_space<vmem>>
    %dma_start3A_45 = tpu.memref_squeeze %dma_start3A_44 : memref<1x128x64xf32, #tpu.memory_space<vmem>> -> memref<128x64xf32, #tpu.memory_space<vmem>>
    %dma_start3A_46 = arith.constant 0 : i32
    %dma_start3A_47 = tpu.memref_slice %arg6[%dma_start3A_39, %dma_start3A_46] : memref<157x128xi32, #tpu.memory_space<vmem>> -> memref<1x128xi32, #tpu.memory_space<vmem>>
    %dma_start3A_48 = tpu.memref_squeeze %dma_start3A_47 : memref<1x128xi32, #tpu.memory_space<vmem>> -> memref<128xi32, #tpu.memory_space<vmem>>
    %dma_start3A_49 = arith.constant 0 : i32
    %dma_start3A_50 = arith.constant 0 : i32
    %dma_start3A_51 = tpu.memref_slice %arg2[%arg0, %dma_start3A_49, %dma_start3A_50] : memref<2x10016x64xf32, #tpu.memory_space<hbm>> -> memref<1x10016x64xf32, #tpu.memory_space<hbm>>
    %dma_start3A_52 = tpu.memref_squeeze %dma_start3A_51 : memref<1x10016x64xf32, #tpu.memory_space<hbm>> -> memref<10016x64xf32, #tpu.memory_space<hbm>>
    %dma_start3A_53 = arith.constant 0 : i32
    %dma_start3A_54 = arith.constant 0 : i32
    %dma_start3A_55 = tpu.memref_slice %dma_start3A_52[%dma_start3A_53, %dma_start3A_54] : memref<10016x64xf32, #tpu.memory_space<hbm>> -> memref<10016x64xf32, #tpu.memory_space<hbm>>
    %dma_start3A_56 = tpu.memref_slice %arg10[%dma_start3A_41] : memref<6x!tpu.dma_semaphore, #tpu.memory_space<semaphore_mem>> -> memref<1x!tpu.dma_semaphore, #tpu.memory_space<semaphore_mem>>
    %dma_start3A_57 = tpu.memref_squeeze %dma_start3A_56 : memref<1x!tpu.dma_semaphore, #tpu.memory_space<semaphore_mem>> -> memref<!tpu.dma_semaphore, #tpu.memory_space<semaphore_mem>>
    tpu.enqueue_indirect_dma source(%dma_start3A_55 : memref<10016x64xf32, #tpu.memory_space<hbm>>) target(%dma_start3A_45 : memref<128x64xf32, #tpu.memory_space<vmem>>) offsets(%dma_start3A_48 : memref<128xi32, #tpu.memory_space<vmem>>) semaphore(%dma_start3A_57 : memref<!tpu.dma_semaphore, #tpu.memory_space<semaphore_mem>>)
    %dma_start3A_58 = arith.constant 3 : i32
    %dma_start3A_59 = arith.constant 3 : i32
    %dma_start3A_60 = arith.constant 3 : i32
    %dma_start3A_61 = arith.constant 0 : i32
    %dma_start3A_62 = arith.constant 0 : i32
    %dma_start3A_63 = tpu.memref_slice %arg8[%dma_start3A_59, %dma_start3A_61, %dma_start3A_62] : memref<6x128x64xf32, #tpu.memory_space<vmem>> -> memref<1x128x64xf32, #tpu.memory_space<vmem>>
    %dma_start3A_64 = tpu.memref_squeeze %dma_start3A_63 : memref<1x128x64xf32, #tpu.memory_space<vmem>> -> memref<128x64xf32, #tpu.memory_space<vmem>>
    %dma_start3A_65 = arith.constant 0 : i32
    %dma_start3A_66 = tpu.memref_slice %arg6[%dma_start3A_58, %dma_start3A_65] : memref<157x128xi32, #tpu.memory_space<vmem>> -> memref<1x128xi32, #tpu.memory_space<vmem>>
    %dma_start3A_67 = tpu.memref_squeeze %dma_start3A_66 : memref<1x128xi32, #tpu.memory_space<vmem>> -> memref<128xi32, #tpu.memory_space<vmem>>
    %dma_start3A_68 = arith.constant 0 : i32
    %dma_start3A_69 = arith.constant 0 : i32
    %dma_start3A_70 = tpu.memref_slice %arg2[%arg0, %dma_start3A_68, %dma_start3A_69] : memref<2x10016x64xf32, #tpu.memory_space<hbm>> -> memref<1x10016x64xf32, #tpu.memory_space<hbm>>
    %dma_start3A_71 = tpu.memref_squeeze %dma_start3A_70 : memref<1x10016x64xf32, #tpu.memory_space<hbm>> -> memref<10016x64xf32, #tpu.memory_space<hbm>>
    %dma_start3A_72 = arith.constant 0 : i32
    %dma_start3A_73 = arith.constant 0 : i32
    %dma_start3A_74 = tpu.memref_slice %dma_start3A_71[%dma_start3A_72, %dma_start3A_73] : memref<10016x64xf32, #tpu.memory_space<hbm>> -> memref<10016x64xf32, #tpu.memory_space<hbm>>
    %dma_start3A_75 = tpu.memref_slice %arg10[%dma_start3A_60] : memref<6x!tpu.dma_semaphore, #tpu.memory_space<semaphore_mem>> -> memref<1x!tpu.dma_semaphore, #tpu.memory_space<semaphore_mem>>
    %dma_start3A_76 = tpu.memref_squeeze %dma_start3A_75 : memref<1x!tpu.dma_semaphore, #tpu.memory_space<semaphore_mem>> -> memref<!tpu.dma_semaphore, #tpu.memory_space<semaphore_mem>>
    tpu.enqueue_indirect_dma source(%dma_start3A_74 : memref<10016x64xf32, #tpu.memory_space<hbm>>) target(%dma_start3A_64 : memref<128x64xf32, #tpu.memory_space<vmem>>) offsets(%dma_start3A_67 : memref<128xi32, #tpu.memory_space<vmem>>) semaphore(%dma_start3A_76 : memref<!tpu.dma_semaphore, #tpu.memory_space<semaphore_mem>>)
    %dma_start3A_77 = arith.constant 4 : i32
    %dma_start3A_78 = arith.constant 4 : i32
    %dma_start3A_79 = arith.constant 4 : i32
    %dma_start3A_80 = arith.constant 0 : i32
    %dma_start3A_81 = arith.constant 0 : i32
    %dma_start3A_82 = tpu.memref_slice %arg8[%dma_start3A_78, %dma_start3A_80, %dma_start3A_81] : memref<6x128x64xf32, #tpu.memory_space<vmem>> -> memref<1x128x64xf32, #tpu.memory_space<vmem>>
    %dma_start3A_83 = tpu.memref_squeeze %dma_start3A_82 : memref<1x128x64xf32, #tpu.memory_space<vmem>> -> memref<128x64xf32, #tpu.memory_space<vmem>>
    %dma_start3A_84 = arith.constant 0 : i32
    %dma_start3A_85 = tpu.memref_slice %arg6[%dma_start3A_77, %dma_start3A_84] : memref<157x128xi32, #tpu.memory_space<vmem>> -> memref<1x128xi32, #tpu.memory_space<vmem>>
    %dma_start3A_86 = tpu.memref_squeeze %dma_start3A_85 : memref<1x128xi32, #tpu.memory_space<vmem>> -> memref<128xi32, #tpu.memory_space<vmem>>
    %dma_start3A_87 = arith.constant 0 : i32
    %dma_start3A_88 = arith.constant 0 : i32
    %dma_start3A_89 = tpu.memref_slice %arg2[%arg0, %dma_start3A_87, %dma_start3A_88] : memref<2x10016x64xf32, #tpu.memory_space<hbm>> -> memref<1x10016x64xf32, #tpu.memory_space<hbm>>
    %dma_start3A_90 = tpu.memref_squeeze %dma_start3A_89 : memref<1x10016x64xf32, #tpu.memory_space<hbm>> -> memref<10016x64xf32, #tpu.memory_space<hbm>>
    %dma_start3A_91 = arith.constant 0 : i32
    %dma_start3A_92 = arith.constant 0 : i32
    %dma_start3A_93 = tpu.memref_slice %dma_start3A_90[%dma_start3A_91, %dma_start3A_92] : memref<10016x64xf32, #tpu.memory_space<hbm>> -> memref<10016x64xf32, #tpu.memory_space<hbm>>
    %dma_start3A_94 = tpu.memref_slice %arg10[%dma_start3A_79] : memref<6x!tpu.dma_semaphore, #tpu.memory_space<semaphore_mem>> -> memref<1x!tpu.dma_semaphore, #tpu.memory_space<semaphore_mem>>
    %dma_start3A_95 = tpu.memref_squeeze %dma_start3A_94 : memref<1x!tpu.dma_semaphore, #tpu.memory_space<semaphore_mem>> -> memref<!tpu.dma_semaphore, #tpu.memory_space<semaphore_mem>>
    tpu.enqueue_indirect_dma source(%dma_start3A_93 : memref<10016x64xf32, #tpu.memory_space<hbm>>) target(%dma_start3A_83 : memref<128x64xf32, #tpu.memory_space<vmem>>) offsets(%dma_start3A_86 : memref<128xi32, #tpu.memory_space<vmem>>) semaphore(%dma_start3A_95 : memref<!tpu.dma_semaphore, #tpu.memory_space<semaphore_mem>>)
    %scan3A = arith.constant 0 : i32
    %scan3A_96 = arith.constant 0 : i32
    %scan3A_97 = arith.constant 157 : i32
    %scan3A_98 = arith.addi %scan3A_96, %scan3A_97 : i32
    %scan3A_99 = arith.constant 1 : i32
    scf.for %scan3A_196 = %scan3A_96 to %scan3A_98 step %scan3A_99  : i32 {
      %rem3A = arith.constant 6 : i32
      %rem3A_197 = arith.remsi %scan3A_196, %rem3A : i32
      %dma_wait3A_198 = arith.constant 0 : i32
      %dma_wait3A_199 = arith.constant 0 : i32
      %dma_wait3A_200 = tpu.memref_slice %arg8[%rem3A_197, %dma_wait3A_198, %dma_wait3A_199] : memref<6x128x64xf32, #tpu.memory_space<vmem>> -> memref<1x128x64xf32, #tpu.memory_space<vmem>>
      %dma_wait3A_201 = tpu.memref_squeeze %dma_wait3A_200 : memref<1x128x64xf32, #tpu.memory_space<vmem>> -> memref<128x64xf32, #tpu.memory_space<vmem>>
      %dma_wait3A_202 = arith.constant 0 : i32
      %dma_wait3A_203 = tpu.memref_slice %arg6[%scan3A_196, %dma_wait3A_202] : memref<157x128xi32, #tpu.memory_space<vmem>> -> memref<1x128xi32, #tpu.memory_space<vmem>>
      %dma_wait3A_204 = tpu.memref_squeeze %dma_wait3A_203 : memref<1x128xi32, #tpu.memory_space<vmem>> -> memref<128xi32, #tpu.memory_space<vmem>>
      %dma_wait3A_205 = arith.constant 0 : i32
      %dma_wait3A_206 = arith.constant 0 : i32
      %dma_wait3A_207 = tpu.memref_slice %arg2[%arg0, %dma_wait3A_205, %dma_wait3A_206] : memref<2x10016x64xf32, #tpu.memory_space<hbm>> -> memref<1x10016x64xf32, #tpu.memory_space<hbm>>
      %dma_wait3A_208 = tpu.memref_squeeze %dma_wait3A_207 : memref<1x10016x64xf32, #tpu.memory_space<hbm>> -> memref<10016x64xf32, #tpu.memory_space<hbm>>
      %dma_wait3A_209 = arith.constant 0 : i32
      %dma_wait3A_210 = arith.constant 0 : i32
      %dma_wait3A_211 = tpu.memref_slice %dma_wait3A_208[%dma_wait3A_209, %dma_wait3A_210] : memref<10016x64xf32, #tpu.memory_space<hbm>> -> memref<10016x64xf32, #tpu.memory_space<hbm>>
      %dma_wait3A_212 = tpu.memref_slice %arg10[%rem3A_197] : memref<6x!tpu.dma_semaphore, #tpu.memory_space<semaphore_mem>> -> memref<1x!tpu.dma_semaphore, #tpu.memory_space<semaphore_mem>>
      %dma_wait3A_213 = tpu.memref_squeeze %dma_wait3A_212 : memref<1x!tpu.dma_semaphore, #tpu.memory_space<semaphore_mem>> -> memref<!tpu.dma_semaphore, #tpu.memory_space<semaphore_mem>>
      tpu.wait_indirect_dma semaphore(%dma_wait3A_213 : memref<!tpu.dma_semaphore, #tpu.memory_space<semaphore_mem>>) src(%dma_wait3A_211 : memref<10016x64xf32, #tpu.memory_space<hbm>>) dst(%dma_wait3A_201 : memref<128x64xf32, #tpu.memory_space<vmem>>)
      %dma_start3A_214 = arith.constant 0 : i32
      %dma_start3A_215 = arith.constant 0 : i32
      %dma_start3A_216 = tpu.memref_slice %arg8[%rem3A_197, %dma_start3A_214, %dma_start3A_215] : memref<6x128x64xf32, #tpu.memory_space<vmem>> -> memref<1x128x64xf32, #tpu.memory_space<vmem>>
      %dma_start3A_217 = tpu.memref_squeeze %dma_start3A_216 : memref<1x128x64xf32, #tpu.memory_space<vmem>> -> memref<128x64xf32, #tpu.memory_space<vmem>>
      %dma_start3A_218 = arith.constant 0 : i32
      %dma_start3A_219 = tpu.memref_slice %arg7[%scan3A_196, %dma_start3A_218] : memref<157x128xi32, #tpu.memory_space<vmem>> -> memref<1x128xi32, #tpu.memory_space<vmem>>
      %dma_start3A_220 = tpu.memref_squeeze %dma_start3A_219 : memref<1x128xi32, #tpu.memory_space<vmem>> -> memref<128xi32, #tpu.memory_space<vmem>>
      %dma_start3A_221 = arith.constant 0 : i32
      %dma_start3A_222 = arith.constant 0 : i32
      %dma_start3A_223 = tpu.memref_slice %arg9[%dma_start3A_221, %dma_start3A_222] : memref<10016x64xf32, #tpu.memory_space<vmem_shared>> -> memref<10016x64xf32, #tpu.memory_space<vmem_shared>>
      %dma_start3A_224 = tpu.memref_slice %arg11[%rem3A_197] : memref<6x!tpu.dma_semaphore, #tpu.memory_space<semaphore_mem>> -> memref<1x!tpu.dma_semaphore, #tpu.memory_space<semaphore_mem>>
      %dma_start3A_225 = tpu.memref_squeeze %dma_start3A_224 : memref<1x!tpu.dma_semaphore, #tpu.memory_space<semaphore_mem>> -> memref<!tpu.dma_semaphore, #tpu.memory_space<semaphore_mem>>
      tpu.enqueue_indirect_dma source(%dma_start3A_217 : memref<128x64xf32, #tpu.memory_space<vmem>>) target(%dma_start3A_223 : memref<10016x64xf32, #tpu.memory_space<vmem_shared>>) offsets(%dma_start3A_220 : memref<128xi32, #tpu.memory_space<vmem>>) semaphore(%dma_start3A_225 : memref<!tpu.dma_semaphore, #tpu.memory_space<semaphore_mem>>) {add = true}
      %add3A = arith.constant 5 : i32
      %add3A_226 = arith.addi %scan3A_196, %add3A : i32
      %rem3A_227 = arith.constant 6 : i32
      %rem3A_228 = arith.remsi %add3A_226, %rem3A_227 : i32
      %lt3A = arith.constant 157 : i32
      %lt3A_229 = arith.cmpi slt, %add3A_226, %lt3A : i32
      %convert_element_type3A_230 = arith.extui %lt3A_229 : i1 to i32
      %cond3A_231 = arith.constant 0 : i32
      %cond3A_232 = arith.cmpi ne, %convert_element_type3A_230, %cond3A_231 : i32
      scf.if %cond3A_232 {
        %ge3A = arith.constant 6 : i32
        %ge3A_233 = arith.cmpi sge, %add3A_226, %ge3A : i32
        %convert_element_type3A_234 = arith.extui %ge3A_233 : i1 to i32
        %cond3A_235 = arith.constant 0 : i32
        %cond3A_236 = arith.cmpi ne, %convert_element_type3A_234, %cond3A_235 : i32
        scf.if %cond3A_236 {
          %sub3A = arith.constant 6 : i32
          %sub3A_253 = arith.subi %add3A_226, %sub3A : i32
          %dma_wait3A_254 = arith.constant 0 : i32
          %dma_wait3A_255 = arith.constant 0 : i32
          %dma_wait3A_256 = tpu.memref_slice %arg8[%rem3A_228, %dma_wait3A_254, %dma_wait3A_255] : memref<6x128x64xf32, #tpu.memory_space<vmem>> -> memref<1x128x64xf32, #tpu.memory_space<vmem>>
          %dma_wait3A_257 = tpu.memref_squeeze %dma_wait3A_256 : memref<1x128x64xf32, #tpu.memory_space<vmem>> -> memref<128x64xf32, #tpu.memory_space<vmem>>
          %dma_wait3A_258 = arith.constant 0 : i32
          %dma_wait3A_259 = tpu.memref_slice %arg7[%sub3A_253, %dma_wait3A_258] : memref<157x128xi32, #tpu.memory_space<vmem>> -> memref<1x128xi32, #tpu.memory_space<vmem>>
          %dma_wait3A_260 = tpu.memref_squeeze %dma_wait3A_259 : memref<1x128xi32, #tpu.memory_space<vmem>> -> memref<128xi32, #tpu.memory_space<vmem>>
          %dma_wait3A_261 = arith.constant 0 : i32
          %dma_wait3A_262 = arith.constant 0 : i32
          %dma_wait3A_263 = tpu.memref_slice %arg9[%dma_wait3A_261, %dma_wait3A_262] : memref<10016x64xf32, #tpu.memory_space<vmem_shared>> -> memref<10016x64xf32, #tpu.memory_space<vmem_shared>>
          %dma_wait3A_264 = tpu.memref_slice %arg11[%rem3A_228] : memref<6x!tpu.dma_semaphore, #tpu.memory_space<semaphore_mem>> -> memref<1x!tpu.dma_semaphore, #tpu.memory_space<semaphore_mem>>
          %dma_wait3A_265 = tpu.memref_squeeze %dma_wait3A_264 : memref<1x!tpu.dma_semaphore, #tpu.memory_space<semaphore_mem>> -> memref<!tpu.dma_semaphore, #tpu.memory_space<semaphore_mem>>
          tpu.wait_indirect_dma semaphore(%dma_wait3A_265 : memref<!tpu.dma_semaphore, #tpu.memory_space<semaphore_mem>>) src(%dma_wait3A_257 : memref<128x64xf32, #tpu.memory_space<vmem>>) dst(%dma_wait3A_263 : memref<10016x64xf32, #tpu.memory_space<vmem_shared>>)
        } else {
        }
        %dma_start3A_237 = arith.constant 0 : i32
        %dma_start3A_238 = arith.constant 0 : i32
        %dma_start3A_239 = tpu.memref_slice %arg8[%rem3A_228, %dma_start3A_237, %dma_start3A_238] : memref<6x128x64xf32, #tpu.memory_space<vmem>> -> memref<1x128x64xf32, #tpu.memory_space<vmem>>
        %dma_start3A_240 = tpu.memref_squeeze %dma_start3A_239 : memref<1x128x64xf32, #tpu.memory_space<vmem>> -> memref<128x64xf32, #tpu.memory_space<vmem>>
        %dma_start3A_241 = arith.constant 0 : i32
        %dma_start3A_242 = tpu.memref_slice %arg6[%add3A_226, %dma_start3A_241] : memref<157x128xi32, #tpu.memory_space<vmem>> -> memref<1x128xi32, #tpu.memory_space<vmem>>
        %dma_start3A_243 = tpu.memref_squeeze %dma_start3A_242 : memref<1x128xi32, #tpu.memory_space<vmem>> -> memref<128xi32, #tpu.memory_space<vmem>>
        %dma_start3A_244 = arith.constant 0 : i32
        %dma_start3A_245 = arith.constant 0 : i32
        %dma_start3A_246 = tpu.memref_slice %arg2[%arg0, %dma_start3A_244, %dma_start3A_245] : memref<2x10016x64xf32, #tpu.memory_space<hbm>> -> memref<1x10016x64xf32, #tpu.memory_space<hbm>>
        %dma_start3A_247 = tpu.memref_squeeze %dma_start3A_246 : memref<1x10016x64xf32, #tpu.memory_space<hbm>> -> memref<10016x64xf32, #tpu.memory_space<hbm>>
        %dma_start3A_248 = arith.constant 0 : i32
        %dma_start3A_249 = arith.constant 0 : i32
        %dma_start3A_250 = tpu.memref_slice %dma_start3A_247[%dma_start3A_248, %dma_start3A_249] : memref<10016x64xf32, #tpu.memory_space<hbm>> -> memref<10016x64xf32, #tpu.memory_space<hbm>>
        %dma_start3A_251 = tpu.memref_slice %arg10[%rem3A_228] : memref<6x!tpu.dma_semaphore, #tpu.memory_space<semaphore_mem>> -> memref<1x!tpu.dma_semaphore, #tpu.memory_space<semaphore_mem>>
        %dma_start3A_252 = tpu.memref_squeeze %dma_start3A_251 : memref<1x!tpu.dma_semaphore, #tpu.memory_space<semaphore_mem>> -> memref<!tpu.dma_semaphore, #tpu.memory_space<semaphore_mem>>
        tpu.enqueue_indirect_dma source(%dma_start3A_250 : memref<10016x64xf32, #tpu.memory_space<hbm>>) target(%dma_start3A_240 : memref<128x64xf32, #tpu.memory_space<vmem>>) offsets(%dma_start3A_243 : memref<128xi32, #tpu.memory_space<vmem>>) semaphore(%dma_start3A_252 : memref<!tpu.dma_semaphore, #tpu.memory_space<semaphore_mem>>)
      } else {
      }
    }
    %scan3A_100 = arith.constant 157 : i32
    %dma_wait3A = arith.constant 1 : i32
    %dma_wait3A_101 = arith.constant 151 : i32
    %dma_wait3A_102 = arith.constant 1 : i32
    %dma_wait3A_103 = arith.constant 0 : i32
    %dma_wait3A_104 = arith.constant 0 : i32
    %dma_wait3A_105 = tpu.memref_slice %arg8[%dma_wait3A, %dma_wait3A_103, %dma_wait3A_104] : memref<6x128x64xf32, #tpu.memory_space<vmem>> -> memref<1x128x64xf32, #tpu.memory_space<vmem>>
    %dma_wait3A_106 = tpu.memref_squeeze %dma_wait3A_105 : memref<1x128x64xf32, #tpu.memory_space<vmem>> -> memref<128x64xf32, #tpu.memory_space<vmem>>
    %dma_wait3A_107 = arith.constant 0 : i32
    %dma_wait3A_108 = tpu.memref_slice %arg7[%dma_wait3A_101, %dma_wait3A_107] : memref<157x128xi32, #tpu.memory_space<vmem>> -> memref<1x128xi32, #tpu.memory_space<vmem>>
    %dma_wait3A_109 = tpu.memref_squeeze %dma_wait3A_108 : memref<1x128xi32, #tpu.memory_space<vmem>> -> memref<128xi32, #tpu.memory_space<vmem>>
    %dma_wait3A_110 = arith.constant 0 : i32
    %dma_wait3A_111 = arith.constant 0 : i32
    %dma_wait3A_112 = tpu.memref_slice %arg9[%dma_wait3A_110, %dma_wait3A_111] : memref<10016x64xf32, #tpu.memory_space<vmem_shared>> -> memref<10016x64xf32, #tpu.memory_space<vmem_shared>>
    %dma_wait3A_113 = tpu.memref_slice %arg11[%dma_wait3A_102] : memref<6x!tpu.dma_semaphore, #tpu.memory_space<semaphore_mem>> -> memref<1x!tpu.dma_semaphore, #tpu.memory_space<semaphore_mem>>
    %dma_wait3A_114 = tpu.memref_squeeze %dma_wait3A_113 : memref<1x!tpu.dma_semaphore, #tpu.memory_space<semaphore_mem>> -> memref<!tpu.dma_semaphore, #tpu.memory_space<semaphore_mem>>
    tpu.wait_indirect_dma semaphore(%dma_wait3A_114 : memref<!tpu.dma_semaphore, #tpu.memory_space<semaphore_mem>>) src(%dma_wait3A_106 : memref<128x64xf32, #tpu.memory_space<vmem>>) dst(%dma_wait3A_112 : memref<10016x64xf32, #tpu.memory_space<vmem_shared>>)
    %dma_wait3A_115 = arith.constant 2 : i32
    %dma_wait3A_116 = arith.constant 152 : i32
    %dma_wait3A_117 = arith.constant 2 : i32
    %dma_wait3A_118 = arith.constant 0 : i32
    %dma_wait3A_119 = arith.constant 0 : i32
    %dma_wait3A_120 = tpu.memref_slice %arg8[%dma_wait3A_115, %dma_wait3A_118, %dma_wait3A_119] : memref<6x128x64xf32, #tpu.memory_space<vmem>> -> memref<1x128x64xf32, #tpu.memory_space<vmem>>
    %dma_wait3A_121 = tpu.memref_squeeze %dma_wait3A_120 : memref<1x128x64xf32, #tpu.memory_space<vmem>> -> memref<128x64xf32, #tpu.memory_space<vmem>>
    %dma_wait3A_122 = arith.constant 0 : i32
    %dma_wait3A_123 = tpu.memref_slice %arg7[%dma_wait3A_116, %dma_wait3A_122] : memref<157x128xi32, #tpu.memory_space<vmem>> -> memref<1x128xi32, #tpu.memory_space<vmem>>
    %dma_wait3A_124 = tpu.memref_squeeze %dma_wait3A_123 : memref<1x128xi32, #tpu.memory_space<vmem>> -> memref<128xi32, #tpu.memory_space<vmem>>
    %dma_wait3A_125 = arith.constant 0 : i32
    %dma_wait3A_126 = arith.constant 0 : i32
    %dma_wait3A_127 = tpu.memref_slice %arg9[%dma_wait3A_125, %dma_wait3A_126] : memref<10016x64xf32, #tpu.memory_space<vmem_shared>> -> memref<10016x64xf32, #tpu.memory_space<vmem_shared>>
    %dma_wait3A_128 = tpu.memref_slice %arg11[%dma_wait3A_117] : memref<6x!tpu.dma_semaphore, #tpu.memory_space<semaphore_mem>> -> memref<1x!tpu.dma_semaphore, #tpu.memory_space<semaphore_mem>>
    %dma_wait3A_129 = tpu.memref_squeeze %dma_wait3A_128 : memref<1x!tpu.dma_semaphore, #tpu.memory_space<semaphore_mem>> -> memref<!tpu.dma_semaphore, #tpu.memory_space<semaphore_mem>>
    tpu.wait_indirect_dma semaphore(%dma_wait3A_129 : memref<!tpu.dma_semaphore, #tpu.memory_space<semaphore_mem>>) src(%dma_wait3A_121 : memref<128x64xf32, #tpu.memory_space<vmem>>) dst(%dma_wait3A_127 : memref<10016x64xf32, #tpu.memory_space<vmem_shared>>)
    %dma_wait3A_130 = arith.constant 3 : i32
    %dma_wait3A_131 = arith.constant 153 : i32
    %dma_wait3A_132 = arith.constant 3 : i32
    %dma_wait3A_133 = arith.constant 0 : i32
    %dma_wait3A_134 = arith.constant 0 : i32
    %dma_wait3A_135 = tpu.memref_slice %arg8[%dma_wait3A_130, %dma_wait3A_133, %dma_wait3A_134] : memref<6x128x64xf32, #tpu.memory_space<vmem>> -> memref<1x128x64xf32, #tpu.memory_space<vmem>>
    %dma_wait3A_136 = tpu.memref_squeeze %dma_wait3A_135 : memref<1x128x64xf32, #tpu.memory_space<vmem>> -> memref<128x64xf32, #tpu.memory_space<vmem>>
    %dma_wait3A_137 = arith.constant 0 : i32
    %dma_wait3A_138 = tpu.memref_slice %arg7[%dma_wait3A_131, %dma_wait3A_137] : memref<157x128xi32, #tpu.memory_space<vmem>> -> memref<1x128xi32, #tpu.memory_space<vmem>>
    %dma_wait3A_139 = tpu.memref_squeeze %dma_wait3A_138 : memref<1x128xi32, #tpu.memory_space<vmem>> -> memref<128xi32, #tpu.memory_space<vmem>>
    %dma_wait3A_140 = arith.constant 0 : i32
    %dma_wait3A_141 = arith.constant 0 : i32
    %dma_wait3A_142 = tpu.memref_slice %arg9[%dma_wait3A_140, %dma_wait3A_141] : memref<10016x64xf32, #tpu.memory_space<vmem_shared>> -> memref<10016x64xf32, #tpu.memory_space<vmem_shared>>
    %dma_wait3A_143 = tpu.memref_slice %arg11[%dma_wait3A_132] : memref<6x!tpu.dma_semaphore, #tpu.memory_space<semaphore_mem>> -> memref<1x!tpu.dma_semaphore, #tpu.memory_space<semaphore_mem>>
    %dma_wait3A_144 = tpu.memref_squeeze %dma_wait3A_143 : memref<1x!tpu.dma_semaphore, #tpu.memory_space<semaphore_mem>> -> memref<!tpu.dma_semaphore, #tpu.memory_space<semaphore_mem>>
    tpu.wait_indirect_dma semaphore(%dma_wait3A_144 : memref<!tpu.dma_semaphore, #tpu.memory_space<semaphore_mem>>) src(%dma_wait3A_136 : memref<128x64xf32, #tpu.memory_space<vmem>>) dst(%dma_wait3A_142 : memref<10016x64xf32, #tpu.memory_space<vmem_shared>>)
    %dma_wait3A_145 = arith.constant 4 : i32
    %dma_wait3A_146 = arith.constant 154 : i32
    %dma_wait3A_147 = arith.constant 4 : i32
    %dma_wait3A_148 = arith.constant 0 : i32
    %dma_wait3A_149 = arith.constant 0 : i32
    %dma_wait3A_150 = tpu.memref_slice %arg8[%dma_wait3A_145, %dma_wait3A_148, %dma_wait3A_149] : memref<6x128x64xf32, #tpu.memory_space<vmem>> -> memref<1x128x64xf32, #tpu.memory_space<vmem>>
    %dma_wait3A_151 = tpu.memref_squeeze %dma_wait3A_150 : memref<1x128x64xf32, #tpu.memory_space<vmem>> -> memref<128x64xf32, #tpu.memory_space<vmem>>
    %dma_wait3A_152 = arith.constant 0 : i32
    %dma_wait3A_153 = tpu.memref_slice %arg7[%dma_wait3A_146, %dma_wait3A_152] : memref<157x128xi32, #tpu.memory_space<vmem>> -> memref<1x128xi32, #tpu.memory_space<vmem>>
    %dma_wait3A_154 = tpu.memref_squeeze %dma_wait3A_153 : memref<1x128xi32, #tpu.memory_space<vmem>> -> memref<128xi32, #tpu.memory_space<vmem>>
    %dma_wait3A_155 = arith.constant 0 : i32
    %dma_wait3A_156 = arith.constant 0 : i32
    %dma_wait3A_157 = tpu.memref_slice %arg9[%dma_wait3A_155, %dma_wait3A_156] : memref<10016x64xf32, #tpu.memory_space<vmem_shared>> -> memref<10016x64xf32, #tpu.memory_space<vmem_shared>>
    %dma_wait3A_158 = tpu.memref_slice %arg11[%dma_wait3A_147] : memref<6x!tpu.dma_semaphore, #tpu.memory_space<semaphore_mem>> -> memref<1x!tpu.dma_semaphore, #tpu.memory_space<semaphore_mem>>
    %dma_wait3A_159 = tpu.memref_squeeze %dma_wait3A_158 : memref<1x!tpu.dma_semaphore, #tpu.memory_space<semaphore_mem>> -> memref<!tpu.dma_semaphore, #tpu.memory_space<semaphore_mem>>
    tpu.wait_indirect_dma semaphore(%dma_wait3A_159 : memref<!tpu.dma_semaphore, #tpu.memory_space<semaphore_mem>>) src(%dma_wait3A_151 : memref<128x64xf32, #tpu.memory_space<vmem>>) dst(%dma_wait3A_157 : memref<10016x64xf32, #tpu.memory_space<vmem_shared>>)
    %dma_wait3A_160 = arith.constant 5 : i32
    %dma_wait3A_161 = arith.constant 155 : i32
    %dma_wait3A_162 = arith.constant 5 : i32
    %dma_wait3A_163 = arith.constant 0 : i32
    %dma_wait3A_164 = arith.constant 0 : i32
    %dma_wait3A_165 = tpu.memref_slice %arg8[%dma_wait3A_160, %dma_wait3A_163, %dma_wait3A_164] : memref<6x128x64xf32, #tpu.memory_space<vmem>> -> memref<1x128x64xf32, #tpu.memory_space<vmem>>
    %dma_wait3A_166 = tpu.memref_squeeze %dma_wait3A_165 : memref<1x128x64xf32, #tpu.memory_space<vmem>> -> memref<128x64xf32, #tpu.memory_space<vmem>>
    %dma_wait3A_167 = arith.constant 0 : i32
    %dma_wait3A_168 = tpu.memref_slice %arg7[%dma_wait3A_161, %dma_wait3A_167] : memref<157x128xi32, #tpu.memory_space<vmem>> -> memref<1x128xi32, #tpu.memory_space<vmem>>
    %dma_wait3A_169 = tpu.memref_squeeze %dma_wait3A_168 : memref<1x128xi32, #tpu.memory_space<vmem>> -> memref<128xi32, #tpu.memory_space<vmem>>
    %dma_wait3A_170 = arith.constant 0 : i32
    %dma_wait3A_171 = arith.constant 0 : i32
    %dma_wait3A_172 = tpu.memref_slice %arg9[%dma_wait3A_170, %dma_wait3A_171] : memref<10016x64xf32, #tpu.memory_space<vmem_shared>> -> memref<10016x64xf32, #tpu.memory_space<vmem_shared>>
    %dma_wait3A_173 = tpu.memref_slice %arg11[%dma_wait3A_162] : memref<6x!tpu.dma_semaphore, #tpu.memory_space<semaphore_mem>> -> memref<1x!tpu.dma_semaphore, #tpu.memory_space<semaphore_mem>>
    %dma_wait3A_174 = tpu.memref_squeeze %dma_wait3A_173 : memref<1x!tpu.dma_semaphore, #tpu.memory_space<semaphore_mem>> -> memref<!tpu.dma_semaphore, #tpu.memory_space<semaphore_mem>>
    tpu.wait_indirect_dma semaphore(%dma_wait3A_174 : memref<!tpu.dma_semaphore, #tpu.memory_space<semaphore_mem>>) src(%dma_wait3A_166 : memref<128x64xf32, #tpu.memory_space<vmem>>) dst(%dma_wait3A_172 : memref<10016x64xf32, #tpu.memory_space<vmem_shared>>)
    %dma_wait3A_175 = arith.constant 0 : i32
    %dma_wait3A_176 = arith.constant 156 : i32
    %dma_wait3A_177 = arith.constant 0 : i32
    %dma_wait3A_178 = arith.constant 0 : i32
    %dma_wait3A_179 = arith.constant 0 : i32
    %dma_wait3A_180 = tpu.memref_slice %arg8[%dma_wait3A_175, %dma_wait3A_178, %dma_wait3A_179] : memref<6x128x64xf32, #tpu.memory_space<vmem>> -> memref<1x128x64xf32, #tpu.memory_space<vmem>>
    %dma_wait3A_181 = tpu.memref_squeeze %dma_wait3A_180 : memref<1x128x64xf32, #tpu.memory_space<vmem>> -> memref<128x64xf32, #tpu.memory_space<vmem>>
    %dma_wait3A_182 = arith.constant 0 : i32
    %dma_wait3A_183 = tpu.memref_slice %arg7[%dma_wait3A_176, %dma_wait3A_182] : memref<157x128xi32, #tpu.memory_space<vmem>> -> memref<1x128xi32, #tpu.memory_space<vmem>>
    %dma_wait3A_184 = tpu.memref_squeeze %dma_wait3A_183 : memref<1x128xi32, #tpu.memory_space<vmem>> -> memref<128xi32, #tpu.memory_space<vmem>>
    %dma_wait3A_185 = arith.constant 0 : i32
    %dma_wait3A_186 = arith.constant 0 : i32
    %dma_wait3A_187 = tpu.memref_slice %arg9[%dma_wait3A_185, %dma_wait3A_186] : memref<10016x64xf32, #tpu.memory_space<vmem_shared>> -> memref<10016x64xf32, #tpu.memory_space<vmem_shared>>
    %dma_wait3A_188 = tpu.memref_slice %arg11[%dma_wait3A_177] : memref<6x!tpu.dma_semaphore, #tpu.memory_space<semaphore_mem>> -> memref<1x!tpu.dma_semaphore, #tpu.memory_space<semaphore_mem>>
    %dma_wait3A_189 = tpu.memref_squeeze %dma_wait3A_188 : memref<1x!tpu.dma_semaphore, #tpu.memory_space<semaphore_mem>> -> memref<!tpu.dma_semaphore, #tpu.memory_space<semaphore_mem>>
    tpu.wait_indirect_dma semaphore(%dma_wait3A_189 : memref<!tpu.dma_semaphore, #tpu.memory_space<semaphore_mem>>) src(%dma_wait3A_181 : memref<128x64xf32, #tpu.memory_space<vmem>>) dst(%dma_wait3A_187 : memref<10016x64xf32, #tpu.memory_space<vmem_shared>>)
    %barrier3A_190 = arith.constant 0 : index
    tpu.barrier barrier_id(%barrier3A_190)
    %eq3A_191 = arith.constant 0 : i32
    %eq3A_192 = arith.cmpi eq, %arg1, %eq3A_191 : i32
    %convert_element_type3A_193 = arith.extui %eq3A_192 : i1 to i32
    %cond3A_194 = arith.constant 0 : i32
    %cond3A_195 = arith.cmpi ne, %convert_element_type3A_193, %cond3A_194 : i32
    scf.if %cond3A_195 {
      "tpu.region"() ({
        %run_scoped3A = tpu.sem_alloc : memref<!tpu.dma_semaphore, #tpu.memory_space<semaphore_mem>>
        %dma_start3A_196 = arith.constant 0 : i32
        %dma_start3A_197 = arith.constant 0 : i32
        %dma_start3A_198 = tpu.memref_slice %arg5[%arg0, %dma_start3A_196, %dma_start3A_197] : memref<2x10016x64xf32, #tpu.memory_space<hbm>> -> memref<1x10016x64xf32, #tpu.memory_space<hbm>>
        %dma_start3A_199 = tpu.memref_squeeze %dma_start3A_198 : memref<1x10016x64xf32, #tpu.memory_space<hbm>> -> memref<10016x64xf32, #tpu.memory_space<hbm>>
        tpu.enqueue_dma source(%arg9 : memref<10016x64xf32, #tpu.memory_space<vmem_shared>>) target(%dma_start3A_199 : memref<10016x64xf32, #tpu.memory_space<hbm>>) target_semaphore(%run_scoped3A : memref<!tpu.dma_semaphore, #tpu.memory_space<semaphore_mem>>)
        %dma_wait3A_200 = arith.constant 0 : i32
        %dma_wait3A_201 = arith.constant 0 : i32
        %dma_wait3A_202 = tpu.memref_slice %arg5[%arg0, %dma_wait3A_200, %dma_wait3A_201] : memref<2x10016x64xf32, #tpu.memory_space<hbm>> -> memref<1x10016x64xf32, #tpu.memory_space<hbm>>
        %dma_wait3A_203 = tpu.memref_squeeze %dma_wait3A_202 : memref<1x10016x64xf32, #tpu.memory_space<hbm>> -> memref<10016x64xf32, #tpu.memory_space<hbm>>
        tpu.wait_dma2 semaphore(%run_scoped3A : memref<!tpu.dma_semaphore, #tpu.memory_space<semaphore_mem>>) src(%arg9 : memref<10016x64xf32, #tpu.memory_space<vmem_shared>>) dst(%dma_wait3A_203 : memref<10016x64xf32, #tpu.memory_space<hbm>>)
        tpu.yield
      }) : () -> ()
    } else {
    }
    return
  }
}

#map = affine_map<(d0, d1) -> (0, 0, 0)>
module attributes {stable_mosaic.version = 14 : i64} {
  func.func @prop(%arg0: i32, %arg1: i32, %arg2: memref<2x10016x64xf32, #tpu.memory_space<hbm>>, %arg3: memref<16x157x128xi32, #tpu.memory_space<hbm>>, %arg4: memref<16x157x128xi32, #tpu.memory_space<hbm>>, %arg5: memref<2x10016x64xf32, #tpu.memory_space<hbm>>, %arg6: memref<157x128xi32, #tpu.memory_space<vmem>>, %arg7: memref<157x128xi32, #tpu.memory_space<vmem>>, %arg8: memref<6x128x64xf32, #tpu.memory_space<vmem>>, %arg9: memref<10016x64xf32, #tpu.memory_space<vmem_shared>>, %arg10: memref<6x!tpu.dma_semaphore, #tpu.memory_space<semaphore_mem>>, %arg11: memref<6x!tpu.dma_semaphore, #tpu.memory_space<semaphore_mem>>) attributes {dimension_semantics = [#tpu.dimension_semantics<core_parallel>, #tpu.dimension_semantics<subcore_parallel>], iteration_bounds = array<i64: 2, 16>, scalar_prefetch = 0 : i64, scratch_operands = 6 : i64, tpu.core_type = #tpu.core_type<sc_vector_subcore>, window_params = [{transform_indices = #map}, {transform_indices = #map}, {transform_indices = #map}, {transform_indices = #map}]} {
    "tpu.region"() ({
      %run_scoped3A = tpu.sem_alloc : memref<!tpu.dma_semaphore, #tpu.memory_space<semaphore_mem>>
      %dma_start3A_196 = arith.constant 0 : i32
      %dma_start3A_197 = arith.constant 0 : i32
      %dma_start3A_198 = tpu.memref_slice %arg3[%arg1, %dma_start3A_196, %dma_start3A_197] : memref<16x157x128xi32, #tpu.memory_space<hbm>> -> memref<1x157x128xi32, #tpu.memory_space<hbm>>
      %dma_start3A_199 = tpu.memref_squeeze %dma_start3A_198 : memref<1x157x128xi32, #tpu.memory_space<hbm>> -> memref<157x128xi32, #tpu.memory_space<hbm>>
      %dma_start3A_200 = arith.constant 0 : i32
      %dma_start3A_201 = arith.constant 0 : i32
      %dma_start3A_202 = tpu.memref_slice %arg3[%arg1, %dma_start3A_200, %dma_start3A_201] : memref<16x157x128xi32, #tpu.memory_space<hbm>> -> memref<1x157x128xi32, #tpu.memory_space<hbm>>
      %dma_start3A_203 = tpu.memref_squeeze %dma_start3A_202 : memref<1x157x128xi32, #tpu.memory_space<hbm>> -> memref<157x128xi32, #tpu.memory_space<hbm>>
      tpu.enqueue_dma source(%dma_start3A_203 : memref<157x128xi32, #tpu.memory_space<hbm>>) target(%arg6 : memref<157x128xi32, #tpu.memory_space<vmem>>) target_semaphore(%run_scoped3A : memref<!tpu.dma_semaphore, #tpu.memory_space<semaphore_mem>>)
      %dma_wait3A_204 = arith.constant 0 : i32
      %dma_wait3A_205 = arith.constant 0 : i32
      %dma_wait3A_206 = tpu.memref_slice %arg3[%arg1, %dma_wait3A_204, %dma_wait3A_205] : memref<16x157x128xi32, #tpu.memory_space<hbm>> -> memref<1x157x128xi32, #tpu.memory_space<hbm>>
      %dma_wait3A_207 = tpu.memref_squeeze %dma_wait3A_206 : memref<1x157x128xi32, #tpu.memory_space<hbm>> -> memref<157x128xi32, #tpu.memory_space<hbm>>
      %dma_wait3A_208 = arith.constant 0 : i32
      %dma_wait3A_209 = arith.constant 0 : i32
      %dma_wait3A_210 = tpu.memref_slice %arg3[%arg1, %dma_wait3A_208, %dma_wait3A_209] : memref<16x157x128xi32, #tpu.memory_space<hbm>> -> memref<1x157x128xi32, #tpu.memory_space<hbm>>
      %dma_wait3A_211 = tpu.memref_squeeze %dma_wait3A_210 : memref<1x157x128xi32, #tpu.memory_space<hbm>> -> memref<157x128xi32, #tpu.memory_space<hbm>>
      tpu.wait_dma2 semaphore(%run_scoped3A : memref<!tpu.dma_semaphore, #tpu.memory_space<semaphore_mem>>) src(%dma_wait3A_211 : memref<157x128xi32, #tpu.memory_space<hbm>>) dst(%arg6 : memref<157x128xi32, #tpu.memory_space<vmem>>)
      tpu.yield
    }) : () -> ()
    "tpu.region"() ({
      %run_scoped3A = tpu.sem_alloc : memref<!tpu.dma_semaphore, #tpu.memory_space<semaphore_mem>>
      %dma_start3A_196 = arith.constant 0 : i32
      %dma_start3A_197 = arith.constant 0 : i32
      %dma_start3A_198 = tpu.memref_slice %arg4[%arg1, %dma_start3A_196, %dma_start3A_197] : memref<16x157x128xi32, #tpu.memory_space<hbm>> -> memref<1x157x128xi32, #tpu.memory_space<hbm>>
      %dma_start3A_199 = tpu.memref_squeeze %dma_start3A_198 : memref<1x157x128xi32, #tpu.memory_space<hbm>> -> memref<157x128xi32, #tpu.memory_space<hbm>>
      %dma_start3A_200 = arith.constant 0 : i32
      %dma_start3A_201 = arith.constant 0 : i32
      %dma_start3A_202 = tpu.memref_slice %arg4[%arg1, %dma_start3A_200, %dma_start3A_201] : memref<16x157x128xi32, #tpu.memory_space<hbm>> -> memref<1x157x128xi32, #tpu.memory_space<hbm>>
      %dma_start3A_203 = tpu.memref_squeeze %dma_start3A_202 : memref<1x157x128xi32, #tpu.memory_space<hbm>> -> memref<157x128xi32, #tpu.memory_space<hbm>>
      tpu.enqueue_dma source(%dma_start3A_203 : memref<157x128xi32, #tpu.memory_space<hbm>>) target(%arg7 : memref<157x128xi32, #tpu.memory_space<vmem>>) target_semaphore(%run_scoped3A : memref<!tpu.dma_semaphore, #tpu.memory_space<semaphore_mem>>)
      %dma_wait3A_204 = arith.constant 0 : i32
      %dma_wait3A_205 = arith.constant 0 : i32
      %dma_wait3A_206 = tpu.memref_slice %arg4[%arg1, %dma_wait3A_204, %dma_wait3A_205] : memref<16x157x128xi32, #tpu.memory_space<hbm>> -> memref<1x157x128xi32, #tpu.memory_space<hbm>>
      %dma_wait3A_207 = tpu.memref_squeeze %dma_wait3A_206 : memref<1x157x128xi32, #tpu.memory_space<hbm>> -> memref<157x128xi32, #tpu.memory_space<hbm>>
      %dma_wait3A_208 = arith.constant 0 : i32
      %dma_wait3A_209 = arith.constant 0 : i32
      %dma_wait3A_210 = tpu.memref_slice %arg4[%arg1, %dma_wait3A_208, %dma_wait3A_209] : memref<16x157x128xi32, #tpu.memory_space<hbm>> -> memref<1x157x128xi32, #tpu.memory_space<hbm>>
      %dma_wait3A_211 = tpu.memref_squeeze %dma_wait3A_210 : memref<1x157x128xi32, #tpu.memory_space<hbm>> -> memref<157x128xi32, #tpu.memory_space<hbm>>
      tpu.wait_dma2 semaphore(%run_scoped3A : memref<!tpu.dma_semaphore, #tpu.memory_space<semaphore_mem>>) src(%dma_wait3A_211 : memref<157x128xi32, #tpu.memory_space<hbm>>) dst(%arg7 : memref<157x128xi32, #tpu.memory_space<vmem>>)
      tpu.yield
    }) : () -> ()
    %eq3A = arith.constant 0 : i32
    %eq3A_0 = arith.cmpi eq, %arg1, %eq3A : i32
    %convert_element_type3A = arith.extui %eq3A_0 : i1 to i32
    %cond3A = arith.constant 0 : i32
    %cond3A_1 = arith.cmpi ne, %convert_element_type3A, %cond3A : i32
    scf.if %cond3A_1 {
      "tpu.region"() ({
        %run_scoped3A = tpu.sem_alloc : memref<!tpu.dma_semaphore, #tpu.memory_space<semaphore_mem>>
        %dma_start3A_196 = arith.constant 0 : i32
        %dma_start3A_197 = arith.constant 0 : i32
        %dma_start3A_198 = tpu.memref_slice %arg2[%arg0, %dma_start3A_196, %dma_start3A_197] : memref<2x10016x64xf32, #tpu.memory_space<hbm>> -> memref<1x10016x64xf32, #tpu.memory_space<hbm>>
        %dma_start3A_199 = tpu.memref_squeeze %dma_start3A_198 : memref<1x10016x64xf32, #tpu.memory_space<hbm>> -> memref<10016x64xf32, #tpu.memory_space<hbm>>
        tpu.enqueue_dma source(%dma_start3A_199 : memref<10016x64xf32, #tpu.memory_space<hbm>>) target(%arg9 : memref<10016x64xf32, #tpu.memory_space<vmem_shared>>) target_semaphore(%run_scoped3A : memref<!tpu.dma_semaphore, #tpu.memory_space<semaphore_mem>>)
        %dma_wait3A_200 = arith.constant 0 : i32
        %dma_wait3A_201 = arith.constant 0 : i32
        %dma_wait3A_202 = tpu.memref_slice %arg2[%arg0, %dma_wait3A_200, %dma_wait3A_201] : memref<2x10016x64xf32, #tpu.memory_space<hbm>> -> memref<1x10016x64xf32, #tpu.memory_space<hbm>>
        %dma_wait3A_203 = tpu.memref_squeeze %dma_wait3A_202 : memref<1x10016x64xf32, #tpu.memory_space<hbm>> -> memref<10016x64xf32, #tpu.memory_space<hbm>>
        tpu.wait_dma2 semaphore(%run_scoped3A : memref<!tpu.dma_semaphore, #tpu.memory_space<semaphore_mem>>) src(%dma_wait3A_203 : memref<10016x64xf32, #tpu.memory_space<hbm>>) dst(%arg9 : memref<10016x64xf32, #tpu.memory_space<vmem_shared>>)
        tpu.yield
      }) : () -> ()
    } else {
    }
    %barrier3A = arith.constant 0 : index
    tpu.barrier barrier_id(%barrier3A)
    %dma_start3A = arith.constant 0 : i32
    %dma_start3A_2 = arith.constant 0 : i32
    %dma_start3A_3 = arith.constant 0 : i32
    %dma_start3A_4 = arith.constant 0 : i32
    %dma_start3A_5 = arith.constant 0 : i32
    %dma_start3A_6 = tpu.memref_slice %arg8[%dma_start3A_2, %dma_start3A_4, %dma_start3A_5] : memref<6x128x64xf32, #tpu.memory_space<vmem>> -> memref<1x128x64xf32, #tpu.memory_space<vmem>>
    %dma_start3A_7 = tpu.memref_squeeze %dma_start3A_6 : memref<1x128x64xf32, #tpu.memory_space<vmem>> -> memref<128x64xf32, #tpu.memory_space<vmem>>
    %dma_start3A_8 = arith.constant 0 : i32
    %dma_start3A_9 = tpu.memref_slice %arg6[%dma_start3A, %dma_start3A_8] : memref<157x128xi32, #tpu.memory_space<vmem>> -> memref<1x128xi32, #tpu.memory_space<vmem>>
    %dma_start3A_10 = tpu.memref_squeeze %dma_start3A_9 : memref<1x128xi32, #tpu.memory_space<vmem>> -> memref<128xi32, #tpu.memory_space<vmem>>
    %dma_start3A_11 = arith.constant 0 : i32
    %dma_start3A_12 = arith.constant 0 : i32
    %dma_start3A_13 = tpu.memref_slice %arg2[%arg0, %dma_start3A_11, %dma_start3A_12] : memref<2x10016x64xf32, #tpu.memory_space<hbm>> -> memref<1x10016x64xf32, #tpu.memory_space<hbm>>
    %dma_start3A_14 = tpu.memref_squeeze %dma_start3A_13 : memref<1x10016x64xf32, #tpu.memory_space<hbm>> -> memref<10016x64xf32, #tpu.memory_space<hbm>>
    %dma_start3A_15 = arith.constant 0 : i32
    %dma_start3A_16 = arith.constant 0 : i32
    %dma_start3A_17 = tpu.memref_slice %dma_start3A_14[%dma_start3A_15, %dma_start3A_16] : memref<10016x64xf32, #tpu.memory_space<hbm>> -> memref<10016x64xf32, #tpu.memory_space<hbm>>
    %dma_start3A_18 = tpu.memref_slice %arg10[%dma_start3A_3] : memref<6x!tpu.dma_semaphore, #tpu.memory_space<semaphore_mem>> -> memref<1x!tpu.dma_semaphore, #tpu.memory_space<semaphore_mem>>
    %dma_start3A_19 = tpu.memref_squeeze %dma_start3A_18 : memref<1x!tpu.dma_semaphore, #tpu.memory_space<semaphore_mem>> -> memref<!tpu.dma_semaphore, #tpu.memory_space<semaphore_mem>>
    tpu.enqueue_indirect_dma source(%dma_start3A_17 : memref<10016x64xf32, #tpu.memory_space<hbm>>) target(%dma_start3A_7 : memref<128x64xf32, #tpu.memory_space<vmem>>) offsets(%dma_start3A_10 : memref<128xi32, #tpu.memory_space<vmem>>) semaphore(%dma_start3A_19 : memref<!tpu.dma_semaphore, #tpu.memory_space<semaphore_mem>>)
    %dma_start3A_20 = arith.constant 1 : i32
    %dma_start3A_21 = arith.constant 1 : i32
    %dma_start3A_22 = arith.constant 1 : i32
    %dma_start3A_23 = arith.constant 0 : i32
    %dma_start3A_24 = arith.constant 0 : i32
    %dma_start3A_25 = tpu.memref_slice %arg8[%dma_start3A_21, %dma_start3A_23, %dma_start3A_24] : memref<6x128x64xf32, #tpu.memory_space<vmem>> -> memref<1x128x64xf32, #tpu.memory_space<vmem>>
    %dma_start3A_26 = tpu.memref_squeeze %dma_start3A_25 : memref<1x128x64xf32, #tpu.memory_space<vmem>> -> memref<128x64xf32, #tpu.memory_space<vmem>>
    %dma_start3A_27 = arith.constant 0 : i32
    %dma_start3A_28 = tpu.memref_slice %arg6[%dma_start3A_20, %dma_start3A_27] : memref<157x128xi32, #tpu.memory_space<vmem>> -> memref<1x128xi32, #tpu.memory_space<vmem>>
    %dma_start3A_29 = tpu.memref_squeeze %dma_start3A_28 : memref<1x128xi32, #tpu.memory_space<vmem>> -> memref<128xi32, #tpu.memory_space<vmem>>
    %dma_start3A_30 = arith.constant 0 : i32
    %dma_start3A_31 = arith.constant 0 : i32
    %dma_start3A_32 = tpu.memref_slice %arg2[%arg0, %dma_start3A_30, %dma_start3A_31] : memref<2x10016x64xf32, #tpu.memory_space<hbm>> -> memref<1x10016x64xf32, #tpu.memory_space<hbm>>
    %dma_start3A_33 = tpu.memref_squeeze %dma_start3A_32 : memref<1x10016x64xf32, #tpu.memory_space<hbm>> -> memref<10016x64xf32, #tpu.memory_space<hbm>>
    %dma_start3A_34 = arith.constant 0 : i32
    %dma_start3A_35 = arith.constant 0 : i32
    %dma_start3A_36 = tpu.memref_slice %dma_start3A_33[%dma_start3A_34, %dma_start3A_35] : memref<10016x64xf32, #tpu.memory_space<hbm>> -> memref<10016x64xf32, #tpu.memory_space<hbm>>
    %dma_start3A_37 = tpu.memref_slice %arg10[%dma_start3A_22] : memref<6x!tpu.dma_semaphore, #tpu.memory_space<semaphore_mem>> -> memref<1x!tpu.dma_semaphore, #tpu.memory_space<semaphore_mem>>
    %dma_start3A_38 = tpu.memref_squeeze %dma_start3A_37 : memref<1x!tpu.dma_semaphore, #tpu.memory_space<semaphore_mem>> -> memref<!tpu.dma_semaphore, #tpu.memory_space<semaphore_mem>>
    tpu.enqueue_indirect_dma source(%dma_start3A_36 : memref<10016x64xf32, #tpu.memory_space<hbm>>) target(%dma_start3A_26 : memref<128x64xf32, #tpu.memory_space<vmem>>) offsets(%dma_start3A_29 : memref<128xi32, #tpu.memory_space<vmem>>) semaphore(%dma_start3A_38 : memref<!tpu.dma_semaphore, #tpu.memory_space<semaphore_mem>>)
    %dma_start3A_39 = arith.constant 2 : i32
    %dma_start3A_40 = arith.constant 2 : i32
    %dma_start3A_41 = arith.constant 2 : i32
    %dma_start3A_42 = arith.constant 0 : i32
    %dma_start3A_43 = arith.constant 0 : i32
    %dma_start3A_44 = tpu.memref_slice %arg8[%dma_start3A_40, %dma_start3A_42, %dma_start3A_43] : memref<6x128x64xf32, #tpu.memory_space<vmem>> -> memref<1x128x64xf32, #tpu.memory_space<vmem>>
    %dma_start3A_45 = tpu.memref_squeeze %dma_start3A_44 : memref<1x128x64xf32, #tpu.memory_space<vmem>> -> memref<128x64xf32, #tpu.memory_space<vmem>>
    %dma_start3A_46 = arith.constant 0 : i32
    %dma_start3A_47 = tpu.memref_slice %arg6[%dma_start3A_39, %dma_start3A_46] : memref<157x128xi32, #tpu.memory_space<vmem>> -> memref<1x128xi32, #tpu.memory_space<vmem>>
    %dma_start3A_48 = tpu.memref_squeeze %dma_start3A_47 : memref<1x128xi32, #tpu.memory_space<vmem>> -> memref<128xi32, #tpu.memory_space<vmem>>
    %dma_start3A_49 = arith.constant 0 : i32
    %dma_start3A_50 = arith.constant 0 : i32
    %dma_start3A_51 = tpu.memref_slice %arg2[%arg0, %dma_start3A_49, %dma_start3A_50] : memref<2x10016x64xf32, #tpu.memory_space<hbm>> -> memref<1x10016x64xf32, #tpu.memory_space<hbm>>
    %dma_start3A_52 = tpu.memref_squeeze %dma_start3A_51 : memref<1x10016x64xf32, #tpu.memory_space<hbm>> -> memref<10016x64xf32, #tpu.memory_space<hbm>>
    %dma_start3A_53 = arith.constant 0 : i32
    %dma_start3A_54 = arith.constant 0 : i32
    %dma_start3A_55 = tpu.memref_slice %dma_start3A_52[%dma_start3A_53, %dma_start3A_54] : memref<10016x64xf32, #tpu.memory_space<hbm>> -> memref<10016x64xf32, #tpu.memory_space<hbm>>
    %dma_start3A_56 = tpu.memref_slice %arg10[%dma_start3A_41] : memref<6x!tpu.dma_semaphore, #tpu.memory_space<semaphore_mem>> -> memref<1x!tpu.dma_semaphore, #tpu.memory_space<semaphore_mem>>
    %dma_start3A_57 = tpu.memref_squeeze %dma_start3A_56 : memref<1x!tpu.dma_semaphore, #tpu.memory_space<semaphore_mem>> -> memref<!tpu.dma_semaphore, #tpu.memory_space<semaphore_mem>>
    tpu.enqueue_indirect_dma source(%dma_start3A_55 : memref<10016x64xf32, #tpu.memory_space<hbm>>) target(%dma_start3A_45 : memref<128x64xf32, #tpu.memory_space<vmem>>) offsets(%dma_start3A_48 : memref<128xi32, #tpu.memory_space<vmem>>) semaphore(%dma_start3A_57 : memref<!tpu.dma_semaphore, #tpu.memory_space<semaphore_mem>>)
    %dma_start3A_58 = arith.constant 3 : i32
    %dma_start3A_59 = arith.constant 3 : i32
    %dma_start3A_60 = arith.constant 3 : i32
    %dma_start3A_61 = arith.constant 0 : i32
    %dma_start3A_62 = arith.constant 0 : i32
    %dma_start3A_63 = tpu.memref_slice %arg8[%dma_start3A_59, %dma_start3A_61, %dma_start3A_62] : memref<6x128x64xf32, #tpu.memory_space<vmem>> -> memref<1x128x64xf32, #tpu.memory_space<vmem>>
    %dma_start3A_64 = tpu.memref_squeeze %dma_start3A_63 : memref<1x128x64xf32, #tpu.memory_space<vmem>> -> memref<128x64xf32, #tpu.memory_space<vmem>>
    %dma_start3A_65 = arith.constant 0 : i32
    %dma_start3A_66 = tpu.memref_slice %arg6[%dma_start3A_58, %dma_start3A_65] : memref<157x128xi32, #tpu.memory_space<vmem>> -> memref<1x128xi32, #tpu.memory_space<vmem>>
    %dma_start3A_67 = tpu.memref_squeeze %dma_start3A_66 : memref<1x128xi32, #tpu.memory_space<vmem>> -> memref<128xi32, #tpu.memory_space<vmem>>
    %dma_start3A_68 = arith.constant 0 : i32
    %dma_start3A_69 = arith.constant 0 : i32
    %dma_start3A_70 = tpu.memref_slice %arg2[%arg0, %dma_start3A_68, %dma_start3A_69] : memref<2x10016x64xf32, #tpu.memory_space<hbm>> -> memref<1x10016x64xf32, #tpu.memory_space<hbm>>
    %dma_start3A_71 = tpu.memref_squeeze %dma_start3A_70 : memref<1x10016x64xf32, #tpu.memory_space<hbm>> -> memref<10016x64xf32, #tpu.memory_space<hbm>>
    %dma_start3A_72 = arith.constant 0 : i32
    %dma_start3A_73 = arith.constant 0 : i32
    %dma_start3A_74 = tpu.memref_slice %dma_start3A_71[%dma_start3A_72, %dma_start3A_73] : memref<10016x64xf32, #tpu.memory_space<hbm>> -> memref<10016x64xf32, #tpu.memory_space<hbm>>
    %dma_start3A_75 = tpu.memref_slice %arg10[%dma_start3A_60] : memref<6x!tpu.dma_semaphore, #tpu.memory_space<semaphore_mem>> -> memref<1x!tpu.dma_semaphore, #tpu.memory_space<semaphore_mem>>
    %dma_start3A_76 = tpu.memref_squeeze %dma_start3A_75 : memref<1x!tpu.dma_semaphore, #tpu.memory_space<semaphore_mem>> -> memref<!tpu.dma_semaphore, #tpu.memory_space<semaphore_mem>>
    tpu.enqueue_indirect_dma source(%dma_start3A_74 : memref<10016x64xf32, #tpu.memory_space<hbm>>) target(%dma_start3A_64 : memref<128x64xf32, #tpu.memory_space<vmem>>) offsets(%dma_start3A_67 : memref<128xi32, #tpu.memory_space<vmem>>) semaphore(%dma_start3A_76 : memref<!tpu.dma_semaphore, #tpu.memory_space<semaphore_mem>>)
    %dma_start3A_77 = arith.constant 4 : i32
    %dma_start3A_78 = arith.constant 4 : i32
    %dma_start3A_79 = arith.constant 4 : i32
    %dma_start3A_80 = arith.constant 0 : i32
    %dma_start3A_81 = arith.constant 0 : i32
    %dma_start3A_82 = tpu.memref_slice %arg8[%dma_start3A_78, %dma_start3A_80, %dma_start3A_81] : memref<6x128x64xf32, #tpu.memory_space<vmem>> -> memref<1x128x64xf32, #tpu.memory_space<vmem>>
    %dma_start3A_83 = tpu.memref_squeeze %dma_start3A_82 : memref<1x128x64xf32, #tpu.memory_space<vmem>> -> memref<128x64xf32, #tpu.memory_space<vmem>>
    %dma_start3A_84 = arith.constant 0 : i32
    %dma_start3A_85 = tpu.memref_slice %arg6[%dma_start3A_77, %dma_start3A_84] : memref<157x128xi32, #tpu.memory_space<vmem>> -> memref<1x128xi32, #tpu.memory_space<vmem>>
    %dma_start3A_86 = tpu.memref_squeeze %dma_start3A_85 : memref<1x128xi32, #tpu.memory_space<vmem>> -> memref<128xi32, #tpu.memory_space<vmem>>
    %dma_start3A_87 = arith.constant 0 : i32
    %dma_start3A_88 = arith.constant 0 : i32
    %dma_start3A_89 = tpu.memref_slice %arg2[%arg0, %dma_start3A_87, %dma_start3A_88] : memref<2x10016x64xf32, #tpu.memory_space<hbm>> -> memref<1x10016x64xf32, #tpu.memory_space<hbm>>
    %dma_start3A_90 = tpu.memref_squeeze %dma_start3A_89 : memref<1x10016x64xf32, #tpu.memory_space<hbm>> -> memref<10016x64xf32, #tpu.memory_space<hbm>>
    %dma_start3A_91 = arith.constant 0 : i32
    %dma_start3A_92 = arith.constant 0 : i32
    %dma_start3A_93 = tpu.memref_slice %dma_start3A_90[%dma_start3A_91, %dma_start3A_92] : memref<10016x64xf32, #tpu.memory_space<hbm>> -> memref<10016x64xf32, #tpu.memory_space<hbm>>
    %dma_start3A_94 = tpu.memref_slice %arg10[%dma_start3A_79] : memref<6x!tpu.dma_semaphore, #tpu.memory_space<semaphore_mem>> -> memref<1x!tpu.dma_semaphore, #tpu.memory_space<semaphore_mem>>
    %dma_start3A_95 = tpu.memref_squeeze %dma_start3A_94 : memref<1x!tpu.dma_semaphore, #tpu.memory_space<semaphore_mem>> -> memref<!tpu.dma_semaphore, #tpu.memory_space<semaphore_mem>>
    tpu.enqueue_indirect_dma source(%dma_start3A_93 : memref<10016x64xf32, #tpu.memory_space<hbm>>) target(%dma_start3A_83 : memref<128x64xf32, #tpu.memory_space<vmem>>) offsets(%dma_start3A_86 : memref<128xi32, #tpu.memory_space<vmem>>) semaphore(%dma_start3A_95 : memref<!tpu.dma_semaphore, #tpu.memory_space<semaphore_mem>>)
    %scan3A = arith.constant 0 : i32
    %scan3A_96 = arith.constant 0 : i32
    %scan3A_97 = arith.constant 157 : i32
    %scan3A_98 = arith.addi %scan3A_96, %scan3A_97 : i32
    %scan3A_99 = arith.constant 1 : i32
    scf.for %scan3A_196 = %scan3A_96 to %scan3A_98 step %scan3A_99  : i32 {
      %rem3A = arith.constant 6 : i32
      %rem3A_197 = arith.remsi %scan3A_196, %rem3A : i32
      %dma_wait3A_198 = arith.constant 0 : i32
      %dma_wait3A_199 = arith.constant 0 : i32
      %dma_wait3A_200 = tpu.memref_slice %arg8[%rem3A_197, %dma_wait3A_198, %dma_wait3A_199] : memref<6x128x64xf32, #tpu.memory_space<vmem>> -> memref<1x128x64xf32, #tpu.memory_space<vmem>>
      %dma_wait3A_201 = tpu.memref_squeeze %dma_wait3A_200 : memref<1x128x64xf32, #tpu.memory_space<vmem>> -> memref<128x64xf32, #tpu.memory_space<vmem>>
      %dma_wait3A_202 = arith.constant 0 : i32
      %dma_wait3A_203 = tpu.memref_slice %arg6[%scan3A_196, %dma_wait3A_202] : memref<157x128xi32, #tpu.memory_space<vmem>> -> memref<1x128xi32, #tpu.memory_space<vmem>>
      %dma_wait3A_204 = tpu.memref_squeeze %dma_wait3A_203 : memref<1x128xi32, #tpu.memory_space<vmem>> -> memref<128xi32, #tpu.memory_space<vmem>>
      %dma_wait3A_205 = arith.constant 0 : i32
      %dma_wait3A_206 = arith.constant 0 : i32
      %dma_wait3A_207 = tpu.memref_slice %arg2[%arg0, %dma_wait3A_205, %dma_wait3A_206] : memref<2x10016x64xf32, #tpu.memory_space<hbm>> -> memref<1x10016x64xf32, #tpu.memory_space<hbm>>
      %dma_wait3A_208 = tpu.memref_squeeze %dma_wait3A_207 : memref<1x10016x64xf32, #tpu.memory_space<hbm>> -> memref<10016x64xf32, #tpu.memory_space<hbm>>
      %dma_wait3A_209 = arith.constant 0 : i32
      %dma_wait3A_210 = arith.constant 0 : i32
      %dma_wait3A_211 = tpu.memref_slice %dma_wait3A_208[%dma_wait3A_209, %dma_wait3A_210] : memref<10016x64xf32, #tpu.memory_space<hbm>> -> memref<10016x64xf32, #tpu.memory_space<hbm>>
      %dma_wait3A_212 = tpu.memref_slice %arg10[%rem3A_197] : memref<6x!tpu.dma_semaphore, #tpu.memory_space<semaphore_mem>> -> memref<1x!tpu.dma_semaphore, #tpu.memory_space<semaphore_mem>>
      %dma_wait3A_213 = tpu.memref_squeeze %dma_wait3A_212 : memref<1x!tpu.dma_semaphore, #tpu.memory_space<semaphore_mem>> -> memref<!tpu.dma_semaphore, #tpu.memory_space<semaphore_mem>>
      tpu.wait_indirect_dma semaphore(%dma_wait3A_213 : memref<!tpu.dma_semaphore, #tpu.memory_space<semaphore_mem>>) src(%dma_wait3A_211 : memref<10016x64xf32, #tpu.memory_space<hbm>>) dst(%dma_wait3A_201 : memref<128x64xf32, #tpu.memory_space<vmem>>)
      %dma_start3A_214 = arith.constant 0 : i32
      %dma_start3A_215 = arith.constant 0 : i32
      %dma_start3A_216 = tpu.memref_slice %arg8[%rem3A_197, %dma_start3A_214, %dma_start3A_215] : memref<6x128x64xf32, #tpu.memory_space<vmem>> -> memref<1x128x64xf32, #tpu.memory_space<vmem>>
      %dma_start3A_217 = tpu.memref_squeeze %dma_start3A_216 : memref<1x128x64xf32, #tpu.memory_space<vmem>> -> memref<128x64xf32, #tpu.memory_space<vmem>>
      %dma_start3A_218 = arith.constant 0 : i32
      %dma_start3A_219 = tpu.memref_slice %arg7[%scan3A_196, %dma_start3A_218] : memref<157x128xi32, #tpu.memory_space<vmem>> -> memref<1x128xi32, #tpu.memory_space<vmem>>
      %dma_start3A_220 = tpu.memref_squeeze %dma_start3A_219 : memref<1x128xi32, #tpu.memory_space<vmem>> -> memref<128xi32, #tpu.memory_space<vmem>>
      %dma_start3A_221 = arith.constant 0 : i32
      %dma_start3A_222 = arith.constant 0 : i32
      %dma_start3A_223 = tpu.memref_slice %arg9[%dma_start3A_221, %dma_start3A_222] : memref<10016x64xf32, #tpu.memory_space<vmem_shared>> -> memref<10016x64xf32, #tpu.memory_space<vmem_shared>>
      %dma_start3A_224 = tpu.memref_slice %arg11[%rem3A_197] : memref<6x!tpu.dma_semaphore, #tpu.memory_space<semaphore_mem>> -> memref<1x!tpu.dma_semaphore, #tpu.memory_space<semaphore_mem>>
      %dma_start3A_225 = tpu.memref_squeeze %dma_start3A_224 : memref<1x!tpu.dma_semaphore, #tpu.memory_space<semaphore_mem>> -> memref<!tpu.dma_semaphore, #tpu.memory_space<semaphore_mem>>
      tpu.enqueue_indirect_dma source(%dma_start3A_217 : memref<128x64xf32, #tpu.memory_space<vmem>>) target(%dma_start3A_223 : memref<10016x64xf32, #tpu.memory_space<vmem_shared>>) offsets(%dma_start3A_220 : memref<128xi32, #tpu.memory_space<vmem>>) semaphore(%dma_start3A_225 : memref<!tpu.dma_semaphore, #tpu.memory_space<semaphore_mem>>) {add = true}
      %add3A = arith.constant 5 : i32
      %add3A_226 = arith.addi %scan3A_196, %add3A : i32
      %rem3A_227 = arith.constant 6 : i32
      %rem3A_228 = arith.remsi %add3A_226, %rem3A_227 : i32
      %lt3A = arith.constant 157 : i32
      %lt3A_229 = arith.cmpi slt, %add3A_226, %lt3A : i32
      %convert_element_type3A_230 = arith.extui %lt3A_229 : i1 to i32
      %cond3A_231 = arith.constant 0 : i32
      %cond3A_232 = arith.cmpi ne, %convert_element_type3A_230, %cond3A_231 : i32
      scf.if %cond3A_232 {
        %ge3A = arith.constant 6 : i32
        %ge3A_233 = arith.cmpi sge, %add3A_226, %ge3A : i32
        %convert_element_type3A_234 = arith.extui %ge3A_233 : i1 to i32
        %cond3A_235 = arith.constant 0 : i32
        %cond3A_236 = arith.cmpi ne, %convert_element_type3A_234, %cond3A_235 : i32
        scf.if %cond3A_236 {
          %sub3A = arith.constant 6 : i32
          %sub3A_253 = arith.subi %add3A_226, %sub3A : i32
          %dma_wait3A_254 = arith.constant 0 : i32
          %dma_wait3A_255 = arith.constant 0 : i32
          %dma_wait3A_256 = tpu.memref_slice %arg8[%rem3A_228, %dma_wait3A_254, %dma_wait3A_255] : memref<6x128x64xf32, #tpu.memory_space<vmem>> -> memref<1x128x64xf32, #tpu.memory_space<vmem>>
          %dma_wait3A_257 = tpu.memref_squeeze %dma_wait3A_256 : memref<1x128x64xf32, #tpu.memory_space<vmem>> -> memref<128x64xf32, #tpu.memory_space<vmem>>
          %dma_wait3A_258 = arith.constant 0 : i32
          %dma_wait3A_259 = tpu.memref_slice %arg7[%sub3A_253, %dma_wait3A_258] : memref<157x128xi32, #tpu.memory_space<vmem>> -> memref<1x128xi32, #tpu.memory_space<vmem>>
          %dma_wait3A_260 = tpu.memref_squeeze %dma_wait3A_259 : memref<1x128xi32, #tpu.memory_space<vmem>> -> memref<128xi32, #tpu.memory_space<vmem>>
          %dma_wait3A_261 = arith.constant 0 : i32
          %dma_wait3A_262 = arith.constant 0 : i32
          %dma_wait3A_263 = tpu.memref_slice %arg9[%dma_wait3A_261, %dma_wait3A_262] : memref<10016x64xf32, #tpu.memory_space<vmem_shared>> -> memref<10016x64xf32, #tpu.memory_space<vmem_shared>>
          %dma_wait3A_264 = tpu.memref_slice %arg11[%rem3A_228] : memref<6x!tpu.dma_semaphore, #tpu.memory_space<semaphore_mem>> -> memref<1x!tpu.dma_semaphore, #tpu.memory_space<semaphore_mem>>
          %dma_wait3A_265 = tpu.memref_squeeze %dma_wait3A_264 : memref<1x!tpu.dma_semaphore, #tpu.memory_space<semaphore_mem>> -> memref<!tpu.dma_semaphore, #tpu.memory_space<semaphore_mem>>
          tpu.wait_indirect_dma semaphore(%dma_wait3A_265 : memref<!tpu.dma_semaphore, #tpu.memory_space<semaphore_mem>>) src(%dma_wait3A_257 : memref<128x64xf32, #tpu.memory_space<vmem>>) dst(%dma_wait3A_263 : memref<10016x64xf32, #tpu.memory_space<vmem_shared>>)
        } else {
        }
        %dma_start3A_237 = arith.constant 0 : i32
        %dma_start3A_238 = arith.constant 0 : i32
        %dma_start3A_239 = tpu.memref_slice %arg8[%rem3A_228, %dma_start3A_237, %dma_start3A_238] : memref<6x128x64xf32, #tpu.memory_space<vmem>> -> memref<1x128x64xf32, #tpu.memory_space<vmem>>
        %dma_start3A_240 = tpu.memref_squeeze %dma_start3A_239 : memref<1x128x64xf32, #tpu.memory_space<vmem>> -> memref<128x64xf32, #tpu.memory_space<vmem>>
        %dma_start3A_241 = arith.constant 0 : i32
        %dma_start3A_242 = tpu.memref_slice %arg6[%add3A_226, %dma_start3A_241] : memref<157x128xi32, #tpu.memory_space<vmem>> -> memref<1x128xi32, #tpu.memory_space<vmem>>
        %dma_start3A_243 = tpu.memref_squeeze %dma_start3A_242 : memref<1x128xi32, #tpu.memory_space<vmem>> -> memref<128xi32, #tpu.memory_space<vmem>>
        %dma_start3A_244 = arith.constant 0 : i32
        %dma_start3A_245 = arith.constant 0 : i32
        %dma_start3A_246 = tpu.memref_slice %arg2[%arg0, %dma_start3A_244, %dma_start3A_245] : memref<2x10016x64xf32, #tpu.memory_space<hbm>> -> memref<1x10016x64xf32, #tpu.memory_space<hbm>>
        %dma_start3A_247 = tpu.memref_squeeze %dma_start3A_246 : memref<1x10016x64xf32, #tpu.memory_space<hbm>> -> memref<10016x64xf32, #tpu.memory_space<hbm>>
        %dma_start3A_248 = arith.constant 0 : i32
        %dma_start3A_249 = arith.constant 0 : i32
        %dma_start3A_250 = tpu.memref_slice %dma_start3A_247[%dma_start3A_248, %dma_start3A_249] : memref<10016x64xf32, #tpu.memory_space<hbm>> -> memref<10016x64xf32, #tpu.memory_space<hbm>>
        %dma_start3A_251 = tpu.memref_slice %arg10[%rem3A_228] : memref<6x!tpu.dma_semaphore, #tpu.memory_space<semaphore_mem>> -> memref<1x!tpu.dma_semaphore, #tpu.memory_space<semaphore_mem>>
        %dma_start3A_252 = tpu.memref_squeeze %dma_start3A_251 : memref<1x!tpu.dma_semaphore, #tpu.memory_space<semaphore_mem>> -> memref<!tpu.dma_semaphore, #tpu.memory_space<semaphore_mem>>
        tpu.enqueue_indirect_dma source(%dma_start3A_250 : memref<10016x64xf32, #tpu.memory_space<hbm>>) target(%dma_start3A_240 : memref<128x64xf32, #tpu.memory_space<vmem>>) offsets(%dma_start3A_243 : memref<128xi32, #tpu.memory_space<vmem>>) semaphore(%dma_start3A_252 : memref<!tpu.dma_semaphore, #tpu.memory_space<semaphore_mem>>)
      } else {
      }
    }
    %scan3A_100 = arith.constant 157 : i32
    %dma_wait3A = arith.constant 1 : i32
    %dma_wait3A_101 = arith.constant 151 : i32
    %dma_wait3A_102 = arith.constant 1 : i32
    %dma_wait3A_103 = arith.constant 0 : i32
    %dma_wait3A_104 = arith.constant 0 : i32
    %dma_wait3A_105 = tpu.memref_slice %arg8[%dma_wait3A, %dma_wait3A_103, %dma_wait3A_104] : memref<6x128x64xf32, #tpu.memory_space<vmem>> -> memref<1x128x64xf32, #tpu.memory_space<vmem>>
    %dma_wait3A_106 = tpu.memref_squeeze %dma_wait3A_105 : memref<1x128x64xf32, #tpu.memory_space<vmem>> -> memref<128x64xf32, #tpu.memory_space<vmem>>
    %dma_wait3A_107 = arith.constant 0 : i32
    %dma_wait3A_108 = tpu.memref_slice %arg7[%dma_wait3A_101, %dma_wait3A_107] : memref<157x128xi32, #tpu.memory_space<vmem>> -> memref<1x128xi32, #tpu.memory_space<vmem>>
    %dma_wait3A_109 = tpu.memref_squeeze %dma_wait3A_108 : memref<1x128xi32, #tpu.memory_space<vmem>> -> memref<128xi32, #tpu.memory_space<vmem>>
    %dma_wait3A_110 = arith.constant 0 : i32
    %dma_wait3A_111 = arith.constant 0 : i32
    %dma_wait3A_112 = tpu.memref_slice %arg9[%dma_wait3A_110, %dma_wait3A_111] : memref<10016x64xf32, #tpu.memory_space<vmem_shared>> -> memref<10016x64xf32, #tpu.memory_space<vmem_shared>>
    %dma_wait3A_113 = tpu.memref_slice %arg11[%dma_wait3A_102] : memref<6x!tpu.dma_semaphore, #tpu.memory_space<semaphore_mem>> -> memref<1x!tpu.dma_semaphore, #tpu.memory_space<semaphore_mem>>
    %dma_wait3A_114 = tpu.memref_squeeze %dma_wait3A_113 : memref<1x!tpu.dma_semaphore, #tpu.memory_space<semaphore_mem>> -> memref<!tpu.dma_semaphore, #tpu.memory_space<semaphore_mem>>
    tpu.wait_indirect_dma semaphore(%dma_wait3A_114 : memref<!tpu.dma_semaphore, #tpu.memory_space<semaphore_mem>>) src(%dma_wait3A_106 : memref<128x64xf32, #tpu.memory_space<vmem>>) dst(%dma_wait3A_112 : memref<10016x64xf32, #tpu.memory_space<vmem_shared>>)
    %dma_wait3A_115 = arith.constant 2 : i32
    %dma_wait3A_116 = arith.constant 152 : i32
    %dma_wait3A_117 = arith.constant 2 : i32
    %dma_wait3A_118 = arith.constant 0 : i32
    %dma_wait3A_119 = arith.constant 0 : i32
    %dma_wait3A_120 = tpu.memref_slice %arg8[%dma_wait3A_115, %dma_wait3A_118, %dma_wait3A_119] : memref<6x128x64xf32, #tpu.memory_space<vmem>> -> memref<1x128x64xf32, #tpu.memory_space<vmem>>
    %dma_wait3A_121 = tpu.memref_squeeze %dma_wait3A_120 : memref<1x128x64xf32, #tpu.memory_space<vmem>> -> memref<128x64xf32, #tpu.memory_space<vmem>>
    %dma_wait3A_122 = arith.constant 0 : i32
    %dma_wait3A_123 = tpu.memref_slice %arg7[%dma_wait3A_116, %dma_wait3A_122] : memref<157x128xi32, #tpu.memory_space<vmem>> -> memref<1x128xi32, #tpu.memory_space<vmem>>
    %dma_wait3A_124 = tpu.memref_squeeze %dma_wait3A_123 : memref<1x128xi32, #tpu.memory_space<vmem>> -> memref<128xi32, #tpu.memory_space<vmem>>
    %dma_wait3A_125 = arith.constant 0 : i32
    %dma_wait3A_126 = arith.constant 0 : i32
    %dma_wait3A_127 = tpu.memref_slice %arg9[%dma_wait3A_125, %dma_wait3A_126] : memref<10016x64xf32, #tpu.memory_space<vmem_shared>> -> memref<10016x64xf32, #tpu.memory_space<vmem_shared>>
    %dma_wait3A_128 = tpu.memref_slice %arg11[%dma_wait3A_117] : memref<6x!tpu.dma_semaphore, #tpu.memory_space<semaphore_mem>> -> memref<1x!tpu.dma_semaphore, #tpu.memory_space<semaphore_mem>>
    %dma_wait3A_129 = tpu.memref_squeeze %dma_wait3A_128 : memref<1x!tpu.dma_semaphore, #tpu.memory_space<semaphore_mem>> -> memref<!tpu.dma_semaphore, #tpu.memory_space<semaphore_mem>>
    tpu.wait_indirect_dma semaphore(%dma_wait3A_129 : memref<!tpu.dma_semaphore, #tpu.memory_space<semaphore_mem>>) src(%dma_wait3A_121 : memref<128x64xf32, #tpu.memory_space<vmem>>) dst(%dma_wait3A_127 : memref<10016x64xf32, #tpu.memory_space<vmem_shared>>)
    %dma_wait3A_130 = arith.constant 3 : i32
    %dma_wait3A_131 = arith.constant 153 : i32
    %dma_wait3A_132 = arith.constant 3 : i32
    %dma_wait3A_133 = arith.constant 0 : i32
    %dma_wait3A_134 = arith.constant 0 : i32
    %dma_wait3A_135 = tpu.memref_slice %arg8[%dma_wait3A_130, %dma_wait3A_133, %dma_wait3A_134] : memref<6x128x64xf32, #tpu.memory_space<vmem>> -> memref<1x128x64xf32, #tpu.memory_space<vmem>>
    %dma_wait3A_136 = tpu.memref_squeeze %dma_wait3A_135 : memref<1x128x64xf32, #tpu.memory_space<vmem>> -> memref<128x64xf32, #tpu.memory_space<vmem>>
    %dma_wait3A_137 = arith.constant 0 : i32
    %dma_wait3A_138 = tpu.memref_slice %arg7[%dma_wait3A_131, %dma_wait3A_137] : memref<157x128xi32, #tpu.memory_space<vmem>> -> memref<1x128xi32, #tpu.memory_space<vmem>>
    %dma_wait3A_139 = tpu.memref_squeeze %dma_wait3A_138 : memref<1x128xi32, #tpu.memory_space<vmem>> -> memref<128xi32, #tpu.memory_space<vmem>>
    %dma_wait3A_140 = arith.constant 0 : i32
    %dma_wait3A_141 = arith.constant 0 : i32
    %dma_wait3A_142 = tpu.memref_slice %arg9[%dma_wait3A_140, %dma_wait3A_141] : memref<10016x64xf32, #tpu.memory_space<vmem_shared>> -> memref<10016x64xf32, #tpu.memory_space<vmem_shared>>
    %dma_wait3A_143 = tpu.memref_slice %arg11[%dma_wait3A_132] : memref<6x!tpu.dma_semaphore, #tpu.memory_space<semaphore_mem>> -> memref<1x!tpu.dma_semaphore, #tpu.memory_space<semaphore_mem>>
    %dma_wait3A_144 = tpu.memref_squeeze %dma_wait3A_143 : memref<1x!tpu.dma_semaphore, #tpu.memory_space<semaphore_mem>> -> memref<!tpu.dma_semaphore, #tpu.memory_space<semaphore_mem>>
    tpu.wait_indirect_dma semaphore(%dma_wait3A_144 : memref<!tpu.dma_semaphore, #tpu.memory_space<semaphore_mem>>) src(%dma_wait3A_136 : memref<128x64xf32, #tpu.memory_space<vmem>>) dst(%dma_wait3A_142 : memref<10016x64xf32, #tpu.memory_space<vmem_shared>>)
    %dma_wait3A_145 = arith.constant 4 : i32
    %dma_wait3A_146 = arith.constant 154 : i32
    %dma_wait3A_147 = arith.constant 4 : i32
    %dma_wait3A_148 = arith.constant 0 : i32
    %dma_wait3A_149 = arith.constant 0 : i32
    %dma_wait3A_150 = tpu.memref_slice %arg8[%dma_wait3A_145, %dma_wait3A_148, %dma_wait3A_149] : memref<6x128x64xf32, #tpu.memory_space<vmem>> -> memref<1x128x64xf32, #tpu.memory_space<vmem>>
    %dma_wait3A_151 = tpu.memref_squeeze %dma_wait3A_150 : memref<1x128x64xf32, #tpu.memory_space<vmem>> -> memref<128x64xf32, #tpu.memory_space<vmem>>
    %dma_wait3A_152 = arith.constant 0 : i32
    %dma_wait3A_153 = tpu.memref_slice %arg7[%dma_wait3A_146, %dma_wait3A_152] : memref<157x128xi32, #tpu.memory_space<vmem>> -> memref<1x128xi32, #tpu.memory_space<vmem>>
    %dma_wait3A_154 = tpu.memref_squeeze %dma_wait3A_153 : memref<1x128xi32, #tpu.memory_space<vmem>> -> memref<128xi32, #tpu.memory_space<vmem>>
    %dma_wait3A_155 = arith.constant 0 : i32
    %dma_wait3A_156 = arith.constant 0 : i32
    %dma_wait3A_157 = tpu.memref_slice %arg9[%dma_wait3A_155, %dma_wait3A_156] : memref<10016x64xf32, #tpu.memory_space<vmem_shared>> -> memref<10016x64xf32, #tpu.memory_space<vmem_shared>>
    %dma_wait3A_158 = tpu.memref_slice %arg11[%dma_wait3A_147] : memref<6x!tpu.dma_semaphore, #tpu.memory_space<semaphore_mem>> -> memref<1x!tpu.dma_semaphore, #tpu.memory_space<semaphore_mem>>
    %dma_wait3A_159 = tpu.memref_squeeze %dma_wait3A_158 : memref<1x!tpu.dma_semaphore, #tpu.memory_space<semaphore_mem>> -> memref<!tpu.dma_semaphore, #tpu.memory_space<semaphore_mem>>
    tpu.wait_indirect_dma semaphore(%dma_wait3A_159 : memref<!tpu.dma_semaphore, #tpu.memory_space<semaphore_mem>>) src(%dma_wait3A_151 : memref<128x64xf32, #tpu.memory_space<vmem>>) dst(%dma_wait3A_157 : memref<10016x64xf32, #tpu.memory_space<vmem_shared>>)
    %dma_wait3A_160 = arith.constant 5 : i32
    %dma_wait3A_161 = arith.constant 155 : i32
    %dma_wait3A_162 = arith.constant 5 : i32
    %dma_wait3A_163 = arith.constant 0 : i32
    %dma_wait3A_164 = arith.constant 0 : i32
    %dma_wait3A_165 = tpu.memref_slice %arg8[%dma_wait3A_160, %dma_wait3A_163, %dma_wait3A_164] : memref<6x128x64xf32, #tpu.memory_space<vmem>> -> memref<1x128x64xf32, #tpu.memory_space<vmem>>
    %dma_wait3A_166 = tpu.memref_squeeze %dma_wait3A_165 : memref<1x128x64xf32, #tpu.memory_space<vmem>> -> memref<128x64xf32, #tpu.memory_space<vmem>>
    %dma_wait3A_167 = arith.constant 0 : i32
    %dma_wait3A_168 = tpu.memref_slice %arg7[%dma_wait3A_161, %dma_wait3A_167] : memref<157x128xi32, #tpu.memory_space<vmem>> -> memref<1x128xi32, #tpu.memory_space<vmem>>
    %dma_wait3A_169 = tpu.memref_squeeze %dma_wait3A_168 : memref<1x128xi32, #tpu.memory_space<vmem>> -> memref<128xi32, #tpu.memory_space<vmem>>
    %dma_wait3A_170 = arith.constant 0 : i32
    %dma_wait3A_171 = arith.constant 0 : i32
    %dma_wait3A_172 = tpu.memref_slice %arg9[%dma_wait3A_170, %dma_wait3A_171] : memref<10016x64xf32, #tpu.memory_space<vmem_shared>> -> memref<10016x64xf32, #tpu.memory_space<vmem_shared>>
    %dma_wait3A_173 = tpu.memref_slice %arg11[%dma_wait3A_162] : memref<6x!tpu.dma_semaphore, #tpu.memory_space<semaphore_mem>> -> memref<1x!tpu.dma_semaphore, #tpu.memory_space<semaphore_mem>>
    %dma_wait3A_174 = tpu.memref_squeeze %dma_wait3A_173 : memref<1x!tpu.dma_semaphore, #tpu.memory_space<semaphore_mem>> -> memref<!tpu.dma_semaphore, #tpu.memory_space<semaphore_mem>>
    tpu.wait_indirect_dma semaphore(%dma_wait3A_174 : memref<!tpu.dma_semaphore, #tpu.memory_space<semaphore_mem>>) src(%dma_wait3A_166 : memref<128x64xf32, #tpu.memory_space<vmem>>) dst(%dma_wait3A_172 : memref<10016x64xf32, #tpu.memory_space<vmem_shared>>)
    %dma_wait3A_175 = arith.constant 0 : i32
    %dma_wait3A_176 = arith.constant 156 : i32
    %dma_wait3A_177 = arith.constant 0 : i32
    %dma_wait3A_178 = arith.constant 0 : i32
    %dma_wait3A_179 = arith.constant 0 : i32
    %dma_wait3A_180 = tpu.memref_slice %arg8[%dma_wait3A_175, %dma_wait3A_178, %dma_wait3A_179] : memref<6x128x64xf32, #tpu.memory_space<vmem>> -> memref<1x128x64xf32, #tpu.memory_space<vmem>>
    %dma_wait3A_181 = tpu.memref_squeeze %dma_wait3A_180 : memref<1x128x64xf32, #tpu.memory_space<vmem>> -> memref<128x64xf32, #tpu.memory_space<vmem>>
    %dma_wait3A_182 = arith.constant 0 : i32
    %dma_wait3A_183 = tpu.memref_slice %arg7[%dma_wait3A_176, %dma_wait3A_182] : memref<157x128xi32, #tpu.memory_space<vmem>> -> memref<1x128xi32, #tpu.memory_space<vmem>>
    %dma_wait3A_184 = tpu.memref_squeeze %dma_wait3A_183 : memref<1x128xi32, #tpu.memory_space<vmem>> -> memref<128xi32, #tpu.memory_space<vmem>>
    %dma_wait3A_185 = arith.constant 0 : i32
    %dma_wait3A_186 = arith.constant 0 : i32
    %dma_wait3A_187 = tpu.memref_slice %arg9[%dma_wait3A_185, %dma_wait3A_186] : memref<10016x64xf32, #tpu.memory_space<vmem_shared>> -> memref<10016x64xf32, #tpu.memory_space<vmem_shared>>
    %dma_wait3A_188 = tpu.memref_slice %arg11[%dma_wait3A_177] : memref<6x!tpu.dma_semaphore, #tpu.memory_space<semaphore_mem>> -> memref<1x!tpu.dma_semaphore, #tpu.memory_space<semaphore_mem>>
    %dma_wait3A_189 = tpu.memref_squeeze %dma_wait3A_188 : memref<1x!tpu.dma_semaphore, #tpu.memory_space<semaphore_mem>> -> memref<!tpu.dma_semaphore, #tpu.memory_space<semaphore_mem>>
    tpu.wait_indirect_dma semaphore(%dma_wait3A_189 : memref<!tpu.dma_semaphore, #tpu.memory_space<semaphore_mem>>) src(%dma_wait3A_181 : memref<128x64xf32, #tpu.memory_space<vmem>>) dst(%dma_wait3A_187 : memref<10016x64xf32, #tpu.memory_space<vmem_shared>>)
    %barrier3A_190 = arith.constant 0 : index
    tpu.barrier barrier_id(%barrier3A_190)
    %eq3A_191 = arith.constant 0 : i32
    %eq3A_192 = arith.cmpi eq, %arg1, %eq3A_191 : i32
    %convert_element_type3A_193 = arith.extui %eq3A_192 : i1 to i32
    %cond3A_194 = arith.constant 0 : i32
    %cond3A_195 = arith.cmpi ne, %convert_element_type3A_193, %cond3A_194 : i32
    scf.if %cond3A_195 {
      "tpu.region"() ({
        %run_scoped3A = tpu.sem_alloc : memref<!tpu.dma_semaphore, #tpu.memory_space<semaphore_mem>>
        %dma_start3A_196 = arith.constant 0 : i32
        %dma_start3A_197 = arith.constant 0 : i32
        %dma_start3A_198 = tpu.memref_slice %arg5[%arg0, %dma_start3A_196, %dma_start3A_197] : memref<2x10016x64xf32, #tpu.memory_space<hbm>> -> memref<1x10016x64xf32, #tpu.memory_space<hbm>>
        %dma_start3A_199 = tpu.memref_squeeze %dma_start3A_198 : memref<1x10016x64xf32, #tpu.memory_space<hbm>> -> memref<10016x64xf32, #tpu.memory_space<hbm>>
        tpu.enqueue_dma source(%arg9 : memref<10016x64xf32, #tpu.memory_space<vmem_shared>>) target(%dma_start3A_199 : memref<10016x64xf32, #tpu.memory_space<hbm>>) target_semaphore(%run_scoped3A : memref<!tpu.dma_semaphore, #tpu.memory_space<semaphore_mem>>)
        %dma_wait3A_200 = arith.constant 0 : i32
        %dma_wait3A_201 = arith.constant 0 : i32
        %dma_wait3A_202 = tpu.memref_slice %arg5[%arg0, %dma_wait3A_200, %dma_wait3A_201] : memref<2x10016x64xf32, #tpu.memory_space<hbm>> -> memref<1x10016x64xf32, #tpu.memory_space<hbm>>
        %dma_wait3A_203 = tpu.memref_squeeze %dma_wait3A_202 : memref<1x10016x64xf32, #tpu.memory_space<hbm>> -> memref<10016x64xf32, #tpu.memory_space<hbm>>
        tpu.wait_dma2 semaphore(%run_scoped3A : memref<!tpu.dma_semaphore, #tpu.memory_space<semaphore_mem>>) src(%arg9 : memref<10016x64xf32, #tpu.memory_space<vmem_shared>>) dst(%dma_wait3A_203 : memref<10016x64xf32, #tpu.memory_space<hbm>>)
        tpu.yield
      }) : () -> ()
    } else {
    }
    return
  }
}

#map = affine_map<(d0, d1) -> (0, 0, 0, 0)>
#map1 = affine_map<(d0, d1) -> (0, 0)>
#map2 = affine_map<(d0, d1) -> (0, 0, 0)>
module attributes {stable_mosaic.version = 14 : i64} {
  func.func @deg(%arg0: i32, %arg1: i32, %arg2: memref<2x16x79x128xi32, #tpu.memory_space<hbm>>, %arg3: memref<128x16xf32, #tpu.memory_space<hbm>>, %arg4: memref<10016x16xf32, #tpu.memory_space<hbm>>, %arg5: memref<2x10016x16xf32, #tpu.memory_space<hbm>>, %arg6: memref<79x128xi32, #tpu.memory_space<vmem>>, %arg7: memref<128x16xf32, #tpu.memory_space<vmem>>, %arg8: memref<10016x16xf32, #tpu.memory_space<vmem_shared>>) attributes {dimension_semantics = [#tpu.dimension_semantics<core_parallel>, #tpu.dimension_semantics<subcore_parallel>], iteration_bounds = array<i64: 2, 16>, scalar_prefetch = 0 : i64, scratch_operands = 3 : i64, tpu.core_type = #tpu.core_type<sc_vector_subcore>, window_params = [{transform_indices = #map}, {transform_indices = #map1}, {transform_indices = #map1}, {transform_indices = #map2}]} {
    "tpu.region"() ({
      %run_scoped3A = tpu.sem_alloc : memref<!tpu.dma_semaphore, #tpu.memory_space<semaphore_mem>>
      %dma_start3A = arith.constant 0 : i32
      %dma_start3A_13 = arith.constant 0 : i32
      %dma_start3A_14 = arith.constant 0 : i32
      %dma_start3A_15 = tpu.memref_slice %arg2[%arg0, %dma_start3A, %dma_start3A_13, %dma_start3A_14] : memref<2x16x79x128xi32, #tpu.memory_space<hbm>> -> memref<1x16x79x128xi32, #tpu.memory_space<hbm>>
      %dma_start3A_16 = tpu.memref_squeeze %dma_start3A_15 : memref<1x16x79x128xi32, #tpu.memory_space<hbm>> -> memref<16x79x128xi32, #tpu.memory_space<hbm>>
      %dma_start3A_17 = arith.constant 0 : i32
      %dma_start3A_18 = arith.constant 0 : i32
      %dma_start3A_19 = tpu.memref_slice %dma_start3A_16[%arg1, %dma_start3A_17, %dma_start3A_18] : memref<16x79x128xi32, #tpu.memory_space<hbm>> -> memref<1x79x128xi32, #tpu.memory_space<hbm>>
      %dma_start3A_20 = tpu.memref_squeeze %dma_start3A_19 : memref<1x79x128xi32, #tpu.memory_space<hbm>> -> memref<79x128xi32, #tpu.memory_space<hbm>>
      %dma_start3A_21 = arith.constant 0 : i32
      %dma_start3A_22 = arith.constant 0 : i32
      %dma_start3A_23 = arith.constant 0 : i32
      %dma_start3A_24 = tpu.memref_slice %arg2[%arg0, %dma_start3A_21, %dma_start3A_22, %dma_start3A_23] : memref<2x16x79x128xi32, #tpu.memory_space<hbm>> -> memref<1x16x79x128xi32, #tpu.memory_space<hbm>>
      %dma_start3A_25 = tpu.memref_squeeze %dma_start3A_24 : memref<1x16x79x128xi32, #tpu.memory_space<hbm>> -> memref<16x79x128xi32, #tpu.memory_space<hbm>>
      %dma_start3A_26 = arith.constant 0 : i32
      %dma_start3A_27 = arith.constant 0 : i32
      %dma_start3A_28 = tpu.memref_slice %dma_start3A_25[%arg1, %dma_start3A_26, %dma_start3A_27] : memref<16x79x128xi32, #tpu.memory_space<hbm>> -> memref<1x79x128xi32, #tpu.memory_space<hbm>>
      %dma_start3A_29 = tpu.memref_squeeze %dma_start3A_28 : memref<1x79x128xi32, #tpu.memory_space<hbm>> -> memref<79x128xi32, #tpu.memory_space<hbm>>
      tpu.enqueue_dma source(%dma_start3A_29 : memref<79x128xi32, #tpu.memory_space<hbm>>) target(%arg6 : memref<79x128xi32, #tpu.memory_space<vmem>>) target_semaphore(%run_scoped3A : memref<!tpu.dma_semaphore, #tpu.memory_space<semaphore_mem>>)
      %dma_wait3A = arith.constant 0 : i32
      %dma_wait3A_30 = arith.constant 0 : i32
      %dma_wait3A_31 = arith.constant 0 : i32
      %dma_wait3A_32 = tpu.memref_slice %arg2[%arg0, %dma_wait3A, %dma_wait3A_30, %dma_wait3A_31] : memref<2x16x79x128xi32, #tpu.memory_space<hbm>> -> memref<1x16x79x128xi32, #tpu.memory_space<hbm>>
      %dma_wait3A_33 = tpu.memref_squeeze %dma_wait3A_32 : memref<1x16x79x128xi32, #tpu.memory_space<hbm>> -> memref<16x79x128xi32, #tpu.memory_space<hbm>>
      %dma_wait3A_34 = arith.constant 0 : i32
      %dma_wait3A_35 = arith.constant 0 : i32
      %dma_wait3A_36 = tpu.memref_slice %dma_wait3A_33[%arg1, %dma_wait3A_34, %dma_wait3A_35] : memref<16x79x128xi32, #tpu.memory_space<hbm>> -> memref<1x79x128xi32, #tpu.memory_space<hbm>>
      %dma_wait3A_37 = tpu.memref_squeeze %dma_wait3A_36 : memref<1x79x128xi32, #tpu.memory_space<hbm>> -> memref<79x128xi32, #tpu.memory_space<hbm>>
      %dma_wait3A_38 = arith.constant 0 : i32
      %dma_wait3A_39 = arith.constant 0 : i32
      %dma_wait3A_40 = arith.constant 0 : i32
      %dma_wait3A_41 = tpu.memref_slice %arg2[%arg0, %dma_wait3A_38, %dma_wait3A_39, %dma_wait3A_40] : memref<2x16x79x128xi32, #tpu.memory_space<hbm>> -> memref<1x16x79x128xi32, #tpu.memory_space<hbm>>
      %dma_wait3A_42 = tpu.memref_squeeze %dma_wait3A_41 : memref<1x16x79x128xi32, #tpu.memory_space<hbm>> -> memref<16x79x128xi32, #tpu.memory_space<hbm>>
      %dma_wait3A_43 = arith.constant 0 : i32
      %dma_wait3A_44 = arith.constant 0 : i32
      %dma_wait3A_45 = tpu.memref_slice %dma_wait3A_42[%arg1, %dma_wait3A_43, %dma_wait3A_44] : memref<16x79x128xi32, #tpu.memory_space<hbm>> -> memref<1x79x128xi32, #tpu.memory_space<hbm>>
      %dma_wait3A_46 = tpu.memref_squeeze %dma_wait3A_45 : memref<1x79x128xi32, #tpu.memory_space<hbm>> -> memref<79x128xi32, #tpu.memory_space<hbm>>
      tpu.wait_dma2 semaphore(%run_scoped3A : memref<!tpu.dma_semaphore, #tpu.memory_space<semaphore_mem>>) src(%dma_wait3A_46 : memref<79x128xi32, #tpu.memory_space<hbm>>) dst(%arg6 : memref<79x128xi32, #tpu.memory_space<vmem>>)
      tpu.yield
    }) : () -> ()
    "tpu.region"() ({
      %run_scoped3A = tpu.sem_alloc : memref<!tpu.dma_semaphore, #tpu.memory_space<semaphore_mem>>
      tpu.enqueue_dma source(%arg3 : memref<128x16xf32, #tpu.memory_space<hbm>>) target(%arg7 : memref<128x16xf32, #tpu.memory_space<vmem>>) target_semaphore(%run_scoped3A : memref<!tpu.dma_semaphore, #tpu.memory_space<semaphore_mem>>)
      tpu.wait_dma2 semaphore(%run_scoped3A : memref<!tpu.dma_semaphore, #tpu.memory_space<semaphore_mem>>) src(%arg3 : memref<128x16xf32, #tpu.memory_space<hbm>>) dst(%arg7 : memref<128x16xf32, #tpu.memory_space<vmem>>)
      tpu.yield
    }) : () -> ()
    %eq3A = arith.constant 0 : i32
    %eq3A_0 = arith.cmpi eq, %arg1, %eq3A : i32
    %convert_element_type3A = arith.extui %eq3A_0 : i1 to i32
    %cond3A = arith.constant 0 : i32
    %cond3A_1 = arith.cmpi ne, %convert_element_type3A, %cond3A : i32
    scf.if %cond3A_1 {
      "tpu.region"() ({
        %run_scoped3A = tpu.sem_alloc : memref<!tpu.dma_semaphore, #tpu.memory_space<semaphore_mem>>
        tpu.enqueue_dma source(%arg4 : memref<10016x16xf32, #tpu.memory_space<hbm>>) target(%arg8 : memref<10016x16xf32, #tpu.memory_space<vmem_shared>>) target_semaphore(%run_scoped3A : memref<!tpu.dma_semaphore, #tpu.memory_space<semaphore_mem>>)
        tpu.wait_dma2 semaphore(%run_scoped3A : memref<!tpu.dma_semaphore, #tpu.memory_space<semaphore_mem>>) src(%arg4 : memref<10016x16xf32, #tpu.memory_space<hbm>>) dst(%arg8 : memref<10016x16xf32, #tpu.memory_space<vmem_shared>>)
        tpu.yield
      }) : () -> ()
    } else {
    }
    %barrier3A = arith.constant 0 : index
    tpu.barrier barrier_id(%barrier3A)
    %scan3A = arith.constant 0 : i32
    %scan3A_2 = arith.constant 0 : i32
    %scan3A_3 = arith.constant 79 : i32
    %scan3A_4 = arith.addi %scan3A_2, %scan3A_3 : i32
    %scan3A_5 = arith.constant 1 : i32
    scf.for %scan3A_13 = %scan3A_2 to %scan3A_4 step %scan3A_5  : i32 {
      "tpu.region"() ({
        %run_scoped3A = tpu.sem_alloc : memref<!tpu.dma_semaphore, #tpu.memory_space<semaphore_mem>>
        %dma_start3A = arith.constant 0 : i32
        %dma_start3A_14 = tpu.memref_slice %arg6[%scan3A_13, %dma_start3A] : memref<79x128xi32, #tpu.memory_space<vmem>> -> memref<1x128xi32, #tpu.memory_space<vmem>>
        %dma_start3A_15 = tpu.memref_squeeze %dma_start3A_14 : memref<1x128xi32, #tpu.memory_space<vmem>> -> memref<128xi32, #tpu.memory_space<vmem>>
        %dma_start3A_16 = arith.constant 0 : i32
        %dma_start3A_17 = arith.constant 0 : i32
        %dma_start3A_18 = tpu.memref_slice %arg8[%dma_start3A_16, %dma_start3A_17] : memref<10016x16xf32, #tpu.memory_space<vmem_shared>> -> memref<10016x16xf32, #tpu.memory_space<vmem_shared>>
        tpu.enqueue_indirect_dma source(%arg7 : memref<128x16xf32, #tpu.memory_space<vmem>>) target(%dma_start3A_18 : memref<10016x16xf32, #tpu.memory_space<vmem_shared>>) offsets(%dma_start3A_15 : memref<128xi32, #tpu.memory_space<vmem>>) semaphore(%run_scoped3A : memref<!tpu.dma_semaphore, #tpu.memory_space<semaphore_mem>>) {add = true}
        %dma_wait3A = arith.constant 0 : i32
        %dma_wait3A_19 = tpu.memref_slice %arg6[%scan3A_13, %dma_wait3A] : memref<79x128xi32, #tpu.memory_space<vmem>> -> memref<1x128xi32, #tpu.memory_space<vmem>>
        %dma_wait3A_20 = tpu.memref_squeeze %dma_wait3A_19 : memref<1x128xi32, #tpu.memory_space<vmem>> -> memref<128xi32, #tpu.memory_space<vmem>>
        %dma_wait3A_21 = arith.constant 0 : i32
        %dma_wait3A_22 = arith.constant 0 : i32
        %dma_wait3A_23 = tpu.memref_slice %arg8[%dma_wait3A_21, %dma_wait3A_22] : memref<10016x16xf32, #tpu.memory_space<vmem_shared>> -> memref<10016x16xf32, #tpu.memory_space<vmem_shared>>
        tpu.wait_indirect_dma semaphore(%run_scoped3A : memref<!tpu.dma_semaphore, #tpu.memory_space<semaphore_mem>>) src(%arg7 : memref<128x16xf32, #tpu.memory_space<vmem>>) dst(%dma_wait3A_23 : memref<10016x16xf32, #tpu.memory_space<vmem_shared>>)
        tpu.yield
      }) : () -> ()
    }
    %scan3A_6 = arith.constant 79 : i32
    %barrier3A_7 = arith.constant 0 : index
    tpu.barrier barrier_id(%barrier3A_7)
    %eq3A_8 = arith.constant 0 : i32
    %eq3A_9 = arith.cmpi eq, %arg1, %eq3A_8 : i32
    %convert_element_type3A_10 = arith.extui %eq3A_9 : i1 to i32
    %cond3A_11 = arith.constant 0 : i32
    %cond3A_12 = arith.cmpi ne, %convert_element_type3A_10, %cond3A_11 : i32
    scf.if %cond3A_12 {
      "tpu.region"() ({
        %run_scoped3A = tpu.sem_alloc : memref<!tpu.dma_semaphore, #tpu.memory_space<semaphore_mem>>
        %dma_start3A = arith.constant 0 : i32
        %dma_start3A_13 = arith.constant 0 : i32
        %dma_start3A_14 = tpu.memref_slice %arg5[%arg0, %dma_start3A, %dma_start3A_13] : memref<2x10016x16xf32, #tpu.memory_space<hbm>> -> memref<1x10016x16xf32, #tpu.memory_space<hbm>>
        %dma_start3A_15 = tpu.memref_squeeze %dma_start3A_14 : memref<1x10016x16xf32, #tpu.memory_space<hbm>> -> memref<10016x16xf32, #tpu.memory_space<hbm>>
        tpu.enqueue_dma source(%arg8 : memref<10016x16xf32, #tpu.memory_space<vmem_shared>>) target(%dma_start3A_15 : memref<10016x16xf32, #tpu.memory_space<hbm>>) target_semaphore(%run_scoped3A : memref<!tpu.dma_semaphore, #tpu.memory_space<semaphore_mem>>)
        %dma_wait3A = arith.constant 0 : i32
        %dma_wait3A_16 = arith.constant 0 : i32
        %dma_wait3A_17 = tpu.memref_slice %arg5[%arg0, %dma_wait3A, %dma_wait3A_16] : memref<2x10016x16xf32, #tpu.memory_space<hbm>> -> memref<1x10016x16xf32, #tpu.memory_space<hbm>>
        %dma_wait3A_18 = tpu.memref_squeeze %dma_wait3A_17 : memref<1x10016x16xf32, #tpu.memory_space<hbm>> -> memref<10016x16xf32, #tpu.memory_space<hbm>>
        tpu.wait_dma2 semaphore(%run_scoped3A : memref<!tpu.dma_semaphore, #tpu.memory_space<semaphore_mem>>) src(%arg8 : memref<10016x16xf32, #tpu.memory_space<vmem_shared>>) dst(%dma_wait3A_18 : memref<10016x16xf32, #tpu.memory_space<hbm>>)
        tpu.yield
      }) : () -> ()
    } else {
    }
    return
  }
}

#map = affine_map<(d0, d1) -> (0, 0, 0)>
module attributes {stable_mosaic.version = 14 : i64} {
  func.func @prop(%arg0: i32, %arg1: i32, %arg2: memref<2x10016x64xf32, #tpu.memory_space<hbm>>, %arg3: memref<16x157x128xi32, #tpu.memory_space<hbm>>, %arg4: memref<16x157x128xi32, #tpu.memory_space<hbm>>, %arg5: memref<2x10016x64xf32, #tpu.memory_space<hbm>>, %arg6: memref<157x128xi32, #tpu.memory_space<vmem>>, %arg7: memref<157x128xi32, #tpu.memory_space<vmem>>, %arg8: memref<6x128x64xf32, #tpu.memory_space<vmem>>, %arg9: memref<10016x64xf32, #tpu.memory_space<vmem_shared>>, %arg10: memref<6x!tpu.dma_semaphore, #tpu.memory_space<semaphore_mem>>, %arg11: memref<6x!tpu.dma_semaphore, #tpu.memory_space<semaphore_mem>>) attributes {dimension_semantics = [#tpu.dimension_semantics<core_parallel>, #tpu.dimension_semantics<subcore_parallel>], iteration_bounds = array<i64: 2, 16>, scalar_prefetch = 0 : i64, scratch_operands = 6 : i64, tpu.core_type = #tpu.core_type<sc_vector_subcore>, window_params = [{transform_indices = #map}, {transform_indices = #map}, {transform_indices = #map}, {transform_indices = #map}]} {
    "tpu.region"() ({
      %run_scoped3A = tpu.sem_alloc : memref<!tpu.dma_semaphore, #tpu.memory_space<semaphore_mem>>
      %dma_start3A_196 = arith.constant 0 : i32
      %dma_start3A_197 = arith.constant 0 : i32
      %dma_start3A_198 = tpu.memref_slice %arg3[%arg1, %dma_start3A_196, %dma_start3A_197] : memref<16x157x128xi32, #tpu.memory_space<hbm>> -> memref<1x157x128xi32, #tpu.memory_space<hbm>>
      %dma_start3A_199 = tpu.memref_squeeze %dma_start3A_198 : memref<1x157x128xi32, #tpu.memory_space<hbm>> -> memref<157x128xi32, #tpu.memory_space<hbm>>
      %dma_start3A_200 = arith.constant 0 : i32
      %dma_start3A_201 = arith.constant 0 : i32
      %dma_start3A_202 = tpu.memref_slice %arg3[%arg1, %dma_start3A_200, %dma_start3A_201] : memref<16x157x128xi32, #tpu.memory_space<hbm>> -> memref<1x157x128xi32, #tpu.memory_space<hbm>>
      %dma_start3A_203 = tpu.memref_squeeze %dma_start3A_202 : memref<1x157x128xi32, #tpu.memory_space<hbm>> -> memref<157x128xi32, #tpu.memory_space<hbm>>
      tpu.enqueue_dma source(%dma_start3A_203 : memref<157x128xi32, #tpu.memory_space<hbm>>) target(%arg6 : memref<157x128xi32, #tpu.memory_space<vmem>>) target_semaphore(%run_scoped3A : memref<!tpu.dma_semaphore, #tpu.memory_space<semaphore_mem>>)
      %dma_wait3A_204 = arith.constant 0 : i32
      %dma_wait3A_205 = arith.constant 0 : i32
      %dma_wait3A_206 = tpu.memref_slice %arg3[%arg1, %dma_wait3A_204, %dma_wait3A_205] : memref<16x157x128xi32, #tpu.memory_space<hbm>> -> memref<1x157x128xi32, #tpu.memory_space<hbm>>
      %dma_wait3A_207 = tpu.memref_squeeze %dma_wait3A_206 : memref<1x157x128xi32, #tpu.memory_space<hbm>> -> memref<157x128xi32, #tpu.memory_space<hbm>>
      %dma_wait3A_208 = arith.constant 0 : i32
      %dma_wait3A_209 = arith.constant 0 : i32
      %dma_wait3A_210 = tpu.memref_slice %arg3[%arg1, %dma_wait3A_208, %dma_wait3A_209] : memref<16x157x128xi32, #tpu.memory_space<hbm>> -> memref<1x157x128xi32, #tpu.memory_space<hbm>>
      %dma_wait3A_211 = tpu.memref_squeeze %dma_wait3A_210 : memref<1x157x128xi32, #tpu.memory_space<hbm>> -> memref<157x128xi32, #tpu.memory_space<hbm>>
      tpu.wait_dma2 semaphore(%run_scoped3A : memref<!tpu.dma_semaphore, #tpu.memory_space<semaphore_mem>>) src(%dma_wait3A_211 : memref<157x128xi32, #tpu.memory_space<hbm>>) dst(%arg6 : memref<157x128xi32, #tpu.memory_space<vmem>>)
      tpu.yield
    }) : () -> ()
    "tpu.region"() ({
      %run_scoped3A = tpu.sem_alloc : memref<!tpu.dma_semaphore, #tpu.memory_space<semaphore_mem>>
      %dma_start3A_196 = arith.constant 0 : i32
      %dma_start3A_197 = arith.constant 0 : i32
      %dma_start3A_198 = tpu.memref_slice %arg4[%arg1, %dma_start3A_196, %dma_start3A_197] : memref<16x157x128xi32, #tpu.memory_space<hbm>> -> memref<1x157x128xi32, #tpu.memory_space<hbm>>
      %dma_start3A_199 = tpu.memref_squeeze %dma_start3A_198 : memref<1x157x128xi32, #tpu.memory_space<hbm>> -> memref<157x128xi32, #tpu.memory_space<hbm>>
      %dma_start3A_200 = arith.constant 0 : i32
      %dma_start3A_201 = arith.constant 0 : i32
      %dma_start3A_202 = tpu.memref_slice %arg4[%arg1, %dma_start3A_200, %dma_start3A_201] : memref<16x157x128xi32, #tpu.memory_space<hbm>> -> memref<1x157x128xi32, #tpu.memory_space<hbm>>
      %dma_start3A_203 = tpu.memref_squeeze %dma_start3A_202 : memref<1x157x128xi32, #tpu.memory_space<hbm>> -> memref<157x128xi32, #tpu.memory_space<hbm>>
      tpu.enqueue_dma source(%dma_start3A_203 : memref<157x128xi32, #tpu.memory_space<hbm>>) target(%arg7 : memref<157x128xi32, #tpu.memory_space<vmem>>) target_semaphore(%run_scoped3A : memref<!tpu.dma_semaphore, #tpu.memory_space<semaphore_mem>>)
      %dma_wait3A_204 = arith.constant 0 : i32
      %dma_wait3A_205 = arith.constant 0 : i32
      %dma_wait3A_206 = tpu.memref_slice %arg4[%arg1, %dma_wait3A_204, %dma_wait3A_205] : memref<16x157x128xi32, #tpu.memory_space<hbm>> -> memref<1x157x128xi32, #tpu.memory_space<hbm>>
      %dma_wait3A_207 = tpu.memref_squeeze %dma_wait3A_206 : memref<1x157x128xi32, #tpu.memory_space<hbm>> -> memref<157x128xi32, #tpu.memory_space<hbm>>
      %dma_wait3A_208 = arith.constant 0 : i32
      %dma_wait3A_209 = arith.constant 0 : i32
      %dma_wait3A_210 = tpu.memref_slice %arg4[%arg1, %dma_wait3A_208, %dma_wait3A_209] : memref<16x157x128xi32, #tpu.memory_space<hbm>> -> memref<1x157x128xi32, #tpu.memory_space<hbm>>
      %dma_wait3A_211 = tpu.memref_squeeze %dma_wait3A_210 : memref<1x157x128xi32, #tpu.memory_space<hbm>> -> memref<157x128xi32, #tpu.memory_space<hbm>>
      tpu.wait_dma2 semaphore(%run_scoped3A : memref<!tpu.dma_semaphore, #tpu.memory_space<semaphore_mem>>) src(%dma_wait3A_211 : memref<157x128xi32, #tpu.memory_space<hbm>>) dst(%arg7 : memref<157x128xi32, #tpu.memory_space<vmem>>)
      tpu.yield
    }) : () -> ()
    %eq3A = arith.constant 0 : i32
    %eq3A_0 = arith.cmpi eq, %arg1, %eq3A : i32
    %convert_element_type3A = arith.extui %eq3A_0 : i1 to i32
    %cond3A = arith.constant 0 : i32
    %cond3A_1 = arith.cmpi ne, %convert_element_type3A, %cond3A : i32
    scf.if %cond3A_1 {
      "tpu.region"() ({
        %run_scoped3A = tpu.sem_alloc : memref<!tpu.dma_semaphore, #tpu.memory_space<semaphore_mem>>
        %dma_start3A_196 = arith.constant 0 : i32
        %dma_start3A_197 = arith.constant 0 : i32
        %dma_start3A_198 = tpu.memref_slice %arg2[%arg0, %dma_start3A_196, %dma_start3A_197] : memref<2x10016x64xf32, #tpu.memory_space<hbm>> -> memref<1x10016x64xf32, #tpu.memory_space<hbm>>
        %dma_start3A_199 = tpu.memref_squeeze %dma_start3A_198 : memref<1x10016x64xf32, #tpu.memory_space<hbm>> -> memref<10016x64xf32, #tpu.memory_space<hbm>>
        tpu.enqueue_dma source(%dma_start3A_199 : memref<10016x64xf32, #tpu.memory_space<hbm>>) target(%arg9 : memref<10016x64xf32, #tpu.memory_space<vmem_shared>>) target_semaphore(%run_scoped3A : memref<!tpu.dma_semaphore, #tpu.memory_space<semaphore_mem>>)
        %dma_wait3A_200 = arith.constant 0 : i32
        %dma_wait3A_201 = arith.constant 0 : i32
        %dma_wait3A_202 = tpu.memref_slice %arg2[%arg0, %dma_wait3A_200, %dma_wait3A_201] : memref<2x10016x64xf32, #tpu.memory_space<hbm>> -> memref<1x10016x64xf32, #tpu.memory_space<hbm>>
        %dma_wait3A_203 = tpu.memref_squeeze %dma_wait3A_202 : memref<1x10016x64xf32, #tpu.memory_space<hbm>> -> memref<10016x64xf32, #tpu.memory_space<hbm>>
        tpu.wait_dma2 semaphore(%run_scoped3A : memref<!tpu.dma_semaphore, #tpu.memory_space<semaphore_mem>>) src(%dma_wait3A_203 : memref<10016x64xf32, #tpu.memory_space<hbm>>) dst(%arg9 : memref<10016x64xf32, #tpu.memory_space<vmem_shared>>)
        tpu.yield
      }) : () -> ()
    } else {
    }
    %barrier3A = arith.constant 0 : index
    tpu.barrier barrier_id(%barrier3A)
    %dma_start3A = arith.constant 0 : i32
    %dma_start3A_2 = arith.constant 0 : i32
    %dma_start3A_3 = arith.constant 0 : i32
    %dma_start3A_4 = arith.constant 0 : i32
    %dma_start3A_5 = arith.constant 0 : i32
    %dma_start3A_6 = tpu.memref_slice %arg8[%dma_start3A_2, %dma_start3A_4, %dma_start3A_5] : memref<6x128x64xf32, #tpu.memory_space<vmem>> -> memref<1x128x64xf32, #tpu.memory_space<vmem>>
    %dma_start3A_7 = tpu.memref_squeeze %dma_start3A_6 : memref<1x128x64xf32, #tpu.memory_space<vmem>> -> memref<128x64xf32, #tpu.memory_space<vmem>>
    %dma_start3A_8 = arith.constant 0 : i32
    %dma_start3A_9 = tpu.memref_slice %arg6[%dma_start3A, %dma_start3A_8] : memref<157x128xi32, #tpu.memory_space<vmem>> -> memref<1x128xi32, #tpu.memory_space<vmem>>
    %dma_start3A_10 = tpu.memref_squeeze %dma_start3A_9 : memref<1x128xi32, #tpu.memory_space<vmem>> -> memref<128xi32, #tpu.memory_space<vmem>>
    %dma_start3A_11 = arith.constant 0 : i32
    %dma_start3A_12 = arith.constant 0 : i32
    %dma_start3A_13 = tpu.memref_slice %arg2[%arg0, %dma_start3A_11, %dma_start3A_12] : memref<2x10016x64xf32, #tpu.memory_space<hbm>> -> memref<1x10016x64xf32, #tpu.memory_space<hbm>>
    %dma_start3A_14 = tpu.memref_squeeze %dma_start3A_13 : memref<1x10016x64xf32, #tpu.memory_space<hbm>> -> memref<10016x64xf32, #tpu.memory_space<hbm>>
    %dma_start3A_15 = arith.constant 0 : i32
    %dma_start3A_16 = arith.constant 0 : i32
    %dma_start3A_17 = tpu.memref_slice %dma_start3A_14[%dma_start3A_15, %dma_start3A_16] : memref<10016x64xf32, #tpu.memory_space<hbm>> -> memref<10016x64xf32, #tpu.memory_space<hbm>>
    %dma_start3A_18 = tpu.memref_slice %arg10[%dma_start3A_3] : memref<6x!tpu.dma_semaphore, #tpu.memory_space<semaphore_mem>> -> memref<1x!tpu.dma_semaphore, #tpu.memory_space<semaphore_mem>>
    %dma_start3A_19 = tpu.memref_squeeze %dma_start3A_18 : memref<1x!tpu.dma_semaphore, #tpu.memory_space<semaphore_mem>> -> memref<!tpu.dma_semaphore, #tpu.memory_space<semaphore_mem>>
    tpu.enqueue_indirect_dma source(%dma_start3A_17 : memref<10016x64xf32, #tpu.memory_space<hbm>>) target(%dma_start3A_7 : memref<128x64xf32, #tpu.memory_space<vmem>>) offsets(%dma_start3A_10 : memref<128xi32, #tpu.memory_space<vmem>>) semaphore(%dma_start3A_19 : memref<!tpu.dma_semaphore, #tpu.memory_space<semaphore_mem>>)
    %dma_start3A_20 = arith.constant 1 : i32
    %dma_start3A_21 = arith.constant 1 : i32
    %dma_start3A_22 = arith.constant 1 : i32
    %dma_start3A_23 = arith.constant 0 : i32
    %dma_start3A_24 = arith.constant 0 : i32
    %dma_start3A_25 = tpu.memref_slice %arg8[%dma_start3A_21, %dma_start3A_23, %dma_start3A_24] : memref<6x128x64xf32, #tpu.memory_space<vmem>> -> memref<1x128x64xf32, #tpu.memory_space<vmem>>
    %dma_start3A_26 = tpu.memref_squeeze %dma_start3A_25 : memref<1x128x64xf32, #tpu.memory_space<vmem>> -> memref<128x64xf32, #tpu.memory_space<vmem>>
    %dma_start3A_27 = arith.constant 0 : i32
    %dma_start3A_28 = tpu.memref_slice %arg6[%dma_start3A_20, %dma_start3A_27] : memref<157x128xi32, #tpu.memory_space<vmem>> -> memref<1x128xi32, #tpu.memory_space<vmem>>
    %dma_start3A_29 = tpu.memref_squeeze %dma_start3A_28 : memref<1x128xi32, #tpu.memory_space<vmem>> -> memref<128xi32, #tpu.memory_space<vmem>>
    %dma_start3A_30 = arith.constant 0 : i32
    %dma_start3A_31 = arith.constant 0 : i32
    %dma_start3A_32 = tpu.memref_slice %arg2[%arg0, %dma_start3A_30, %dma_start3A_31] : memref<2x10016x64xf32, #tpu.memory_space<hbm>> -> memref<1x10016x64xf32, #tpu.memory_space<hbm>>
    %dma_start3A_33 = tpu.memref_squeeze %dma_start3A_32 : memref<1x10016x64xf32, #tpu.memory_space<hbm>> -> memref<10016x64xf32, #tpu.memory_space<hbm>>
    %dma_start3A_34 = arith.constant 0 : i32
    %dma_start3A_35 = arith.constant 0 : i32
    %dma_start3A_36 = tpu.memref_slice %dma_start3A_33[%dma_start3A_34, %dma_start3A_35] : memref<10016x64xf32, #tpu.memory_space<hbm>> -> memref<10016x64xf32, #tpu.memory_space<hbm>>
    %dma_start3A_37 = tpu.memref_slice %arg10[%dma_start3A_22] : memref<6x!tpu.dma_semaphore, #tpu.memory_space<semaphore_mem>> -> memref<1x!tpu.dma_semaphore, #tpu.memory_space<semaphore_mem>>
    %dma_start3A_38 = tpu.memref_squeeze %dma_start3A_37 : memref<1x!tpu.dma_semaphore, #tpu.memory_space<semaphore_mem>> -> memref<!tpu.dma_semaphore, #tpu.memory_space<semaphore_mem>>
    tpu.enqueue_indirect_dma source(%dma_start3A_36 : memref<10016x64xf32, #tpu.memory_space<hbm>>) target(%dma_start3A_26 : memref<128x64xf32, #tpu.memory_space<vmem>>) offsets(%dma_start3A_29 : memref<128xi32, #tpu.memory_space<vmem>>) semaphore(%dma_start3A_38 : memref<!tpu.dma_semaphore, #tpu.memory_space<semaphore_mem>>)
    %dma_start3A_39 = arith.constant 2 : i32
    %dma_start3A_40 = arith.constant 2 : i32
    %dma_start3A_41 = arith.constant 2 : i32
    %dma_start3A_42 = arith.constant 0 : i32
    %dma_start3A_43 = arith.constant 0 : i32
    %dma_start3A_44 = tpu.memref_slice %arg8[%dma_start3A_40, %dma_start3A_42, %dma_start3A_43] : memref<6x128x64xf32, #tpu.memory_space<vmem>> -> memref<1x128x64xf32, #tpu.memory_space<vmem>>
    %dma_start3A_45 = tpu.memref_squeeze %dma_start3A_44 : memref<1x128x64xf32, #tpu.memory_space<vmem>> -> memref<128x64xf32, #tpu.memory_space<vmem>>
    %dma_start3A_46 = arith.constant 0 : i32
    %dma_start3A_47 = tpu.memref_slice %arg6[%dma_start3A_39, %dma_start3A_46] : memref<157x128xi32, #tpu.memory_space<vmem>> -> memref<1x128xi32, #tpu.memory_space<vmem>>
    %dma_start3A_48 = tpu.memref_squeeze %dma_start3A_47 : memref<1x128xi32, #tpu.memory_space<vmem>> -> memref<128xi32, #tpu.memory_space<vmem>>
    %dma_start3A_49 = arith.constant 0 : i32
    %dma_start3A_50 = arith.constant 0 : i32
    %dma_start3A_51 = tpu.memref_slice %arg2[%arg0, %dma_start3A_49, %dma_start3A_50] : memref<2x10016x64xf32, #tpu.memory_space<hbm>> -> memref<1x10016x64xf32, #tpu.memory_space<hbm>>
    %dma_start3A_52 = tpu.memref_squeeze %dma_start3A_51 : memref<1x10016x64xf32, #tpu.memory_space<hbm>> -> memref<10016x64xf32, #tpu.memory_space<hbm>>
    %dma_start3A_53 = arith.constant 0 : i32
    %dma_start3A_54 = arith.constant 0 : i32
    %dma_start3A_55 = tpu.memref_slice %dma_start3A_52[%dma_start3A_53, %dma_start3A_54] : memref<10016x64xf32, #tpu.memory_space<hbm>> -> memref<10016x64xf32, #tpu.memory_space<hbm>>
    %dma_start3A_56 = tpu.memref_slice %arg10[%dma_start3A_41] : memref<6x!tpu.dma_semaphore, #tpu.memory_space<semaphore_mem>> -> memref<1x!tpu.dma_semaphore, #tpu.memory_space<semaphore_mem>>
    %dma_start3A_57 = tpu.memref_squeeze %dma_start3A_56 : memref<1x!tpu.dma_semaphore, #tpu.memory_space<semaphore_mem>> -> memref<!tpu.dma_semaphore, #tpu.memory_space<semaphore_mem>>
    tpu.enqueue_indirect_dma source(%dma_start3A_55 : memref<10016x64xf32, #tpu.memory_space<hbm>>) target(%dma_start3A_45 : memref<128x64xf32, #tpu.memory_space<vmem>>) offsets(%dma_start3A_48 : memref<128xi32, #tpu.memory_space<vmem>>) semaphore(%dma_start3A_57 : memref<!tpu.dma_semaphore, #tpu.memory_space<semaphore_mem>>)
    %dma_start3A_58 = arith.constant 3 : i32
    %dma_start3A_59 = arith.constant 3 : i32
    %dma_start3A_60 = arith.constant 3 : i32
    %dma_start3A_61 = arith.constant 0 : i32
    %dma_start3A_62 = arith.constant 0 : i32
    %dma_start3A_63 = tpu.memref_slice %arg8[%dma_start3A_59, %dma_start3A_61, %dma_start3A_62] : memref<6x128x64xf32, #tpu.memory_space<vmem>> -> memref<1x128x64xf32, #tpu.memory_space<vmem>>
    %dma_start3A_64 = tpu.memref_squeeze %dma_start3A_63 : memref<1x128x64xf32, #tpu.memory_space<vmem>> -> memref<128x64xf32, #tpu.memory_space<vmem>>
    %dma_start3A_65 = arith.constant 0 : i32
    %dma_start3A_66 = tpu.memref_slice %arg6[%dma_start3A_58, %dma_start3A_65] : memref<157x128xi32, #tpu.memory_space<vmem>> -> memref<1x128xi32, #tpu.memory_space<vmem>>
    %dma_start3A_67 = tpu.memref_squeeze %dma_start3A_66 : memref<1x128xi32, #tpu.memory_space<vmem>> -> memref<128xi32, #tpu.memory_space<vmem>>
    %dma_start3A_68 = arith.constant 0 : i32
    %dma_start3A_69 = arith.constant 0 : i32
    %dma_start3A_70 = tpu.memref_slice %arg2[%arg0, %dma_start3A_68, %dma_start3A_69] : memref<2x10016x64xf32, #tpu.memory_space<hbm>> -> memref<1x10016x64xf32, #tpu.memory_space<hbm>>
    %dma_start3A_71 = tpu.memref_squeeze %dma_start3A_70 : memref<1x10016x64xf32, #tpu.memory_space<hbm>> -> memref<10016x64xf32, #tpu.memory_space<hbm>>
    %dma_start3A_72 = arith.constant 0 : i32
    %dma_start3A_73 = arith.constant 0 : i32
    %dma_start3A_74 = tpu.memref_slice %dma_start3A_71[%dma_start3A_72, %dma_start3A_73] : memref<10016x64xf32, #tpu.memory_space<hbm>> -> memref<10016x64xf32, #tpu.memory_space<hbm>>
    %dma_start3A_75 = tpu.memref_slice %arg10[%dma_start3A_60] : memref<6x!tpu.dma_semaphore, #tpu.memory_space<semaphore_mem>> -> memref<1x!tpu.dma_semaphore, #tpu.memory_space<semaphore_mem>>
    %dma_start3A_76 = tpu.memref_squeeze %dma_start3A_75 : memref<1x!tpu.dma_semaphore, #tpu.memory_space<semaphore_mem>> -> memref<!tpu.dma_semaphore, #tpu.memory_space<semaphore_mem>>
    tpu.enqueue_indirect_dma source(%dma_start3A_74 : memref<10016x64xf32, #tpu.memory_space<hbm>>) target(%dma_start3A_64 : memref<128x64xf32, #tpu.memory_space<vmem>>) offsets(%dma_start3A_67 : memref<128xi32, #tpu.memory_space<vmem>>) semaphore(%dma_start3A_76 : memref<!tpu.dma_semaphore, #tpu.memory_space<semaphore_mem>>)
    %dma_start3A_77 = arith.constant 4 : i32
    %dma_start3A_78 = arith.constant 4 : i32
    %dma_start3A_79 = arith.constant 4 : i32
    %dma_start3A_80 = arith.constant 0 : i32
    %dma_start3A_81 = arith.constant 0 : i32
    %dma_start3A_82 = tpu.memref_slice %arg8[%dma_start3A_78, %dma_start3A_80, %dma_start3A_81] : memref<6x128x64xf32, #tpu.memory_space<vmem>> -> memref<1x128x64xf32, #tpu.memory_space<vmem>>
    %dma_start3A_83 = tpu.memref_squeeze %dma_start3A_82 : memref<1x128x64xf32, #tpu.memory_space<vmem>> -> memref<128x64xf32, #tpu.memory_space<vmem>>
    %dma_start3A_84 = arith.constant 0 : i32
    %dma_start3A_85 = tpu.memref_slice %arg6[%dma_start3A_77, %dma_start3A_84] : memref<157x128xi32, #tpu.memory_space<vmem>> -> memref<1x128xi32, #tpu.memory_space<vmem>>
    %dma_start3A_86 = tpu.memref_squeeze %dma_start3A_85 : memref<1x128xi32, #tpu.memory_space<vmem>> -> memref<128xi32, #tpu.memory_space<vmem>>
    %dma_start3A_87 = arith.constant 0 : i32
    %dma_start3A_88 = arith.constant 0 : i32
    %dma_start3A_89 = tpu.memref_slice %arg2[%arg0, %dma_start3A_87, %dma_start3A_88] : memref<2x10016x64xf32, #tpu.memory_space<hbm>> -> memref<1x10016x64xf32, #tpu.memory_space<hbm>>
    %dma_start3A_90 = tpu.memref_squeeze %dma_start3A_89 : memref<1x10016x64xf32, #tpu.memory_space<hbm>> -> memref<10016x64xf32, #tpu.memory_space<hbm>>
    %dma_start3A_91 = arith.constant 0 : i32
    %dma_start3A_92 = arith.constant 0 : i32
    %dma_start3A_93 = tpu.memref_slice %dma_start3A_90[%dma_start3A_91, %dma_start3A_92] : memref<10016x64xf32, #tpu.memory_space<hbm>> -> memref<10016x64xf32, #tpu.memory_space<hbm>>
    %dma_start3A_94 = tpu.memref_slice %arg10[%dma_start3A_79] : memref<6x!tpu.dma_semaphore, #tpu.memory_space<semaphore_mem>> -> memref<1x!tpu.dma_semaphore, #tpu.memory_space<semaphore_mem>>
    %dma_start3A_95 = tpu.memref_squeeze %dma_start3A_94 : memref<1x!tpu.dma_semaphore, #tpu.memory_space<semaphore_mem>> -> memref<!tpu.dma_semaphore, #tpu.memory_space<semaphore_mem>>
    tpu.enqueue_indirect_dma source(%dma_start3A_93 : memref<10016x64xf32, #tpu.memory_space<hbm>>) target(%dma_start3A_83 : memref<128x64xf32, #tpu.memory_space<vmem>>) offsets(%dma_start3A_86 : memref<128xi32, #tpu.memory_space<vmem>>) semaphore(%dma_start3A_95 : memref<!tpu.dma_semaphore, #tpu.memory_space<semaphore_mem>>)
    %scan3A = arith.constant 0 : i32
    %scan3A_96 = arith.constant 0 : i32
    %scan3A_97 = arith.constant 157 : i32
    %scan3A_98 = arith.addi %scan3A_96, %scan3A_97 : i32
    %scan3A_99 = arith.constant 1 : i32
    scf.for %scan3A_196 = %scan3A_96 to %scan3A_98 step %scan3A_99  : i32 {
      %rem3A = arith.constant 6 : i32
      %rem3A_197 = arith.remsi %scan3A_196, %rem3A : i32
      %dma_wait3A_198 = arith.constant 0 : i32
      %dma_wait3A_199 = arith.constant 0 : i32
      %dma_wait3A_200 = tpu.memref_slice %arg8[%rem3A_197, %dma_wait3A_198, %dma_wait3A_199] : memref<6x128x64xf32, #tpu.memory_space<vmem>> -> memref<1x128x64xf32, #tpu.memory_space<vmem>>
      %dma_wait3A_201 = tpu.memref_squeeze %dma_wait3A_200 : memref<1x128x64xf32, #tpu.memory_space<vmem>> -> memref<128x64xf32, #tpu.memory_space<vmem>>
      %dma_wait3A_202 = arith.constant 0 : i32
      %dma_wait3A_203 = tpu.memref_slice %arg6[%scan3A_196, %dma_wait3A_202] : memref<157x128xi32, #tpu.memory_space<vmem>> -> memref<1x128xi32, #tpu.memory_space<vmem>>
      %dma_wait3A_204 = tpu.memref_squeeze %dma_wait3A_203 : memref<1x128xi32, #tpu.memory_space<vmem>> -> memref<128xi32, #tpu.memory_space<vmem>>
      %dma_wait3A_205 = arith.constant 0 : i32
      %dma_wait3A_206 = arith.constant 0 : i32
      %dma_wait3A_207 = tpu.memref_slice %arg2[%arg0, %dma_wait3A_205, %dma_wait3A_206] : memref<2x10016x64xf32, #tpu.memory_space<hbm>> -> memref<1x10016x64xf32, #tpu.memory_space<hbm>>
      %dma_wait3A_208 = tpu.memref_squeeze %dma_wait3A_207 : memref<1x10016x64xf32, #tpu.memory_space<hbm>> -> memref<10016x64xf32, #tpu.memory_space<hbm>>
      %dma_wait3A_209 = arith.constant 0 : i32
      %dma_wait3A_210 = arith.constant 0 : i32
      %dma_wait3A_211 = tpu.memref_slice %dma_wait3A_208[%dma_wait3A_209, %dma_wait3A_210] : memref<10016x64xf32, #tpu.memory_space<hbm>> -> memref<10016x64xf32, #tpu.memory_space<hbm>>
      %dma_wait3A_212 = tpu.memref_slice %arg10[%rem3A_197] : memref<6x!tpu.dma_semaphore, #tpu.memory_space<semaphore_mem>> -> memref<1x!tpu.dma_semaphore, #tpu.memory_space<semaphore_mem>>
      %dma_wait3A_213 = tpu.memref_squeeze %dma_wait3A_212 : memref<1x!tpu.dma_semaphore, #tpu.memory_space<semaphore_mem>> -> memref<!tpu.dma_semaphore, #tpu.memory_space<semaphore_mem>>
      tpu.wait_indirect_dma semaphore(%dma_wait3A_213 : memref<!tpu.dma_semaphore, #tpu.memory_space<semaphore_mem>>) src(%dma_wait3A_211 : memref<10016x64xf32, #tpu.memory_space<hbm>>) dst(%dma_wait3A_201 : memref<128x64xf32, #tpu.memory_space<vmem>>)
      %dma_start3A_214 = arith.constant 0 : i32
      %dma_start3A_215 = arith.constant 0 : i32
      %dma_start3A_216 = tpu.memref_slice %arg8[%rem3A_197, %dma_start3A_214, %dma_start3A_215] : memref<6x128x64xf32, #tpu.memory_space<vmem>> -> memref<1x128x64xf32, #tpu.memory_space<vmem>>
      %dma_start3A_217 = tpu.memref_squeeze %dma_start3A_216 : memref<1x128x64xf32, #tpu.memory_space<vmem>> -> memref<128x64xf32, #tpu.memory_space<vmem>>
      %dma_start3A_218 = arith.constant 0 : i32
      %dma_start3A_219 = tpu.memref_slice %arg7[%scan3A_196, %dma_start3A_218] : memref<157x128xi32, #tpu.memory_space<vmem>> -> memref<1x128xi32, #tpu.memory_space<vmem>>
      %dma_start3A_220 = tpu.memref_squeeze %dma_start3A_219 : memref<1x128xi32, #tpu.memory_space<vmem>> -> memref<128xi32, #tpu.memory_space<vmem>>
      %dma_start3A_221 = arith.constant 0 : i32
      %dma_start3A_222 = arith.constant 0 : i32
      %dma_start3A_223 = tpu.memref_slice %arg9[%dma_start3A_221, %dma_start3A_222] : memref<10016x64xf32, #tpu.memory_space<vmem_shared>> -> memref<10016x64xf32, #tpu.memory_space<vmem_shared>>
      %dma_start3A_224 = tpu.memref_slice %arg11[%rem3A_197] : memref<6x!tpu.dma_semaphore, #tpu.memory_space<semaphore_mem>> -> memref<1x!tpu.dma_semaphore, #tpu.memory_space<semaphore_mem>>
      %dma_start3A_225 = tpu.memref_squeeze %dma_start3A_224 : memref<1x!tpu.dma_semaphore, #tpu.memory_space<semaphore_mem>> -> memref<!tpu.dma_semaphore, #tpu.memory_space<semaphore_mem>>
      tpu.enqueue_indirect_dma source(%dma_start3A_217 : memref<128x64xf32, #tpu.memory_space<vmem>>) target(%dma_start3A_223 : memref<10016x64xf32, #tpu.memory_space<vmem_shared>>) offsets(%dma_start3A_220 : memref<128xi32, #tpu.memory_space<vmem>>) semaphore(%dma_start3A_225 : memref<!tpu.dma_semaphore, #tpu.memory_space<semaphore_mem>>) {add = true}
      %add3A = arith.constant 5 : i32
      %add3A_226 = arith.addi %scan3A_196, %add3A : i32
      %rem3A_227 = arith.constant 6 : i32
      %rem3A_228 = arith.remsi %add3A_226, %rem3A_227 : i32
      %lt3A = arith.constant 157 : i32
      %lt3A_229 = arith.cmpi slt, %add3A_226, %lt3A : i32
      %convert_element_type3A_230 = arith.extui %lt3A_229 : i1 to i32
      %cond3A_231 = arith.constant 0 : i32
      %cond3A_232 = arith.cmpi ne, %convert_element_type3A_230, %cond3A_231 : i32
      scf.if %cond3A_232 {
        %ge3A = arith.constant 6 : i32
        %ge3A_233 = arith.cmpi sge, %add3A_226, %ge3A : i32
        %convert_element_type3A_234 = arith.extui %ge3A_233 : i1 to i32
        %cond3A_235 = arith.constant 0 : i32
        %cond3A_236 = arith.cmpi ne, %convert_element_type3A_234, %cond3A_235 : i32
        scf.if %cond3A_236 {
          %sub3A = arith.constant 6 : i32
          %sub3A_253 = arith.subi %add3A_226, %sub3A : i32
          %dma_wait3A_254 = arith.constant 0 : i32
          %dma_wait3A_255 = arith.constant 0 : i32
          %dma_wait3A_256 = tpu.memref_slice %arg8[%rem3A_228, %dma_wait3A_254, %dma_wait3A_255] : memref<6x128x64xf32, #tpu.memory_space<vmem>> -> memref<1x128x64xf32, #tpu.memory_space<vmem>>
          %dma_wait3A_257 = tpu.memref_squeeze %dma_wait3A_256 : memref<1x128x64xf32, #tpu.memory_space<vmem>> -> memref<128x64xf32, #tpu.memory_space<vmem>>
          %dma_wait3A_258 = arith.constant 0 : i32
          %dma_wait3A_259 = tpu.memref_slice %arg7[%sub3A_253, %dma_wait3A_258] : memref<157x128xi32, #tpu.memory_space<vmem>> -> memref<1x128xi32, #tpu.memory_space<vmem>>
          %dma_wait3A_260 = tpu.memref_squeeze %dma_wait3A_259 : memref<1x128xi32, #tpu.memory_space<vmem>> -> memref<128xi32, #tpu.memory_space<vmem>>
          %dma_wait3A_261 = arith.constant 0 : i32
          %dma_wait3A_262 = arith.constant 0 : i32
          %dma_wait3A_263 = tpu.memref_slice %arg9[%dma_wait3A_261, %dma_wait3A_262] : memref<10016x64xf32, #tpu.memory_space<vmem_shared>> -> memref<10016x64xf32, #tpu.memory_space<vmem_shared>>
          %dma_wait3A_264 = tpu.memref_slice %arg11[%rem3A_228] : memref<6x!tpu.dma_semaphore, #tpu.memory_space<semaphore_mem>> -> memref<1x!tpu.dma_semaphore, #tpu.memory_space<semaphore_mem>>
          %dma_wait3A_265 = tpu.memref_squeeze %dma_wait3A_264 : memref<1x!tpu.dma_semaphore, #tpu.memory_space<semaphore_mem>> -> memref<!tpu.dma_semaphore, #tpu.memory_space<semaphore_mem>>
          tpu.wait_indirect_dma semaphore(%dma_wait3A_265 : memref<!tpu.dma_semaphore, #tpu.memory_space<semaphore_mem>>) src(%dma_wait3A_257 : memref<128x64xf32, #tpu.memory_space<vmem>>) dst(%dma_wait3A_263 : memref<10016x64xf32, #tpu.memory_space<vmem_shared>>)
        } else {
        }
        %dma_start3A_237 = arith.constant 0 : i32
        %dma_start3A_238 = arith.constant 0 : i32
        %dma_start3A_239 = tpu.memref_slice %arg8[%rem3A_228, %dma_start3A_237, %dma_start3A_238] : memref<6x128x64xf32, #tpu.memory_space<vmem>> -> memref<1x128x64xf32, #tpu.memory_space<vmem>>
        %dma_start3A_240 = tpu.memref_squeeze %dma_start3A_239 : memref<1x128x64xf32, #tpu.memory_space<vmem>> -> memref<128x64xf32, #tpu.memory_space<vmem>>
        %dma_start3A_241 = arith.constant 0 : i32
        %dma_start3A_242 = tpu.memref_slice %arg6[%add3A_226, %dma_start3A_241] : memref<157x128xi32, #tpu.memory_space<vmem>> -> memref<1x128xi32, #tpu.memory_space<vmem>>
        %dma_start3A_243 = tpu.memref_squeeze %dma_start3A_242 : memref<1x128xi32, #tpu.memory_space<vmem>> -> memref<128xi32, #tpu.memory_space<vmem>>
        %dma_start3A_244 = arith.constant 0 : i32
        %dma_start3A_245 = arith.constant 0 : i32
        %dma_start3A_246 = tpu.memref_slice %arg2[%arg0, %dma_start3A_244, %dma_start3A_245] : memref<2x10016x64xf32, #tpu.memory_space<hbm>> -> memref<1x10016x64xf32, #tpu.memory_space<hbm>>
        %dma_start3A_247 = tpu.memref_squeeze %dma_start3A_246 : memref<1x10016x64xf32, #tpu.memory_space<hbm>> -> memref<10016x64xf32, #tpu.memory_space<hbm>>
        %dma_start3A_248 = arith.constant 0 : i32
        %dma_start3A_249 = arith.constant 0 : i32
        %dma_start3A_250 = tpu.memref_slice %dma_start3A_247[%dma_start3A_248, %dma_start3A_249] : memref<10016x64xf32, #tpu.memory_space<hbm>> -> memref<10016x64xf32, #tpu.memory_space<hbm>>
        %dma_start3A_251 = tpu.memref_slice %arg10[%rem3A_228] : memref<6x!tpu.dma_semaphore, #tpu.memory_space<semaphore_mem>> -> memref<1x!tpu.dma_semaphore, #tpu.memory_space<semaphore_mem>>
        %dma_start3A_252 = tpu.memref_squeeze %dma_start3A_251 : memref<1x!tpu.dma_semaphore, #tpu.memory_space<semaphore_mem>> -> memref<!tpu.dma_semaphore, #tpu.memory_space<semaphore_mem>>
        tpu.enqueue_indirect_dma source(%dma_start3A_250 : memref<10016x64xf32, #tpu.memory_space<hbm>>) target(%dma_start3A_240 : memref<128x64xf32, #tpu.memory_space<vmem>>) offsets(%dma_start3A_243 : memref<128xi32, #tpu.memory_space<vmem>>) semaphore(%dma_start3A_252 : memref<!tpu.dma_semaphore, #tpu.memory_space<semaphore_mem>>)
      } else {
      }
    }
    %scan3A_100 = arith.constant 157 : i32
    %dma_wait3A = arith.constant 1 : i32
    %dma_wait3A_101 = arith.constant 151 : i32
    %dma_wait3A_102 = arith.constant 1 : i32
    %dma_wait3A_103 = arith.constant 0 : i32
    %dma_wait3A_104 = arith.constant 0 : i32
    %dma_wait3A_105 = tpu.memref_slice %arg8[%dma_wait3A, %dma_wait3A_103, %dma_wait3A_104] : memref<6x128x64xf32, #tpu.memory_space<vmem>> -> memref<1x128x64xf32, #tpu.memory_space<vmem>>
    %dma_wait3A_106 = tpu.memref_squeeze %dma_wait3A_105 : memref<1x128x64xf32, #tpu.memory_space<vmem>> -> memref<128x64xf32, #tpu.memory_space<vmem>>
    %dma_wait3A_107 = arith.constant 0 : i32
    %dma_wait3A_108 = tpu.memref_slice %arg7[%dma_wait3A_101, %dma_wait3A_107] : memref<157x128xi32, #tpu.memory_space<vmem>> -> memref<1x128xi32, #tpu.memory_space<vmem>>
    %dma_wait3A_109 = tpu.memref_squeeze %dma_wait3A_108 : memref<1x128xi32, #tpu.memory_space<vmem>> -> memref<128xi32, #tpu.memory_space<vmem>>
    %dma_wait3A_110 = arith.constant 0 : i32
    %dma_wait3A_111 = arith.constant 0 : i32
    %dma_wait3A_112 = tpu.memref_slice %arg9[%dma_wait3A_110, %dma_wait3A_111] : memref<10016x64xf32, #tpu.memory_space<vmem_shared>> -> memref<10016x64xf32, #tpu.memory_space<vmem_shared>>
    %dma_wait3A_113 = tpu.memref_slice %arg11[%dma_wait3A_102] : memref<6x!tpu.dma_semaphore, #tpu.memory_space<semaphore_mem>> -> memref<1x!tpu.dma_semaphore, #tpu.memory_space<semaphore_mem>>
    %dma_wait3A_114 = tpu.memref_squeeze %dma_wait3A_113 : memref<1x!tpu.dma_semaphore, #tpu.memory_space<semaphore_mem>> -> memref<!tpu.dma_semaphore, #tpu.memory_space<semaphore_mem>>
    tpu.wait_indirect_dma semaphore(%dma_wait3A_114 : memref<!tpu.dma_semaphore, #tpu.memory_space<semaphore_mem>>) src(%dma_wait3A_106 : memref<128x64xf32, #tpu.memory_space<vmem>>) dst(%dma_wait3A_112 : memref<10016x64xf32, #tpu.memory_space<vmem_shared>>)
    %dma_wait3A_115 = arith.constant 2 : i32
    %dma_wait3A_116 = arith.constant 152 : i32
    %dma_wait3A_117 = arith.constant 2 : i32
    %dma_wait3A_118 = arith.constant 0 : i32
    %dma_wait3A_119 = arith.constant 0 : i32
    %dma_wait3A_120 = tpu.memref_slice %arg8[%dma_wait3A_115, %dma_wait3A_118, %dma_wait3A_119] : memref<6x128x64xf32, #tpu.memory_space<vmem>> -> memref<1x128x64xf32, #tpu.memory_space<vmem>>
    %dma_wait3A_121 = tpu.memref_squeeze %dma_wait3A_120 : memref<1x128x64xf32, #tpu.memory_space<vmem>> -> memref<128x64xf32, #tpu.memory_space<vmem>>
    %dma_wait3A_122 = arith.constant 0 : i32
    %dma_wait3A_123 = tpu.memref_slice %arg7[%dma_wait3A_116, %dma_wait3A_122] : memref<157x128xi32, #tpu.memory_space<vmem>> -> memref<1x128xi32, #tpu.memory_space<vmem>>
    %dma_wait3A_124 = tpu.memref_squeeze %dma_wait3A_123 : memref<1x128xi32, #tpu.memory_space<vmem>> -> memref<128xi32, #tpu.memory_space<vmem>>
    %dma_wait3A_125 = arith.constant 0 : i32
    %dma_wait3A_126 = arith.constant 0 : i32
    %dma_wait3A_127 = tpu.memref_slice %arg9[%dma_wait3A_125, %dma_wait3A_126] : memref<10016x64xf32, #tpu.memory_space<vmem_shared>> -> memref<10016x64xf32, #tpu.memory_space<vmem_shared>>
    %dma_wait3A_128 = tpu.memref_slice %arg11[%dma_wait3A_117] : memref<6x!tpu.dma_semaphore, #tpu.memory_space<semaphore_mem>> -> memref<1x!tpu.dma_semaphore, #tpu.memory_space<semaphore_mem>>
    %dma_wait3A_129 = tpu.memref_squeeze %dma_wait3A_128 : memref<1x!tpu.dma_semaphore, #tpu.memory_space<semaphore_mem>> -> memref<!tpu.dma_semaphore, #tpu.memory_space<semaphore_mem>>
    tpu.wait_indirect_dma semaphore(%dma_wait3A_129 : memref<!tpu.dma_semaphore, #tpu.memory_space<semaphore_mem>>) src(%dma_wait3A_121 : memref<128x64xf32, #tpu.memory_space<vmem>>) dst(%dma_wait3A_127 : memref<10016x64xf32, #tpu.memory_space<vmem_shared>>)
    %dma_wait3A_130 = arith.constant 3 : i32
    %dma_wait3A_131 = arith.constant 153 : i32
    %dma_wait3A_132 = arith.constant 3 : i32
    %dma_wait3A_133 = arith.constant 0 : i32
    %dma_wait3A_134 = arith.constant 0 : i32
    %dma_wait3A_135 = tpu.memref_slice %arg8[%dma_wait3A_130, %dma_wait3A_133, %dma_wait3A_134] : memref<6x128x64xf32, #tpu.memory_space<vmem>> -> memref<1x128x64xf32, #tpu.memory_space<vmem>>
    %dma_wait3A_136 = tpu.memref_squeeze %dma_wait3A_135 : memref<1x128x64xf32, #tpu.memory_space<vmem>> -> memref<128x64xf32, #tpu.memory_space<vmem>>
    %dma_wait3A_137 = arith.constant 0 : i32
    %dma_wait3A_138 = tpu.memref_slice %arg7[%dma_wait3A_131, %dma_wait3A_137] : memref<157x128xi32, #tpu.memory_space<vmem>> -> memref<1x128xi32, #tpu.memory_space<vmem>>
    %dma_wait3A_139 = tpu.memref_squeeze %dma_wait3A_138 : memref<1x128xi32, #tpu.memory_space<vmem>> -> memref<128xi32, #tpu.memory_space<vmem>>
    %dma_wait3A_140 = arith.constant 0 : i32
    %dma_wait3A_141 = arith.constant 0 : i32
    %dma_wait3A_142 = tpu.memref_slice %arg9[%dma_wait3A_140, %dma_wait3A_141] : memref<10016x64xf32, #tpu.memory_space<vmem_shared>> -> memref<10016x64xf32, #tpu.memory_space<vmem_shared>>
    %dma_wait3A_143 = tpu.memref_slice %arg11[%dma_wait3A_132] : memref<6x!tpu.dma_semaphore, #tpu.memory_space<semaphore_mem>> -> memref<1x!tpu.dma_semaphore, #tpu.memory_space<semaphore_mem>>
    %dma_wait3A_144 = tpu.memref_squeeze %dma_wait3A_143 : memref<1x!tpu.dma_semaphore, #tpu.memory_space<semaphore_mem>> -> memref<!tpu.dma_semaphore, #tpu.memory_space<semaphore_mem>>
    tpu.wait_indirect_dma semaphore(%dma_wait3A_144 : memref<!tpu.dma_semaphore, #tpu.memory_space<semaphore_mem>>) src(%dma_wait3A_136 : memref<128x64xf32, #tpu.memory_space<vmem>>) dst(%dma_wait3A_142 : memref<10016x64xf32, #tpu.memory_space<vmem_shared>>)
    %dma_wait3A_145 = arith.constant 4 : i32
    %dma_wait3A_146 = arith.constant 154 : i32
    %dma_wait3A_147 = arith.constant 4 : i32
    %dma_wait3A_148 = arith.constant 0 : i32
    %dma_wait3A_149 = arith.constant 0 : i32
    %dma_wait3A_150 = tpu.memref_slice %arg8[%dma_wait3A_145, %dma_wait3A_148, %dma_wait3A_149] : memref<6x128x64xf32, #tpu.memory_space<vmem>> -> memref<1x128x64xf32, #tpu.memory_space<vmem>>
    %dma_wait3A_151 = tpu.memref_squeeze %dma_wait3A_150 : memref<1x128x64xf32, #tpu.memory_space<vmem>> -> memref<128x64xf32, #tpu.memory_space<vmem>>
    %dma_wait3A_152 = arith.constant 0 : i32
    %dma_wait3A_153 = tpu.memref_slice %arg7[%dma_wait3A_146, %dma_wait3A_152] : memref<157x128xi32, #tpu.memory_space<vmem>> -> memref<1x128xi32, #tpu.memory_space<vmem>>
    %dma_wait3A_154 = tpu.memref_squeeze %dma_wait3A_153 : memref<1x128xi32, #tpu.memory_space<vmem>> -> memref<128xi32, #tpu.memory_space<vmem>>
    %dma_wait3A_155 = arith.constant 0 : i32
    %dma_wait3A_156 = arith.constant 0 : i32
    %dma_wait3A_157 = tpu.memref_slice %arg9[%dma_wait3A_155, %dma_wait3A_156] : memref<10016x64xf32, #tpu.memory_space<vmem_shared>> -> memref<10016x64xf32, #tpu.memory_space<vmem_shared>>
    %dma_wait3A_158 = tpu.memref_slice %arg11[%dma_wait3A_147] : memref<6x!tpu.dma_semaphore, #tpu.memory_space<semaphore_mem>> -> memref<1x!tpu.dma_semaphore, #tpu.memory_space<semaphore_mem>>
    %dma_wait3A_159 = tpu.memref_squeeze %dma_wait3A_158 : memref<1x!tpu.dma_semaphore, #tpu.memory_space<semaphore_mem>> -> memref<!tpu.dma_semaphore, #tpu.memory_space<semaphore_mem>>
    tpu.wait_indirect_dma semaphore(%dma_wait3A_159 : memref<!tpu.dma_semaphore, #tpu.memory_space<semaphore_mem>>) src(%dma_wait3A_151 : memref<128x64xf32, #tpu.memory_space<vmem>>) dst(%dma_wait3A_157 : memref<10016x64xf32, #tpu.memory_space<vmem_shared>>)
    %dma_wait3A_160 = arith.constant 5 : i32
    %dma_wait3A_161 = arith.constant 155 : i32
    %dma_wait3A_162 = arith.constant 5 : i32
    %dma_wait3A_163 = arith.constant 0 : i32
    %dma_wait3A_164 = arith.constant 0 : i32
    %dma_wait3A_165 = tpu.memref_slice %arg8[%dma_wait3A_160, %dma_wait3A_163, %dma_wait3A_164] : memref<6x128x64xf32, #tpu.memory_space<vmem>> -> memref<1x128x64xf32, #tpu.memory_space<vmem>>
    %dma_wait3A_166 = tpu.memref_squeeze %dma_wait3A_165 : memref<1x128x64xf32, #tpu.memory_space<vmem>> -> memref<128x64xf32, #tpu.memory_space<vmem>>
    %dma_wait3A_167 = arith.constant 0 : i32
    %dma_wait3A_168 = tpu.memref_slice %arg7[%dma_wait3A_161, %dma_wait3A_167] : memref<157x128xi32, #tpu.memory_space<vmem>> -> memref<1x128xi32, #tpu.memory_space<vmem>>
    %dma_wait3A_169 = tpu.memref_squeeze %dma_wait3A_168 : memref<1x128xi32, #tpu.memory_space<vmem>> -> memref<128xi32, #tpu.memory_space<vmem>>
    %dma_wait3A_170 = arith.constant 0 : i32
    %dma_wait3A_171 = arith.constant 0 : i32
    %dma_wait3A_172 = tpu.memref_slice %arg9[%dma_wait3A_170, %dma_wait3A_171] : memref<10016x64xf32, #tpu.memory_space<vmem_shared>> -> memref<10016x64xf32, #tpu.memory_space<vmem_shared>>
    %dma_wait3A_173 = tpu.memref_slice %arg11[%dma_wait3A_162] : memref<6x!tpu.dma_semaphore, #tpu.memory_space<semaphore_mem>> -> memref<1x!tpu.dma_semaphore, #tpu.memory_space<semaphore_mem>>
    %dma_wait3A_174 = tpu.memref_squeeze %dma_wait3A_173 : memref<1x!tpu.dma_semaphore, #tpu.memory_space<semaphore_mem>> -> memref<!tpu.dma_semaphore, #tpu.memory_space<semaphore_mem>>
    tpu.wait_indirect_dma semaphore(%dma_wait3A_174 : memref<!tpu.dma_semaphore, #tpu.memory_space<semaphore_mem>>) src(%dma_wait3A_166 : memref<128x64xf32, #tpu.memory_space<vmem>>) dst(%dma_wait3A_172 : memref<10016x64xf32, #tpu.memory_space<vmem_shared>>)
    %dma_wait3A_175 = arith.constant 0 : i32
    %dma_wait3A_176 = arith.constant 156 : i32
    %dma_wait3A_177 = arith.constant 0 : i32
    %dma_wait3A_178 = arith.constant 0 : i32
    %dma_wait3A_179 = arith.constant 0 : i32
    %dma_wait3A_180 = tpu.memref_slice %arg8[%dma_wait3A_175, %dma_wait3A_178, %dma_wait3A_179] : memref<6x128x64xf32, #tpu.memory_space<vmem>> -> memref<1x128x64xf32, #tpu.memory_space<vmem>>
    %dma_wait3A_181 = tpu.memref_squeeze %dma_wait3A_180 : memref<1x128x64xf32, #tpu.memory_space<vmem>> -> memref<128x64xf32, #tpu.memory_space<vmem>>
    %dma_wait3A_182 = arith.constant 0 : i32
    %dma_wait3A_183 = tpu.memref_slice %arg7[%dma_wait3A_176, %dma_wait3A_182] : memref<157x128xi32, #tpu.memory_space<vmem>> -> memref<1x128xi32, #tpu.memory_space<vmem>>
    %dma_wait3A_184 = tpu.memref_squeeze %dma_wait3A_183 : memref<1x128xi32, #tpu.memory_space<vmem>> -> memref<128xi32, #tpu.memory_space<vmem>>
    %dma_wait3A_185 = arith.constant 0 : i32
    %dma_wait3A_186 = arith.constant 0 : i32
    %dma_wait3A_187 = tpu.memref_slice %arg9[%dma_wait3A_185, %dma_wait3A_186] : memref<10016x64xf32, #tpu.memory_space<vmem_shared>> -> memref<10016x64xf32, #tpu.memory_space<vmem_shared>>
    %dma_wait3A_188 = tpu.memref_slice %arg11[%dma_wait3A_177] : memref<6x!tpu.dma_semaphore, #tpu.memory_space<semaphore_mem>> -> memref<1x!tpu.dma_semaphore, #tpu.memory_space<semaphore_mem>>
    %dma_wait3A_189 = tpu.memref_squeeze %dma_wait3A_188 : memref<1x!tpu.dma_semaphore, #tpu.memory_space<semaphore_mem>> -> memref<!tpu.dma_semaphore, #tpu.memory_space<semaphore_mem>>
    tpu.wait_indirect_dma semaphore(%dma_wait3A_189 : memref<!tpu.dma_semaphore, #tpu.memory_space<semaphore_mem>>) src(%dma_wait3A_181 : memref<128x64xf32, #tpu.memory_space<vmem>>) dst(%dma_wait3A_187 : memref<10016x64xf32, #tpu.memory_space<vmem_shared>>)
    %barrier3A_190 = arith.constant 0 : index
    tpu.barrier barrier_id(%barrier3A_190)
    %eq3A_191 = arith.constant 0 : i32
    %eq3A_192 = arith.cmpi eq, %arg1, %eq3A_191 : i32
    %convert_element_type3A_193 = arith.extui %eq3A_192 : i1 to i32
    %cond3A_194 = arith.constant 0 : i32
    %cond3A_195 = arith.cmpi ne, %convert_element_type3A_193, %cond3A_194 : i32
    scf.if %cond3A_195 {
      "tpu.region"() ({
        %run_scoped3A = tpu.sem_alloc : memref<!tpu.dma_semaphore, #tpu.memory_space<semaphore_mem>>
        %dma_start3A_196 = arith.constant 0 : i32
        %dma_start3A_197 = arith.constant 0 : i32
        %dma_start3A_198 = tpu.memref_slice %arg5[%arg0, %dma_start3A_196, %dma_start3A_197] : memref<2x10016x64xf32, #tpu.memory_space<hbm>> -> memref<1x10016x64xf32, #tpu.memory_space<hbm>>
        %dma_start3A_199 = tpu.memref_squeeze %dma_start3A_198 : memref<1x10016x64xf32, #tpu.memory_space<hbm>> -> memref<10016x64xf32, #tpu.memory_space<hbm>>
        tpu.enqueue_dma source(%arg9 : memref<10016x64xf32, #tpu.memory_space<vmem_shared>>) target(%dma_start3A_199 : memref<10016x64xf32, #tpu.memory_space<hbm>>) target_semaphore(%run_scoped3A : memref<!tpu.dma_semaphore, #tpu.memory_space<semaphore_mem>>)
        %dma_wait3A_200 = arith.constant 0 : i32
        %dma_wait3A_201 = arith.constant 0 : i32
        %dma_wait3A_202 = tpu.memref_slice %arg5[%arg0, %dma_wait3A_200, %dma_wait3A_201] : memref<2x10016x64xf32, #tpu.memory_space<hbm>> -> memref<1x10016x64xf32, #tpu.memory_space<hbm>>
        %dma_wait3A_203 = tpu.memref_squeeze %dma_wait3A_202 : memref<1x10016x64xf32, #tpu.memory_space<hbm>> -> memref<10016x64xf32, #tpu.memory_space<hbm>>
        tpu.wait_dma2 semaphore(%run_scoped3A : memref<!tpu.dma_semaphore, #tpu.memory_space<semaphore_mem>>) src(%arg9 : memref<10016x64xf32, #tpu.memory_space<vmem_shared>>) dst(%dma_wait3A_203 : memref<10016x64xf32, #tpu.memory_space<hbm>>)
        tpu.yield
      }) : () -> ()
    } else {
    }
    return
  }
}

#map = affine_map<(d0, d1) -> (0, 0)>
#map1 = affine_map<(d0, d1) -> (0, 0, 0, 0)>
#map2 = affine_map<(d0, d1) -> (0, 0, 0)>
module attributes {stable_mosaic.version = 14 : i64} {
  func.func @prop(%arg0: i32, %arg1: i32, %arg2: memref<10016x16xf32, #tpu.memory_space<hbm>>, %arg3: memref<2x16x79x128xi32, #tpu.memory_space<hbm>>, %arg4: memref<2x16x79x128xi32, #tpu.memory_space<hbm>>, %arg5: memref<10016x16xf32, #tpu.memory_space<hbm>>, %arg6: memref<2x10016x16xf32, #tpu.memory_space<hbm>>, %arg7: memref<79x128xi32, #tpu.memory_space<vmem>>, %arg8: memref<79x128xi32, #tpu.memory_space<vmem>>, %arg9: memref<6x128x16xf32, #tpu.memory_space<vmem>>, %arg10: memref<10016x16xf32, #tpu.memory_space<vmem_shared>>, %arg11: memref<6x!tpu.dma_semaphore, #tpu.memory_space<semaphore_mem>>, %arg12: memref<6x!tpu.dma_semaphore, #tpu.memory_space<semaphore_mem>>) attributes {dimension_semantics = [#tpu.dimension_semantics<core_parallel>, #tpu.dimension_semantics<subcore_parallel>], iteration_bounds = array<i64: 2, 16>, scalar_prefetch = 0 : i64, scratch_operands = 6 : i64, tpu.core_type = #tpu.core_type<sc_vector_subcore>, window_params = [{transform_indices = #map}, {transform_indices = #map1}, {transform_indices = #map1}, {transform_indices = #map}, {transform_indices = #map2}]} {
    "tpu.region"() ({
      %run_scoped3A = tpu.sem_alloc : memref<!tpu.dma_semaphore, #tpu.memory_space<semaphore_mem>>
      %dma_start3A_176 = arith.constant 0 : i32
      %dma_start3A_177 = arith.constant 0 : i32
      %dma_start3A_178 = arith.constant 0 : i32
      %dma_start3A_179 = tpu.memref_slice %arg3[%arg0, %dma_start3A_176, %dma_start3A_177, %dma_start3A_178] : memref<2x16x79x128xi32, #tpu.memory_space<hbm>> -> memref<1x16x79x128xi32, #tpu.memory_space<hbm>>
      %dma_start3A_180 = tpu.memref_squeeze %dma_start3A_179 : memref<1x16x79x128xi32, #tpu.memory_space<hbm>> -> memref<16x79x128xi32, #tpu.memory_space<hbm>>
      %dma_start3A_181 = arith.constant 0 : i32
      %dma_start3A_182 = arith.constant 0 : i32
      %dma_start3A_183 = tpu.memref_slice %dma_start3A_180[%arg1, %dma_start3A_181, %dma_start3A_182] : memref<16x79x128xi32, #tpu.memory_space<hbm>> -> memref<1x79x128xi32, #tpu.memory_space<hbm>>
      %dma_start3A_184 = tpu.memref_squeeze %dma_start3A_183 : memref<1x79x128xi32, #tpu.memory_space<hbm>> -> memref<79x128xi32, #tpu.memory_space<hbm>>
      %dma_start3A_185 = arith.constant 0 : i32
      %dma_start3A_186 = arith.constant 0 : i32
      %dma_start3A_187 = arith.constant 0 : i32
      %dma_start3A_188 = tpu.memref_slice %arg3[%arg0, %dma_start3A_185, %dma_start3A_186, %dma_start3A_187] : memref<2x16x79x128xi32, #tpu.memory_space<hbm>> -> memref<1x16x79x128xi32, #tpu.memory_space<hbm>>
      %dma_start3A_189 = tpu.memref_squeeze %dma_start3A_188 : memref<1x16x79x128xi32, #tpu.memory_space<hbm>> -> memref<16x79x128xi32, #tpu.memory_space<hbm>>
      %dma_start3A_190 = arith.constant 0 : i32
      %dma_start3A_191 = arith.constant 0 : i32
      %dma_start3A_192 = tpu.memref_slice %dma_start3A_189[%arg1, %dma_start3A_190, %dma_start3A_191] : memref<16x79x128xi32, #tpu.memory_space<hbm>> -> memref<1x79x128xi32, #tpu.memory_space<hbm>>
      %dma_start3A_193 = tpu.memref_squeeze %dma_start3A_192 : memref<1x79x128xi32, #tpu.memory_space<hbm>> -> memref<79x128xi32, #tpu.memory_space<hbm>>
      tpu.enqueue_dma source(%dma_start3A_193 : memref<79x128xi32, #tpu.memory_space<hbm>>) target(%arg7 : memref<79x128xi32, #tpu.memory_space<vmem>>) target_semaphore(%run_scoped3A : memref<!tpu.dma_semaphore, #tpu.memory_space<semaphore_mem>>)
      %dma_wait3A_194 = arith.constant 0 : i32
      %dma_wait3A_195 = arith.constant 0 : i32
      %dma_wait3A_196 = arith.constant 0 : i32
      %dma_wait3A_197 = tpu.memref_slice %arg3[%arg0, %dma_wait3A_194, %dma_wait3A_195, %dma_wait3A_196] : memref<2x16x79x128xi32, #tpu.memory_space<hbm>> -> memref<1x16x79x128xi32, #tpu.memory_space<hbm>>
      %dma_wait3A_198 = tpu.memref_squeeze %dma_wait3A_197 : memref<1x16x79x128xi32, #tpu.memory_space<hbm>> -> memref<16x79x128xi32, #tpu.memory_space<hbm>>
      %dma_wait3A_199 = arith.constant 0 : i32
      %dma_wait3A_200 = arith.constant 0 : i32
      %dma_wait3A_201 = tpu.memref_slice %dma_wait3A_198[%arg1, %dma_wait3A_199, %dma_wait3A_200] : memref<16x79x128xi32, #tpu.memory_space<hbm>> -> memref<1x79x128xi32, #tpu.memory_space<hbm>>
      %dma_wait3A_202 = tpu.memref_squeeze %dma_wait3A_201 : memref<1x79x128xi32, #tpu.memory_space<hbm>> -> memref<79x128xi32, #tpu.memory_space<hbm>>
      %dma_wait3A_203 = arith.constant 0 : i32
      %dma_wait3A_204 = arith.constant 0 : i32
      %dma_wait3A_205 = arith.constant 0 : i32
      %dma_wait3A_206 = tpu.memref_slice %arg3[%arg0, %dma_wait3A_203, %dma_wait3A_204, %dma_wait3A_205] : memref<2x16x79x128xi32, #tpu.memory_space<hbm>> -> memref<1x16x79x128xi32, #tpu.memory_space<hbm>>
      %dma_wait3A_207 = tpu.memref_squeeze %dma_wait3A_206 : memref<1x16x79x128xi32, #tpu.memory_space<hbm>> -> memref<16x79x128xi32, #tpu.memory_space<hbm>>
      %dma_wait3A_208 = arith.constant 0 : i32
      %dma_wait3A_209 = arith.constant 0 : i32
      %dma_wait3A_210 = tpu.memref_slice %dma_wait3A_207[%arg1, %dma_wait3A_208, %dma_wait3A_209] : memref<16x79x128xi32, #tpu.memory_space<hbm>> -> memref<1x79x128xi32, #tpu.memory_space<hbm>>
      %dma_wait3A_211 = tpu.memref_squeeze %dma_wait3A_210 : memref<1x79x128xi32, #tpu.memory_space<hbm>> -> memref<79x128xi32, #tpu.memory_space<hbm>>
      tpu.wait_dma2 semaphore(%run_scoped3A : memref<!tpu.dma_semaphore, #tpu.memory_space<semaphore_mem>>) src(%dma_wait3A_211 : memref<79x128xi32, #tpu.memory_space<hbm>>) dst(%arg7 : memref<79x128xi32, #tpu.memory_space<vmem>>)
      tpu.yield
    }) : () -> ()
    "tpu.region"() ({
      %run_scoped3A = tpu.sem_alloc : memref<!tpu.dma_semaphore, #tpu.memory_space<semaphore_mem>>
      %dma_start3A_176 = arith.constant 0 : i32
      %dma_start3A_177 = arith.constant 0 : i32
      %dma_start3A_178 = arith.constant 0 : i32
      %dma_start3A_179 = tpu.memref_slice %arg4[%arg0, %dma_start3A_176, %dma_start3A_177, %dma_start3A_178] : memref<2x16x79x128xi32, #tpu.memory_space<hbm>> -> memref<1x16x79x128xi32, #tpu.memory_space<hbm>>
      %dma_start3A_180 = tpu.memref_squeeze %dma_start3A_179 : memref<1x16x79x128xi32, #tpu.memory_space<hbm>> -> memref<16x79x128xi32, #tpu.memory_space<hbm>>
      %dma_start3A_181 = arith.constant 0 : i32
      %dma_start3A_182 = arith.constant 0 : i32
      %dma_start3A_183 = tpu.memref_slice %dma_start3A_180[%arg1, %dma_start3A_181, %dma_start3A_182] : memref<16x79x128xi32, #tpu.memory_space<hbm>> -> memref<1x79x128xi32, #tpu.memory_space<hbm>>
      %dma_start3A_184 = tpu.memref_squeeze %dma_start3A_183 : memref<1x79x128xi32, #tpu.memory_space<hbm>> -> memref<79x128xi32, #tpu.memory_space<hbm>>
      %dma_start3A_185 = arith.constant 0 : i32
      %dma_start3A_186 = arith.constant 0 : i32
      %dma_start3A_187 = arith.constant 0 : i32
      %dma_start3A_188 = tpu.memref_slice %arg4[%arg0, %dma_start3A_185, %dma_start3A_186, %dma_start3A_187] : memref<2x16x79x128xi32, #tpu.memory_space<hbm>> -> memref<1x16x79x128xi32, #tpu.memory_space<hbm>>
      %dma_start3A_189 = tpu.memref_squeeze %dma_start3A_188 : memref<1x16x79x128xi32, #tpu.memory_space<hbm>> -> memref<16x79x128xi32, #tpu.memory_space<hbm>>
      %dma_start3A_190 = arith.constant 0 : i32
      %dma_start3A_191 = arith.constant 0 : i32
      %dma_start3A_192 = tpu.memref_slice %dma_start3A_189[%arg1, %dma_start3A_190, %dma_start3A_191] : memref<16x79x128xi32, #tpu.memory_space<hbm>> -> memref<1x79x128xi32, #tpu.memory_space<hbm>>
      %dma_start3A_193 = tpu.memref_squeeze %dma_start3A_192 : memref<1x79x128xi32, #tpu.memory_space<hbm>> -> memref<79x128xi32, #tpu.memory_space<hbm>>
      tpu.enqueue_dma source(%dma_start3A_193 : memref<79x128xi32, #tpu.memory_space<hbm>>) target(%arg8 : memref<79x128xi32, #tpu.memory_space<vmem>>) target_semaphore(%run_scoped3A : memref<!tpu.dma_semaphore, #tpu.memory_space<semaphore_mem>>)
      %dma_wait3A_194 = arith.constant 0 : i32
      %dma_wait3A_195 = arith.constant 0 : i32
      %dma_wait3A_196 = arith.constant 0 : i32
      %dma_wait3A_197 = tpu.memref_slice %arg4[%arg0, %dma_wait3A_194, %dma_wait3A_195, %dma_wait3A_196] : memref<2x16x79x128xi32, #tpu.memory_space<hbm>> -> memref<1x16x79x128xi32, #tpu.memory_space<hbm>>
      %dma_wait3A_198 = tpu.memref_squeeze %dma_wait3A_197 : memref<1x16x79x128xi32, #tpu.memory_space<hbm>> -> memref<16x79x128xi32, #tpu.memory_space<hbm>>
      %dma_wait3A_199 = arith.constant 0 : i32
      %dma_wait3A_200 = arith.constant 0 : i32
      %dma_wait3A_201 = tpu.memref_slice %dma_wait3A_198[%arg1, %dma_wait3A_199, %dma_wait3A_200] : memref<16x79x128xi32, #tpu.memory_space<hbm>> -> memref<1x79x128xi32, #tpu.memory_space<hbm>>
      %dma_wait3A_202 = tpu.memref_squeeze %dma_wait3A_201 : memref<1x79x128xi32, #tpu.memory_space<hbm>> -> memref<79x128xi32, #tpu.memory_space<hbm>>
      %dma_wait3A_203 = arith.constant 0 : i32
      %dma_wait3A_204 = arith.constant 0 : i32
      %dma_wait3A_205 = arith.constant 0 : i32
      %dma_wait3A_206 = tpu.memref_slice %arg4[%arg0, %dma_wait3A_203, %dma_wait3A_204, %dma_wait3A_205] : memref<2x16x79x128xi32, #tpu.memory_space<hbm>> -> memref<1x16x79x128xi32, #tpu.memory_space<hbm>>
      %dma_wait3A_207 = tpu.memref_squeeze %dma_wait3A_206 : memref<1x16x79x128xi32, #tpu.memory_space<hbm>> -> memref<16x79x128xi32, #tpu.memory_space<hbm>>
      %dma_wait3A_208 = arith.constant 0 : i32
      %dma_wait3A_209 = arith.constant 0 : i32
      %dma_wait3A_210 = tpu.memref_slice %dma_wait3A_207[%arg1, %dma_wait3A_208, %dma_wait3A_209] : memref<16x79x128xi32, #tpu.memory_space<hbm>> -> memref<1x79x128xi32, #tpu.memory_space<hbm>>
      %dma_wait3A_211 = tpu.memref_squeeze %dma_wait3A_210 : memref<1x79x128xi32, #tpu.memory_space<hbm>> -> memref<79x128xi32, #tpu.memory_space<hbm>>
      tpu.wait_dma2 semaphore(%run_scoped3A : memref<!tpu.dma_semaphore, #tpu.memory_space<semaphore_mem>>) src(%dma_wait3A_211 : memref<79x128xi32, #tpu.memory_space<hbm>>) dst(%arg8 : memref<79x128xi32, #tpu.memory_space<vmem>>)
      tpu.yield
    }) : () -> ()
    %eq3A = arith.constant 0 : i32
    %eq3A_0 = arith.cmpi eq, %arg1, %eq3A : i32
    %convert_element_type3A = arith.extui %eq3A_0 : i1 to i32
    %cond3A = arith.constant 0 : i32
    %cond3A_1 = arith.cmpi ne, %convert_element_type3A, %cond3A : i32
    scf.if %cond3A_1 {
      %eq3A_176 = arith.constant 0 : i32
      %eq3A_177 = arith.cmpi eq, %arg0, %eq3A_176 : i32
      %convert_element_type3A_178 = arith.extui %eq3A_177 : i1 to i32
      %cond3A_179 = arith.constant 0 : i32
      %cond3A_180 = arith.cmpi ne, %convert_element_type3A_178, %cond3A_179 : i32
      scf.if %cond3A_180 {
        "tpu.region"() ({
          %run_scoped3A = tpu.sem_alloc : memref<!tpu.dma_semaphore, #tpu.memory_space<semaphore_mem>>
          tpu.enqueue_dma source(%arg2 : memref<10016x16xf32, #tpu.memory_space<hbm>>) target(%arg10 : memref<10016x16xf32, #tpu.memory_space<vmem_shared>>) target_semaphore(%run_scoped3A : memref<!tpu.dma_semaphore, #tpu.memory_space<semaphore_mem>>)
          tpu.wait_dma2 semaphore(%run_scoped3A : memref<!tpu.dma_semaphore, #tpu.memory_space<semaphore_mem>>) src(%arg2 : memref<10016x16xf32, #tpu.memory_space<hbm>>) dst(%arg10 : memref<10016x16xf32, #tpu.memory_space<vmem_shared>>)
          tpu.yield
        }) : () -> ()
      } else {
      }
      %ne3A = arith.constant 0 : i32
      %ne3A_181 = arith.cmpi ne, %arg0, %ne3A : i32
      %convert_element_type3A_182 = arith.extui %ne3A_181 : i1 to i32
      %cond3A_183 = arith.constant 0 : i32
      %cond3A_184 = arith.cmpi ne, %convert_element_type3A_182, %cond3A_183 : i32
      scf.if %cond3A_184 {
        "tpu.region"() ({
          %run_scoped3A = tpu.sem_alloc : memref<!tpu.dma_semaphore, #tpu.memory_space<semaphore_mem>>
          tpu.enqueue_dma source(%arg5 : memref<10016x16xf32, #tpu.memory_space<hbm>>) target(%arg10 : memref<10016x16xf32, #tpu.memory_space<vmem_shared>>) target_semaphore(%run_scoped3A : memref<!tpu.dma_semaphore, #tpu.memory_space<semaphore_mem>>)
          tpu.wait_dma2 semaphore(%run_scoped3A : memref<!tpu.dma_semaphore, #tpu.memory_space<semaphore_mem>>) src(%arg5 : memref<10016x16xf32, #tpu.memory_space<hbm>>) dst(%arg10 : memref<10016x16xf32, #tpu.memory_space<vmem_shared>>)
          tpu.yield
        }) : () -> ()
      } else {
      }
    } else {
    }
    %barrier3A = arith.constant 0 : index
    tpu.barrier barrier_id(%barrier3A)
    %dma_start3A = arith.constant 0 : i32
    %dma_start3A_2 = arith.constant 0 : i32
    %dma_start3A_3 = arith.constant 0 : i32
    %dma_start3A_4 = arith.constant 0 : i32
    %dma_start3A_5 = arith.constant 0 : i32
    %dma_start3A_6 = tpu.memref_slice %arg9[%dma_start3A_2, %dma_start3A_4, %dma_start3A_5] : memref<6x128x16xf32, #tpu.memory_space<vmem>> -> memref<1x128x16xf32, #tpu.memory_space<vmem>>
    %dma_start3A_7 = tpu.memref_squeeze %dma_start3A_6 : memref<1x128x16xf32, #tpu.memory_space<vmem>> -> memref<128x16xf32, #tpu.memory_space<vmem>>
    %dma_start3A_8 = arith.constant 0 : i32
    %dma_start3A_9 = tpu.memref_slice %arg7[%dma_start3A, %dma_start3A_8] : memref<79x128xi32, #tpu.memory_space<vmem>> -> memref<1x128xi32, #tpu.memory_space<vmem>>
    %dma_start3A_10 = tpu.memref_squeeze %dma_start3A_9 : memref<1x128xi32, #tpu.memory_space<vmem>> -> memref<128xi32, #tpu.memory_space<vmem>>
    %dma_start3A_11 = arith.constant 0 : i32
    %dma_start3A_12 = arith.constant 0 : i32
    %dma_start3A_13 = tpu.memref_slice %arg2[%dma_start3A_11, %dma_start3A_12] : memref<10016x16xf32, #tpu.memory_space<hbm>> -> memref<10016x16xf32, #tpu.memory_space<hbm>>
    %dma_start3A_14 = tpu.memref_slice %arg11[%dma_start3A_3] : memref<6x!tpu.dma_semaphore, #tpu.memory_space<semaphore_mem>> -> memref<1x!tpu.dma_semaphore, #tpu.memory_space<semaphore_mem>>
    %dma_start3A_15 = tpu.memref_squeeze %dma_start3A_14 : memref<1x!tpu.dma_semaphore, #tpu.memory_space<semaphore_mem>> -> memref<!tpu.dma_semaphore, #tpu.memory_space<semaphore_mem>>
    tpu.enqueue_indirect_dma source(%dma_start3A_13 : memref<10016x16xf32, #tpu.memory_space<hbm>>) target(%dma_start3A_7 : memref<128x16xf32, #tpu.memory_space<vmem>>) offsets(%dma_start3A_10 : memref<128xi32, #tpu.memory_space<vmem>>) semaphore(%dma_start3A_15 : memref<!tpu.dma_semaphore, #tpu.memory_space<semaphore_mem>>)
    %dma_start3A_16 = arith.constant 1 : i32
    %dma_start3A_17 = arith.constant 1 : i32
    %dma_start3A_18 = arith.constant 1 : i32
    %dma_start3A_19 = arith.constant 0 : i32
    %dma_start3A_20 = arith.constant 0 : i32
    %dma_start3A_21 = tpu.memref_slice %arg9[%dma_start3A_17, %dma_start3A_19, %dma_start3A_20] : memref<6x128x16xf32, #tpu.memory_space<vmem>> -> memref<1x128x16xf32, #tpu.memory_space<vmem>>
    %dma_start3A_22 = tpu.memref_squeeze %dma_start3A_21 : memref<1x128x16xf32, #tpu.memory_space<vmem>> -> memref<128x16xf32, #tpu.memory_space<vmem>>
    %dma_start3A_23 = arith.constant 0 : i32
    %dma_start3A_24 = tpu.memref_slice %arg7[%dma_start3A_16, %dma_start3A_23] : memref<79x128xi32, #tpu.memory_space<vmem>> -> memref<1x128xi32, #tpu.memory_space<vmem>>
    %dma_start3A_25 = tpu.memref_squeeze %dma_start3A_24 : memref<1x128xi32, #tpu.memory_space<vmem>> -> memref<128xi32, #tpu.memory_space<vmem>>
    %dma_start3A_26 = arith.constant 0 : i32
    %dma_start3A_27 = arith.constant 0 : i32
    %dma_start3A_28 = tpu.memref_slice %arg2[%dma_start3A_26, %dma_start3A_27] : memref<10016x16xf32, #tpu.memory_space<hbm>> -> memref<10016x16xf32, #tpu.memory_space<hbm>>
    %dma_start3A_29 = tpu.memref_slice %arg11[%dma_start3A_18] : memref<6x!tpu.dma_semaphore, #tpu.memory_space<semaphore_mem>> -> memref<1x!tpu.dma_semaphore, #tpu.memory_space<semaphore_mem>>
    %dma_start3A_30 = tpu.memref_squeeze %dma_start3A_29 : memref<1x!tpu.dma_semaphore, #tpu.memory_space<semaphore_mem>> -> memref<!tpu.dma_semaphore, #tpu.memory_space<semaphore_mem>>
    tpu.enqueue_indirect_dma source(%dma_start3A_28 : memref<10016x16xf32, #tpu.memory_space<hbm>>) target(%dma_start3A_22 : memref<128x16xf32, #tpu.memory_space<vmem>>) offsets(%dma_start3A_25 : memref<128xi32, #tpu.memory_space<vmem>>) semaphore(%dma_start3A_30 : memref<!tpu.dma_semaphore, #tpu.memory_space<semaphore_mem>>)
    %dma_start3A_31 = arith.constant 2 : i32
    %dma_start3A_32 = arith.constant 2 : i32
    %dma_start3A_33 = arith.constant 2 : i32
    %dma_start3A_34 = arith.constant 0 : i32
    %dma_start3A_35 = arith.constant 0 : i32
    %dma_start3A_36 = tpu.memref_slice %arg9[%dma_start3A_32, %dma_start3A_34, %dma_start3A_35] : memref<6x128x16xf32, #tpu.memory_space<vmem>> -> memref<1x128x16xf32, #tpu.memory_space<vmem>>
    %dma_start3A_37 = tpu.memref_squeeze %dma_start3A_36 : memref<1x128x16xf32, #tpu.memory_space<vmem>> -> memref<128x16xf32, #tpu.memory_space<vmem>>
    %dma_start3A_38 = arith.constant 0 : i32
    %dma_start3A_39 = tpu.memref_slice %arg7[%dma_start3A_31, %dma_start3A_38] : memref<79x128xi32, #tpu.memory_space<vmem>> -> memref<1x128xi32, #tpu.memory_space<vmem>>
    %dma_start3A_40 = tpu.memref_squeeze %dma_start3A_39 : memref<1x128xi32, #tpu.memory_space<vmem>> -> memref<128xi32, #tpu.memory_space<vmem>>
    %dma_start3A_41 = arith.constant 0 : i32
    %dma_start3A_42 = arith.constant 0 : i32
    %dma_start3A_43 = tpu.memref_slice %arg2[%dma_start3A_41, %dma_start3A_42] : memref<10016x16xf32, #tpu.memory_space<hbm>> -> memref<10016x16xf32, #tpu.memory_space<hbm>>
    %dma_start3A_44 = tpu.memref_slice %arg11[%dma_start3A_33] : memref<6x!tpu.dma_semaphore, #tpu.memory_space<semaphore_mem>> -> memref<1x!tpu.dma_semaphore, #tpu.memory_space<semaphore_mem>>
    %dma_start3A_45 = tpu.memref_squeeze %dma_start3A_44 : memref<1x!tpu.dma_semaphore, #tpu.memory_space<semaphore_mem>> -> memref<!tpu.dma_semaphore, #tpu.memory_space<semaphore_mem>>
    tpu.enqueue_indirect_dma source(%dma_start3A_43 : memref<10016x16xf32, #tpu.memory_space<hbm>>) target(%dma_start3A_37 : memref<128x16xf32, #tpu.memory_space<vmem>>) offsets(%dma_start3A_40 : memref<128xi32, #tpu.memory_space<vmem>>) semaphore(%dma_start3A_45 : memref<!tpu.dma_semaphore, #tpu.memory_space<semaphore_mem>>)
    %dma_start3A_46 = arith.constant 3 : i32
    %dma_start3A_47 = arith.constant 3 : i32
    %dma_start3A_48 = arith.constant 3 : i32
    %dma_start3A_49 = arith.constant 0 : i32
    %dma_start3A_50 = arith.constant 0 : i32
    %dma_start3A_51 = tpu.memref_slice %arg9[%dma_start3A_47, %dma_start3A_49, %dma_start3A_50] : memref<6x128x16xf32, #tpu.memory_space<vmem>> -> memref<1x128x16xf32, #tpu.memory_space<vmem>>
    %dma_start3A_52 = tpu.memref_squeeze %dma_start3A_51 : memref<1x128x16xf32, #tpu.memory_space<vmem>> -> memref<128x16xf32, #tpu.memory_space<vmem>>
    %dma_start3A_53 = arith.constant 0 : i32
    %dma_start3A_54 = tpu.memref_slice %arg7[%dma_start3A_46, %dma_start3A_53] : memref<79x128xi32, #tpu.memory_space<vmem>> -> memref<1x128xi32, #tpu.memory_space<vmem>>
    %dma_start3A_55 = tpu.memref_squeeze %dma_start3A_54 : memref<1x128xi32, #tpu.memory_space<vmem>> -> memref<128xi32, #tpu.memory_space<vmem>>
    %dma_start3A_56 = arith.constant 0 : i32
    %dma_start3A_57 = arith.constant 0 : i32
    %dma_start3A_58 = tpu.memref_slice %arg2[%dma_start3A_56, %dma_start3A_57] : memref<10016x16xf32, #tpu.memory_space<hbm>> -> memref<10016x16xf32, #tpu.memory_space<hbm>>
    %dma_start3A_59 = tpu.memref_slice %arg11[%dma_start3A_48] : memref<6x!tpu.dma_semaphore, #tpu.memory_space<semaphore_mem>> -> memref<1x!tpu.dma_semaphore, #tpu.memory_space<semaphore_mem>>
    %dma_start3A_60 = tpu.memref_squeeze %dma_start3A_59 : memref<1x!tpu.dma_semaphore, #tpu.memory_space<semaphore_mem>> -> memref<!tpu.dma_semaphore, #tpu.memory_space<semaphore_mem>>
    tpu.enqueue_indirect_dma source(%dma_start3A_58 : memref<10016x16xf32, #tpu.memory_space<hbm>>) target(%dma_start3A_52 : memref<128x16xf32, #tpu.memory_space<vmem>>) offsets(%dma_start3A_55 : memref<128xi32, #tpu.memory_space<vmem>>) semaphore(%dma_start3A_60 : memref<!tpu.dma_semaphore, #tpu.memory_space<semaphore_mem>>)
    %dma_start3A_61 = arith.constant 4 : i32
    %dma_start3A_62 = arith.constant 4 : i32
    %dma_start3A_63 = arith.constant 4 : i32
    %dma_start3A_64 = arith.constant 0 : i32
    %dma_start3A_65 = arith.constant 0 : i32
    %dma_start3A_66 = tpu.memref_slice %arg9[%dma_start3A_62, %dma_start3A_64, %dma_start3A_65] : memref<6x128x16xf32, #tpu.memory_space<vmem>> -> memref<1x128x16xf32, #tpu.memory_space<vmem>>
    %dma_start3A_67 = tpu.memref_squeeze %dma_start3A_66 : memref<1x128x16xf32, #tpu.memory_space<vmem>> -> memref<128x16xf32, #tpu.memory_space<vmem>>
    %dma_start3A_68 = arith.constant 0 : i32
    %dma_start3A_69 = tpu.memref_slice %arg7[%dma_start3A_61, %dma_start3A_68] : memref<79x128xi32, #tpu.memory_space<vmem>> -> memref<1x128xi32, #tpu.memory_space<vmem>>
    %dma_start3A_70 = tpu.memref_squeeze %dma_start3A_69 : memref<1x128xi32, #tpu.memory_space<vmem>> -> memref<128xi32, #tpu.memory_space<vmem>>
    %dma_start3A_71 = arith.constant 0 : i32
    %dma_start3A_72 = arith.constant 0 : i32
    %dma_start3A_73 = tpu.memref_slice %arg2[%dma_start3A_71, %dma_start3A_72] : memref<10016x16xf32, #tpu.memory_space<hbm>> -> memref<10016x16xf32, #tpu.memory_space<hbm>>
    %dma_start3A_74 = tpu.memref_slice %arg11[%dma_start3A_63] : memref<6x!tpu.dma_semaphore, #tpu.memory_space<semaphore_mem>> -> memref<1x!tpu.dma_semaphore, #tpu.memory_space<semaphore_mem>>
    %dma_start3A_75 = tpu.memref_squeeze %dma_start3A_74 : memref<1x!tpu.dma_semaphore, #tpu.memory_space<semaphore_mem>> -> memref<!tpu.dma_semaphore, #tpu.memory_space<semaphore_mem>>
    tpu.enqueue_indirect_dma source(%dma_start3A_73 : memref<10016x16xf32, #tpu.memory_space<hbm>>) target(%dma_start3A_67 : memref<128x16xf32, #tpu.memory_space<vmem>>) offsets(%dma_start3A_70 : memref<128xi32, #tpu.memory_space<vmem>>) semaphore(%dma_start3A_75 : memref<!tpu.dma_semaphore, #tpu.memory_space<semaphore_mem>>)
    %scan3A = arith.constant 0 : i32
    %scan3A_76 = arith.constant 0 : i32
    %scan3A_77 = arith.constant 79 : i32
    %scan3A_78 = arith.addi %scan3A_76, %scan3A_77 : i32
    %scan3A_79 = arith.constant 1 : i32
    scf.for %scan3A_176 = %scan3A_76 to %scan3A_78 step %scan3A_79  : i32 {
      %rem3A = arith.constant 6 : i32
      %rem3A_177 = arith.remsi %scan3A_176, %rem3A : i32
      %dma_wait3A_178 = arith.constant 0 : i32
      %dma_wait3A_179 = arith.constant 0 : i32
      %dma_wait3A_180 = tpu.memref_slice %arg9[%rem3A_177, %dma_wait3A_178, %dma_wait3A_179] : memref<6x128x16xf32, #tpu.memory_space<vmem>> -> memref<1x128x16xf32, #tpu.memory_space<vmem>>
      %dma_wait3A_181 = tpu.memref_squeeze %dma_wait3A_180 : memref<1x128x16xf32, #tpu.memory_space<vmem>> -> memref<128x16xf32, #tpu.memory_space<vmem>>
      %dma_wait3A_182 = arith.constant 0 : i32
      %dma_wait3A_183 = tpu.memref_slice %arg7[%scan3A_176, %dma_wait3A_182] : memref<79x128xi32, #tpu.memory_space<vmem>> -> memref<1x128xi32, #tpu.memory_space<vmem>>
      %dma_wait3A_184 = tpu.memref_squeeze %dma_wait3A_183 : memref<1x128xi32, #tpu.memory_space<vmem>> -> memref<128xi32, #tpu.memory_space<vmem>>
      %dma_wait3A_185 = arith.constant 0 : i32
      %dma_wait3A_186 = arith.constant 0 : i32
      %dma_wait3A_187 = tpu.memref_slice %arg2[%dma_wait3A_185, %dma_wait3A_186] : memref<10016x16xf32, #tpu.memory_space<hbm>> -> memref<10016x16xf32, #tpu.memory_space<hbm>>
      %dma_wait3A_188 = tpu.memref_slice %arg11[%rem3A_177] : memref<6x!tpu.dma_semaphore, #tpu.memory_space<semaphore_mem>> -> memref<1x!tpu.dma_semaphore, #tpu.memory_space<semaphore_mem>>
      %dma_wait3A_189 = tpu.memref_squeeze %dma_wait3A_188 : memref<1x!tpu.dma_semaphore, #tpu.memory_space<semaphore_mem>> -> memref<!tpu.dma_semaphore, #tpu.memory_space<semaphore_mem>>
      tpu.wait_indirect_dma semaphore(%dma_wait3A_189 : memref<!tpu.dma_semaphore, #tpu.memory_space<semaphore_mem>>) src(%dma_wait3A_187 : memref<10016x16xf32, #tpu.memory_space<hbm>>) dst(%dma_wait3A_181 : memref<128x16xf32, #tpu.memory_space<vmem>>)
      %dma_start3A_190 = arith.constant 0 : i32
      %dma_start3A_191 = arith.constant 0 : i32
      %dma_start3A_192 = tpu.memref_slice %arg9[%rem3A_177, %dma_start3A_190, %dma_start3A_191] : memref<6x128x16xf32, #tpu.memory_space<vmem>> -> memref<1x128x16xf32, #tpu.memory_space<vmem>>
      %dma_start3A_193 = tpu.memref_squeeze %dma_start3A_192 : memref<1x128x16xf32, #tpu.memory_space<vmem>> -> memref<128x16xf32, #tpu.memory_space<vmem>>
      %dma_start3A_194 = arith.constant 0 : i32
      %dma_start3A_195 = tpu.memref_slice %arg8[%scan3A_176, %dma_start3A_194] : memref<79x128xi32, #tpu.memory_space<vmem>> -> memref<1x128xi32, #tpu.memory_space<vmem>>
      %dma_start3A_196 = tpu.memref_squeeze %dma_start3A_195 : memref<1x128xi32, #tpu.memory_space<vmem>> -> memref<128xi32, #tpu.memory_space<vmem>>
      %dma_start3A_197 = arith.constant 0 : i32
      %dma_start3A_198 = arith.constant 0 : i32
      %dma_start3A_199 = tpu.memref_slice %arg10[%dma_start3A_197, %dma_start3A_198] : memref<10016x16xf32, #tpu.memory_space<vmem_shared>> -> memref<10016x16xf32, #tpu.memory_space<vmem_shared>>
      %dma_start3A_200 = tpu.memref_slice %arg12[%rem3A_177] : memref<6x!tpu.dma_semaphore, #tpu.memory_space<semaphore_mem>> -> memref<1x!tpu.dma_semaphore, #tpu.memory_space<semaphore_mem>>
      %dma_start3A_201 = tpu.memref_squeeze %dma_start3A_200 : memref<1x!tpu.dma_semaphore, #tpu.memory_space<semaphore_mem>> -> memref<!tpu.dma_semaphore, #tpu.memory_space<semaphore_mem>>
      tpu.enqueue_indirect_dma source(%dma_start3A_193 : memref<128x16xf32, #tpu.memory_space<vmem>>) target(%dma_start3A_199 : memref<10016x16xf32, #tpu.memory_space<vmem_shared>>) offsets(%dma_start3A_196 : memref<128xi32, #tpu.memory_space<vmem>>) semaphore(%dma_start3A_201 : memref<!tpu.dma_semaphore, #tpu.memory_space<semaphore_mem>>) {add = true}
      %add3A = arith.constant 5 : i32
      %add3A_202 = arith.addi %scan3A_176, %add3A : i32
      %rem3A_203 = arith.constant 6 : i32
      %rem3A_204 = arith.remsi %add3A_202, %rem3A_203 : i32
      %lt3A = arith.constant 79 : i32
      %lt3A_205 = arith.cmpi slt, %add3A_202, %lt3A : i32
      %convert_element_type3A_206 = arith.extui %lt3A_205 : i1 to i32
      %cond3A_207 = arith.constant 0 : i32
      %cond3A_208 = arith.cmpi ne, %convert_element_type3A_206, %cond3A_207 : i32
      scf.if %cond3A_208 {
        %ge3A = arith.constant 6 : i32
        %ge3A_209 = arith.cmpi sge, %add3A_202, %ge3A : i32
        %convert_element_type3A_210 = arith.extui %ge3A_209 : i1 to i32
        %cond3A_211 = arith.constant 0 : i32
        %cond3A_212 = arith.cmpi ne, %convert_element_type3A_210, %cond3A_211 : i32
        scf.if %cond3A_212 {
          %sub3A = arith.constant 6 : i32
          %sub3A_225 = arith.subi %add3A_202, %sub3A : i32
          %dma_wait3A_226 = arith.constant 0 : i32
          %dma_wait3A_227 = arith.constant 0 : i32
          %dma_wait3A_228 = tpu.memref_slice %arg9[%rem3A_204, %dma_wait3A_226, %dma_wait3A_227] : memref<6x128x16xf32, #tpu.memory_space<vmem>> -> memref<1x128x16xf32, #tpu.memory_space<vmem>>
          %dma_wait3A_229 = tpu.memref_squeeze %dma_wait3A_228 : memref<1x128x16xf32, #tpu.memory_space<vmem>> -> memref<128x16xf32, #tpu.memory_space<vmem>>
          %dma_wait3A_230 = arith.constant 0 : i32
          %dma_wait3A_231 = tpu.memref_slice %arg8[%sub3A_225, %dma_wait3A_230] : memref<79x128xi32, #tpu.memory_space<vmem>> -> memref<1x128xi32, #tpu.memory_space<vmem>>
          %dma_wait3A_232 = tpu.memref_squeeze %dma_wait3A_231 : memref<1x128xi32, #tpu.memory_space<vmem>> -> memref<128xi32, #tpu.memory_space<vmem>>
          %dma_wait3A_233 = arith.constant 0 : i32
          %dma_wait3A_234 = arith.constant 0 : i32
          %dma_wait3A_235 = tpu.memref_slice %arg10[%dma_wait3A_233, %dma_wait3A_234] : memref<10016x16xf32, #tpu.memory_space<vmem_shared>> -> memref<10016x16xf32, #tpu.memory_space<vmem_shared>>
          %dma_wait3A_236 = tpu.memref_slice %arg12[%rem3A_204] : memref<6x!tpu.dma_semaphore, #tpu.memory_space<semaphore_mem>> -> memref<1x!tpu.dma_semaphore, #tpu.memory_space<semaphore_mem>>
          %dma_wait3A_237 = tpu.memref_squeeze %dma_wait3A_236 : memref<1x!tpu.dma_semaphore, #tpu.memory_space<semaphore_mem>> -> memref<!tpu.dma_semaphore, #tpu.memory_space<semaphore_mem>>
          tpu.wait_indirect_dma semaphore(%dma_wait3A_237 : memref<!tpu.dma_semaphore, #tpu.memory_space<semaphore_mem>>) src(%dma_wait3A_229 : memref<128x16xf32, #tpu.memory_space<vmem>>) dst(%dma_wait3A_235 : memref<10016x16xf32, #tpu.memory_space<vmem_shared>>)
        } else {
        }
        %dma_start3A_213 = arith.constant 0 : i32
        %dma_start3A_214 = arith.constant 0 : i32
        %dma_start3A_215 = tpu.memref_slice %arg9[%rem3A_204, %dma_start3A_213, %dma_start3A_214] : memref<6x128x16xf32, #tpu.memory_space<vmem>> -> memref<1x128x16xf32, #tpu.memory_space<vmem>>
        %dma_start3A_216 = tpu.memref_squeeze %dma_start3A_215 : memref<1x128x16xf32, #tpu.memory_space<vmem>> -> memref<128x16xf32, #tpu.memory_space<vmem>>
        %dma_start3A_217 = arith.constant 0 : i32
        %dma_start3A_218 = tpu.memref_slice %arg7[%add3A_202, %dma_start3A_217] : memref<79x128xi32, #tpu.memory_space<vmem>> -> memref<1x128xi32, #tpu.memory_space<vmem>>
        %dma_start3A_219 = tpu.memref_squeeze %dma_start3A_218 : memref<1x128xi32, #tpu.memory_space<vmem>> -> memref<128xi32, #tpu.memory_space<vmem>>
        %dma_start3A_220 = arith.constant 0 : i32
        %dma_start3A_221 = arith.constant 0 : i32
        %dma_start3A_222 = tpu.memref_slice %arg2[%dma_start3A_220, %dma_start3A_221] : memref<10016x16xf32, #tpu.memory_space<hbm>> -> memref<10016x16xf32, #tpu.memory_space<hbm>>
        %dma_start3A_223 = tpu.memref_slice %arg11[%rem3A_204] : memref<6x!tpu.dma_semaphore, #tpu.memory_space<semaphore_mem>> -> memref<1x!tpu.dma_semaphore, #tpu.memory_space<semaphore_mem>>
        %dma_start3A_224 = tpu.memref_squeeze %dma_start3A_223 : memref<1x!tpu.dma_semaphore, #tpu.memory_space<semaphore_mem>> -> memref<!tpu.dma_semaphore, #tpu.memory_space<semaphore_mem>>
        tpu.enqueue_indirect_dma source(%dma_start3A_222 : memref<10016x16xf32, #tpu.memory_space<hbm>>) target(%dma_start3A_216 : memref<128x16xf32, #tpu.memory_space<vmem>>) offsets(%dma_start3A_219 : memref<128xi32, #tpu.memory_space<vmem>>) semaphore(%dma_start3A_224 : memref<!tpu.dma_semaphore, #tpu.memory_space<semaphore_mem>>)
      } else {
      }
    }
    %scan3A_80 = arith.constant 79 : i32
    %dma_wait3A = arith.constant 1 : i32
    %dma_wait3A_81 = arith.constant 73 : i32
    %dma_wait3A_82 = arith.constant 1 : i32
    %dma_wait3A_83 = arith.constant 0 : i32
    %dma_wait3A_84 = arith.constant 0 : i32
    %dma_wait3A_85 = tpu.memref_slice %arg9[%dma_wait3A, %dma_wait3A_83, %dma_wait3A_84] : memref<6x128x16xf32, #tpu.memory_space<vmem>> -> memref<1x128x16xf32, #tpu.memory_space<vmem>>
    %dma_wait3A_86 = tpu.memref_squeeze %dma_wait3A_85 : memref<1x128x16xf32, #tpu.memory_space<vmem>> -> memref<128x16xf32, #tpu.memory_space<vmem>>
    %dma_wait3A_87 = arith.constant 0 : i32
    %dma_wait3A_88 = tpu.memref_slice %arg8[%dma_wait3A_81, %dma_wait3A_87] : memref<79x128xi32, #tpu.memory_space<vmem>> -> memref<1x128xi32, #tpu.memory_space<vmem>>
    %dma_wait3A_89 = tpu.memref_squeeze %dma_wait3A_88 : memref<1x128xi32, #tpu.memory_space<vmem>> -> memref<128xi32, #tpu.memory_space<vmem>>
    %dma_wait3A_90 = arith.constant 0 : i32
    %dma_wait3A_91 = arith.constant 0 : i32
    %dma_wait3A_92 = tpu.memref_slice %arg10[%dma_wait3A_90, %dma_wait3A_91] : memref<10016x16xf32, #tpu.memory_space<vmem_shared>> -> memref<10016x16xf32, #tpu.memory_space<vmem_shared>>
    %dma_wait3A_93 = tpu.memref_slice %arg12[%dma_wait3A_82] : memref<6x!tpu.dma_semaphore, #tpu.memory_space<semaphore_mem>> -> memref<1x!tpu.dma_semaphore, #tpu.memory_space<semaphore_mem>>
    %dma_wait3A_94 = tpu.memref_squeeze %dma_wait3A_93 : memref<1x!tpu.dma_semaphore, #tpu.memory_space<semaphore_mem>> -> memref<!tpu.dma_semaphore, #tpu.memory_space<semaphore_mem>>
    tpu.wait_indirect_dma semaphore(%dma_wait3A_94 : memref<!tpu.dma_semaphore, #tpu.memory_space<semaphore_mem>>) src(%dma_wait3A_86 : memref<128x16xf32, #tpu.memory_space<vmem>>) dst(%dma_wait3A_92 : memref<10016x16xf32, #tpu.memory_space<vmem_shared>>)
    %dma_wait3A_95 = arith.constant 2 : i32
    %dma_wait3A_96 = arith.constant 74 : i32
    %dma_wait3A_97 = arith.constant 2 : i32
    %dma_wait3A_98 = arith.constant 0 : i32
    %dma_wait3A_99 = arith.constant 0 : i32
    %dma_wait3A_100 = tpu.memref_slice %arg9[%dma_wait3A_95, %dma_wait3A_98, %dma_wait3A_99] : memref<6x128x16xf32, #tpu.memory_space<vmem>> -> memref<1x128x16xf32, #tpu.memory_space<vmem>>
    %dma_wait3A_101 = tpu.memref_squeeze %dma_wait3A_100 : memref<1x128x16xf32, #tpu.memory_space<vmem>> -> memref<128x16xf32, #tpu.memory_space<vmem>>
    %dma_wait3A_102 = arith.constant 0 : i32
    %dma_wait3A_103 = tpu.memref_slice %arg8[%dma_wait3A_96, %dma_wait3A_102] : memref<79x128xi32, #tpu.memory_space<vmem>> -> memref<1x128xi32, #tpu.memory_space<vmem>>
    %dma_wait3A_104 = tpu.memref_squeeze %dma_wait3A_103 : memref<1x128xi32, #tpu.memory_space<vmem>> -> memref<128xi32, #tpu.memory_space<vmem>>
    %dma_wait3A_105 = arith.constant 0 : i32
    %dma_wait3A_106 = arith.constant 0 : i32
    %dma_wait3A_107 = tpu.memref_slice %arg10[%dma_wait3A_105, %dma_wait3A_106] : memref<10016x16xf32, #tpu.memory_space<vmem_shared>> -> memref<10016x16xf32, #tpu.memory_space<vmem_shared>>
    %dma_wait3A_108 = tpu.memref_slice %arg12[%dma_wait3A_97] : memref<6x!tpu.dma_semaphore, #tpu.memory_space<semaphore_mem>> -> memref<1x!tpu.dma_semaphore, #tpu.memory_space<semaphore_mem>>
    %dma_wait3A_109 = tpu.memref_squeeze %dma_wait3A_108 : memref<1x!tpu.dma_semaphore, #tpu.memory_space<semaphore_mem>> -> memref<!tpu.dma_semaphore, #tpu.memory_space<semaphore_mem>>
    tpu.wait_indirect_dma semaphore(%dma_wait3A_109 : memref<!tpu.dma_semaphore, #tpu.memory_space<semaphore_mem>>) src(%dma_wait3A_101 : memref<128x16xf32, #tpu.memory_space<vmem>>) dst(%dma_wait3A_107 : memref<10016x16xf32, #tpu.memory_space<vmem_shared>>)
    %dma_wait3A_110 = arith.constant 3 : i32
    %dma_wait3A_111 = arith.constant 75 : i32
    %dma_wait3A_112 = arith.constant 3 : i32
    %dma_wait3A_113 = arith.constant 0 : i32
    %dma_wait3A_114 = arith.constant 0 : i32
    %dma_wait3A_115 = tpu.memref_slice %arg9[%dma_wait3A_110, %dma_wait3A_113, %dma_wait3A_114] : memref<6x128x16xf32, #tpu.memory_space<vmem>> -> memref<1x128x16xf32, #tpu.memory_space<vmem>>
    %dma_wait3A_116 = tpu.memref_squeeze %dma_wait3A_115 : memref<1x128x16xf32, #tpu.memory_space<vmem>> -> memref<128x16xf32, #tpu.memory_space<vmem>>
    %dma_wait3A_117 = arith.constant 0 : i32
    %dma_wait3A_118 = tpu.memref_slice %arg8[%dma_wait3A_111, %dma_wait3A_117] : memref<79x128xi32, #tpu.memory_space<vmem>> -> memref<1x128xi32, #tpu.memory_space<vmem>>
    %dma_wait3A_119 = tpu.memref_squeeze %dma_wait3A_118 : memref<1x128xi32, #tpu.memory_space<vmem>> -> memref<128xi32, #tpu.memory_space<vmem>>
    %dma_wait3A_120 = arith.constant 0 : i32
    %dma_wait3A_121 = arith.constant 0 : i32
    %dma_wait3A_122 = tpu.memref_slice %arg10[%dma_wait3A_120, %dma_wait3A_121] : memref<10016x16xf32, #tpu.memory_space<vmem_shared>> -> memref<10016x16xf32, #tpu.memory_space<vmem_shared>>
    %dma_wait3A_123 = tpu.memref_slice %arg12[%dma_wait3A_112] : memref<6x!tpu.dma_semaphore, #tpu.memory_space<semaphore_mem>> -> memref<1x!tpu.dma_semaphore, #tpu.memory_space<semaphore_mem>>
    %dma_wait3A_124 = tpu.memref_squeeze %dma_wait3A_123 : memref<1x!tpu.dma_semaphore, #tpu.memory_space<semaphore_mem>> -> memref<!tpu.dma_semaphore, #tpu.memory_space<semaphore_mem>>
    tpu.wait_indirect_dma semaphore(%dma_wait3A_124 : memref<!tpu.dma_semaphore, #tpu.memory_space<semaphore_mem>>) src(%dma_wait3A_116 : memref<128x16xf32, #tpu.memory_space<vmem>>) dst(%dma_wait3A_122 : memref<10016x16xf32, #tpu.memory_space<vmem_shared>>)
    %dma_wait3A_125 = arith.constant 4 : i32
    %dma_wait3A_126 = arith.constant 76 : i32
    %dma_wait3A_127 = arith.constant 4 : i32
    %dma_wait3A_128 = arith.constant 0 : i32
    %dma_wait3A_129 = arith.constant 0 : i32
    %dma_wait3A_130 = tpu.memref_slice %arg9[%dma_wait3A_125, %dma_wait3A_128, %dma_wait3A_129] : memref<6x128x16xf32, #tpu.memory_space<vmem>> -> memref<1x128x16xf32, #tpu.memory_space<vmem>>
    %dma_wait3A_131 = tpu.memref_squeeze %dma_wait3A_130 : memref<1x128x16xf32, #tpu.memory_space<vmem>> -> memref<128x16xf32, #tpu.memory_space<vmem>>
    %dma_wait3A_132 = arith.constant 0 : i32
    %dma_wait3A_133 = tpu.memref_slice %arg8[%dma_wait3A_126, %dma_wait3A_132] : memref<79x128xi32, #tpu.memory_space<vmem>> -> memref<1x128xi32, #tpu.memory_space<vmem>>
    %dma_wait3A_134 = tpu.memref_squeeze %dma_wait3A_133 : memref<1x128xi32, #tpu.memory_space<vmem>> -> memref<128xi32, #tpu.memory_space<vmem>>
    %dma_wait3A_135 = arith.constant 0 : i32
    %dma_wait3A_136 = arith.constant 0 : i32
    %dma_wait3A_137 = tpu.memref_slice %arg10[%dma_wait3A_135, %dma_wait3A_136] : memref<10016x16xf32, #tpu.memory_space<vmem_shared>> -> memref<10016x16xf32, #tpu.memory_space<vmem_shared>>
    %dma_wait3A_138 = tpu.memref_slice %arg12[%dma_wait3A_127] : memref<6x!tpu.dma_semaphore, #tpu.memory_space<semaphore_mem>> -> memref<1x!tpu.dma_semaphore, #tpu.memory_space<semaphore_mem>>
    %dma_wait3A_139 = tpu.memref_squeeze %dma_wait3A_138 : memref<1x!tpu.dma_semaphore, #tpu.memory_space<semaphore_mem>> -> memref<!tpu.dma_semaphore, #tpu.memory_space<semaphore_mem>>
    tpu.wait_indirect_dma semaphore(%dma_wait3A_139 : memref<!tpu.dma_semaphore, #tpu.memory_space<semaphore_mem>>) src(%dma_wait3A_131 : memref<128x16xf32, #tpu.memory_space<vmem>>) dst(%dma_wait3A_137 : memref<10016x16xf32, #tpu.memory_space<vmem_shared>>)
    %dma_wait3A_140 = arith.constant 5 : i32
    %dma_wait3A_141 = arith.constant 77 : i32
    %dma_wait3A_142 = arith.constant 5 : i32
    %dma_wait3A_143 = arith.constant 0 : i32
    %dma_wait3A_144 = arith.constant 0 : i32
    %dma_wait3A_145 = tpu.memref_slice %arg9[%dma_wait3A_140, %dma_wait3A_143, %dma_wait3A_144] : memref<6x128x16xf32, #tpu.memory_space<vmem>> -> memref<1x128x16xf32, #tpu.memory_space<vmem>>
    %dma_wait3A_146 = tpu.memref_squeeze %dma_wait3A_145 : memref<1x128x16xf32, #tpu.memory_space<vmem>> -> memref<128x16xf32, #tpu.memory_space<vmem>>
    %dma_wait3A_147 = arith.constant 0 : i32
    %dma_wait3A_148 = tpu.memref_slice %arg8[%dma_wait3A_141, %dma_wait3A_147] : memref<79x128xi32, #tpu.memory_space<vmem>> -> memref<1x128xi32, #tpu.memory_space<vmem>>
    %dma_wait3A_149 = tpu.memref_squeeze %dma_wait3A_148 : memref<1x128xi32, #tpu.memory_space<vmem>> -> memref<128xi32, #tpu.memory_space<vmem>>
    %dma_wait3A_150 = arith.constant 0 : i32
    %dma_wait3A_151 = arith.constant 0 : i32
    %dma_wait3A_152 = tpu.memref_slice %arg10[%dma_wait3A_150, %dma_wait3A_151] : memref<10016x16xf32, #tpu.memory_space<vmem_shared>> -> memref<10016x16xf32, #tpu.memory_space<vmem_shared>>
    %dma_wait3A_153 = tpu.memref_slice %arg12[%dma_wait3A_142] : memref<6x!tpu.dma_semaphore, #tpu.memory_space<semaphore_mem>> -> memref<1x!tpu.dma_semaphore, #tpu.memory_space<semaphore_mem>>
    %dma_wait3A_154 = tpu.memref_squeeze %dma_wait3A_153 : memref<1x!tpu.dma_semaphore, #tpu.memory_space<semaphore_mem>> -> memref<!tpu.dma_semaphore, #tpu.memory_space<semaphore_mem>>
    tpu.wait_indirect_dma semaphore(%dma_wait3A_154 : memref<!tpu.dma_semaphore, #tpu.memory_space<semaphore_mem>>) src(%dma_wait3A_146 : memref<128x16xf32, #tpu.memory_space<vmem>>) dst(%dma_wait3A_152 : memref<10016x16xf32, #tpu.memory_space<vmem_shared>>)
    %dma_wait3A_155 = arith.constant 0 : i32
    %dma_wait3A_156 = arith.constant 78 : i32
    %dma_wait3A_157 = arith.constant 0 : i32
    %dma_wait3A_158 = arith.constant 0 : i32
    %dma_wait3A_159 = arith.constant 0 : i32
    %dma_wait3A_160 = tpu.memref_slice %arg9[%dma_wait3A_155, %dma_wait3A_158, %dma_wait3A_159] : memref<6x128x16xf32, #tpu.memory_space<vmem>> -> memref<1x128x16xf32, #tpu.memory_space<vmem>>
    %dma_wait3A_161 = tpu.memref_squeeze %dma_wait3A_160 : memref<1x128x16xf32, #tpu.memory_space<vmem>> -> memref<128x16xf32, #tpu.memory_space<vmem>>
    %dma_wait3A_162 = arith.constant 0 : i32
    %dma_wait3A_163 = tpu.memref_slice %arg8[%dma_wait3A_156, %dma_wait3A_162] : memref<79x128xi32, #tpu.memory_space<vmem>> -> memref<1x128xi32, #tpu.memory_space<vmem>>
    %dma_wait3A_164 = tpu.memref_squeeze %dma_wait3A_163 : memref<1x128xi32, #tpu.memory_space<vmem>> -> memref<128xi32, #tpu.memory_space<vmem>>
    %dma_wait3A_165 = arith.constant 0 : i32
    %dma_wait3A_166 = arith.constant 0 : i32
    %dma_wait3A_167 = tpu.memref_slice %arg10[%dma_wait3A_165, %dma_wait3A_166] : memref<10016x16xf32, #tpu.memory_space<vmem_shared>> -> memref<10016x16xf32, #tpu.memory_space<vmem_shared>>
    %dma_wait3A_168 = tpu.memref_slice %arg12[%dma_wait3A_157] : memref<6x!tpu.dma_semaphore, #tpu.memory_space<semaphore_mem>> -> memref<1x!tpu.dma_semaphore, #tpu.memory_space<semaphore_mem>>
    %dma_wait3A_169 = tpu.memref_squeeze %dma_wait3A_168 : memref<1x!tpu.dma_semaphore, #tpu.memory_space<semaphore_mem>> -> memref<!tpu.dma_semaphore, #tpu.memory_space<semaphore_mem>>
    tpu.wait_indirect_dma semaphore(%dma_wait3A_169 : memref<!tpu.dma_semaphore, #tpu.memory_space<semaphore_mem>>) src(%dma_wait3A_161 : memref<128x16xf32, #tpu.memory_space<vmem>>) dst(%dma_wait3A_167 : memref<10016x16xf32, #tpu.memory_space<vmem_shared>>)
    %barrier3A_170 = arith.constant 0 : index
    tpu.barrier barrier_id(%barrier3A_170)
    %eq3A_171 = arith.constant 0 : i32
    %eq3A_172 = arith.cmpi eq, %arg1, %eq3A_171 : i32
    %convert_element_type3A_173 = arith.extui %eq3A_172 : i1 to i32
    %cond3A_174 = arith.constant 0 : i32
    %cond3A_175 = arith.cmpi ne, %convert_element_type3A_173, %cond3A_174 : i32
    scf.if %cond3A_175 {
      "tpu.region"() ({
        %run_scoped3A = tpu.sem_alloc : memref<!tpu.dma_semaphore, #tpu.memory_space<semaphore_mem>>
        %dma_start3A_176 = arith.constant 0 : i32
        %dma_start3A_177 = arith.constant 0 : i32
        %dma_start3A_178 = tpu.memref_slice %arg6[%arg0, %dma_start3A_176, %dma_start3A_177] : memref<2x10016x16xf32, #tpu.memory_space<hbm>> -> memref<1x10016x16xf32, #tpu.memory_space<hbm>>
        %dma_start3A_179 = tpu.memref_squeeze %dma_start3A_178 : memref<1x10016x16xf32, #tpu.memory_space<hbm>> -> memref<10016x16xf32, #tpu.memory_space<hbm>>
        tpu.enqueue_dma source(%arg10 : memref<10016x16xf32, #tpu.memory_space<vmem_shared>>) target(%dma_start3A_179 : memref<10016x16xf32, #tpu.memory_space<hbm>>) target_semaphore(%run_scoped3A : memref<!tpu.dma_semaphore, #tpu.memory_space<semaphore_mem>>)
        %dma_wait3A_180 = arith.constant 0 : i32
        %dma_wait3A_181 = arith.constant 0 : i32
        %dma_wait3A_182 = tpu.memref_slice %arg6[%arg0, %dma_wait3A_180, %dma_wait3A_181] : memref<2x10016x16xf32, #tpu.memory_space<hbm>> -> memref<1x10016x16xf32, #tpu.memory_space<hbm>>
        %dma_wait3A_183 = tpu.memref_squeeze %dma_wait3A_182 : memref<1x10016x16xf32, #tpu.memory_space<hbm>> -> memref<10016x16xf32, #tpu.memory_space<hbm>>
        tpu.wait_dma2 semaphore(%run_scoped3A : memref<!tpu.dma_semaphore, #tpu.memory_space<semaphore_mem>>) src(%arg10 : memref<10016x16xf32, #tpu.memory_space<vmem_shared>>) dst(%dma_wait3A_183 : memref<10016x16xf32, #tpu.memory_space<hbm>>)
        tpu.yield
      }) : () -> ()
    } else {
    }
    return
  }
}

module attributes {stable_mosaic.version = 14 : i64} {
  func.func @tc0(%arg0: memref<10000x128xf32, #tpu.memory_space<vmem>>, %arg1: memref<128x128xf32, #tpu.memory_space<vmem>>, %arg2: memref<10000x128xf32, #tpu.memory_space<vmem>>) attributes {dimension_semantics = [], scalar_prefetch = 0 : i64, scratch_operands = 0 : i64, tpu.core_type = #tpu.core_type<tc>} {
    %get3A = arith.constant 0 : index
    %get3A_0 = arith.constant 0 : index
    %get3A_1 = vector.load %arg0[%get3A, %get3A_0] : memref<10000x128xf32, #tpu.memory_space<vmem>>, vector<10000x128xf32>
    %get3A_2 = arith.constant 0 : index
    %get3A_3 = arith.constant 0 : index
    %get3A_4 = vector.load %arg1[%get3A_2, %get3A_3] : memref<128x128xf32, #tpu.memory_space<vmem>>, vector<128x128xf32>
    %dot_general3A = arith.constant dense<0.000000e+00> : vector<10000x128xf32>
    %dot_general3A_5 = tpu.matmul %get3A_1, %get3A_4, %dot_general3A {dimension_numbers = #tpu.dot_dimension_numbers<[1], [0], [0], [1], [0, 0, 1, 1], [], []>, transpose_lhs_hint = false} : vector<10000x128xf32>, vector<128x128xf32>, vector<10000x128xf32> -> vector<10000x128xf32>
    %swap3A = arith.constant 0 : index
    %swap3A_6 = arith.constant 0 : index
    %swap3A_7 = vector.load %arg2[%swap3A, %swap3A_6] : memref<10000x128xf32, #tpu.memory_space<vmem>>, vector<10000x128xf32>
    tpu.vector_store %arg2[%swap3A, %swap3A_6], %dot_general3A_5 {strides = array<i32>} : memref<10000x128xf32, #tpu.memory_space<vmem>>, vector<10000x128xf32>,
    return
  }
}

module attributes {stable_mosaic.version = 14 : i64} {
  func.func @tc1(%arg0: memref<10000x128xf32, #tpu.memory_space<vmem>>, %arg1: memref<2x10016x16xf32, #tpu.memory_space<vmem>>, %arg2: memref<2x10016x64xf32, #tpu.memory_space<vmem>>, %arg3: memref<10000x1xf32, #tpu.memory_space<vmem>>) attributes {dimension_semantics = [], scalar_prefetch = 0 : i64, scratch_operands = 0 : i64, tpu.core_type = #tpu.core_type<tc>} {
    %get3A = arith.constant 0 : index
    %get3A_0 = arith.constant 0 : index
    %get3A_1 = arith.constant 0 : index
    %get3A_2 = vector.load %arg1[%get3A, %get3A_0, %get3A_1] : memref<2x10016x16xf32, #tpu.memory_space<vmem>>, vector<1x10000x1xf32>
    %get3A_3 = vector.shape_cast %get3A_2 : vector<1x10000x1xf32> to vector<10000x1xf32>
    %get3A_4 = arith.constant 1 : index
    %get3A_5 = arith.constant 0 : index
    %get3A_6 = arith.constant 0 : index
    %get3A_7 = vector.load %arg1[%get3A_4, %get3A_5, %get3A_6] : memref<2x10016x16xf32, #tpu.memory_space<vmem>>, vector<1x10000x1xf32>
    %get3A_8 = vector.shape_cast %get3A_7 : vector<1x10000x1xf32> to vector<10000x1xf32>
    %add3A = arith.addf %get3A_3, %get3A_8 : vector<10000x1xf32>
    %add3A_9 = arith.constant 1.000000e+00 : f32
    %add3A_10 = vector.broadcast %add3A_9 : f32 to vector<10000x1xf32>
    %add3A_11 = arith.addf %add3A, %add3A_10 : vector<10000x1xf32>
    %rsqrt3A = math.rsqrt %add3A_11 : vector<10000x1xf32>
    %swap3A = arith.constant 0 : index
    %swap3A_12 = arith.constant 0 : index
    %swap3A_13 = vector.load %arg3[%swap3A, %swap3A_12] : memref<10000x1xf32, #tpu.memory_space<vmem>>, vector<10000x1xf32>
    tpu.vector_store %arg3[%swap3A, %swap3A_12], %rsqrt3A {strides = array<i32>} : memref<10000x1xf32, #tpu.memory_space<vmem>>, vector<10000x1xf32>,
    %get3A_14 = arith.constant 0 : index
    %get3A_15 = arith.constant 0 : index
    %get3A_16 = vector.load %arg0[%get3A_14, %get3A_15] : memref<10000x128xf32, #tpu.memory_space<vmem>>, vector<10000x128xf32>
    %mul3A = vector.broadcast %rsqrt3A : vector<10000x1xf32> to vector<10000x128xf32>
    %mul3A_17 = arith.mulf %get3A_16, %mul3A : vector<10000x128xf32>
    %slice3A = vector.extract_strided_slice %mul3A_17 {offsets = [0, 0], sizes = [10000, 64], strides = [1, 1]} : vector<10000x128xf32> to vector<10000x64xf32>
    %swap3A_18 = arith.constant 0 : index
    %swap3A_19 = arith.constant 0 : index
    %swap3A_20 = arith.constant 0 : index
    %swap3A_21 = vector.load %arg2[%swap3A_18, %swap3A_19, %swap3A_20] : memref<2x10016x64xf32, #tpu.memory_space<vmem>>, vector<1x10000x64xf32>
    %swap3A_22 = vector.shape_cast %swap3A_21 : vector<1x10000x64xf32> to vector<10000x64xf32>
    %swap3A_23 = vector.shape_cast %slice3A : vector<10000x64xf32> to vector<1x10000x64xf32>
    tpu.vector_store %arg2[%swap3A_18, %swap3A_19, %swap3A_20], %swap3A_23 {strides = array<i32>} : memref<2x10016x64xf32, #tpu.memory_space<vmem>>, vector<1x10000x64xf32>,
    %slice3A_24 = vector.extract_strided_slice %mul3A_17 {offsets = [0, 64], sizes = [10000, 64], strides = [1, 1]} : vector<10000x128xf32> to vector<10000x64xf32>
    %swap3A_25 = arith.constant 1 : index
    %swap3A_26 = arith.constant 0 : index
    %swap3A_27 = arith.constant 0 : index
    %swap3A_28 = vector.load %arg2[%swap3A_25, %swap3A_26, %swap3A_27] : memref<2x10016x64xf32, #tpu.memory_space<vmem>>, vector<1x10000x64xf32>
    %swap3A_29 = vector.shape_cast %swap3A_28 : vector<1x10000x64xf32> to vector<10000x64xf32>
    %swap3A_30 = vector.shape_cast %slice3A_24 : vector<10000x64xf32> to vector<1x10000x64xf32>
    tpu.vector_store %arg2[%swap3A_25, %swap3A_26, %swap3A_27], %swap3A_30 {strides = array<i32>} : memref<2x10016x64xf32, #tpu.memory_space<vmem>>, vector<1x10000x64xf32>,
    %broadcast_in_dim3A = arith.constant 0.000000e+00 : f32
    %broadcast_in_dim3A_31 = vector.broadcast %broadcast_in_dim3A : f32 to vector<16x64xf32>
    %swap3A_32 = arith.constant 0 : index
    %swap3A_33 = arith.constant 10000 : index
    %swap3A_34 = arith.constant 0 : index
    %swap3A_35 = vector.load %arg2[%swap3A_32, %swap3A_33, %swap3A_34] : memref<2x10016x64xf32, #tpu.memory_space<vmem>>, vector<1x16x64xf32>
    %swap3A_36 = vector.shape_cast %swap3A_35 : vector<1x16x64xf32> to vector<16x64xf32>
    %swap3A_37 = vector.shape_cast %broadcast_in_dim3A_31 : vector<16x64xf32> to vector<1x16x64xf32>
    tpu.vector_store %arg2[%swap3A_32, %swap3A_33, %swap3A_34], %swap3A_37 {strides = array<i32>} : memref<2x10016x64xf32, #tpu.memory_space<vmem>>, vector<1x16x64xf32>,
    %broadcast_in_dim3A_38 = arith.constant 0.000000e+00 : f32
    %broadcast_in_dim3A_39 = vector.broadcast %broadcast_in_dim3A_38 : f32 to vector<16x64xf32>
    %swap3A_40 = arith.constant 1 : index
    %swap3A_41 = arith.constant 10000 : index
    %swap3A_42 = arith.constant 0 : index
    %swap3A_43 = vector.load %arg2[%swap3A_40, %swap3A_41, %swap3A_42] : memref<2x10016x64xf32, #tpu.memory_space<vmem>>, vector<1x16x64xf32>
    %swap3A_44 = vector.shape_cast %swap3A_43 : vector<1x16x64xf32> to vector<16x64xf32>
    %swap3A_45 = vector.shape_cast %broadcast_in_dim3A_39 : vector<16x64xf32> to vector<1x16x64xf32>
    tpu.vector_store %arg2[%swap3A_40, %swap3A_41, %swap3A_42], %swap3A_45 {strides = array<i32>} : memref<2x10016x64xf32, #tpu.memory_space<vmem>>, vector<1x16x64xf32>,
    return
  }
}

module attributes {stable_mosaic.version = 14 : i64} {
  func.func @tc2(%arg0: memref<2x10016x64xf32, #tpu.memory_space<vmem>>, %arg1: memref<10000x1xf32, #tpu.memory_space<vmem>>, %arg2: memref<1x128xf32, #tpu.memory_space<vmem>>, %arg3: memref<128x128xf32, #tpu.memory_space<vmem>>, %arg4: memref<2x10016x64xf32, #tpu.memory_space<vmem>>, %arg5: memref<10000x128xf32, #tpu.memory_space<vmem>>) attributes {dimension_semantics = [], scalar_prefetch = 0 : i64, scratch_operands = 0 : i64, tpu.core_type = #tpu.core_type<tc>} {
    %get3A = arith.constant 0 : index
    %get3A_0 = arith.constant 0 : index
    %get3A_1 = vector.load %arg1[%get3A, %get3A_0] : memref<10000x1xf32, #tpu.memory_space<vmem>>, vector<10000x1xf32>
    %get3A_2 = arith.constant 0 : index
    %get3A_3 = arith.constant 0 : index
    %get3A_4 = arith.constant 0 : index
    %get3A_5 = vector.load %arg0[%get3A_2, %get3A_3, %get3A_4] : memref<2x10016x64xf32, #tpu.memory_space<vmem>>, vector<1x10000x64xf32>
    %get3A_6 = vector.shape_cast %get3A_5 : vector<1x10000x64xf32> to vector<10000x64xf32>
    %get3A_7 = arith.constant 1 : index
    %get3A_8 = arith.constant 0 : index
    %get3A_9 = arith.constant 0 : index
    %get3A_10 = vector.load %arg0[%get3A_7, %get3A_8, %get3A_9] : memref<2x10016x64xf32, #tpu.memory_space<vmem>>, vector<1x10000x64xf32>
    %get3A_11 = vector.shape_cast %get3A_10 : vector<1x10000x64xf32> to vector<10000x64xf32>
    %concatenate3A = tpu.concatenate %get3A_6, %get3A_11 in 1 : vector<10000x64xf32>, vector<10000x64xf32> -> vector<10000x128xf32>
    %mul3A = vector.broadcast %get3A_1 : vector<10000x1xf32> to vector<10000x128xf32>
    %mul3A_12 = arith.mulf %mul3A, %concatenate3A : vector<10000x128xf32>
    %get3A_13 = arith.constant 0 : index
    %get3A_14 = arith.constant 0 : index
    %get3A_15 = vector.load %arg2[%get3A_13, %get3A_14] : memref<1x128xf32, #tpu.memory_space<vmem>>, vector<1x128xf32>
    %add3A = vector.broadcast %get3A_15 : vector<1x128xf32> to vector<10000x128xf32>
    %add3A_16 = arith.addf %mul3A_12, %add3A : vector<10000x128xf32>
    %max3A = arith.constant 0.000000e+00 : f32
    %max3A_17 = vector.broadcast %max3A : f32 to vector<10000x128xf32>
    %max3A_18 = arith.maximumf %add3A_16, %max3A_17 : vector<10000x128xf32>
    %swap3A = arith.constant 0 : index
    %swap3A_19 = arith.constant 0 : index
    %swap3A_20 = vector.load %arg5[%swap3A, %swap3A_19] : memref<10000x128xf32, #tpu.memory_space<vmem>>, vector<10000x128xf32>
    tpu.vector_store %arg5[%swap3A, %swap3A_19], %max3A_18 {strides = array<i32>} : memref<10000x128xf32, #tpu.memory_space<vmem>>, vector<10000x128xf32>,
    %get3A_21 = arith.constant 0 : index
    %get3A_22 = arith.constant 0 : index
    %get3A_23 = vector.load %arg3[%get3A_21, %get3A_22] : memref<128x128xf32, #tpu.memory_space<vmem>>, vector<128x128xf32>
    %dot_general3A = arith.constant dense<0.000000e+00> : vector<10000x128xf32>
    %dot_general3A_24 = tpu.matmul %max3A_18, %get3A_23, %dot_general3A {dimension_numbers = #tpu.dot_dimension_numbers<[1], [0], [0], [1], [0, 0, 1, 1], [], []>, transpose_lhs_hint = false} : vector<10000x128xf32>, vector<128x128xf32>, vector<10000x128xf32> -> vector<10000x128xf32>
    %mul3A_25 = vector.broadcast %get3A_1 : vector<10000x1xf32> to vector<10000x128xf32>
    %mul3A_26 = arith.mulf %dot_general3A_24, %mul3A_25 : vector<10000x128xf32>
    %slice3A = vector.extract_strided_slice %mul3A_26 {offsets = [0, 0], sizes = [10000, 64], strides = [1, 1]} : vector<10000x128xf32> to vector<10000x64xf32>
    %swap3A_27 = arith.constant 0 : index
    %swap3A_28 = arith.constant 0 : index
    %swap3A_29 = arith.constant 0 : index
    %swap3A_30 = vector.load %arg4[%swap3A_27, %swap3A_28, %swap3A_29] : memref<2x10016x64xf32, #tpu.memory_space<vmem>>, vector<1x10000x64xf32>
    %swap3A_31 = vector.shape_cast %swap3A_30 : vector<1x10000x64xf32> to vector<10000x64xf32>
    %swap3A_32 = vector.shape_cast %slice3A : vector<10000x64xf32> to vector<1x10000x64xf32>
    tpu.vector_store %arg4[%swap3A_27, %swap3A_28, %swap3A_29], %swap3A_32 {strides = array<i32>} : memref<2x10016x64xf32, #tpu.memory_space<vmem>>, vector<1x10000x64xf32>,
    %slice3A_33 = vector.extract_strided_slice %mul3A_26 {offsets = [0, 64], sizes = [10000, 64], strides = [1, 1]} : vector<10000x128xf32> to vector<10000x64xf32>
    %swap3A_34 = arith.constant 1 : index
    %swap3A_35 = arith.constant 0 : index
    %swap3A_36 = arith.constant 0 : index
    %swap3A_37 = vector.load %arg4[%swap3A_34, %swap3A_35, %swap3A_36] : memref<2x10016x64xf32, #tpu.memory_space<vmem>>, vector<1x10000x64xf32>
    %swap3A_38 = vector.shape_cast %swap3A_37 : vector<1x10000x64xf32> to vector<10000x64xf32>
    %swap3A_39 = vector.shape_cast %slice3A_33 : vector<10000x64xf32> to vector<1x10000x64xf32>
    tpu.vector_store %arg4[%swap3A_34, %swap3A_35, %swap3A_36], %swap3A_39 {strides = array<i32>} : memref<2x10016x64xf32, #tpu.memory_space<vmem>>, vector<1x10000x64xf32>,
    %broadcast_in_dim3A = arith.constant 0.000000e+00 : f32
    %broadcast_in_dim3A_40 = vector.broadcast %broadcast_in_dim3A : f32 to vector<16x64xf32>
    %swap3A_41 = arith.constant 0 : index
    %swap3A_42 = arith.constant 10000 : index
    %swap3A_43 = arith.constant 0 : index
    %swap3A_44 = vector.load %arg4[%swap3A_41, %swap3A_42, %swap3A_43] : memref<2x10016x64xf32, #tpu.memory_space<vmem>>, vector<1x16x64xf32>
    %swap3A_45 = vector.shape_cast %swap3A_44 : vector<1x16x64xf32> to vector<16x64xf32>
    %swap3A_46 = vector.shape_cast %broadcast_in_dim3A_40 : vector<16x64xf32> to vector<1x16x64xf32>
    tpu.vector_store %arg4[%swap3A_41, %swap3A_42, %swap3A_43], %swap3A_46 {strides = array<i32>} : memref<2x10016x64xf32, #tpu.memory_space<vmem>>, vector<1x16x64xf32>,
    %broadcast_in_dim3A_47 = arith.constant 0.000000e+00 : f32
    %broadcast_in_dim3A_48 = vector.broadcast %broadcast_in_dim3A_47 : f32 to vector<16x64xf32>
    %swap3A_49 = arith.constant 1 : index
    %swap3A_50 = arith.constant 10000 : index
    %swap3A_51 = arith.constant 0 : index
    %swap3A_52 = vector.load %arg4[%swap3A_49, %swap3A_50, %swap3A_51] : memref<2x10016x64xf32, #tpu.memory_space<vmem>>, vector<1x16x64xf32>
    %swap3A_53 = vector.shape_cast %swap3A_52 : vector<1x16x64xf32> to vector<16x64xf32>
    %swap3A_54 = vector.shape_cast %broadcast_in_dim3A_48 : vector<16x64xf32> to vector<1x16x64xf32>
    tpu.vector_store %arg4[%swap3A_49, %swap3A_50, %swap3A_51], %swap3A_54 {strides = array<i32>} : memref<2x10016x64xf32, #tpu.memory_space<vmem>>, vector<1x16x64xf32>,
    return
  }
}

module attributes {stable_mosaic.version = 14 : i64} {
  func.func @tc3(%arg0: memref<2x10016x64xf32, #tpu.memory_space<vmem>>, %arg1: memref<10000x128xf32, #tpu.memory_space<vmem>>, %arg2: memref<10000x1xf32, #tpu.memory_space<vmem>>, %arg3: memref<1x128xf32, #tpu.memory_space<vmem>>, %arg4: memref<128x128xf32, #tpu.memory_space<vmem>>, %arg5: memref<2x10016x64xf32, #tpu.memory_space<vmem>>, %arg6: memref<10000x128xf32, #tpu.memory_space<vmem>>) attributes {dimension_semantics = [], scalar_prefetch = 0 : i64, scratch_operands = 0 : i64, tpu.core_type = #tpu.core_type<tc>} {
    %get3A = arith.constant 0 : index
    %get3A_0 = arith.constant 0 : index
    %get3A_1 = vector.load %arg2[%get3A, %get3A_0] : memref<10000x1xf32, #tpu.memory_space<vmem>>, vector<10000x1xf32>
    %get3A_2 = arith.constant 0 : index
    %get3A_3 = arith.constant 0 : index
    %get3A_4 = arith.constant 0 : index
    %get3A_5 = vector.load %arg0[%get3A_2, %get3A_3, %get3A_4] : memref<2x10016x64xf32, #tpu.memory_space<vmem>>, vector<1x10000x64xf32>
    %get3A_6 = vector.shape_cast %get3A_5 : vector<1x10000x64xf32> to vector<10000x64xf32>
    %get3A_7 = arith.constant 1 : index
    %get3A_8 = arith.constant 0 : index
    %get3A_9 = arith.constant 0 : index
    %get3A_10 = vector.load %arg0[%get3A_7, %get3A_8, %get3A_9] : memref<2x10016x64xf32, #tpu.memory_space<vmem>>, vector<1x10000x64xf32>
    %get3A_11 = vector.shape_cast %get3A_10 : vector<1x10000x64xf32> to vector<10000x64xf32>
    %concatenate3A = tpu.concatenate %get3A_6, %get3A_11 in 1 : vector<10000x64xf32>, vector<10000x64xf32> -> vector<10000x128xf32>
    %mul3A = vector.broadcast %get3A_1 : vector<10000x1xf32> to vector<10000x128xf32>
    %mul3A_12 = arith.mulf %mul3A, %concatenate3A : vector<10000x128xf32>
    %get3A_13 = arith.constant 0 : index
    %get3A_14 = arith.constant 0 : index
    %get3A_15 = vector.load %arg3[%get3A_13, %get3A_14] : memref<1x128xf32, #tpu.memory_space<vmem>>, vector<1x128xf32>
    %add3A = vector.broadcast %get3A_15 : vector<1x128xf32> to vector<10000x128xf32>
    %add3A_16 = arith.addf %mul3A_12, %add3A : vector<10000x128xf32>
    %max3A = arith.constant 0.000000e+00 : f32
    %max3A_17 = vector.broadcast %max3A : f32 to vector<10000x128xf32>
    %max3A_18 = arith.maximumf %add3A_16, %max3A_17 : vector<10000x128xf32>
    %get3A_19 = arith.constant 0 : index
    %get3A_20 = arith.constant 0 : index
    %get3A_21 = vector.load %arg1[%get3A_19, %get3A_20] : memref<10000x128xf32, #tpu.memory_space<vmem>>, vector<10000x128xf32>
    %add3A_22 = arith.addf %max3A_18, %get3A_21 : vector<10000x128xf32>
    %max3A_23 = arith.constant 0.000000e+00 : f32
    %max3A_24 = vector.broadcast %max3A_23 : f32 to vector<10000x128xf32>
    %max3A_25 = arith.maximumf %add3A_22, %max3A_24 : vector<10000x128xf32>
    %swap3A = arith.constant 0 : index
    %swap3A_26 = arith.constant 0 : index
    %swap3A_27 = vector.load %arg6[%swap3A, %swap3A_26] : memref<10000x128xf32, #tpu.memory_space<vmem>>, vector<10000x128xf32>
    tpu.vector_store %arg6[%swap3A, %swap3A_26], %max3A_25 {strides = array<i32>} : memref<10000x128xf32, #tpu.memory_space<vmem>>, vector<10000x128xf32>,
    %get3A_28 = arith.constant 0 : index
    %get3A_29 = arith.constant 0 : index
    %get3A_30 = vector.load %arg4[%get3A_28, %get3A_29] : memref<128x128xf32, #tpu.memory_space<vmem>>, vector<128x128xf32>
    %dot_general3A = arith.constant dense<0.000000e+00> : vector<10000x128xf32>
    %dot_general3A_31 = tpu.matmul %max3A_25, %get3A_30, %dot_general3A {dimension_numbers = #tpu.dot_dimension_numbers<[1], [0], [0], [1], [0, 0, 1, 1], [], []>, transpose_lhs_hint = false} : vector<10000x128xf32>, vector<128x128xf32>, vector<10000x128xf32> -> vector<10000x128xf32>
    %mul3A_32 = vector.broadcast %get3A_1 : vector<10000x1xf32> to vector<10000x128xf32>
    %mul3A_33 = arith.mulf %dot_general3A_31, %mul3A_32 : vector<10000x128xf32>
    %slice3A = vector.extract_strided_slice %mul3A_33 {offsets = [0, 0], sizes = [10000, 64], strides = [1, 1]} : vector<10000x128xf32> to vector<10000x64xf32>
    %swap3A_34 = arith.constant 0 : index
    %swap3A_35 = arith.constant 0 : index
    %swap3A_36 = arith.constant 0 : index
    %swap3A_37 = vector.load %arg5[%swap3A_34, %swap3A_35, %swap3A_36] : memref<2x10016x64xf32, #tpu.memory_space<vmem>>, vector<1x10000x64xf32>
    %swap3A_38 = vector.shape_cast %swap3A_37 : vector<1x10000x64xf32> to vector<10000x64xf32>
    %swap3A_39 = vector.shape_cast %slice3A : vector<10000x64xf32> to vector<1x10000x64xf32>
    tpu.vector_store %arg5[%swap3A_34, %swap3A_35, %swap3A_36], %swap3A_39 {strides = array<i32>} : memref<2x10016x64xf32, #tpu.memory_space<vmem>>, vector<1x10000x64xf32>,
    %slice3A_40 = vector.extract_strided_slice %mul3A_33 {offsets = [0, 64], sizes = [10000, 64], strides = [1, 1]} : vector<10000x128xf32> to vector<10000x64xf32>
    %swap3A_41 = arith.constant 1 : index
    %swap3A_42 = arith.constant 0 : index
    %swap3A_43 = arith.constant 0 : index
    %swap3A_44 = vector.load %arg5[%swap3A_41, %swap3A_42, %swap3A_43] : memref<2x10016x64xf32, #tpu.memory_space<vmem>>, vector<1x10000x64xf32>
    %swap3A_45 = vector.shape_cast %swap3A_44 : vector<1x10000x64xf32> to vector<10000x64xf32>
    %swap3A_46 = vector.shape_cast %slice3A_40 : vector<10000x64xf32> to vector<1x10000x64xf32>
    tpu.vector_store %arg5[%swap3A_41, %swap3A_42, %swap3A_43], %swap3A_46 {strides = array<i32>} : memref<2x10016x64xf32, #tpu.memory_space<vmem>>, vector<1x10000x64xf32>,
    %broadcast_in_dim3A = arith.constant 0.000000e+00 : f32
    %broadcast_in_dim3A_47 = vector.broadcast %broadcast_in_dim3A : f32 to vector<16x64xf32>
    %swap3A_48 = arith.constant 0 : index
    %swap3A_49 = arith.constant 10000 : index
    %swap3A_50 = arith.constant 0 : index
    %swap3A_51 = vector.load %arg5[%swap3A_48, %swap3A_49, %swap3A_50] : memref<2x10016x64xf32, #tpu.memory_space<vmem>>, vector<1x16x64xf32>
    %swap3A_52 = vector.shape_cast %swap3A_51 : vector<1x16x64xf32> to vector<16x64xf32>
    %swap3A_53 = vector.shape_cast %broadcast_in_dim3A_47 : vector<16x64xf32> to vector<1x16x64xf32>
    tpu.vector_store %arg5[%swap3A_48, %swap3A_49, %swap3A_50], %swap3A_53 {strides = array<i32>} : memref<2x10016x64xf32, #tpu.memory_space<vmem>>, vector<1x16x64xf32>,
    %broadcast_in_dim3A_54 = arith.constant 0.000000e+00 : f32
    %broadcast_in_dim3A_55 = vector.broadcast %broadcast_in_dim3A_54 : f32 to vector<16x64xf32>
    %swap3A_56 = arith.constant 1 : index
    %swap3A_57 = arith.constant 10000 : index
    %swap3A_58 = arith.constant 0 : index
    %swap3A_59 = vector.load %arg5[%swap3A_56, %swap3A_57, %swap3A_58] : memref<2x10016x64xf32, #tpu.memory_space<vmem>>, vector<1x16x64xf32>
    %swap3A_60 = vector.shape_cast %swap3A_59 : vector<1x16x64xf32> to vector<16x64xf32>
    %swap3A_61 = vector.shape_cast %broadcast_in_dim3A_55 : vector<16x64xf32> to vector<1x16x64xf32>
    tpu.vector_store %arg5[%swap3A_56, %swap3A_57, %swap3A_58], %swap3A_61 {strides = array<i32>} : memref<2x10016x64xf32, #tpu.memory_space<vmem>>, vector<1x16x64xf32>,
    return
  }
}

module attributes {stable_mosaic.version = 14 : i64} {
  func.func @tc4(%arg0: memref<2x10016x64xf32, #tpu.memory_space<vmem>>, %arg1: memref<10000x128xf32, #tpu.memory_space<vmem>>, %arg2: memref<10000x1xf32, #tpu.memory_space<vmem>>, %arg3: memref<1x128xf32, #tpu.memory_space<vmem>>, %arg4: memref<128x16xf32, #tpu.memory_space<vmem>>, %arg5: memref<10016x16xf32, #tpu.memory_space<vmem>>) attributes {dimension_semantics = [], scalar_prefetch = 0 : i64, scratch_operands = 0 : i64, tpu.core_type = #tpu.core_type<tc>} {
    %get3A = arith.constant 0 : index
    %get3A_0 = arith.constant 0 : index
    %get3A_1 = vector.load %arg2[%get3A, %get3A_0] : memref<10000x1xf32, #tpu.memory_space<vmem>>, vector<10000x1xf32>
    %get3A_2 = arith.constant 0 : index
    %get3A_3 = arith.constant 0 : index
    %get3A_4 = arith.constant 0 : index
    %get3A_5 = vector.load %arg0[%get3A_2, %get3A_3, %get3A_4] : memref<2x10016x64xf32, #tpu.memory_space<vmem>>, vector<1x10000x64xf32>
    %get3A_6 = vector.shape_cast %get3A_5 : vector<1x10000x64xf32> to vector<10000x64xf32>
    %get3A_7 = arith.constant 1 : index
    %get3A_8 = arith.constant 0 : index
    %get3A_9 = arith.constant 0 : index
    %get3A_10 = vector.load %arg0[%get3A_7, %get3A_8, %get3A_9] : memref<2x10016x64xf32, #tpu.memory_space<vmem>>, vector<1x10000x64xf32>
    %get3A_11 = vector.shape_cast %get3A_10 : vector<1x10000x64xf32> to vector<10000x64xf32>
    %concatenate3A = tpu.concatenate %get3A_6, %get3A_11 in 1 : vector<10000x64xf32>, vector<10000x64xf32> -> vector<10000x128xf32>
    %mul3A = vector.broadcast %get3A_1 : vector<10000x1xf32> to vector<10000x128xf32>
    %mul3A_12 = arith.mulf %mul3A, %concatenate3A : vector<10000x128xf32>
    %get3A_13 = arith.constant 0 : index
    %get3A_14 = arith.constant 0 : index
    %get3A_15 = vector.load %arg3[%get3A_13, %get3A_14] : memref<1x128xf32, #tpu.memory_space<vmem>>, vector<1x128xf32>
    %add3A = vector.broadcast %get3A_15 : vector<1x128xf32> to vector<10000x128xf32>
    %add3A_16 = arith.addf %mul3A_12, %add3A : vector<10000x128xf32>
    %max3A = arith.constant 0.000000e+00 : f32
    %max3A_17 = vector.broadcast %max3A : f32 to vector<10000x128xf32>
    %max3A_18 = arith.maximumf %add3A_16, %max3A_17 : vector<10000x128xf32>
    %get3A_19 = arith.constant 0 : index
    %get3A_20 = arith.constant 0 : index
    %get3A_21 = vector.load %arg1[%get3A_19, %get3A_20] : memref<10000x128xf32, #tpu.memory_space<vmem>>, vector<10000x128xf32>
    %add3A_22 = arith.addf %max3A_18, %get3A_21 : vector<10000x128xf32>
    %max3A_23 = arith.constant 0.000000e+00 : f32
    %max3A_24 = vector.broadcast %max3A_23 : f32 to vector<10000x128xf32>
    %max3A_25 = arith.maximumf %add3A_22, %max3A_24 : vector<10000x128xf32>
    %get3A_26 = arith.constant 0 : index
    %get3A_27 = arith.constant 0 : index
    %get3A_28 = vector.load %arg4[%get3A_26, %get3A_27] : memref<128x16xf32, #tpu.memory_space<vmem>>, vector<128x16xf32>
    %dot_general3A = arith.constant dense<0.000000e+00> : vector<10000x16xf32>
    %dot_general3A_29 = tpu.matmul %max3A_25, %get3A_28, %dot_general3A {dimension_numbers = #tpu.dot_dimension_numbers<[1], [0], [0], [1], [0, 0, 1, 1], [], []>, transpose_lhs_hint = false} : vector<10000x128xf32>, vector<128x16xf32>, vector<10000x16xf32> -> vector<10000x16xf32>
    %mul3A_30 = vector.broadcast %get3A_1 : vector<10000x1xf32> to vector<10000x16xf32>
    %mul3A_31 = arith.mulf %dot_general3A_29, %mul3A_30 : vector<10000x16xf32>
    %swap3A = arith.constant 0 : index
    %swap3A_32 = arith.constant 0 : index
    %swap3A_33 = vector.load %arg5[%swap3A, %swap3A_32] : memref<10016x16xf32, #tpu.memory_space<vmem>>, vector<10000x16xf32>
    tpu.vector_store %arg5[%swap3A, %swap3A_32], %mul3A_31 {strides = array<i32>} : memref<10016x16xf32, #tpu.memory_space<vmem>>, vector<10000x16xf32>,
    %broadcast_in_dim3A = arith.constant 0.000000e+00 : f32
    %broadcast_in_dim3A_34 = vector.broadcast %broadcast_in_dim3A : f32 to vector<16x16xf32>
    %swap3A_35 = arith.constant 10000 : index
    %swap3A_36 = arith.constant 0 : index
    %swap3A_37 = vector.load %arg5[%swap3A_35, %swap3A_36] : memref<10016x16xf32, #tpu.memory_space<vmem>>, vector<16x16xf32>
    tpu.vector_store %arg5[%swap3A_35, %swap3A_36], %broadcast_in_dim3A_34 {strides = array<i32>} : memref<10016x16xf32, #tpu.memory_space<vmem>>, vector<16x16xf32>,
    return
  }
}

module attributes {stable_mosaic.version = 14 : i64} {
  func.func @tc5(%arg0: memref<2x10016x16xf32, #tpu.memory_space<vmem>>, %arg1: memref<10000x1xf32, #tpu.memory_space<vmem>>, %arg2: memref<1x16xf32, #tpu.memory_space<vmem>>, %arg3: memref<1x10000xi32, #tpu.memory_space<vmem>>, %arg4: memref<16x10xf32, #tpu.memory_space<vmem>>) attributes {dimension_semantics = [], scalar_prefetch = 0 : i64, scratch_operands = 0 : i64, tpu.core_type = #tpu.core_type<tc>} {
    %get3A = arith.constant 0 : index
    %get3A_0 = arith.constant 0 : index
    %get3A_1 = vector.load %arg1[%get3A, %get3A_0] : memref<10000x1xf32, #tpu.memory_space<vmem>>, vector<10000x1xf32>
    %get3A_2 = arith.constant 0 : index
    %get3A_3 = arith.constant 0 : index
    %get3A_4 = arith.constant 0 : index
    %get3A_5 = vector.load %arg0[%get3A_2, %get3A_3, %get3A_4] : memref<2x10016x16xf32, #tpu.memory_space<vmem>>, vector<1x10000x16xf32>
    %get3A_6 = vector.shape_cast %get3A_5 : vector<1x10000x16xf32> to vector<10000x16xf32>
    %get3A_7 = arith.constant 1 : index
    %get3A_8 = arith.constant 0 : index
    %get3A_9 = arith.constant 0 : index
    %get3A_10 = vector.load %arg0[%get3A_7, %get3A_8, %get3A_9] : memref<2x10016x16xf32, #tpu.memory_space<vmem>>, vector<1x10000x16xf32>
    %get3A_11 = vector.shape_cast %get3A_10 : vector<1x10000x16xf32> to vector<10000x16xf32>
    %add3A = arith.addf %get3A_6, %get3A_11 : vector<10000x16xf32>
    %mul3A = vector.broadcast %get3A_1 : vector<10000x1xf32> to vector<10000x16xf32>
    %mul3A_12 = arith.mulf %mul3A, %add3A : vector<10000x16xf32>
    %get3A_13 = arith.constant 0 : index
    %get3A_14 = arith.constant 0 : index
    %get3A_15 = vector.load %arg2[%get3A_13, %get3A_14] : memref<1x16xf32, #tpu.memory_space<vmem>>, vector<1x16xf32>
    %add3A_16 = vector.broadcast %get3A_15 : vector<1x16xf32> to vector<10000x16xf32>
    %add3A_17 = arith.addf %mul3A_12, %add3A_16 : vector<10000x16xf32>
    %iota3A = tpu.iota {dimensions = array<i32: 0>} : vector<16x10000xi32>
    %get3A_18 = arith.constant 0 : index
    %get3A_19 = arith.constant 0 : index
    %get3A_20 = vector.load %arg3[%get3A_18, %get3A_19] : memref<1x10000xi32, #tpu.memory_space<vmem>>, vector<1x10000xi32>
    %eq3A = vector.broadcast %get3A_20 : vector<1x10000xi32> to vector<16x10000xi32>
    %eq3A_21 = arith.cmpi eq, %iota3A, %eq3A : vector<16x10000xi32>
    %convert_element_type3A = arith.extui %eq3A_21 : vector<16x10000xi1> to vector<16x10000xi32>
    %convert_element_type3A_22 = arith.sitofp %convert_element_type3A : vector<16x10000xi32> to vector<16x10000xf32>
    %dot_general3A = arith.constant dense<0.000000e+00> : vector<16x16xf32>
    %dot_general3A_23 = tpu.matmul %convert_element_type3A_22, %add3A_17, %dot_general3A {dimension_numbers = #tpu.dot_dimension_numbers<[1], [0], [0], [1], [0, 0, 1, 1], [], []>, transpose_lhs_hint = false} : vector<16x10000xf32>, vector<10000x16xf32>, vector<16x16xf32> -> vector<16x16xf32>
    %reduce_sum3A = arith.constant dense<0.000000e+00> : vector<16xf32>
    %reduce_sum3A_24 = vector.multi_reduction <add>, %convert_element_type3A_22, %reduce_sum3A [1] : vector<16x10000xf32> to vector<16xf32>
    %broadcast_in_dim3A = vector.shape_cast %reduce_sum3A_24 : vector<16xf32> to vector<16x1xf32>
    %slice3A = vector.extract_strided_slice %dot_general3A_23 {offsets = [0, 0], sizes = [16, 10], strides = [1, 1]} : vector<16x16xf32> to vector<16x10xf32>
    %max3A = arith.constant 1.000000e+00 : f32
    %max3A_25 = vector.broadcast %max3A : f32 to vector<16x1xf32>
    %max3A_26 = arith.maximumf %broadcast_in_dim3A, %max3A_25 : vector<16x1xf32>
    %div3A = vector.broadcast %max3A_26 : vector<16x1xf32> to vector<16x10xf32>
    %div3A_27 = arith.divf %slice3A, %div3A : vector<16x10xf32>
    %swap3A = arith.constant 0 : index
    %swap3A_28 = arith.constant 0 : index
    %swap3A_29 = vector.load %arg4[%swap3A, %swap3A_28] : memref<16x10xf32, #tpu.memory_space<vmem>>, vector<16x10xf32>
    tpu.vector_store %arg4[%swap3A, %swap3A_28], %div3A_27 {strides = array<i32>} : memref<16x10xf32, #tpu.memory_space<vmem>>, vector<16x10xf32>,
    return
  }
}

</mosaic_0001>

<sc_bundles>
// kernel: kernel.13.cloned.1.call-start
scs
__scs_entry_jumppad:
0x0: {  	(pc) =	sbr.rel $0x88, $3  }
0x1: {  	(tag) =	ssettag $0x0;
	lr =	simm.s32 $0x1  }
0x2: {  	[smem:$0x3F96] =	sst lr;
	_ =	strace $0xD0000000  }
0x3: {  	_ = 	snop  }
0x4: {  	_ = 	snop  }
0x5: {  	_ = 	snop  }
0x6: {  	_ = 	snop  }
0x7: {  	_ = 	snop  }
__scs_overlays_trampoline_lowered:
0x8: {  	[smem:$0x3FA5] =	sst s0  }
0x9: {  	[smem:$0x3FA6] =	sst s1  }
0xa: {  	[smem:$0x3FA7] =	sst s2  }
0xb: {  	[smem:$0x3FA8] =	sst s3  }
0xc: {  	[smem:$0x3FA9] =	sst s4  }
0xd: {  	[smem:$0x3FAA] =	sst s5  }
0xe: {  	[smem:$0x3FAB] =	sst s6  }
0xf: {  	[smem:$0x3FAC] =	sst s7  }
0x10: {  	[smem:$0x3FAD] =	sst s8  }
0x11: {  	[smem:$0x3FAE] =	sst s9;
	s0 =	simm.s32 @!p0 $0x0  }
0x12: {  	s1 =	sld [smem:$0x3F94];
	s0 =	simm.s32 @p0 $0x1  }
0x13: {  	[smem:$0x3FAF] =	sst s0;
	s0 =	simm.s32 @!p1 $0x0  }
0x14: {  	s2 =	sld [smem:$0x3F93];
	s0 =	simm.s32 @p1 $0x1  }
0x15: {  	[smem:$0x3FB0] =	sst s0;
	s0 =	simm.s32 @!p2 $0x0  }
0x16: {  	s3 =	sld [smem:$0x3FDB];
	s0 =	simm.s32 @p2 $0x1  }
0x17: {  	s4 =	simm.s32 $0x1BF5;
	[smem:$0x3FB2] =	sst s0  }
0x18: {  	s0 =	sld [smem:$0x3F95];
	_ =	swait.ge [sflag:s4], $0x0  }
0x19: {  	s7 =	sld [smem:$0x3F96]  }
0x1a: {  	s8 =	sadd.s32 $0xFFFFE003, lr  }
0x1b: {  	s9 =	sadd.s32 $0xFFFFFEF7, lr;
	s5 =	simm.s32 $0xFFFFFFFF;
	p2 =	slt.u32 s8, $0xFFFFF086  }
0x1c: {  	p1 =	slt.u32 s9, $0xF7A;
	s5 =	simm.s32 @!p2 $0x0  }
0x1d: {  	s5 =	simm.s32 @p1 $0x1;
	p0 =	seq.s32 s7, s2  }
0x1e: {  	s7 =	smul.u32 @!p0 $0xF7A, s2;
	p2 =	seq.s32 @!p0 s5, $0x0  }
0x1f: {  	s9 =	smul.u32 $0xF7A, s1;
	s8 =	simm.s32 @!p0 $0x1BF5;
	p2 =	por !p2, p0  }
0x20: {  	[sflag:s8] =	ssyncset.s32 @!p0 $0xFFFFF086;
	s6 =	sadd.s32 @!p0 s3, s7;
	s7 =	simm.s32 @!p0 $0x108  }
0x21: {  	s3 =	sadd.s32 s3, s9;
	s6 =	sadd.s32 @!p0 $0x88, s6;
	s7 =	simm.s32 @p2 $0x1082  }
0x22: {  	[simem:s7], [sflag:s8] =	dma.local @!p0 [hbm:s6], $0xF7A  }
0x23: {  	s9 =	sor.u32 $0xD0000000, s2;
	s6 =	simm.s32 $0x108;
	_ =	swait.ge @!p0 [sflag:s8], $0x0  }
0x24: {  	s3 =	sadd.s32 $0x88, s3;
	s6 =	simm.s32 @!p1 $0x1082;
	[sflag:s4] =	ssyncset.s32 $0xFFFFF086  }
0x25: {  	[simem:s6], [sflag:s4] =	dma.local [hbm:s3], $0xF7A  }
0x26: {  	[smem:$0x3F96] =	sst s1;
	(tag) =	ssettag s2;
	_ =	strace s9  }
0x27: {  	s1 =	sld [smem:$0x3FA6]  }
0x28: {  	s2 =	sld [smem:$0x3FA7]  }
0x29: {  	s4 =	sld [smem:$0x3FA9]  }
0x2a: {  	p0 =	seq.s32 s5, $0x0;
	s5 =	sld [smem:$0x3FAA]  }
0x2b: {  	s6 =	sld [smem:$0x3FAB]  }
0x2c: {  	s7 =	sld [smem:$0x3FAC]  }
0x2d: {  	s3 =	simm.s32 $0x108;
	s8 =	sld [smem:$0x3FAD]  }
0x2e: {  	s3 =	simm.s32 @!p0 $0x1082;
	s9 =	sld [smem:$0x3FAE]  }
0x2f: {  	lr =	sadd.s32 s0, s3;
	s0 =	sld [smem:$0x3FA5]  }
0x30: {  	s3 =	sld [smem:$0x3FA8]  }
0x31: {  	[smem:$0x3FB1] =	sst s10  }
0x32: {  	s10 =	sld [smem:$0x3FAF];
	_ =	sdelay $0x3  }
0x33: {  	p0 =	seq.s32 s10, $0x1;
	s10 =	sld [smem:$0x3FB1];
	_ =	sdelay $0x3  }
0x34: {  	[smem:$0x3FB1] =	sst s10  }
0x35: {  	s10 =	sld [smem:$0x3FB0];
	_ =	sdelay $0x3  }
0x36: {  	p1 =	seq.s32 s10, $0x1;
	s10 =	sld [smem:$0x3FB1];
	_ =	sdelay $0x3  }
0x37: {  	[smem:$0x3FB1] =	sst s10  }
0x38: {  	s10 =	sld [smem:$0x3FB2]  }
0x39: {  	_ = 	snop;
	(pc) =	sbr.ind lr, $3  }
0x3a: {  	_ = 	snop  }
0x3b: {  	_ = 	snop  }
0x3c: {  	p2 =	seq.s32 s10, $0x1;
	s10 =	sld [smem:$0x3FB1]  }
0x3d: {  	_ =	shalt  }
0x3e: {  	_ =	shalt  }
0x3f: {  	_ =	shalt  }
0x40: {  	_ =	shalt  }
0x41: {  	_ =	shalt  }
0x42: {  	_ =	shalt  }
0x43: {  	_ =	shalt  }
0x44: {  	_ =	shalt  }
0x45: {  	_ =	shalt  }
0x46: {  	_ =	shalt  }
0x47: {  	_ =	shalt  }
0x48: {  	_ =	shalt  }
0x49: {  	_ =	shalt  }
0x4a: {  	_ =	shalt  }
0x4b: {  	_ =	shalt  }
0x4c: {  	_ =	shalt  }
0x4d: {  	_ =	shalt  }
0x4e: {  	_ =	shalt  }
0x4f: {  	_ =	shalt  }
0x50: {  	_ =	shalt  }
0x51: {  	_ =	shalt  }
0x52: {  	_ =	shalt  }
0x53: {  	_ =	shalt  }
0x54: {  	_ =	shalt  }
0x55: {  	_ =	shalt  }
0x56: {  	_ =	shalt  }
0x57: {  	_ =	shalt  }
0x58: {  	_ =	shalt  }
0x59: {  	_ =	shalt  }
0x5a: {  	_ =	shalt  }
0x5b: {  	_ =	shalt  }
0x5c: {  	_ =	shalt  }
0x5d: {  	_ =	shalt  }
0x5e: {  	_ =	shalt  }
0x5f: {  	_ =	shalt  }
0x60: {  	_ =	shalt  }
0x61: {  	_ =	shalt  }
0x62: {  	_ =	shalt  }
0x63: {  	_ =	shalt  }
0x64: {  	_ =	shalt  }
0x65: {  	_ =	shalt  }
0x66: {  	_ =	shalt  }
0x67: {  	_ =	shalt  }
0x68: {  	_ =	shalt  }
0x69: {  	_ =	shalt  }
0x6a: {  	_ =	shalt  }
0x6b: {  	_ =	shalt  }
0x6c: {  	_ =	shalt  }
0x6d: {  	_ =	shalt  }
0x6e: {  	_ =	shalt  }
0x6f: {  	_ =	shalt  }
0x70: {  	_ =	shalt  }
0x71: {  	_ =	shalt  }
0x72: {  	_ =	shalt  }
0x73: {  	_ =	shalt  }
0x74: {  	_ =	shalt  }
0x75: {  	_ =	shalt  }
0x76: {  	_ =	shalt  }
0x77: {  	_ =	shalt  }
0x78: {  	_ =	shalt  }
0x79: {  	_ =	shalt  }
0x7a: {  	_ =	shalt  }
0x7b: {  	_ =	shalt  }
0x7c: {  	_ =	shalt  }
0x7d: {  	_ =	shalt  }
0x7e: {  	_ =	shalt  }
0x7f: {  	_ =	shalt  }
0x80: {  	_ =	shalt  }
0x81: {  	_ =	shalt  }
0x82: {  	_ =	shalt  }
0x83: {  	_ =	shalt  }
0x84: {  	_ =	shalt  }
0x85: {  	_ =	shalt  }
0x86: {  	_ =	shalt  }
0x87: {  	_ =	shalt  }
.Lfunc_end0:
.L_simem_size_0:
called_computation_lowered:
.L_overlay_start_0:
0x88: {  	s2 =	sld [smem:$0x3FD9]  }
0x89: {  	s3 =	sld [smem:$0x3FFE];
	_ =	sdelay $0x1  }
0x8a: {  	s1 =	srdreg.scid  }
0x8b: {  	s0 =	sand.u32 $0x1, s1  }
0x8c: {  	s17 =	sshll.u32 s0, $0xA;
	s2 =	sadd.s32 s3, s2  }
0x8d: {  	s2 =	sadd.s32 s2, s17  }
0x8e: {  	[smem:$0x3FBD] =	sst s2  }
0x8f: {  	_ = 	snop  }
0x90: {  	s2 =	sld [smem:$0x3FD0];
	(tm) =	ssettm $0x1  }
0x91: {  	s18 =	sld [smem:$0x3FFB];
	_ =	sdelay $0x3  }
0x92: {  	_ =	strace s18  }
0x93: {  	s3 =	sld [smem:$0x3FFC];
	_ =	sdelay $0x3  }
0x94: {  	_ =	strace s3  }
0x95: {  	s3 =	sld [smem:$0x3FFD];
	_ =	sdelay $0x3  }
0x96: {  	_ =	strace s3  }
0x97: {  	_ =	strace $0x8FFFFFFF  }
0x98: {  	s19 =	sld [smem:$0x3FDB];
	_ =	sdelay $0x1  }
0x99: {  	s4 =	simm.s32 $_scs_section_size  }
0x9a: {  	s5 =	simm.s32 $_size__tile_overlayer_lowered;
	s6 =	simm.s32 $_tile_overlayer_lowered  }
0x9b: {  	s22 =	simm.s32 $0x1BFF;
	s21 =	sshll.u32 s6, $0x1;
	s3 =	sadd.s32 s4, s19  }
0x9c: {  	s7 =	simm.s32 $0x0;
	s20 =	sshll.u32 s5, $0x1;
	s5 =	sadd.s32 s21, s3  }
0x9d: {  	[timem:s7], [sflag:s22] =	dma.local [hbm:s5], s20  }
0x9e: {  	_ =	swait.ge [sflag:s22], s20  }
0x9f: {  	s4 =	ssub.s32 $0x0, s20;
	[sflag:s22] =	ssyncset.done $0x0  }
0xa0: {  	[sflag:s22] =	ssyncadd.s32 s4;
	_ =	sdelay $0x1  }
0xa1: {  	s23 =	simm.s32 $0x1B8B  }
0xa2: {  	_ =	swait.ge [sflag:s23], $0x1  }
0xa3: {  	[sflag:s23] =	ssyncset.done $0x0  }
0xa4: {  	s25 =	simm.s32 $0x1B8E;
	s24 =	sld [smem:$0x3FFE];
	[sflag:s23] =	ssyncadd.s32 $0xFFFFFFFF  }
0xa5: {  	s26 =	simm.s32 $execute0_lowered;
	[smem:$0x3FD2] =	sst s25  }
0xa6: {  	s5 =	sshll.u32 s26, $0x1;
	_ =	strace $0x80000046;
	[dreg:$0x1] =	wrdreg $0xFFFFFFFF  }
0xa7: {  	s28 =	simm.s32 $_size_execute0_lowered;
	s3 =	sadd.s32 s3, s5;
	[dreg:$0x0] =	wrdreg $0x0  }
0xa8: {  	s5 =	sshll.u32 s28, $0x1;
	[dreg:$0x2] =	wrdreg s3  }
0xa9: {  	[dreg:$0x3] =	wrdreg s5  }
0xaa: {  	[dreg:$0x4] =	wrdreg $0xC0  }
0xab: {  	_ =	task [dreg:s7], $0x5FFFF  }
0xac: {  	[dreg:$0x1] =	wrdreg $0xFFFFFFFF  }
0xad: {  	[dreg:$0x0] =	wrdreg $0x60  }
0xae: {  	[dreg:$0x2] =	wrdreg s24  }
0xaf: {  	[dreg:$0x3] =	wrdreg s2  }
0xb0: {  	[dreg:$0x4] =	wrdreg $0x2F800  }
0xb1: {  	[dreg:$0x5] =	wrdreg $0x9  }
0xb2: {  	_ =	task.clear_ibuf [dreg:s7], $0x6FFFF;
	_ =	strace $0x90000046  }
0xb3: {  	s29 =	simm.s32 $0x9;
	_ =	strace $0x80000048  }
0xb4: {  	_ =	swait.ge [sflag:s29], $0x1  }
0xb5: {  	[sflag:s29] =	ssyncadd.s32 $0xFFFFFFFF  }
0xb6: {  	_ =	strace $0x90000048  }
0xb7: {  	_ =	sfence  }
0xb8: {  	s30 =	sld [smem:$0x0];
	_ =	sdelay $0x2  }
0xb9: {  	s31 =	sshll.u32 s1, $0xD;
	s1 =	sshrl.u32 s1, $0x2  }
0xba: {  	s3 =	sand.u32 $0x4000, s31;
	s1 =	sadd.s32 s1, s30  }
0xbb: {  	s0 =	sor.u32 s3, s0;
	s1 =	sshll.u32 s1, $0x11  }
0xbc: {  	s0 =	sor.u32 s1, s0  }
0xbd: {  	s0 =	sadd.s32 $0x8F2B, s0  }
0xbe: {  	[sflag:s0] =	ssyncadd.remote.s32 $0x1  }
0xbf: {  	_ =	sfence.sel $0xFFFF  }
0xc0: {  	[dreg:$0x0] =	wrdreg $0xFFFFFFFF;
	(pc) =	sbr.abs _section_cstart, $3  }
0xc1: {  	[dreg:$0x1] =	wrdreg $0xFFFFFFFF  }
0xc2: {  	_ =	task.clear_ibuf [dreg:s7], $0x2FFFF;
	_ =	strace $0x9FFFFFFF  }
0xc3: {  	(tm) =	ssettm $0x7FFFFFFF  }
tec
execute0_lowered:
.L_overlay_start_1:
0x0: {  	(tag) =	ssettag $0x1  }
0x1: {  	s5 =	rddreg [dreg:$0x0]  }
0x2: {  	s1 =	rddreg [dreg:$0x1]  }
0x3: {  	s2 =	rddreg [dreg:$0x2]  }
0x4: {  	s4 =	srdreg.scid;
	s0 =	rddreg [dreg:$0x3]  }
0x5: {  	s3 =	simm.s32 $0x0;
	s8 =	stileid.u32;
	s12 =	simm.s32 $0x0  }
0x6: {  	s4 =	sand.u32 $0x1, s4;
	[smem:$0x7FF] =	sst s3;
	s10 =	smul.u32 $0x4F0, s8  }
0x7: {  	p0 =	sne.s32 s8, $0x0;
	s8 =	simm.s32 $0x1;
	s6 =	smul.u32 $0x4F00, s4  }
0x8: {  	s7 =	smul.u32 $0x4E40, s4;
	_ =	strace $0x80000047;
	s9 =	ssub.s32 $0x2, s4  }
0x9: {  	s4 =	sadd.s32 $0xCA00, s5;
	s11 =	sshrl.u32 s9, $0x1;
	s6 =	sadd.s32 s6, s5  }
0xa: {  	s7 =	sadd.s32 s7, s5;
	s9 =	ssub.s32 s9, s11;
	s11 =	simm.s32 $0x80  }
0xb: {  	s31 =	sadd.s32 s10, s6;
	s6 =	sadd.s32 $0x11A00, s7;
	s7 =	smax.u32 s9, $0x1  }
0xc: {  	s9 =	simm.s32 $0x2780;
	s10 =	sshrl.u32 @!p0 s2, $0x3;
	s5 =	sadd.s32 $0x2C00, s31  }
.LBB2_1:
0xd: {  	[tilespmem:s3], [sflag:$0x1] =	stream.linear.gather [hbm4b:s5+s3], $0x2780, $0x38;
	[tilespmem:$0x56A0] =	vst v63  }
0xe: {  	_ =	swait.ge [sflag:s8], $0x2780  }
0xf: {  	[sflag:s8] =	ssyncset.done $0x0  }
0x10: {  	[sflag:s8] =	ssyncadd.s32 $0xFFFFD880  }
0x11: {  	[tilespmem:s9], [sflag:$0x1] =	stream.linear.gather [hbm4b:s1+s3], $0x800, $0x38;
	[tilespmem:$0x56A0] =	vst v63  }
0x12: {  	_ =	swait.ge [sflag:s8], $0x800  }
0x13: {  	[sflag:s8] =	ssyncset.done $0x0  }
0x14: {  	s13 =	simm.s32 @!p0 $0x1C01;
	[sflag:s8] =	ssyncadd.s32 $0xFFFFF800  }
0x15: {  	[spmem:s10], [sflag:s13] =	dma.local @!p0 [hbm:s4], $0x4E40  }
0x16: {  	s13 =	simm.s32 @!p0 $0x1  }
0x17: {  	_ =	swait.ge @!p0 [sflag:s13], $0x4E40  }
0x18: {  	[sflag:s13] =	ssyncset.done @!p0 $0x0  }
0x19: {  	[sflag:s13] =	ssyncadd.s32 @!p0 $0xFFFFB1C0  }
0x1a: {  	s31 =	simm.s32 $0x0;
	[bflag:$0x0] =	sbarrier.arrive $0xFFFF  }
0x1b: {  	[spmem:s2] =	stream.indirect.scatter.add.f32 [tilespmem:s9], [sflag:$0x1], $0x10, s31, s11, $0xb8;
	[tilespmem:$0x56A0] =	vst v63  }
0x1c: {  	_ =	swait.ge [sflag:s8], $0x800  }
0x1d: {  	s13 =	simm.s32 $0x200;
	[sflag:s8] =	ssyncset.done $0x0  }
.LBB2_2:
0x1e: {  	s14 =	sshra.s32 s13, $0x2;
	[sflag:s8] =	ssyncadd.s32 $0xFFFFF800;
	p1 =	sne.s32 s13, $0x9C00  }
0x1f: {  	[spmem:s2] =	stream.indirect.scatter.add.f32 [tilespmem:s9], [sflag:$0x1], $0x10, s14, s11, $0xb8;
	[tilespmem:$0x56A0] =	vst v63  }
.Ltmp0:
0x20: {  	_ = 	snop;
	(pc) =	sbr.rel @p1 .LBB2_2-.Ltmp0, $4  }
0x21: {  	_ = 	snop  }
0x22: {  	s13 =	sadd.s32 $0x200, s13  }
0x23: {  	_ =	swait.ge [sflag:s8], $0x800  }
0x24: {  	[sflag:s8] =	ssyncset.done $0x0  }
0x25: {  	[sflag:s8] =	ssyncadd.s32 $0xFFFFF800;
	s12 =	sadd.s32 $0x1, s12  }
0x26: {  	s13 =	simm.s32 @!p0 $0x1C01;
	[bflag:$0x0] =	sbarrier.arrive $0xFFFF;
	p1 =	sne.s32 s12, s7  }
0x27: {  	[hbm:s6], [sflag:s13] =	dma.local @!p0 [spmem:s10], $0x4E40  }
.Ltmp1:
0x28: {  	_ = 	snop;
	(pc) =	sbr.rel @p1 .LBB2_1-.Ltmp1, $4  }
0x29: {  	s13 =	simm.s32 @!p0 $0x1  }
0x2a: {  	_ =	swait.ge @!p0 [sflag:s13], $0x4E40  }
0x2b: {  	[sflag:s13] =	ssyncset.done @!p0 $0x0  }
0x2c: {  	[sflag:s13] =	ssyncadd.s32 @!p0 $0xFFFFB1C0  }
0x2d: {  	_ =	sfence.sel $0x180000  }
0x2e: {  	[bflag:$0x0] =	sbarrier.arrive $0xFFFF  }
0x2f: {  	_ =	strace $0x90000047  }
0x30: {  	s0 =	sadd.s32 @!p0 $0x100000, s0;
	[bflag:$0x2] =	sbarrier.arrive $0xFFFF  }
0x31: {  	[sflag:s0] =	ssyncadd.tile.s32 @!p0 $0x1;
	_ =	shalt  }
.Lfunc_end2:
_tile_overlayer_lowered:
.L_overlay_start_2:
0x32: {  	(tag) =	ssettag $0x2  }
0x33: {  	s0 =	rddreg [dreg:$0x0];
	s2 =	stileid.u32  }
0x34: {  	s1 =	rddreg [dreg:$0x1];
	p0 =	sne.s32 s2, $0x0  }
0x35: {  	s3 =	rddreg [dreg:$0x2];
	[bflag:$0x3] =	sbarrier.arrive $0xFFFF;
	s2 =	simm.s32 @!p0 $0x1C01  }
0x36: {  	[timem:s3], [sflag:s2] =	dma.local @!p0 [hbm:s0], s1  }
0x37: {  	s0 =	simm.s32 @!p0 $0x1  }
0x38: {  	_ =	swait.ge @!p0 [sflag:s0], s1  }
0x39: {  	s1 =	ssub.s32 @!p0 $0x0, s1;
	[sflag:s0] =	ssyncset.done @!p0 $0x0  }
0x3a: {  	[sflag:s0] =	ssyncadd.s32 @!p0 s1  }
0x3b: {  	[bflag:$0x3] =	sbarrier.arrive $0xFFFF  }
0x3c: {  	_ =	shalt  }

// kernel: kernel.16.cloned.1.call-start
scs
__scs_entry_jumppad:
0x0: {  	(pc) =	sbr.rel $0x88, $3  }
0x1: {  	(tag) =	ssettag $0x0;
	lr =	simm.s32 $0x1  }
0x2: {  	[smem:$0x3F96] =	sst lr;
	_ =	strace $0xD0000000  }
0x3: {  	_ = 	snop  }
0x4: {  	_ = 	snop  }
0x5: {  	_ = 	snop  }
0x6: {  	_ = 	snop  }
0x7: {  	_ = 	snop  }
__scs_overlays_trampoline_lowered:
0x8: {  	[smem:$0x3FA5] =	sst s0  }
0x9: {  	[smem:$0x3FA6] =	sst s1  }
0xa: {  	[smem:$0x3FA7] =	sst s2  }
0xb: {  	[smem:$0x3FA8] =	sst s3  }
0xc: {  	[smem:$0x3FA9] =	sst s4  }
0xd: {  	[smem:$0x3FAA] =	sst s5  }
0xe: {  	[smem:$0x3FAB] =	sst s6  }
0xf: {  	[smem:$0x3FAC] =	sst s7  }
0x10: {  	[smem:$0x3FAD] =	sst s8  }
0x11: {  	[smem:$0x3FAE] =	sst s9;
	s0 =	simm.s32 @!p0 $0x0  }
0x12: {  	s1 =	sld [smem:$0x3F94];
	s0 =	simm.s32 @p0 $0x1  }
0x13: {  	[smem:$0x3FAF] =	sst s0;
	s0 =	simm.s32 @!p1 $0x0  }
0x14: {  	s2 =	sld [smem:$0x3F93];
	s0 =	simm.s32 @p1 $0x1  }
0x15: {  	[smem:$0x3FB0] =	sst s0;
	s0 =	simm.s32 @!p2 $0x0  }
0x16: {  	s3 =	sld [smem:$0x3FDB];
	s0 =	simm.s32 @p2 $0x1  }
0x17: {  	s4 =	simm.s32 $0x1BF5;
	[smem:$0x3FB2] =	sst s0  }
0x18: {  	s0 =	sld [smem:$0x3F95];
	_ =	swait.ge [sflag:s4], $0x0  }
0x19: {  	s7 =	sld [smem:$0x3F96]  }
0x1a: {  	s8 =	sadd.s32 $0xFFFFE003, lr  }
0x1b: {  	s9 =	sadd.s32 $0xFFFFFEF7, lr;
	s5 =	simm.s32 $0xFFFFFFFF;
	p2 =	slt.u32 s8, $0xFFFFF086  }
0x1c: {  	p1 =	slt.u32 s9, $0xF7A;
	s5 =	simm.s32 @!p2 $0x0  }
0x1d: {  	s5 =	simm.s32 @p1 $0x1;
	p0 =	seq.s32 s7, s2  }
0x1e: {  	s7 =	smul.u32 @!p0 $0xF7A, s2;
	p2 =	seq.s32 @!p0 s5, $0x0  }
0x1f: {  	s9 =	smul.u32 $0xF7A, s1;
	s8 =	simm.s32 @!p0 $0x1BF5;
	p2 =	por !p2, p0  }
0x20: {  	[sflag:s8] =	ssyncset.s32 @!p0 $0xFFFFF086;
	s6 =	sadd.s32 @!p0 s3, s7;
	s7 =	simm.s32 @!p0 $0x108  }
0x21: {  	s3 =	sadd.s32 s3, s9;
	s6 =	sadd.s32 @!p0 $0x88, s6;
	s7 =	simm.s32 @p2 $0x1082  }
0x22: {  	[simem:s7], [sflag:s8] =	dma.local @!p0 [hbm:s6], $0xF7A  }
0x23: {  	s9 =	sor.u32 $0xD0000000, s2;
	s6 =	simm.s32 $0x108;
	_ =	swait.ge @!p0 [sflag:s8], $0x0  }
0x24: {  	s3 =	sadd.s32 $0x88, s3;
	s6 =	simm.s32 @!p1 $0x1082;
	[sflag:s4] =	ssyncset.s32 $0xFFFFF086  }
0x25: {  	[simem:s6], [sflag:s4] =	dma.local [hbm:s3], $0xF7A  }
0x26: {  	[smem:$0x3F96] =	sst s1;
	(tag) =	ssettag s2;
	_ =	strace s9  }
0x27: {  	s1 =	sld [smem:$0x3FA6]  }
0x28: {  	s2 =	sld [smem:$0x3FA7]  }
0x29: {  	s4 =	sld [smem:$0x3FA9]  }
0x2a: {  	p0 =	seq.s32 s5, $0x0;
	s5 =	sld [smem:$0x3FAA]  }
0x2b: {  	s6 =	sld [smem:$0x3FAB]  }
0x2c: {  	s7 =	sld [smem:$0x3FAC]  }
0x2d: {  	s3 =	simm.s32 $0x108;
	s8 =	sld [smem:$0x3FAD]  }
0x2e: {  	s3 =	simm.s32 @!p0 $0x1082;
	s9 =	sld [smem:$0x3FAE]  }
0x2f: {  	lr =	sadd.s32 s0, s3;
	s0 =	sld [smem:$0x3FA5]  }
0x30: {  	s3 =	sld [smem:$0x3FA8]  }
0x31: {  	[smem:$0x3FB1] =	sst s10  }
0x32: {  	s10 =	sld [smem:$0x3FAF];
	_ =	sdelay $0x3  }
0x33: {  	p0 =	seq.s32 s10, $0x1;
	s10 =	sld [smem:$0x3FB1];
	_ =	sdelay $0x3  }
0x34: {  	[smem:$0x3FB1] =	sst s10  }
0x35: {  	s10 =	sld [smem:$0x3FB0];
	_ =	sdelay $0x3  }
0x36: {  	p1 =	seq.s32 s10, $0x1;
	s10 =	sld [smem:$0x3FB1];
	_ =	sdelay $0x3  }
0x37: {  	[smem:$0x3FB1] =	sst s10  }
0x38: {  	s10 =	sld [smem:$0x3FB2]  }
0x39: {  	_ = 	snop;
	(pc) =	sbr.ind lr, $3  }
0x3a: {  	_ = 	snop  }
0x3b: {  	_ = 	snop  }
0x3c: {  	p2 =	seq.s32 s10, $0x1;
	s10 =	sld [smem:$0x3FB1]  }
0x3d: {  	_ =	shalt  }
0x3e: {  	_ =	shalt  }
0x3f: {  	_ =	shalt  }
0x40: {  	_ =	shalt  }
0x41: {  	_ =	shalt  }
0x42: {  	_ =	shalt  }
0x43: {  	_ =	shalt  }
0x44: {  	_ =	shalt  }
0x45: {  	_ =	shalt  }
0x46: {  	_ =	shalt  }
0x47: {  	_ =	shalt  }
0x48: {  	_ =	shalt  }
0x49: {  	_ =	shalt  }
0x4a: {  	_ =	shalt  }
0x4b: {  	_ =	shalt  }
0x4c: {  	_ =	shalt  }
0x4d: {  	_ =	shalt  }
0x4e: {  	_ =	shalt  }
0x4f: {  	_ =	shalt  }
0x50: {  	_ =	shalt  }
0x51: {  	_ =	shalt  }
0x52: {  	_ =	shalt  }
0x53: {  	_ =	shalt  }
0x54: {  	_ =	shalt  }
0x55: {  	_ =	shalt  }
0x56: {  	_ =	shalt  }
0x57: {  	_ =	shalt  }
0x58: {  	_ =	shalt  }
0x59: {  	_ =	shalt  }
0x5a: {  	_ =	shalt  }
0x5b: {  	_ =	shalt  }
0x5c: {  	_ =	shalt  }
0x5d: {  	_ =	shalt  }
0x5e: {  	_ =	shalt  }
0x5f: {  	_ =	shalt  }
0x60: {  	_ =	shalt  }
0x61: {  	_ =	shalt  }
0x62: {  	_ =	shalt  }
0x63: {  	_ =	shalt  }
0x64: {  	_ =	shalt  }
0x65: {  	_ =	shalt  }
0x66: {  	_ =	shalt  }
0x67: {  	_ =	shalt  }
0x68: {  	_ =	shalt  }
0x69: {  	_ =	shalt  }
0x6a: {  	_ =	shalt  }
0x6b: {  	_ =	shalt  }
0x6c: {  	_ =	shalt  }
0x6d: {  	_ =	shalt  }
0x6e: {  	_ =	shalt  }
0x6f: {  	_ =	shalt  }
0x70: {  	_ =	shalt  }
0x71: {  	_ =	shalt  }
0x72: {  	_ =	shalt  }
0x73: {  	_ =	shalt  }
0x74: {  	_ =	shalt  }
0x75: {  	_ =	shalt  }
0x76: {  	_ =	shalt  }
0x77: {  	_ =	shalt  }
0x78: {  	_ =	shalt  }
0x79: {  	_ =	shalt  }
0x7a: {  	_ =	shalt  }
0x7b: {  	_ =	shalt  }
0x7c: {  	_ =	shalt  }
0x7d: {  	_ =	shalt  }
0x7e: {  	_ =	shalt  }
0x7f: {  	_ =	shalt  }
0x80: {  	_ =	shalt  }
0x81: {  	_ =	shalt  }
0x82: {  	_ =	shalt  }
0x83: {  	_ =	shalt  }
0x84: {  	_ =	shalt  }
0x85: {  	_ =	shalt  }
0x86: {  	_ =	shalt  }
0x87: {  	_ =	shalt  }
.Lfunc_end0:
.L_simem_size_0:
called_computation.1_lowered:
.L_overlay_start_0:
0x88: {  	s2 =	sld [smem:$0x3FD9]  }
0x89: {  	s3 =	sld [smem:$0x3FFE];
	_ =	sdelay $0x1  }
0x8a: {  	s1 =	srdreg.scid  }
0x8b: {  	s0 =	sand.u32 $0x1, s1  }
0x8c: {  	s16 =	sshll.u32 s0, $0xA;
	s2 =	sadd.s32 s3, s2  }
0x8d: {  	s2 =	sadd.s32 s2, s16  }
0x8e: {  	[smem:$0x3FBD] =	sst s2  }
0x8f: {  	_ = 	snop  }
0x90: {  	(tm) =	ssettm $0x1  }
0x91: {  	s17 =	sld [smem:$0x3FFB];
	_ =	sdelay $0x3  }
0x92: {  	_ =	strace s17  }
0x93: {  	s2 =	sld [smem:$0x3FFC];
	_ =	sdelay $0x3  }
0x94: {  	_ =	strace s2  }
0x95: {  	s2 =	sld [smem:$0x3FFD];
	_ =	sdelay $0x3  }
0x96: {  	_ =	strace s2  }
0x97: {  	_ =	strace $0x8FFFFFFF  }
0x98: {  	s18 =	sld [smem:$0x3FDB];
	_ =	sdelay $0x1  }
0x99: {  	s19 =	simm.s32 $_scs_section_size  }
0x9a: {  	s4 =	simm.s32 $_size__tile_overlayer_lowered;
	s5 =	simm.s32 $_tile_overlayer_lowered  }
0x9b: {  	s22 =	simm.s32 $0x1BFF;
	s21 =	sshll.u32 s5, $0x1;
	s2 =	sadd.s32 s19, s18  }
0x9c: {  	s6 =	simm.s32 $0x0;
	s20 =	sshll.u32 s4, $0x1;
	s4 =	sadd.s32 s21, s2  }
0x9d: {  	[timem:s6], [sflag:s22] =	dma.local [hbm:s4], s20  }
0x9e: {  	_ =	swait.ge [sflag:s22], s20  }
0x9f: {  	s3 =	ssub.s32 $0x0, s20;
	[sflag:s22] =	ssyncset.done $0x0  }
0xa0: {  	[sflag:s22] =	ssyncadd.s32 s3;
	_ =	sdelay $0x1  }
0xa1: {  	s23 =	simm.s32 $0x1B8B  }
0xa2: {  	_ =	swait.ge [sflag:s23], $0x1  }
0xa3: {  	[sflag:s23] =	ssyncset.done $0x0  }
0xa4: {  	s25 =	simm.s32 $0x1B8E;
	s24 =	sld [smem:$0x3FFE];
	[sflag:s23] =	ssyncadd.s32 $0xFFFFFFFF  }
0xa5: {  	s26 =	simm.s32 $execute0_lowered;
	[smem:$0x3FD2] =	sst s25  }
0xa6: {  	s4 =	sshll.u32 s26, $0x1;
	_ =	strace $0x80000049;
	[dreg:$0x1] =	wrdreg $0xFFFFFFFF  }
0xa7: {  	s28 =	simm.s32 $_size_execute0_lowered;
	s2 =	sadd.s32 s2, s4;
	[dreg:$0x0] =	wrdreg $0x0  }
0xa8: {  	s4 =	sshll.u32 s28, $0x1;
	[dreg:$0x2] =	wrdreg s2  }
0xa9: {  	[dreg:$0x3] =	wrdreg s4  }
0xaa: {  	[dreg:$0x4] =	wrdreg $0xC0  }
0xab: {  	_ =	task [dreg:s6], $0x5FFFF  }
0xac: {  	[dreg:$0x1] =	wrdreg $0xFFFFFFFF  }
0xad: {  	[dreg:$0x0] =	wrdreg $0x60  }
0xae: {  	[dreg:$0x2] =	wrdreg s24  }
0xaf: {  	[dreg:$0x3] =	wrdreg $0x15D000  }
0xb0: {  	[dreg:$0x4] =	wrdreg $0x9  }
0xb1: {  	_ =	task.clear_ibuf [dreg:s6], $0x5FFFF;
	_ =	strace $0x90000049  }
0xb2: {  	s29 =	simm.s32 $0x9;
	_ =	strace $0x8000004B  }
0xb3: {  	_ =	swait.ge [sflag:s29], $0x1  }
0xb4: {  	[sflag:s29] =	ssyncadd.s32 $0xFFFFFFFF  }
0xb5: {  	_ =	strace $0x9000004B  }
0xb6: {  	_ =	sfence  }
0xb7: {  	s30 =	sld [smem:$0x0];
	_ =	sdelay $0x2  }
0xb8: {  	s31 =	sshll.u32 s1, $0xD;
	s1 =	sshrl.u32 s1, $0x2  }
0xb9: {  	s3 =	sand.u32 $0x4000, s31;
	s1 =	sadd.s32 s1, s30  }
0xba: {  	s0 =	sor.u32 s3, s0;
	s1 =	sshll.u32 s1, $0x11  }
0xbb: {  	s0 =	sor.u32 s1, s0  }
0xbc: {  	s0 =	sadd.s32 $0x8F2B, s0  }
0xbd: {  	[sflag:s0] =	ssyncadd.remote.s32 $0x1  }
0xbe: {  	_ =	sfence.sel $0xFFFF  }
0xbf: {  	[dreg:$0x0] =	wrdreg $0xFFFFFFFF;
	(pc) =	sbr.abs _section_cstart, $3  }
0xc0: {  	[dreg:$0x1] =	wrdreg $0xFFFFFFFF  }
0xc1: {  	_ =	task.clear_ibuf [dreg:s6], $0x2FFFF;
	_ =	strace $0x9FFFFFFF  }
0xc2: {  	(tm) =	ssettm $0x7FFFFFFF  }
0xc3: {  	_ =	shalt  }
tec
execute0_lowered:
.L_overlay_start_1:
0x0: {  	(tag) =	ssettag $0x1  }
0x1: {  	s0 =	rddreg [dreg:$0x0]  }
0x2: {  	s1 =	rddreg [dreg:$0x1]  }
0x3: {  	s8 =	stileid.u32;
	s3 =	srdreg.scid;
	s2 =	simm.s32 $0x0  }
0x4: {  	s11 =	simm.s32 $0x80;
	s20 =	simm.s32 $0x8;
	s21 =	simm.s32 $0x9  }
0x5: {  	s22 =	simm.s32 $0xA;
	s23 =	simm.s32 $0xB;
	s24 =	simm.s32 $0xC  }
0x6: {  	s25 =	simm.s32 $0x7;
	s26 =	simm.s32 $0x0;
	s4 =	smul.u32 $0x9D0, s8  }
0x7: {  	s3 =	sand.u32 $0x1, s3;
	[smem:$0x7FF] =	sst s2;
	p0 =	sne.s32 s8, $0x0  }
0x8: {  	s8 =	simm.s32 $0xD;
	s5 =	smul.u32 $0x13900, s3;
	s3 =	ssub.s32 $0x2, s3  }
0x9: {  	_ =	strace $0x8000004A;
	s10 =	sshrl.u32 @!p0 s1, $0x3;
	s4 =	sadd.s32 s4, s0  }
0xa: {  	s6 =	sshrl.u32 s3, $0x1;
	s0 =	sadd.s32 s5, s0;
	s31 =	sadd.s32 $0x1B800, s4  }
0xb: {  	s7 =	ssub.s32 s3, s6;
	s4 =	sadd.s32 $0x25600, s4;
	[dreg:$0x3] =	wrdreg s31  }
0xc: {  	s5 =	sadd.s32 $0x2F400, s0;
	s6 =	sadd.s32 $0x56600, s0;
	s7 =	smax.u32 s7, $0x1  }
.LBB2_1:
0xd: {  	s0 =	rddreg [dreg:$0x3]  }
0xe: {  	[tilespmem:s2], [sflag:$0xD] =	stream.linear.gather [hbm4b:s0+s2], $0x4E80, $0x38;
	[tilespmem:$0x1F980] =	vst v63  }
0xf: {  	_ =	swait.ge [sflag:s8], $0x4E80  }
0x10: {  	[sflag:s8] =	ssyncset.done $0x0  }
0x11: {  	s3 =	simm.s32 $0x4E80;
	[sflag:s8] =	ssyncadd.s32 $0xFFFFB180  }
0x12: {  	[tilespmem:s3], [sflag:$0xD] =	stream.linear.gather [hbm4b:s4+s2], $0x4E80, $0x38;
	[tilespmem:$0x1F980] =	vst v63  }
0x13: {  	_ =	swait.ge [sflag:s8], $0x4E80  }
0x14: {  	[sflag:s8] =	ssyncset.done $0x0  }
0x15: {  	s0 =	simm.s32 @!p0 $0x1C0D;
	[sflag:s8] =	ssyncadd.s32 $0xFFFFB180  }
0x16: {  	[spmem:s10], [sflag:s0] =	dma.local @!p0 [hbm:s5], $0x13900  }
0x17: {  	s0 =	simm.s32 @!p0 $0xD  }
0x18: {  	_ =	swait.ge @!p0 [sflag:s0], $0x13900  }
0x19: {  	s9 =	simm.s32 $0x9D00;
	[sflag:s0] =	ssyncset.done @!p0 $0x0  }
0x1a: {  	s12 =	simm.s32 $0xBD00;
	s13 =	simm.s32 $0x100;
	[sflag:s0] =	ssyncadd.s32 @!p0 $0xFFFEC700  }
0x1b: {  	s14 =	simm.s32 $0x180;
	s15 =	simm.s32 $0xFD00;
	[bflag:$0x0] =	sbarrier.arrive $0xFFFF  }
0x1c: {  	[tilespmem:s9], [sflag:$0x1] =	stream.indirect.gather [hbm4b:s5+s11], $0x40, s2, s11, $0xb8;
	[tilespmem:$0x1F980] =	vst v63  }
0x1d: {  	s16 =	smul.u32 $0xAB, s2;
	s17 =	simm.s32 $0x200;
	s18 =	simm.s32 $0x5  }
0x1e: {  	[tilespmem:s12], [sflag:$0x2] =	stream.indirect.gather [hbm4b:s5+s11], $0x40, s11, s11, $0xb8;
	[tilespmem:$0x1F980] =	vst v63  }
0x1f: {  	s30 =	simm.s32 $0x280;
	s3 =	simm.s32 $0xDD00;
	s0 =	sshrl.u32 s16, $0xA  }
0x20: {  	[tilespmem:s3], [sflag:$0x3] =	stream.indirect.gather [hbm4b:s5+s11], $0x40, s13, s11, $0xb8;
	[tilespmem:$0x1F980] =	vst v63  }
0x21: {  	s29 =	simm.s32 $0x1;
	p2 =	por $0x0, $0x0;
	s0 =	sand.u32 $0x3F, s0  }
0x22: {  	[tilespmem:s15], [sflag:$0x4] =	stream.indirect.gather [hbm4b:s5+s11], $0x40, s14, s11, $0xb8;
	[tilespmem:$0x1F980] =	vst v63  }
0x23: {  	s19 =	sand.u32 $0xFF, s18;
	s9 =	simm.s32 $0x11D00;
	s12 =	smul.u32 $0x6, s0  }
0x24: {  	[tilespmem:s9], [sflag:$0x5] =	stream.indirect.gather [hbm4b:s5+s11], $0x40, s17, s11, $0xb8;
	[tilespmem:$0x1F980] =	vst v63  }
0x25: {  	s31 =	simm.s32 $0x4F00;
	p1 =	por @!p2 $0x1, $0x1;
	s9 =	smul.u32 $0xAB, s19  }
0x26: {  	s28 =	simm.s32 $0x300;
	p1 =	por p1, p2;
	s12 =	ssub.s32 $0x0, s12  }
0x27: {  	s0 =	simm.s32 $0x2;
	s13 =	sand.u32 $0xFF, s12;
	s9 =	sshrl.u32 s9, $0xA  }
0x28: {  	s15 =	sshll.u32 s13, $0xD;
	s16 =	sadd.s32 $0x1, s13;
	s9 =	smul.u32 $0x6, s9  }
0x29: {  	s14 =	sadd.s32 $0x7, s13;
	s13 =	smul.u32 $0xAB, s29;
	_ =	swait.ge [sflag:s16], $0x2000  }
0x2a: {  	s15 =	sadd.s32 $0x9D00, s15;
	[sflag:s16] =	ssyncset.done $0x0;
	s9 =	ssub.s32 $0x5, s9  }
0x2b: {  	[sflag:s16] =	ssyncadd.s32 $0xFFFFE000;
	s12 =	sand.u32 $0xFF, s9;
	s9 =	simm.s32 $0x4E80  }
.LBB2_2:
0x2c: {  	[spmem:s1] =	stream.indirect.scatter.add.f32 [tilespmem:s15], [sflag:s14], $0x40, s9, s11, $0xb8;
	[tilespmem:$0x1F980] =	vst v63  }
0x2d: {  	s14 =	smov.u32 s0;
	s9 =	smov.u32 s31;
	p3 =	por p2, p2  }
0x2e: {  	s15 =	sadd.s32 $0x5, s29;
	s13 =	sshrl.u32 s13, $0xA;
	s16 =	sshll.u32 @!p3 s12, $0xD  }
0x2f: {  	s17 =	sadd.s32 @!p3 $0x1, s12;
	s13 =	sand.u32 $0x3F, s13;
	s16 =	sadd.s32 @!p3 $0x9D00, s16  }
0x30: {  	s18 =	sand.u32 $0xFF, s15;
	s12 =	sadd.s32 @!p1 $0x7, s12;
	s13 =	smul.u32 $0x6, s13  }
0x31: {  	s0 =	sadd.s32 $0x1, s0;
	s18 =	smul.u32 $0xAB, s18;
	_ =	swait.ge @!p1 [sflag:s12], $0x2000  }
0x32: {  	p4 =	sne.s32 s0, $0x9D;
	s13 =	ssub.s32 s29, s13;
	[sflag:s12] =	ssyncset.done @!p1 $0x0  }
0x33: {  	p2 =	sgt.u32 s29, $0x97;
	s18 =	sshrl.u32 s18, $0xA;
	s13 =	sand.u32 $0xFF, s13  }
0x34: {  	s18 =	smul.u32 $0x6, s18;
	s19 =	sshll.u32 s13, $0xD;
	s3 =	sadd.s32 $0x1, s13  }
0x35: {  	p5 =	seq.s32 @!p2 s29, $0x0;
	s29 =	smov.u32 s14;
	[sflag:s12] =	ssyncadd.s32 @!p1 $0xFFFFE000  }
0x36: {  	s14 =	simm.s32 @!p3 $0x80;
	s12 =	ssub.s32 s15, s18;
	p1 =	por p5, p2  }
.Ltmp0:
0x37: {  	s12 =	sand.u32 $0xFF, s12;
	(pc) =	sbr.rel @p4 .LBB2_2-.Ltmp0, $4  }
0x38: {  	[tilespmem:s16], [sflag:s17] =	stream.indirect.gather @!p3 [hbm4b:s5+s14], $0x40, s30, s14, $0xb8;
	[tilespmem:$0x1F980] =	vst v63  }
0x39: {  	s31 =	sadd.s32 $0x80, s31;
	s30 =	smov.u32 s28;
	_ =	swait.ge [sflag:s3], $0x2000  }
0x3a: {  	s14 =	sadd.s32 $0x7, s13;
	s28 =	sadd.s32 $0x80, s28;
	[sflag:s3] =	ssyncset.done $0x0  }
0x3b: {  	s15 =	sadd.s32 $0x9D00, s19;
	s13 =	smul.u32 $0xAB, s29;
	[sflag:s3] =	ssyncadd.s32 $0xFFFFE000  }
0x3c: {  	[spmem:s1] =	stream.indirect.scatter.add.f32 [tilespmem:s15], [sflag:s14], $0x40, s9, s11, $0xb8;
	[tilespmem:$0x1F980] =	vst v63  }
0x3d: {  	p2 =	por p2, p2;
	s3 =	sadd.s32 $0x5, s29;
	s14 =	sadd.s32 @!p1 $0x7, s12  }
0x3e: {  	s0 =	sshrl.u32 s13, $0xA;
	s9 =	sshll.u32 @!p2 s12, $0xD;
	s18 =	sand.u32 $0xFF, s3  }
0x3f: {  	s12 =	sadd.s32 @!p2 $0x1, s12;
	_ =	swait.ge @!p1 [sflag:s14], $0x2000;
	s0 =	sand.u32 $0x3F, s0  }
0x40: {  	s9 =	sadd.s32 @!p2 $0x9D00, s9;
	s13 =	smul.u32 $0xAB, s18;
	[sflag:s14] =	ssyncset.done @!p1 $0x0  }
0x41: {  	s0 =	smul.u32 $0x6, s0;
	[sflag:s14] =	ssyncadd.s32 @!p1 $0xFFFFE000;
	s14 =	simm.s32 @!p2 $0x80  }
0x42: {  	[tilespmem:s9], [sflag:s12] =	stream.indirect.gather @!p2 [hbm4b:s5+s14], $0x40, s30, s14, $0xb8;
	[tilespmem:$0x1F980] =	vst v63  }
0x43: {  	s0 =	ssub.s32 s29, s0  }
0x44: {  	p3 =	sgt.u32 s29, $0x97;
	s13 =	sshrl.u32 s13, $0xA;
	s0 =	sand.u32 $0xFF, s0  }
0x45: {  	p1 =	seq.s32 @!p3 s29, $0x0;
	s13 =	smul.u32 $0x6, s13;
	s16 =	sadd.s32 $0x1, s0  }
0x46: {  	p1 =	por p1, p3;
	s19 =	sshll.u32 s0, $0xD;
	_ =	swait.ge [sflag:s16], $0x2000  }
0x47: {  	s3 =	ssub.s32 s3, s13;
	s0 =	sadd.s32 $0x7, s0;
	[sflag:s16] =	ssyncset.done $0x0  }
0x48: {  	s3 =	sand.u32 $0xFF, s3;
	s30 =	sadd.s32 $0x9D00, s19;
	[sflag:s16] =	ssyncadd.s32 $0xFFFFE000  }
0x49: {  	[spmem:s1] =	stream.indirect.scatter.add.f32 [tilespmem:s30], [sflag:s0], $0x40, s31, s11, $0xb8;
	[tilespmem:$0x1F980] =	vst v63  }
0x4a: {  	p2 =	por p3, p3;
	s0 =	sadd.s32 @!p1 $0x7, s3  }
0x4b: {  	s9 =	sshll.u32 @!p2 s3, $0xD;
	_ =	swait.ge @!p1 [sflag:s0], $0x2000  }
0x4c: {  	s9 =	sadd.s32 @!p2 $0x9D00, s9;
	[sflag:s0] =	ssyncset.done @!p1 $0x0  }
0x4d: {  	s3 =	sadd.s32 @!p2 $0x1, s3;
	[sflag:s0] =	ssyncadd.s32 @!p1 $0xFFFFE000;
	s0 =	simm.s32 @!p2 $0x80  }
0x4e: {  	[tilespmem:s9], [sflag:s3] =	stream.indirect.gather @!p2 [hbm4b:s5+s0], $0x40, s28, s0, $0xb8;
	[tilespmem:$0x1F980] =	vst v63  }
0x4f: {  	_ =	swait.ge [sflag:s20], $0x2000  }
0x50: {  	[sflag:s20] =	ssyncset.done $0x0  }
0x51: {  	[sflag:s20] =	ssyncadd.s32 $0xFFFFE000  }
0x52: {  	_ =	swait.ge [sflag:s21], $0x2000  }
0x53: {  	[sflag:s21] =	ssyncset.done $0x0  }
0x54: {  	[sflag:s21] =	ssyncadd.s32 $0xFFFFE000  }
0x55: {  	_ =	swait.ge [sflag:s22], $0x2000  }
0x56: {  	[sflag:s22] =	ssyncset.done $0x0  }
0x57: {  	[sflag:s22] =	ssyncadd.s32 $0xFFFFE000  }
0x58: {  	_ =	swait.ge [sflag:s23], $0x2000  }
0x59: {  	[sflag:s23] =	ssyncset.done $0x0  }
0x5a: {  	[sflag:s23] =	ssyncadd.s32 $0xFFFFE000  }
0x5b: {  	_ =	swait.ge [sflag:s24], $0x2000  }
0x5c: {  	[sflag:s24] =	ssyncset.done $0x0  }
0x5d: {  	[sflag:s24] =	ssyncadd.s32 $0xFFFFE000  }
0x5e: {  	_ =	swait.ge [sflag:s25], $0x2000  }
0x5f: {  	[sflag:s25] =	ssyncset.done $0x0  }
0x60: {  	s26 =	sadd.s32 $0x1, s26;
	[sflag:s25] =	ssyncadd.s32 $0xFFFFE000  }
0x61: {  	p1 =	sne.s32 s26, s7;
	s0 =	simm.s32 @!p0 $0x1C0D;
	[bflag:$0x0] =	sbarrier.arrive $0xFFFF  }
0x62: {  	[hbm:s6], [sflag:s0] =	dma.local @!p0 [spmem:s10], $0x13900  }
.Ltmp1:
0x63: {  	_ = 	snop;
	(pc) =	sbr.rel @p1 .LBB2_1-.Ltmp1, $4  }
0x64: {  	s0 =	simm.s32 @!p0 $0xD  }
0x65: {  	_ =	swait.ge @!p0 [sflag:s0], $0x13900  }
0x66: {  	[sflag:s0] =	ssyncset.done @!p0 $0x0  }
0x67: {  	[sflag:s0] =	ssyncadd.s32 @!p0 $0xFFFEC700  }
0x68: {  	_ =	sfence.sel $0x180000  }
0x69: {  	[bflag:$0x0] =	sbarrier.arrive $0xFFFF  }
0x6a: {  	_ =	strace $0x9000004A  }
0x6b: {  	[bflag:$0x2] =	sbarrier.arrive $0xFFFF  }
0x6c: {  	s0 =	rddreg [dreg:$0x2]  }
0x6d: {  	s0 =	sadd.s32 @!p0 $0x100000, s0  }
0x6e: {  	[sflag:s0] =	ssyncadd.tile.s32 @!p0 $0x1;
	_ =	shalt  }
.Lfunc_end2:
_tile_overlayer_lowered:
.L_overlay_start_2:
0x6f: {  	(tag) =	ssettag $0x2  }
0x70: {  	s0 =	rddreg [dreg:$0x0];
	s2 =	stileid.u32  }
0x71: {  	s1 =	rddreg [dreg:$0x1];
	p0 =	sne.s32 s2, $0x0  }
0x72: {  	s3 =	rddreg [dreg:$0x2];
	[bflag:$0x3] =	sbarrier.arrive $0xFFFF;
	s2 =	simm.s32 @!p0 $0x1C0D  }
0x73: {  	[timem:s3], [sflag:s2] =	dma.local @!p0 [hbm:s0], s1  }
0x74: {  	s0 =	simm.s32 @!p0 $0xD  }
0x75: {  	_ =	swait.ge @!p0 [sflag:s0], s1  }
0x76: {  	s1 =	ssub.s32 @!p0 $0x0, s1;
	[sflag:s0] =	ssyncset.done @!p0 $0x0  }
0x77: {  	[sflag:s0] =	ssyncadd.s32 @!p0 s1  }
0x78: {  	[bflag:$0x3] =	sbarrier.arrive $0xFFFF  }
0x79: {  	_ =	shalt  }

// kernel: kernel.19.cloned.1.call-start
scs
__scs_entry_jumppad:
0x0: {  	(pc) =	sbr.rel $0x88, $3  }
0x1: {  	(tag) =	ssettag $0x0;
	lr =	simm.s32 $0x1  }
0x2: {  	[smem:$0x3F96] =	sst lr;
	_ =	strace $0xD0000000  }
0x3: {  	_ = 	snop  }
0x4: {  	_ = 	snop  }
0x5: {  	_ = 	snop  }
0x6: {  	_ = 	snop  }
0x7: {  	_ = 	snop  }
__scs_overlays_trampoline_lowered:
0x8: {  	[smem:$0x3FA5] =	sst s0  }
0x9: {  	[smem:$0x3FA6] =	sst s1  }
0xa: {  	[smem:$0x3FA7] =	sst s2  }
0xb: {  	[smem:$0x3FA8] =	sst s3  }
0xc: {  	[smem:$0x3FA9] =	sst s4  }
0xd: {  	[smem:$0x3FAA] =	sst s5  }
0xe: {  	[smem:$0x3FAB] =	sst s6  }
0xf: {  	[smem:$0x3FAC] =	sst s7  }
0x10: {  	[smem:$0x3FAD] =	sst s8  }
0x11: {  	[smem:$0x3FAE] =	sst s9;
	s0 =	simm.s32 @!p0 $0x0  }
0x12: {  	s1 =	sld [smem:$0x3F94];
	s0 =	simm.s32 @p0 $0x1  }
0x13: {  	[smem:$0x3FAF] =	sst s0;
	s0 =	simm.s32 @!p1 $0x0  }
0x14: {  	s2 =	sld [smem:$0x3F93];
	s0 =	simm.s32 @p1 $0x1  }
0x15: {  	[smem:$0x3FB0] =	sst s0;
	s0 =	simm.s32 @!p2 $0x0  }
0x16: {  	s3 =	sld [smem:$0x3FDB];
	s0 =	simm.s32 @p2 $0x1  }
0x17: {  	s4 =	simm.s32 $0x1BF5;
	[smem:$0x3FB2] =	sst s0  }
0x18: {  	s0 =	sld [smem:$0x3F95];
	_ =	swait.ge [sflag:s4], $0x0  }
0x19: {  	s7 =	sld [smem:$0x3F96]  }
0x1a: {  	s8 =	sadd.s32 $0xFFFFE003, lr  }
0x1b: {  	s9 =	sadd.s32 $0xFFFFFEF7, lr;
	s5 =	simm.s32 $0xFFFFFFFF;
	p2 =	slt.u32 s8, $0xFFFFF086  }
0x1c: {  	p1 =	slt.u32 s9, $0xF7A;
	s5 =	simm.s32 @!p2 $0x0  }
0x1d: {  	s5 =	simm.s32 @p1 $0x1;
	p0 =	seq.s32 s7, s2  }
0x1e: {  	s7 =	smul.u32 @!p0 $0xF7A, s2;
	p2 =	seq.s32 @!p0 s5, $0x0  }
0x1f: {  	s9 =	smul.u32 $0xF7A, s1;
	s8 =	simm.s32 @!p0 $0x1BF5;
	p2 =	por !p2, p0  }
0x20: {  	[sflag:s8] =	ssyncset.s32 @!p0 $0xFFFFF086;
	s6 =	sadd.s32 @!p0 s3, s7;
	s7 =	simm.s32 @!p0 $0x108  }
0x21: {  	s3 =	sadd.s32 s3, s9;
	s6 =	sadd.s32 @!p0 $0x88, s6;
	s7 =	simm.s32 @p2 $0x1082  }
0x22: {  	[simem:s7], [sflag:s8] =	dma.local @!p0 [hbm:s6], $0xF7A  }
0x23: {  	s9 =	sor.u32 $0xD0000000, s2;
	s6 =	simm.s32 $0x108;
	_ =	swait.ge @!p0 [sflag:s8], $0x0  }
0x24: {  	s3 =	sadd.s32 $0x88, s3;
	s6 =	simm.s32 @!p1 $0x1082;
	[sflag:s4] =	ssyncset.s32 $0xFFFFF086  }
0x25: {  	[simem:s6], [sflag:s4] =	dma.local [hbm:s3], $0xF7A  }
0x26: {  	[smem:$0x3F96] =	sst s1;
	(tag) =	ssettag s2;
	_ =	strace s9  }
0x27: {  	s1 =	sld [smem:$0x3FA6]  }
0x28: {  	s2 =	sld [smem:$0x3FA7]  }
0x29: {  	s4 =	sld [smem:$0x3FA9]  }
0x2a: {  	p0 =	seq.s32 s5, $0x0;
	s5 =	sld [smem:$0x3FAA]  }
0x2b: {  	s6 =	sld [smem:$0x3FAB]  }
0x2c: {  	s7 =	sld [smem:$0x3FAC]  }
0x2d: {  	s3 =	simm.s32 $0x108;
	s8 =	sld [smem:$0x3FAD]  }
0x2e: {  	s3 =	simm.s32 @!p0 $0x1082;
	s9 =	sld [smem:$0x3FAE]  }
0x2f: {  	lr =	sadd.s32 s0, s3;
	s0 =	sld [smem:$0x3FA5]  }
0x30: {  	s3 =	sld [smem:$0x3FA8]  }
0x31: {  	[smem:$0x3FB1] =	sst s10  }
0x32: {  	s10 =	sld [smem:$0x3FAF];
	_ =	sdelay $0x3  }
0x33: {  	p0 =	seq.s32 s10, $0x1;
	s10 =	sld [smem:$0x3FB1];
	_ =	sdelay $0x3  }
0x34: {  	[smem:$0x3FB1] =	sst s10  }
0x35: {  	s10 =	sld [smem:$0x3FB0];
	_ =	sdelay $0x3  }
0x36: {  	p1 =	seq.s32 s10, $0x1;
	s10 =	sld [smem:$0x3FB1];
	_ =	sdelay $0x3  }
0x37: {  	[smem:$0x3FB1] =	sst s10  }
0x38: {  	s10 =	sld [smem:$0x3FB2]  }
0x39: {  	_ = 	snop;
	(pc) =	sbr.ind lr, $3  }
0x3a: {  	_ = 	snop  }
0x3b: {  	_ = 	snop  }
0x3c: {  	p2 =	seq.s32 s10, $0x1;
	s10 =	sld [smem:$0x3FB1]  }
0x3d: {  	_ =	shalt  }
0x3e: {  	_ =	shalt  }
0x3f: {  	_ =	shalt  }
0x40: {  	_ =	shalt  }
0x41: {  	_ =	shalt  }
0x42: {  	_ =	shalt  }
0x43: {  	_ =	shalt  }
0x44: {  	_ =	shalt  }
0x45: {  	_ =	shalt  }
0x46: {  	_ =	shalt  }
0x47: {  	_ =	shalt  }
0x48: {  	_ =	shalt  }
0x49: {  	_ =	shalt  }
0x4a: {  	_ =	shalt  }
0x4b: {  	_ =	shalt  }
0x4c: {  	_ =	shalt  }
0x4d: {  	_ =	shalt  }
0x4e: {  	_ =	shalt  }
0x4f: {  	_ =	shalt  }
0x50: {  	_ =	shalt  }
0x51: {  	_ =	shalt  }
0x52: {  	_ =	shalt  }
0x53: {  	_ =	shalt  }
0x54: {  	_ =	shalt  }
0x55: {  	_ =	shalt  }
0x56: {  	_ =	shalt  }
0x57: {  	_ =	shalt  }
0x58: {  	_ =	shalt  }
0x59: {  	_ =	shalt  }
0x5a: {  	_ =	shalt  }
0x5b: {  	_ =	shalt  }
0x5c: {  	_ =	shalt  }
0x5d: {  	_ =	shalt  }
0x5e: {  	_ =	shalt  }
0x5f: {  	_ =	shalt  }
0x60: {  	_ =	shalt  }
0x61: {  	_ =	shalt  }
0x62: {  	_ =	shalt  }
0x63: {  	_ =	shalt  }
0x64: {  	_ =	shalt  }
0x65: {  	_ =	shalt  }
0x66: {  	_ =	shalt  }
0x67: {  	_ =	shalt  }
0x68: {  	_ =	shalt  }
0x69: {  	_ =	shalt  }
0x6a: {  	_ =	shalt  }
0x6b: {  	_ =	shalt  }
0x6c: {  	_ =	shalt  }
0x6d: {  	_ =	shalt  }
0x6e: {  	_ =	shalt  }
0x6f: {  	_ =	shalt  }
0x70: {  	_ =	shalt  }
0x71: {  	_ =	shalt  }
0x72: {  	_ =	shalt  }
0x73: {  	_ =	shalt  }
0x74: {  	_ =	shalt  }
0x75: {  	_ =	shalt  }
0x76: {  	_ =	shalt  }
0x77: {  	_ =	shalt  }
0x78: {  	_ =	shalt  }
0x79: {  	_ =	shalt  }
0x7a: {  	_ =	shalt  }
0x7b: {  	_ =	shalt  }
0x7c: {  	_ =	shalt  }
0x7d: {  	_ =	shalt  }
0x7e: {  	_ =	shalt  }
0x7f: {  	_ =	shalt  }
0x80: {  	_ =	shalt  }
0x81: {  	_ =	shalt  }
0x82: {  	_ =	shalt  }
0x83: {  	_ =	shalt  }
0x84: {  	_ =	shalt  }
0x85: {  	_ =	shalt  }
0x86: {  	_ =	shalt  }
0x87: {  	_ =	shalt  }
.Lfunc_end0:
.L_simem_size_0:
called_computation.2_lowered:
.L_overlay_start_0:
0x88: {  	s2 =	sld [smem:$0x3FD9]  }
0x89: {  	s3 =	sld [smem:$0x3FFE];
	_ =	sdelay $0x1  }
0x8a: {  	s1 =	srdreg.scid  }
0x8b: {  	s0 =	sand.u32 $0x1, s1  }
0x8c: {  	s16 =	sshll.u32 s0, $0xA;
	s2 =	sadd.s32 s3, s2  }
0x8d: {  	s2 =	sadd.s32 s2, s16  }
0x8e: {  	[smem:$0x3FBD] =	sst s2  }
0x8f: {  	_ = 	snop  }
0x90: {  	(tm) =	ssettm $0x1  }
0x91: {  	s17 =	sld [smem:$0x3FFB];
	_ =	sdelay $0x3  }
0x92: {  	_ =	strace s17  }
0x93: {  	s2 =	sld [smem:$0x3FFC];
	_ =	sdelay $0x3  }
0x94: {  	_ =	strace s2  }
0x95: {  	s2 =	sld [smem:$0x3FFD];
	_ =	sdelay $0x3  }
0x96: {  	_ =	strace s2  }
0x97: {  	_ =	strace $0x8FFFFFFF  }
0x98: {  	s18 =	sld [smem:$0x3FDB];
	_ =	sdelay $0x1  }
0x99: {  	s19 =	simm.s32 $_scs_section_size  }
0x9a: {  	s4 =	simm.s32 $_size__tile_overlayer_lowered;
	s5 =	simm.s32 $_tile_overlayer_lowered  }
0x9b: {  	s22 =	simm.s32 $0x1BFF;
	s21 =	sshll.u32 s5, $0x1;
	s2 =	sadd.s32 s19, s18  }
0x9c: {  	s6 =	simm.s32 $0x0;
	s20 =	sshll.u32 s4, $0x1;
	s4 =	sadd.s32 s21, s2  }
0x9d: {  	[timem:s6], [sflag:s22] =	dma.local [hbm:s4], s20  }
0x9e: {  	_ =	swait.ge [sflag:s22], s20  }
0x9f: {  	s3 =	ssub.s32 $0x0, s20;
	[sflag:s22] =	ssyncset.done $0x0  }
0xa0: {  	[sflag:s22] =	ssyncadd.s32 s3;
	_ =	sdelay $0x1  }
0xa1: {  	s23 =	simm.s32 $0x1B8B  }
0xa2: {  	_ =	swait.ge [sflag:s23], $0x1  }
0xa3: {  	[sflag:s23] =	ssyncset.done $0x0  }
0xa4: {  	s25 =	simm.s32 $0x1B8E;
	s24 =	sld [smem:$0x3FFE];
	[sflag:s23] =	ssyncadd.s32 $0xFFFFFFFF  }
0xa5: {  	s26 =	simm.s32 $execute0_lowered;
	[smem:$0x3FD2] =	sst s25  }
0xa6: {  	s4 =	sshll.u32 s26, $0x1;
	_ =	strace $0x8000004C;
	[dreg:$0x1] =	wrdreg $0xFFFFFFFF  }
0xa7: {  	s28 =	simm.s32 $_size_execute0_lowered;
	s2 =	sadd.s32 s2, s4;
	[dreg:$0x0] =	wrdreg $0x0  }
0xa8: {  	s4 =	sshll.u32 s28, $0x1;
	[dreg:$0x2] =	wrdreg s2  }
0xa9: {  	[dreg:$0x3] =	wrdreg s4  }
0xaa: {  	[dreg:$0x4] =	wrdreg $0xC0  }
0xab: {  	_ =	task [dreg:s6], $0x5FFFF  }
0xac: {  	[dreg:$0x1] =	wrdreg $0xFFFFFFFF  }
0xad: {  	[dreg:$0x0] =	wrdreg $0x60  }
0xae: {  	[dreg:$0x2] =	wrdreg s24  }
0xaf: {  	[dreg:$0x3] =	wrdreg $0x15D000  }
0xb0: {  	[dreg:$0x4] =	wrdreg $0x9  }
0xb1: {  	_ =	task.clear_ibuf [dreg:s6], $0x5FFFF;
	_ =	strace $0x9000004C  }
0xb2: {  	s29 =	simm.s32 $0x9;
	_ =	strace $0x8000004E  }
0xb3: {  	_ =	swait.ge [sflag:s29], $0x1  }
0xb4: {  	[sflag:s29] =	ssyncadd.s32 $0xFFFFFFFF  }
0xb5: {  	_ =	strace $0x9000004E  }
0xb6: {  	_ =	sfence  }
0xb7: {  	s30 =	sld [smem:$0x0];
	_ =	sdelay $0x2  }
0xb8: {  	s31 =	sshll.u32 s1, $0xD;
	s1 =	sshrl.u32 s1, $0x2  }
0xb9: {  	s3 =	sand.u32 $0x4000, s31;
	s1 =	sadd.s32 s1, s30  }
0xba: {  	s0 =	sor.u32 s3, s0;
	s1 =	sshll.u32 s1, $0x11  }
0xbb: {  	s0 =	sor.u32 s1, s0  }
0xbc: {  	s0 =	sadd.s32 $0x8F2B, s0  }
0xbd: {  	[sflag:s0] =	ssyncadd.remote.s32 $0x1  }
0xbe: {  	_ =	sfence.sel $0xFFFF  }
0xbf: {  	[dreg:$0x0] =	wrdreg $0xFFFFFFFF;
	(pc) =	sbr.abs _section_cstart, $3  }
0xc0: {  	[dreg:$0x1] =	wrdreg $0xFFFFFFFF  }
0xc1: {  	_ =	task.clear_ibuf [dreg:s6], $0x2FFFF;
	_ =	strace $0x9FFFFFFF  }
0xc2: {  	(tm) =	ssettm $0x7FFFFFFF  }
0xc3: {  	_ =	shalt  }
tec
execute0_lowered:
.L_overlay_start_1:
0x0: {  	(tag) =	ssettag $0x1  }
0x1: {  	s0 =	rddreg [dreg:$0x0]  }
0x2: {  	s1 =	rddreg [dreg:$0x1]  }
0x3: {  	s8 =	stileid.u32;
	s3 =	srdreg.scid;
	s2 =	simm.s32 $0x0  }
0x4: {  	s11 =	simm.s32 $0x80;
	s20 =	simm.s32 $0x8;
	s21 =	simm.s32 $0x9  }
0x5: {  	s22 =	simm.s32 $0xA;
	s23 =	simm.s32 $0xB;
	s24 =	simm.s32 $0xC  }
0x6: {  	s25 =	simm.s32 $0x7;
	s26 =	simm.s32 $0x0;
	s4 =	smul.u32 $0x9D0, s8  }
0x7: {  	s3 =	sand.u32 $0x1, s3;
	[smem:$0x7FF] =	sst s2;
	p0 =	sne.s32 s8, $0x0  }
0x8: {  	s8 =	simm.s32 $0xD;
	s5 =	smul.u32 $0x13900, s3;
	s3 =	ssub.s32 $0x2, s3  }
0x9: {  	_ =	strace $0x8000004D;
	s10 =	sshrl.u32 @!p0 s1, $0x3;
	s4 =	sadd.s32 s4, s0  }
0xa: {  	s6 =	sshrl.u32 s3, $0x1;
	s0 =	sadd.s32 s5, s0;
	s31 =	sadd.s32 $0x1B800, s4  }
0xb: {  	s7 =	ssub.s32 s3, s6;
	s4 =	sadd.s32 $0x25600, s4;
	[dreg:$0x3] =	wrdreg s31  }
0xc: {  	s5 =	sadd.s32 $0x2F400, s0;
	s6 =	sadd.s32 $0x56600, s0;
	s7 =	smax.u32 s7, $0x1  }
.LBB2_1:
0xd: {  	s0 =	rddreg [dreg:$0x3]  }
0xe: {  	[tilespmem:s2], [sflag:$0xD] =	stream.linear.gather [hbm4b:s0+s2], $0x4E80, $0x38;
	[tilespmem:$0x1F980] =	vst v63  }
0xf: {  	_ =	swait.ge [sflag:s8], $0x4E80  }
0x10: {  	[sflag:s8] =	ssyncset.done $0x0  }
0x11: {  	s3 =	simm.s32 $0x4E80;
	[sflag:s8] =	ssyncadd.s32 $0xFFFFB180  }
0x12: {  	[tilespmem:s3], [sflag:$0xD] =	stream.linear.gather [hbm4b:s4+s2], $0x4E80, $0x38;
	[tilespmem:$0x1F980] =	vst v63  }
0x13: {  	_ =	swait.ge [sflag:s8], $0x4E80  }
0x14: {  	[sflag:s8] =	ssyncset.done $0x0  }
0x15: {  	s0 =	simm.s32 @!p0 $0x1C0D;
	[sflag:s8] =	ssyncadd.s32 $0xFFFFB180  }
0x16: {  	[spmem:s10], [sflag:s0] =	dma.local @!p0 [hbm:s5], $0x13900  }
0x17: {  	s0 =	simm.s32 @!p0 $0xD  }
0x18: {  	_ =	swait.ge @!p0 [sflag:s0], $0x13900  }
0x19: {  	s9 =	simm.s32 $0x9D00;
	[sflag:s0] =	ssyncset.done @!p0 $0x0  }
0x1a: {  	s12 =	simm.s32 $0xBD00;
	s13 =	simm.s32 $0x100;
	[sflag:s0] =	ssyncadd.s32 @!p0 $0xFFFEC700  }
0x1b: {  	s14 =	simm.s32 $0x180;
	s15 =	simm.s32 $0xFD00;
	[bflag:$0x0] =	sbarrier.arrive $0xFFFF  }
0x1c: {  	[tilespmem:s9], [sflag:$0x1] =	stream.indirect.gather [hbm4b:s5+s11], $0x40, s2, s11, $0xb8;
	[tilespmem:$0x1F980] =	vst v63  }
0x1d: {  	s16 =	smul.u32 $0xAB, s2;
	s17 =	simm.s32 $0x200;
	s18 =	simm.s32 $0x5  }
0x1e: {  	[tilespmem:s12], [sflag:$0x2] =	stream.indirect.gather [hbm4b:s5+s11], $0x40, s11, s11, $0xb8;
	[tilespmem:$0x1F980] =	vst v63  }
0x1f: {  	s30 =	simm.s32 $0x280;
	s3 =	simm.s32 $0xDD00;
	s0 =	sshrl.u32 s16, $0xA  }
0x20: {  	[tilespmem:s3], [sflag:$0x3] =	stream.indirect.gather [hbm4b:s5+s11], $0x40, s13, s11, $0xb8;
	[tilespmem:$0x1F980] =	vst v63  }
0x21: {  	s29 =	simm.s32 $0x1;
	p2 =	por $0x0, $0x0;
	s0 =	sand.u32 $0x3F, s0  }
0x22: {  	[tilespmem:s15], [sflag:$0x4] =	stream.indirect.gather [hbm4b:s5+s11], $0x40, s14, s11, $0xb8;
	[tilespmem:$0x1F980] =	vst v63  }
0x23: {  	s19 =	sand.u32 $0xFF, s18;
	s9 =	simm.s32 $0x11D00;
	s12 =	smul.u32 $0x6, s0  }
0x24: {  	[tilespmem:s9], [sflag:$0x5] =	stream.indirect.gather [hbm4b:s5+s11], $0x40, s17, s11, $0xb8;
	[tilespmem:$0x1F980] =	vst v63  }
0x25: {  	s31 =	simm.s32 $0x4F00;
	p1 =	por @!p2 $0x1, $0x1;
	s9 =	smul.u32 $0xAB, s19  }
0x26: {  	s28 =	simm.s32 $0x300;
	p1 =	por p1, p2;
	s12 =	ssub.s32 $0x0, s12  }
0x27: {  	s0 =	simm.s32 $0x2;
	s13 =	sand.u32 $0xFF, s12;
	s9 =	sshrl.u32 s9, $0xA  }
0x28: {  	s15 =	sshll.u32 s13, $0xD;
	s16 =	sadd.s32 $0x1, s13;
	s9 =	smul.u32 $0x6, s9  }
0x29: {  	s14 =	sadd.s32 $0x7, s13;
	s13 =	smul.u32 $0xAB, s29;
	_ =	swait.ge [sflag:s16], $0x2000  }
0x2a: {  	s15 =	sadd.s32 $0x9D00, s15;
	[sflag:s16] =	ssyncset.done $0x0;
	s9 =	ssub.s32 $0x5, s9  }
0x2b: {  	[sflag:s16] =	ssyncadd.s32 $0xFFFFE000;
	s12 =	sand.u32 $0xFF, s9;
	s9 =	simm.s32 $0x4E80  }
.LBB2_2:
0x2c: {  	[spmem:s1] =	stream.indirect.scatter.add.f32 [tilespmem:s15], [sflag:s14], $0x40, s9, s11, $0xb8;
	[tilespmem:$0x1F980] =	vst v63  }
0x2d: {  	s14 =	smov.u32 s0;
	s9 =	smov.u32 s31;
	p3 =	por p2, p2  }
0x2e: {  	s15 =	sadd.s32 $0x5, s29;
	s13 =	sshrl.u32 s13, $0xA;
	s16 =	sshll.u32 @!p3 s12, $0xD  }
0x2f: {  	s17 =	sadd.s32 @!p3 $0x1, s12;
	s13 =	sand.u32 $0x3F, s13;
	s16 =	sadd.s32 @!p3 $0x9D00, s16  }
0x30: {  	s18 =	sand.u32 $0xFF, s15;
	s12 =	sadd.s32 @!p1 $0x7, s12;
	s13 =	smul.u32 $0x6, s13  }
0x31: {  	s0 =	sadd.s32 $0x1, s0;
	s18 =	smul.u32 $0xAB, s18;
	_ =	swait.ge @!p1 [sflag:s12], $0x2000  }
0x32: {  	p4 =	sne.s32 s0, $0x9D;
	s13 =	ssub.s32 s29, s13;
	[sflag:s12] =	ssyncset.done @!p1 $0x0  }
0x33: {  	p2 =	sgt.u32 s29, $0x97;
	s18 =	sshrl.u32 s18, $0xA;
	s13 =	sand.u32 $0xFF, s13  }
0x34: {  	s18 =	smul.u32 $0x6, s18;
	s19 =	sshll.u32 s13, $0xD;
	s3 =	sadd.s32 $0x1, s13  }
0x35: {  	p5 =	seq.s32 @!p2 s29, $0x0;
	s29 =	smov.u32 s14;
	[sflag:s12] =	ssyncadd.s32 @!p1 $0xFFFFE000  }
0x36: {  	s14 =	simm.s32 @!p3 $0x80;
	s12 =	ssub.s32 s15, s18;
	p1 =	por p5, p2  }
.Ltmp0:
0x37: {  	s12 =	sand.u32 $0xFF, s12;
	(pc) =	sbr.rel @p4 .LBB2_2-.Ltmp0, $4  }
0x38: {  	[tilespmem:s16], [sflag:s17] =	stream.indirect.gather @!p3 [hbm4b:s5+s14], $0x40, s30, s14, $0xb8;
	[tilespmem:$0x1F980] =	vst v63  }
0x39: {  	s31 =	sadd.s32 $0x80, s31;
	s30 =	smov.u32 s28;
	_ =	swait.ge [sflag:s3], $0x2000  }
0x3a: {  	s14 =	sadd.s32 $0x7, s13;
	s28 =	sadd.s32 $0x80, s28;
	[sflag:s3] =	ssyncset.done $0x0  }
0x3b: {  	s15 =	sadd.s32 $0x9D00, s19;
	s13 =	smul.u32 $0xAB, s29;
	[sflag:s3] =	ssyncadd.s32 $0xFFFFE000  }
0x3c: {  	[spmem:s1] =	stream.indirect.scatter.add.f32 [tilespmem:s15], [sflag:s14], $0x40, s9, s11, $0xb8;
	[tilespmem:$0x1F980] =	vst v63  }
0x3d: {  	p2 =	por p2, p2;
	s3 =	sadd.s32 $0x5, s29;
	s14 =	sadd.s32 @!p1 $0x7, s12  }
0x3e: {  	s0 =	sshrl.u32 s13, $0xA;
	s9 =	sshll.u32 @!p2 s12, $0xD;
	s18 =	sand.u32 $0xFF, s3  }
0x3f: {  	s12 =	sadd.s32 @!p2 $0x1, s12;
	_ =	swait.ge @!p1 [sflag:s14], $0x2000;
	s0 =	sand.u32 $0x3F, s0  }
0x40: {  	s9 =	sadd.s32 @!p2 $0x9D00, s9;
	s13 =	smul.u32 $0xAB, s18;
	[sflag:s14] =	ssyncset.done @!p1 $0x0  }
0x41: {  	s0 =	smul.u32 $0x6, s0;
	[sflag:s14] =	ssyncadd.s32 @!p1 $0xFFFFE000;
	s14 =	simm.s32 @!p2 $0x80  }
0x42: {  	[tilespmem:s9], [sflag:s12] =	stream.indirect.gather @!p2 [hbm4b:s5+s14], $0x40, s30, s14, $0xb8;
	[tilespmem:$0x1F980] =	vst v63  }
0x43: {  	s0 =	ssub.s32 s29, s0  }
0x44: {  	p3 =	sgt.u32 s29, $0x97;
	s13 =	sshrl.u32 s13, $0xA;
	s0 =	sand.u32 $0xFF, s0  }
0x45: {  	p1 =	seq.s32 @!p3 s29, $0x0;
	s13 =	smul.u32 $0x6, s13;
	s16 =	sadd.s32 $0x1, s0  }
0x46: {  	p1 =	por p1, p3;
	s19 =	sshll.u32 s0, $0xD;
	_ =	swait.ge [sflag:s16], $0x2000  }
0x47: {  	s3 =	ssub.s32 s3, s13;
	s0 =	sadd.s32 $0x7, s0;
	[sflag:s16] =	ssyncset.done $0x0  }
0x48: {  	s3 =	sand.u32 $0xFF, s3;
	s30 =	sadd.s32 $0x9D00, s19;
	[sflag:s16] =	ssyncadd.s32 $0xFFFFE000  }
0x49: {  	[spmem:s1] =	stream.indirect.scatter.add.f32 [tilespmem:s30], [sflag:s0], $0x40, s31, s11, $0xb8;
	[tilespmem:$0x1F980] =	vst v63  }
0x4a: {  	p2 =	por p3, p3;
	s0 =	sadd.s32 @!p1 $0x7, s3  }
0x4b: {  	s9 =	sshll.u32 @!p2 s3, $0xD;
	_ =	swait.ge @!p1 [sflag:s0], $0x2000  }
0x4c: {  	s9 =	sadd.s32 @!p2 $0x9D00, s9;
	[sflag:s0] =	ssyncset.done @!p1 $0x0  }
0x4d: {  	s3 =	sadd.s32 @!p2 $0x1, s3;
	[sflag:s0] =	ssyncadd.s32 @!p1 $0xFFFFE000;
	s0 =	simm.s32 @!p2 $0x80  }
0x4e: {  	[tilespmem:s9], [sflag:s3] =	stream.indirect.gather @!p2 [hbm4b:s5+s0], $0x40, s28, s0, $0xb8;
	[tilespmem:$0x1F980] =	vst v63  }
0x4f: {  	_ =	swait.ge [sflag:s20], $0x2000  }
0x50: {  	[sflag:s20] =	ssyncset.done $0x0  }
0x51: {  	[sflag:s20] =	ssyncadd.s32 $0xFFFFE000  }
0x52: {  	_ =	swait.ge [sflag:s21], $0x2000  }
0x53: {  	[sflag:s21] =	ssyncset.done $0x0  }
0x54: {  	[sflag:s21] =	ssyncadd.s32 $0xFFFFE000  }
0x55: {  	_ =	swait.ge [sflag:s22], $0x2000  }
0x56: {  	[sflag:s22] =	ssyncset.done $0x0  }
0x57: {  	[sflag:s22] =	ssyncadd.s32 $0xFFFFE000  }
0x58: {  	_ =	swait.ge [sflag:s23], $0x2000  }
0x59: {  	[sflag:s23] =	ssyncset.done $0x0  }
0x5a: {  	[sflag:s23] =	ssyncadd.s32 $0xFFFFE000  }
0x5b: {  	_ =	swait.ge [sflag:s24], $0x2000  }
0x5c: {  	[sflag:s24] =	ssyncset.done $0x0  }
0x5d: {  	[sflag:s24] =	ssyncadd.s32 $0xFFFFE000  }
0x5e: {  	_ =	swait.ge [sflag:s25], $0x2000  }
0x5f: {  	[sflag:s25] =	ssyncset.done $0x0  }
0x60: {  	s26 =	sadd.s32 $0x1, s26;
	[sflag:s25] =	ssyncadd.s32 $0xFFFFE000  }
0x61: {  	p1 =	sne.s32 s26, s7;
	s0 =	simm.s32 @!p0 $0x1C0D;
	[bflag:$0x0] =	sbarrier.arrive $0xFFFF  }
0x62: {  	[hbm:s6], [sflag:s0] =	dma.local @!p0 [spmem:s10], $0x13900  }
.Ltmp1:
0x63: {  	_ = 	snop;
	(pc) =	sbr.rel @p1 .LBB2_1-.Ltmp1, $4  }
0x64: {  	s0 =	simm.s32 @!p0 $0xD  }
0x65: {  	_ =	swait.ge @!p0 [sflag:s0], $0x13900  }
0x66: {  	[sflag:s0] =	ssyncset.done @!p0 $0x0  }
0x67: {  	[sflag:s0] =	ssyncadd.s32 @!p0 $0xFFFEC700  }
0x68: {  	_ =	sfence.sel $0x180000  }
0x69: {  	[bflag:$0x0] =	sbarrier.arrive $0xFFFF  }
0x6a: {  	_ =	strace $0x9000004D  }
0x6b: {  	[bflag:$0x2] =	sbarrier.arrive $0xFFFF  }
0x6c: {  	s0 =	rddreg [dreg:$0x2]  }
0x6d: {  	s0 =	sadd.s32 @!p0 $0x100000, s0  }
0x6e: {  	[sflag:s0] =	ssyncadd.tile.s32 @!p0 $0x1;
	_ =	shalt  }
.Lfunc_end2:
_tile_overlayer_lowered:
.L_overlay_start_2:
0x6f: {  	(tag) =	ssettag $0x2  }
0x70: {  	s0 =	rddreg [dreg:$0x0];
	s2 =	stileid.u32  }
0x71: {  	s1 =	rddreg [dreg:$0x1];
	p0 =	sne.s32 s2, $0x0  }
0x72: {  	s3 =	rddreg [dreg:$0x2];
	[bflag:$0x3] =	sbarrier.arrive $0xFFFF;
	s2 =	simm.s32 @!p0 $0x1C0D  }
0x73: {  	[timem:s3], [sflag:s2] =	dma.local @!p0 [hbm:s0], s1  }
0x74: {  	s0 =	simm.s32 @!p0 $0xD  }
0x75: {  	_ =	swait.ge @!p0 [sflag:s0], s1  }
0x76: {  	s1 =	ssub.s32 @!p0 $0x0, s1;
	[sflag:s0] =	ssyncset.done @!p0 $0x0  }
0x77: {  	[sflag:s0] =	ssyncadd.s32 @!p0 s1  }
0x78: {  	[bflag:$0x3] =	sbarrier.arrive $0xFFFF  }
0x79: {  	_ =	shalt  }

// kernel: kernel.22.cloned.1.call-start
scs
__scs_entry_jumppad:
0x0: {  	(pc) =	sbr.rel $0x88, $3  }
0x1: {  	(tag) =	ssettag $0x0;
	lr =	simm.s32 $0x1  }
0x2: {  	[smem:$0x3F96] =	sst lr;
	_ =	strace $0xD0000000  }
0x3: {  	_ = 	snop  }
0x4: {  	_ = 	snop  }
0x5: {  	_ = 	snop  }
0x6: {  	_ = 	snop  }
0x7: {  	_ = 	snop  }
__scs_overlays_trampoline_lowered:
0x8: {  	[smem:$0x3FA5] =	sst s0  }
0x9: {  	[smem:$0x3FA6] =	sst s1  }
0xa: {  	[smem:$0x3FA7] =	sst s2  }
0xb: {  	[smem:$0x3FA8] =	sst s3  }
0xc: {  	[smem:$0x3FA9] =	sst s4  }
0xd: {  	[smem:$0x3FAA] =	sst s5  }
0xe: {  	[smem:$0x3FAB] =	sst s6  }
0xf: {  	[smem:$0x3FAC] =	sst s7  }
0x10: {  	[smem:$0x3FAD] =	sst s8  }
0x11: {  	[smem:$0x3FAE] =	sst s9;
	s0 =	simm.s32 @!p0 $0x0  }
0x12: {  	s1 =	sld [smem:$0x3F94];
	s0 =	simm.s32 @p0 $0x1  }
0x13: {  	[smem:$0x3FAF] =	sst s0;
	s0 =	simm.s32 @!p1 $0x0  }
0x14: {  	s2 =	sld [smem:$0x3F93];
	s0 =	simm.s32 @p1 $0x1  }
0x15: {  	[smem:$0x3FB0] =	sst s0;
	s0 =	simm.s32 @!p2 $0x0  }
0x16: {  	s3 =	sld [smem:$0x3FDB];
	s0 =	simm.s32 @p2 $0x1  }
0x17: {  	s4 =	simm.s32 $0x1BF5;
	[smem:$0x3FB2] =	sst s0  }
0x18: {  	s0 =	sld [smem:$0x3F95];
	_ =	swait.ge [sflag:s4], $0x0  }
0x19: {  	s7 =	sld [smem:$0x3F96]  }
0x1a: {  	s8 =	sadd.s32 $0xFFFFE003, lr  }
0x1b: {  	s9 =	sadd.s32 $0xFFFFFEF7, lr;
	s5 =	simm.s32 $0xFFFFFFFF;
	p2 =	slt.u32 s8, $0xFFFFF086  }
0x1c: {  	p1 =	slt.u32 s9, $0xF7A;
	s5 =	simm.s32 @!p2 $0x0  }
0x1d: {  	s5 =	simm.s32 @p1 $0x1;
	p0 =	seq.s32 s7, s2  }
0x1e: {  	s7 =	smul.u32 @!p0 $0xF7A, s2;
	p2 =	seq.s32 @!p0 s5, $0x0  }
0x1f: {  	s9 =	smul.u32 $0xF7A, s1;
	s8 =	simm.s32 @!p0 $0x1BF5;
	p2 =	por !p2, p0  }
0x20: {  	[sflag:s8] =	ssyncset.s32 @!p0 $0xFFFFF086;
	s6 =	sadd.s32 @!p0 s3, s7;
	s7 =	simm.s32 @!p0 $0x108  }
0x21: {  	s3 =	sadd.s32 s3, s9;
	s6 =	sadd.s32 @!p0 $0x88, s6;
	s7 =	simm.s32 @p2 $0x1082  }
0x22: {  	[simem:s7], [sflag:s8] =	dma.local @!p0 [hbm:s6], $0xF7A  }
0x23: {  	s9 =	sor.u32 $0xD0000000, s2;
	s6 =	simm.s32 $0x108;
	_ =	swait.ge @!p0 [sflag:s8], $0x0  }
0x24: {  	s3 =	sadd.s32 $0x88, s3;
	s6 =	simm.s32 @!p1 $0x1082;
	[sflag:s4] =	ssyncset.s32 $0xFFFFF086  }
0x25: {  	[simem:s6], [sflag:s4] =	dma.local [hbm:s3], $0xF7A  }
0x26: {  	[smem:$0x3F96] =	sst s1;
	(tag) =	ssettag s2;
	_ =	strace s9  }
0x27: {  	s1 =	sld [smem:$0x3FA6]  }
0x28: {  	s2 =	sld [smem:$0x3FA7]  }
0x29: {  	s4 =	sld [smem:$0x3FA9]  }
0x2a: {  	p0 =	seq.s32 s5, $0x0;
	s5 =	sld [smem:$0x3FAA]  }
0x2b: {  	s6 =	sld [smem:$0x3FAB]  }
0x2c: {  	s7 =	sld [smem:$0x3FAC]  }
0x2d: {  	s3 =	simm.s32 $0x108;
	s8 =	sld [smem:$0x3FAD]  }
0x2e: {  	s3 =	simm.s32 @!p0 $0x1082;
	s9 =	sld [smem:$0x3FAE]  }
0x2f: {  	lr =	sadd.s32 s0, s3;
	s0 =	sld [smem:$0x3FA5]  }
0x30: {  	s3 =	sld [smem:$0x3FA8]  }
0x31: {  	[smem:$0x3FB1] =	sst s10  }
0x32: {  	s10 =	sld [smem:$0x3FAF];
	_ =	sdelay $0x3  }
0x33: {  	p0 =	seq.s32 s10, $0x1;
	s10 =	sld [smem:$0x3FB1];
	_ =	sdelay $0x3  }
0x34: {  	[smem:$0x3FB1] =	sst s10  }
0x35: {  	s10 =	sld [smem:$0x3FB0];
	_ =	sdelay $0x3  }
0x36: {  	p1 =	seq.s32 s10, $0x1;
	s10 =	sld [smem:$0x3FB1];
	_ =	sdelay $0x3  }
0x37: {  	[smem:$0x3FB1] =	sst s10  }
0x38: {  	s10 =	sld [smem:$0x3FB2]  }
0x39: {  	_ = 	snop;
	(pc) =	sbr.ind lr, $3  }
0x3a: {  	_ = 	snop  }
0x3b: {  	_ = 	snop  }
0x3c: {  	p2 =	seq.s32 s10, $0x1;
	s10 =	sld [smem:$0x3FB1]  }
0x3d: {  	_ =	shalt  }
0x3e: {  	_ =	shalt  }
0x3f: {  	_ =	shalt  }
0x40: {  	_ =	shalt  }
0x41: {  	_ =	shalt  }
0x42: {  	_ =	shalt  }
0x43: {  	_ =	shalt  }
0x44: {  	_ =	shalt  }
0x45: {  	_ =	shalt  }
0x46: {  	_ =	shalt  }
0x47: {  	_ =	shalt  }
0x48: {  	_ =	shalt  }
0x49: {  	_ =	shalt  }
0x4a: {  	_ =	shalt  }
0x4b: {  	_ =	shalt  }
0x4c: {  	_ =	shalt  }
0x4d: {  	_ =	shalt  }
0x4e: {  	_ =	shalt  }
0x4f: {  	_ =	shalt  }
0x50: {  	_ =	shalt  }
0x51: {  	_ =	shalt  }
0x52: {  	_ =	shalt  }
0x53: {  	_ =	shalt  }
0x54: {  	_ =	shalt  }
0x55: {  	_ =	shalt  }
0x56: {  	_ =	shalt  }
0x57: {  	_ =	shalt  }
0x58: {  	_ =	shalt  }
0x59: {  	_ =	shalt  }
0x5a: {  	_ =	shalt  }
0x5b: {  	_ =	shalt  }
0x5c: {  	_ =	shalt  }
0x5d: {  	_ =	shalt  }
0x5e: {  	_ =	shalt  }
0x5f: {  	_ =	shalt  }
0x60: {  	_ =	shalt  }
0x61: {  	_ =	shalt  }
0x62: {  	_ =	shalt  }
0x63: {  	_ =	shalt  }
0x64: {  	_ =	shalt  }
0x65: {  	_ =	shalt  }
0x66: {  	_ =	shalt  }
0x67: {  	_ =	shalt  }
0x68: {  	_ =	shalt  }
0x69: {  	_ =	shalt  }
0x6a: {  	_ =	shalt  }
0x6b: {  	_ =	shalt  }
0x6c: {  	_ =	shalt  }
0x6d: {  	_ =	shalt  }
0x6e: {  	_ =	shalt  }
0x6f: {  	_ =	shalt  }
0x70: {  	_ =	shalt  }
0x71: {  	_ =	shalt  }
0x72: {  	_ =	shalt  }
0x73: {  	_ =	shalt  }
0x74: {  	_ =	shalt  }
0x75: {  	_ =	shalt  }
0x76: {  	_ =	shalt  }
0x77: {  	_ =	shalt  }
0x78: {  	_ =	shalt  }
0x79: {  	_ =	shalt  }
0x7a: {  	_ =	shalt  }
0x7b: {  	_ =	shalt  }
0x7c: {  	_ =	shalt  }
0x7d: {  	_ =	shalt  }
0x7e: {  	_ =	shalt  }
0x7f: {  	_ =	shalt  }
0x80: {  	_ =	shalt  }
0x81: {  	_ =	shalt  }
0x82: {  	_ =	shalt  }
0x83: {  	_ =	shalt  }
0x84: {  	_ =	shalt  }
0x85: {  	_ =	shalt  }
0x86: {  	_ =	shalt  }
0x87: {  	_ =	shalt  }
.Lfunc_end0:
.L_simem_size_0:
called_computation.3_lowered:
.L_overlay_start_0:
0x88: {  	s2 =	sld [smem:$0x3FD9]  }
0x89: {  	s3 =	sld [smem:$0x3FFE];
	_ =	sdelay $0x1  }
0x8a: {  	s1 =	srdreg.scid  }
0x8b: {  	s0 =	sand.u32 $0x1, s1  }
0x8c: {  	s16 =	sshll.u32 s0, $0xA;
	s2 =	sadd.s32 s3, s2  }
0x8d: {  	s2 =	sadd.s32 s2, s16  }
0x8e: {  	[smem:$0x3FBD] =	sst s2  }
0x8f: {  	_ = 	snop  }
0x90: {  	(tm) =	ssettm $0x1  }
0x91: {  	s17 =	sld [smem:$0x3FFB];
	_ =	sdelay $0x3  }
0x92: {  	_ =	strace s17  }
0x93: {  	s2 =	sld [smem:$0x3FFC];
	_ =	sdelay $0x3  }
0x94: {  	_ =	strace s2  }
0x95: {  	s2 =	sld [smem:$0x3FFD];
	_ =	sdelay $0x3  }
0x96: {  	_ =	strace s2  }
0x97: {  	_ =	strace $0x8FFFFFFF  }
0x98: {  	s18 =	sld [smem:$0x3FDB];
	_ =	sdelay $0x1  }
0x99: {  	s19 =	simm.s32 $_scs_section_size  }
0x9a: {  	s4 =	simm.s32 $_size__tile_overlayer_lowered;
	s5 =	simm.s32 $_tile_overlayer_lowered  }
0x9b: {  	s22 =	simm.s32 $0x1BFF;
	s21 =	sshll.u32 s5, $0x1;
	s2 =	sadd.s32 s19, s18  }
0x9c: {  	s6 =	simm.s32 $0x0;
	s20 =	sshll.u32 s4, $0x1;
	s4 =	sadd.s32 s21, s2  }
0x9d: {  	[timem:s6], [sflag:s22] =	dma.local [hbm:s4], s20  }
0x9e: {  	_ =	swait.ge [sflag:s22], s20  }
0x9f: {  	s3 =	ssub.s32 $0x0, s20;
	[sflag:s22] =	ssyncset.done $0x0  }
0xa0: {  	[sflag:s22] =	ssyncadd.s32 s3;
	_ =	sdelay $0x1  }
0xa1: {  	s23 =	simm.s32 $0x1B8B  }
0xa2: {  	_ =	swait.ge [sflag:s23], $0x1  }
0xa3: {  	[sflag:s23] =	ssyncset.done $0x0  }
0xa4: {  	s25 =	simm.s32 $0x1B8E;
	s24 =	sld [smem:$0x3FFE];
	[sflag:s23] =	ssyncadd.s32 $0xFFFFFFFF  }
0xa5: {  	s26 =	simm.s32 $execute0_lowered;
	[smem:$0x3FD2] =	sst s25  }
0xa6: {  	s4 =	sshll.u32 s26, $0x1;
	_ =	strace $0x8000004F;
	[dreg:$0x1] =	wrdreg $0xFFFFFFFF  }
0xa7: {  	s28 =	simm.s32 $_size_execute0_lowered;
	s2 =	sadd.s32 s2, s4;
	[dreg:$0x0] =	wrdreg $0x0  }
0xa8: {  	s4 =	sshll.u32 s28, $0x1;
	[dreg:$0x2] =	wrdreg s2  }
0xa9: {  	[dreg:$0x3] =	wrdreg s4  }
0xaa: {  	[dreg:$0x4] =	wrdreg $0xC0  }
0xab: {  	_ =	task [dreg:s6], $0x5FFFF  }
0xac: {  	[dreg:$0x1] =	wrdreg $0xFFFFFFFF  }
0xad: {  	[dreg:$0x0] =	wrdreg $0x60  }
0xae: {  	[dreg:$0x2] =	wrdreg s24  }
0xaf: {  	[dreg:$0x3] =	wrdreg $0x15D000  }
0xb0: {  	[dreg:$0x4] =	wrdreg $0x9  }
0xb1: {  	_ =	task.clear_ibuf [dreg:s6], $0x5FFFF;
	_ =	strace $0x9000004F  }
0xb2: {  	s29 =	simm.s32 $0x9;
	_ =	strace $0x80000051  }
0xb3: {  	_ =	swait.ge [sflag:s29], $0x1  }
0xb4: {  	[sflag:s29] =	ssyncadd.s32 $0xFFFFFFFF  }
0xb5: {  	_ =	strace $0x90000051  }
0xb6: {  	_ =	sfence  }
0xb7: {  	s30 =	sld [smem:$0x0];
	_ =	sdelay $0x2  }
0xb8: {  	s31 =	sshll.u32 s1, $0xD;
	s1 =	sshrl.u32 s1, $0x2  }
0xb9: {  	s3 =	sand.u32 $0x4000, s31;
	s1 =	sadd.s32 s1, s30  }
0xba: {  	s0 =	sor.u32 s3, s0;
	s1 =	sshll.u32 s1, $0x11  }
0xbb: {  	s0 =	sor.u32 s1, s0  }
0xbc: {  	s0 =	sadd.s32 $0x8F2B, s0  }
0xbd: {  	[sflag:s0] =	ssyncadd.remote.s32 $0x1  }
0xbe: {  	_ =	sfence.sel $0xFFFF  }
0xbf: {  	[dreg:$0x0] =	wrdreg $0xFFFFFFFF;
	(pc) =	sbr.abs _section_cstart, $3  }
0xc0: {  	[dreg:$0x1] =	wrdreg $0xFFFFFFFF  }
0xc1: {  	_ =	task.clear_ibuf [dreg:s6], $0x2FFFF;
	_ =	strace $0x9FFFFFFF  }
0xc2: {  	(tm) =	ssettm $0x7FFFFFFF  }
0xc3: {  	_ =	shalt  }
tec
execute0_lowered:
.L_overlay_start_1:
0x0: {  	(tag) =	ssettag $0x1  }
0x1: {  	s0 =	rddreg [dreg:$0x0]  }
0x2: {  	s1 =	rddreg [dreg:$0x1]  }
0x3: {  	s8 =	stileid.u32;
	s3 =	srdreg.scid;
	s2 =	simm.s32 $0x0  }
0x4: {  	s11 =	simm.s32 $0x80;
	s20 =	simm.s32 $0x8;
	s21 =	simm.s32 $0x9  }
0x5: {  	s22 =	simm.s32 $0xA;
	s23 =	simm.s32 $0xB;
	s24 =	simm.s32 $0xC  }
0x6: {  	s25 =	simm.s32 $0x7;
	s26 =	simm.s32 $0x0;
	s4 =	smul.u32 $0x9D0, s8  }
0x7: {  	s3 =	sand.u32 $0x1, s3;
	[smem:$0x7FF] =	sst s2;
	p0 =	sne.s32 s8, $0x0  }
0x8: {  	s8 =	simm.s32 $0xD;
	s5 =	smul.u32 $0x13900, s3;
	s3 =	ssub.s32 $0x2, s3  }
0x9: {  	_ =	strace $0x80000050;
	s10 =	sshrl.u32 @!p0 s1, $0x3;
	s4 =	sadd.s32 s4, s0  }
0xa: {  	s6 =	sshrl.u32 s3, $0x1;
	s0 =	sadd.s32 s5, s0;
	s31 =	sadd.s32 $0x1B800, s4  }
0xb: {  	s7 =	ssub.s32 s3, s6;
	s4 =	sadd.s32 $0x25600, s4;
	[dreg:$0x3] =	wrdreg s31  }
0xc: {  	s5 =	sadd.s32 $0x7D800, s0;
	s6 =	sadd.s32 $0x2F400, s0;
	s7 =	smax.u32 s7, $0x1  }
.LBB2_1:
0xd: {  	s0 =	rddreg [dreg:$0x3]  }
0xe: {  	[tilespmem:s2], [sflag:$0xD] =	stream.linear.gather [hbm4b:s0+s2], $0x4E80, $0x38;
	[tilespmem:$0x1F980] =	vst v63  }
0xf: {  	_ =	swait.ge [sflag:s8], $0x4E80  }
0x10: {  	[sflag:s8] =	ssyncset.done $0x0  }
0x11: {  	s3 =	simm.s32 $0x4E80;
	[sflag:s8] =	ssyncadd.s32 $0xFFFFB180  }
0x12: {  	[tilespmem:s3], [sflag:$0xD] =	stream.linear.gather [hbm4b:s4+s2], $0x4E80, $0x38;
	[tilespmem:$0x1F980] =	vst v63  }
0x13: {  	_ =	swait.ge [sflag:s8], $0x4E80  }
0x14: {  	[sflag:s8] =	ssyncset.done $0x0  }
0x15: {  	s0 =	simm.s32 @!p0 $0x1C0D;
	[sflag:s8] =	ssyncadd.s32 $0xFFFFB180  }
0x16: {  	[spmem:s10], [sflag:s0] =	dma.local @!p0 [hbm:s5], $0x13900  }
0x17: {  	s0 =	simm.s32 @!p0 $0xD  }
0x18: {  	_ =	swait.ge @!p0 [sflag:s0], $0x13900  }
0x19: {  	s9 =	simm.s32 $0x9D00;
	[sflag:s0] =	ssyncset.done @!p0 $0x0  }
0x1a: {  	s12 =	simm.s32 $0xBD00;
	s13 =	simm.s32 $0x100;
	[sflag:s0] =	ssyncadd.s32 @!p0 $0xFFFEC700  }
0x1b: {  	s14 =	simm.s32 $0x180;
	s15 =	simm.s32 $0xFD00;
	[bflag:$0x0] =	sbarrier.arrive $0xFFFF  }
0x1c: {  	[tilespmem:s9], [sflag:$0x1] =	stream.indirect.gather [hbm4b:s5+s11], $0x40, s2, s11, $0xb8;
	[tilespmem:$0x1F980] =	vst v63  }
0x1d: {  	s16 =	smul.u32 $0xAB, s2;
	s17 =	simm.s32 $0x200;
	s18 =	simm.s32 $0x5  }
0x1e: {  	[tilespmem:s12], [sflag:$0x2] =	stream.indirect.gather [hbm4b:s5+s11], $0x40, s11, s11, $0xb8;
	[tilespmem:$0x1F980] =	vst v63  }
0x1f: {  	s30 =	simm.s32 $0x280;
	s3 =	simm.s32 $0xDD00;
	s0 =	sshrl.u32 s16, $0xA  }
0x20: {  	[tilespmem:s3], [sflag:$0x3] =	stream.indirect.gather [hbm4b:s5+s11], $0x40, s13, s11, $0xb8;
	[tilespmem:$0x1F980] =	vst v63  }
0x21: {  	s29 =	simm.s32 $0x1;
	p2 =	por $0x0, $0x0;
	s0 =	sand.u32 $0x3F, s0  }
0x22: {  	[tilespmem:s15], [sflag:$0x4] =	stream.indirect.gather [hbm4b:s5+s11], $0x40, s14, s11, $0xb8;
	[tilespmem:$0x1F980] =	vst v63  }
0x23: {  	s19 =	sand.u32 $0xFF, s18;
	s9 =	simm.s32 $0x11D00;
	s12 =	smul.u32 $0x6, s0  }
0x24: {  	[tilespmem:s9], [sflag:$0x5] =	stream.indirect.gather [hbm4b:s5+s11], $0x40, s17, s11, $0xb8;
	[tilespmem:$0x1F980] =	vst v63  }
0x25: {  	s31 =	simm.s32 $0x4F00;
	p1 =	por @!p2 $0x1, $0x1;
	s9 =	smul.u32 $0xAB, s19  }
0x26: {  	s28 =	simm.s32 $0x300;
	p1 =	por p1, p2;
	s12 =	ssub.s32 $0x0, s12  }
0x27: {  	s0 =	simm.s32 $0x2;
	s13 =	sand.u32 $0xFF, s12;
	s9 =	sshrl.u32 s9, $0xA  }
0x28: {  	s15 =	sshll.u32 s13, $0xD;
	s16 =	sadd.s32 $0x1, s13;
	s9 =	smul.u32 $0x6, s9  }
0x29: {  	s14 =	sadd.s32 $0x7, s13;
	s13 =	smul.u32 $0xAB, s29;
	_ =	swait.ge [sflag:s16], $0x2000  }
0x2a: {  	s15 =	sadd.s32 $0x9D00, s15;
	[sflag:s16] =	ssyncset.done $0x0;
	s9 =	ssub.s32 $0x5, s9  }
0x2b: {  	[sflag:s16] =	ssyncadd.s32 $0xFFFFE000;
	s12 =	sand.u32 $0xFF, s9;
	s9 =	simm.s32 $0x4E80  }
.LBB2_2:
0x2c: {  	[spmem:s1] =	stream.indirect.scatter.add.f32 [tilespmem:s15], [sflag:s14], $0x40, s9, s11, $0xb8;
	[tilespmem:$0x1F980] =	vst v63  }
0x2d: {  	s14 =	smov.u32 s0;
	s9 =	smov.u32 s31;
	p3 =	por p2, p2  }
0x2e: {  	s15 =	sadd.s32 $0x5, s29;
	s13 =	sshrl.u32 s13, $0xA;
	s16 =	sshll.u32 @!p3 s12, $0xD  }
0x2f: {  	s17 =	sadd.s32 @!p3 $0x1, s12;
	s13 =	sand.u32 $0x3F, s13;
	s16 =	sadd.s32 @!p3 $0x9D00, s16  }
0x30: {  	s18 =	sand.u32 $0xFF, s15;
	s12 =	sadd.s32 @!p1 $0x7, s12;
	s13 =	smul.u32 $0x6, s13  }
0x31: {  	s0 =	sadd.s32 $0x1, s0;
	s18 =	smul.u32 $0xAB, s18;
	_ =	swait.ge @!p1 [sflag:s12], $0x2000  }
0x32: {  	p4 =	sne.s32 s0, $0x9D;
	s13 =	ssub.s32 s29, s13;
	[sflag:s12] =	ssyncset.done @!p1 $0x0  }
0x33: {  	p2 =	sgt.u32 s29, $0x97;
	s18 =	sshrl.u32 s18, $0xA;
	s13 =	sand.u32 $0xFF, s13  }
0x34: {  	s18 =	smul.u32 $0x6, s18;
	s19 =	sshll.u32 s13, $0xD;
	s3 =	sadd.s32 $0x1, s13  }
0x35: {  	p5 =	seq.s32 @!p2 s29, $0x0;
	s29 =	smov.u32 s14;
	[sflag:s12] =	ssyncadd.s32 @!p1 $0xFFFFE000  }
0x36: {  	s14 =	simm.s32 @!p3 $0x80;
	s12 =	ssub.s32 s15, s18;
	p1 =	por p5, p2  }
.Ltmp0:
0x37: {  	s12 =	sand.u32 $0xFF, s12;
	(pc) =	sbr.rel @p4 .LBB2_2-.Ltmp0, $4  }
0x38: {  	[tilespmem:s16], [sflag:s17] =	stream.indirect.gather @!p3 [hbm4b:s5+s14], $0x40, s30, s14, $0xb8;
	[tilespmem:$0x1F980] =	vst v63  }
0x39: {  	s31 =	sadd.s32 $0x80, s31;
	s30 =	smov.u32 s28;
	_ =	swait.ge [sflag:s3], $0x2000  }
0x3a: {  	s14 =	sadd.s32 $0x7, s13;
	s28 =	sadd.s32 $0x80, s28;
	[sflag:s3] =	ssyncset.done $0x0  }
0x3b: {  	s15 =	sadd.s32 $0x9D00, s19;
	s13 =	smul.u32 $0xAB, s29;
	[sflag:s3] =	ssyncadd.s32 $0xFFFFE000  }
0x3c: {  	[spmem:s1] =	stream.indirect.scatter.add.f32 [tilespmem:s15], [sflag:s14], $0x40, s9, s11, $0xb8;
	[tilespmem:$0x1F980] =	vst v63  }
0x3d: {  	p2 =	por p2, p2;
	s3 =	sadd.s32 $0x5, s29;
	s14 =	sadd.s32 @!p1 $0x7, s12  }
0x3e: {  	s0 =	sshrl.u32 s13, $0xA;
	s9 =	sshll.u32 @!p2 s12, $0xD;
	s18 =	sand.u32 $0xFF, s3  }
0x3f: {  	s12 =	sadd.s32 @!p2 $0x1, s12;
	_ =	swait.ge @!p1 [sflag:s14], $0x2000;
	s0 =	sand.u32 $0x3F, s0  }
0x40: {  	s9 =	sadd.s32 @!p2 $0x9D00, s9;
	s13 =	smul.u32 $0xAB, s18;
	[sflag:s14] =	ssyncset.done @!p1 $0x0  }
0x41: {  	s0 =	smul.u32 $0x6, s0;
	[sflag:s14] =	ssyncadd.s32 @!p1 $0xFFFFE000;
	s14 =	simm.s32 @!p2 $0x80  }
0x42: {  	[tilespmem:s9], [sflag:s12] =	stream.indirect.gather @!p2 [hbm4b:s5+s14], $0x40, s30, s14, $0xb8;
	[tilespmem:$0x1F980] =	vst v63  }
0x43: {  	s0 =	ssub.s32 s29, s0  }
0x44: {  	p3 =	sgt.u32 s29, $0x97;
	s13 =	sshrl.u32 s13, $0xA;
	s0 =	sand.u32 $0xFF, s0  }
0x45: {  	p1 =	seq.s32 @!p3 s29, $0x0;
	s13 =	smul.u32 $0x6, s13;
	s16 =	sadd.s32 $0x1, s0  }
0x46: {  	p1 =	por p1, p3;
	s19 =	sshll.u32 s0, $0xD;
	_ =	swait.ge [sflag:s16], $0x2000  }
0x47: {  	s3 =	ssub.s32 s3, s13;
	s0 =	sadd.s32 $0x7, s0;
	[sflag:s16] =	ssyncset.done $0x0  }
0x48: {  	s3 =	sand.u32 $0xFF, s3;
	s30 =	sadd.s32 $0x9D00, s19;
	[sflag:s16] =	ssyncadd.s32 $0xFFFFE000  }
0x49: {  	[spmem:s1] =	stream.indirect.scatter.add.f32 [tilespmem:s30], [sflag:s0], $0x40, s31, s11, $0xb8;
	[tilespmem:$0x1F980] =	vst v63  }
0x4a: {  	p2 =	por p3, p3;
	s0 =	sadd.s32 @!p1 $0x7, s3  }
0x4b: {  	s9 =	sshll.u32 @!p2 s3, $0xD;
	_ =	swait.ge @!p1 [sflag:s0], $0x2000  }
0x4c: {  	s9 =	sadd.s32 @!p2 $0x9D00, s9;
	[sflag:s0] =	ssyncset.done @!p1 $0x0  }
0x4d: {  	s3 =	sadd.s32 @!p2 $0x1, s3;
	[sflag:s0] =	ssyncadd.s32 @!p1 $0xFFFFE000;
	s0 =	simm.s32 @!p2 $0x80  }
0x4e: {  	[tilespmem:s9], [sflag:s3] =	stream.indirect.gather @!p2 [hbm4b:s5+s0], $0x40, s28, s0, $0xb8;
	[tilespmem:$0x1F980] =	vst v63  }
0x4f: {  	_ =	swait.ge [sflag:s20], $0x2000  }
0x50: {  	[sflag:s20] =	ssyncset.done $0x0  }
0x51: {  	[sflag:s20] =	ssyncadd.s32 $0xFFFFE000  }
0x52: {  	_ =	swait.ge [sflag:s21], $0x2000  }
0x53: {  	[sflag:s21] =	ssyncset.done $0x0  }
0x54: {  	[sflag:s21] =	ssyncadd.s32 $0xFFFFE000  }
0x55: {  	_ =	swait.ge [sflag:s22], $0x2000  }
0x56: {  	[sflag:s22] =	ssyncset.done $0x0  }
0x57: {  	[sflag:s22] =	ssyncadd.s32 $0xFFFFE000  }
0x58: {  	_ =	swait.ge [sflag:s23], $0x2000  }
0x59: {  	[sflag:s23] =	ssyncset.done $0x0  }
0x5a: {  	[sflag:s23] =	ssyncadd.s32 $0xFFFFE000  }
0x5b: {  	_ =	swait.ge [sflag:s24], $0x2000  }
0x5c: {  	[sflag:s24] =	ssyncset.done $0x0  }
0x5d: {  	[sflag:s24] =	ssyncadd.s32 $0xFFFFE000  }
0x5e: {  	_ =	swait.ge [sflag:s25], $0x2000  }
0x5f: {  	[sflag:s25] =	ssyncset.done $0x0  }
0x60: {  	s26 =	sadd.s32 $0x1, s26;
	[sflag:s25] =	ssyncadd.s32 $0xFFFFE000  }
0x61: {  	p1 =	sne.s32 s26, s7;
	s0 =	simm.s32 @!p0 $0x1C0D;
	[bflag:$0x0] =	sbarrier.arrive $0xFFFF  }
0x62: {  	[hbm:s6], [sflag:s0] =	dma.local @!p0 [spmem:s10], $0x13900  }
.Ltmp1:
0x63: {  	_ = 	snop;
	(pc) =	sbr.rel @p1 .LBB2_1-.Ltmp1, $4  }
0x64: {  	s0 =	simm.s32 @!p0 $0xD  }
0x65: {  	_ =	swait.ge @!p0 [sflag:s0], $0x13900  }
0x66: {  	[sflag:s0] =	ssyncset.done @!p0 $0x0  }
0x67: {  	[sflag:s0] =	ssyncadd.s32 @!p0 $0xFFFEC700  }
0x68: {  	_ =	sfence.sel $0x180000  }
0x69: {  	[bflag:$0x0] =	sbarrier.arrive $0xFFFF  }
0x6a: {  	_ =	strace $0x90000050  }
0x6b: {  	[bflag:$0x2] =	sbarrier.arrive $0xFFFF  }
0x6c: {  	s0 =	rddreg [dreg:$0x2]  }
0x6d: {  	s0 =	sadd.s32 @!p0 $0x100000, s0  }
0x6e: {  	[sflag:s0] =	ssyncadd.tile.s32 @!p0 $0x1;
	_ =	shalt  }
.Lfunc_end2:
_tile_overlayer_lowered:
.L_overlay_start_2:
0x6f: {  	(tag) =	ssettag $0x2  }
0x70: {  	s0 =	rddreg [dreg:$0x0];
	s2 =	stileid.u32  }
0x71: {  	s1 =	rddreg [dreg:$0x1];
	p0 =	sne.s32 s2, $0x0  }
0x72: {  	s3 =	rddreg [dreg:$0x2];
	[bflag:$0x3] =	sbarrier.arrive $0xFFFF;
	s2 =	simm.s32 @!p0 $0x1C0D  }
0x73: {  	[timem:s3], [sflag:s2] =	dma.local @!p0 [hbm:s0], s1  }
0x74: {  	s0 =	simm.s32 @!p0 $0xD  }
0x75: {  	_ =	swait.ge @!p0 [sflag:s0], s1  }
0x76: {  	s1 =	ssub.s32 @!p0 $0x0, s1;
	[sflag:s0] =	ssyncset.done @!p0 $0x0  }
0x77: {  	[sflag:s0] =	ssyncadd.s32 @!p0 s1  }
0x78: {  	[bflag:$0x3] =	sbarrier.arrive $0xFFFF  }
0x79: {  	_ =	shalt  }

// kernel: kernel.25.cloned.1.call-start
scs
__scs_entry_jumppad:
0x0: {  	(pc) =	sbr.rel $0x88, $3  }
0x1: {  	(tag) =	ssettag $0x0;
	lr =	simm.s32 $0x1  }
0x2: {  	[smem:$0x3F96] =	sst lr;
	_ =	strace $0xD0000000  }
0x3: {  	_ = 	snop  }
0x4: {  	_ = 	snop  }
0x5: {  	_ = 	snop  }
0x6: {  	_ = 	snop  }
0x7: {  	_ = 	snop  }
__scs_overlays_trampoline_lowered:
0x8: {  	[smem:$0x3FA5] =	sst s0  }
0x9: {  	[smem:$0x3FA6] =	sst s1  }
0xa: {  	[smem:$0x3FA7] =	sst s2  }
0xb: {  	[smem:$0x3FA8] =	sst s3  }
0xc: {  	[smem:$0x3FA9] =	sst s4  }
0xd: {  	[smem:$0x3FAA] =	sst s5  }
0xe: {  	[smem:$0x3FAB] =	sst s6  }
0xf: {  	[smem:$0x3FAC] =	sst s7  }
0x10: {  	[smem:$0x3FAD] =	sst s8  }
0x11: {  	[smem:$0x3FAE] =	sst s9;
	s0 =	simm.s32 @!p0 $0x0  }
0x12: {  	s1 =	sld [smem:$0x3F94];
	s0 =	simm.s32 @p0 $0x1  }
0x13: {  	[smem:$0x3FAF] =	sst s0;
	s0 =	simm.s32 @!p1 $0x0  }
0x14: {  	s2 =	sld [smem:$0x3F93];
	s0 =	simm.s32 @p1 $0x1  }
0x15: {  	[smem:$0x3FB0] =	sst s0;
	s0 =	simm.s32 @!p2 $0x0  }
0x16: {  	s3 =	sld [smem:$0x3FDB];
	s0 =	simm.s32 @p2 $0x1  }
0x17: {  	s4 =	simm.s32 $0x1BF5;
	[smem:$0x3FB2] =	sst s0  }
0x18: {  	s0 =	sld [smem:$0x3F95];
	_ =	swait.ge [sflag:s4], $0x0  }
0x19: {  	s7 =	sld [smem:$0x3F96]  }
0x1a: {  	s8 =	sadd.s32 $0xFFFFE003, lr  }
0x1b: {  	s9 =	sadd.s32 $0xFFFFFEF7, lr;
	s5 =	simm.s32 $0xFFFFFFFF;
	p2 =	slt.u32 s8, $0xFFFFF086  }
0x1c: {  	p1 =	slt.u32 s9, $0xF7A;
	s5 =	simm.s32 @!p2 $0x0  }
0x1d: {  	s5 =	simm.s32 @p1 $0x1;
	p0 =	seq.s32 s7, s2  }
0x1e: {  	s7 =	smul.u32 @!p0 $0xF7A, s2;
	p2 =	seq.s32 @!p0 s5, $0x0  }
0x1f: {  	s9 =	smul.u32 $0xF7A, s1;
	s8 =	simm.s32 @!p0 $0x1BF5;
	p2 =	por !p2, p0  }
0x20: {  	[sflag:s8] =	ssyncset.s32 @!p0 $0xFFFFF086;
	s6 =	sadd.s32 @!p0 s3, s7;
	s7 =	simm.s32 @!p0 $0x108  }
0x21: {  	s3 =	sadd.s32 s3, s9;
	s6 =	sadd.s32 @!p0 $0x88, s6;
	s7 =	simm.s32 @p2 $0x1082  }
0x22: {  	[simem:s7], [sflag:s8] =	dma.local @!p0 [hbm:s6], $0xF7A  }
0x23: {  	s9 =	sor.u32 $0xD0000000, s2;
	s6 =	simm.s32 $0x108;
	_ =	swait.ge @!p0 [sflag:s8], $0x0  }
0x24: {  	s3 =	sadd.s32 $0x88, s3;
	s6 =	simm.s32 @!p1 $0x1082;
	[sflag:s4] =	ssyncset.s32 $0xFFFFF086  }
0x25: {  	[simem:s6], [sflag:s4] =	dma.local [hbm:s3], $0xF7A  }
0x26: {  	[smem:$0x3F96] =	sst s1;
	(tag) =	ssettag s2;
	_ =	strace s9  }
0x27: {  	s1 =	sld [smem:$0x3FA6]  }
0x28: {  	s2 =	sld [smem:$0x3FA7]  }
0x29: {  	s4 =	sld [smem:$0x3FA9]  }
0x2a: {  	p0 =	seq.s32 s5, $0x0;
	s5 =	sld [smem:$0x3FAA]  }
0x2b: {  	s6 =	sld [smem:$0x3FAB]  }
0x2c: {  	s7 =	sld [smem:$0x3FAC]  }
0x2d: {  	s3 =	simm.s32 $0x108;
	s8 =	sld [smem:$0x3FAD]  }
0x2e: {  	s3 =	simm.s32 @!p0 $0x1082;
	s9 =	sld [smem:$0x3FAE]  }
0x2f: {  	lr =	sadd.s32 s0, s3;
	s0 =	sld [smem:$0x3FA5]  }
0x30: {  	s3 =	sld [smem:$0x3FA8]  }
0x31: {  	[smem:$0x3FB1] =	sst s10  }
0x32: {  	s10 =	sld [smem:$0x3FAF];
	_ =	sdelay $0x3  }
0x33: {  	p0 =	seq.s32 s10, $0x1;
	s10 =	sld [smem:$0x3FB1];
	_ =	sdelay $0x3  }
0x34: {  	[smem:$0x3FB1] =	sst s10  }
0x35: {  	s10 =	sld [smem:$0x3FB0];
	_ =	sdelay $0x3  }
0x36: {  	p1 =	seq.s32 s10, $0x1;
	s10 =	sld [smem:$0x3FB1];
	_ =	sdelay $0x3  }
0x37: {  	[smem:$0x3FB1] =	sst s10  }
0x38: {  	s10 =	sld [smem:$0x3FB2]  }
0x39: {  	_ = 	snop;
	(pc) =	sbr.ind lr, $3  }
0x3a: {  	_ = 	snop  }
0x3b: {  	_ = 	snop  }
0x3c: {  	p2 =	seq.s32 s10, $0x1;
	s10 =	sld [smem:$0x3FB1]  }
0x3d: {  	_ =	shalt  }
0x3e: {  	_ =	shalt  }
0x3f: {  	_ =	shalt  }
0x40: {  	_ =	shalt  }
0x41: {  	_ =	shalt  }
0x42: {  	_ =	shalt  }
0x43: {  	_ =	shalt  }
0x44: {  	_ =	shalt  }
0x45: {  	_ =	shalt  }
0x46: {  	_ =	shalt  }
0x47: {  	_ =	shalt  }
0x48: {  	_ =	shalt  }
0x49: {  	_ =	shalt  }
0x4a: {  	_ =	shalt  }
0x4b: {  	_ =	shalt  }
0x4c: {  	_ =	shalt  }
0x4d: {  	_ =	shalt  }
0x4e: {  	_ =	shalt  }
0x4f: {  	_ =	shalt  }
0x50: {  	_ =	shalt  }
0x51: {  	_ =	shalt  }
0x52: {  	_ =	shalt  }
0x53: {  	_ =	shalt  }
0x54: {  	_ =	shalt  }
0x55: {  	_ =	shalt  }
0x56: {  	_ =	shalt  }
0x57: {  	_ =	shalt  }
0x58: {  	_ =	shalt  }
0x59: {  	_ =	shalt  }
0x5a: {  	_ =	shalt  }
0x5b: {  	_ =	shalt  }
0x5c: {  	_ =	shalt  }
0x5d: {  	_ =	shalt  }
0x5e: {  	_ =	shalt  }
0x5f: {  	_ =	shalt  }
0x60: {  	_ =	shalt  }
0x61: {  	_ =	shalt  }
0x62: {  	_ =	shalt  }
0x63: {  	_ =	shalt  }
0x64: {  	_ =	shalt  }
0x65: {  	_ =	shalt  }
0x66: {  	_ =	shalt  }
0x67: {  	_ =	shalt  }
0x68: {  	_ =	shalt  }
0x69: {  	_ =	shalt  }
0x6a: {  	_ =	shalt  }
0x6b: {  	_ =	shalt  }
0x6c: {  	_ =	shalt  }
0x6d: {  	_ =	shalt  }
0x6e: {  	_ =	shalt  }
0x6f: {  	_ =	shalt  }
0x70: {  	_ =	shalt  }
0x71: {  	_ =	shalt  }
0x72: {  	_ =	shalt  }
0x73: {  	_ =	shalt  }
0x74: {  	_ =	shalt  }
0x75: {  	_ =	shalt  }
0x76: {  	_ =	shalt  }
0x77: {  	_ =	shalt  }
0x78: {  	_ =	shalt  }
0x79: {  	_ =	shalt  }
0x7a: {  	_ =	shalt  }
0x7b: {  	_ =	shalt  }
0x7c: {  	_ =	shalt  }
0x7d: {  	_ =	shalt  }
0x7e: {  	_ =	shalt  }
0x7f: {  	_ =	shalt  }
0x80: {  	_ =	shalt  }
0x81: {  	_ =	shalt  }
0x82: {  	_ =	shalt  }
0x83: {  	_ =	shalt  }
0x84: {  	_ =	shalt  }
0x85: {  	_ =	shalt  }
0x86: {  	_ =	shalt  }
0x87: {  	_ =	shalt  }
.Lfunc_end0:
.L_simem_size_0:
called_computation.4_lowered:
.L_overlay_start_0:
0x88: {  	s2 =	sld [smem:$0x3FD9]  }
0x89: {  	s3 =	sld [smem:$0x3FFE];
	_ =	sdelay $0x1  }
0x8a: {  	s1 =	srdreg.scid  }
0x8b: {  	s0 =	sand.u32 $0x1, s1  }
0x8c: {  	s16 =	sshll.u32 s0, $0xA;
	s2 =	sadd.s32 s3, s2  }
0x8d: {  	s2 =	sadd.s32 s2, s16  }
0x8e: {  	[smem:$0x3FBD] =	sst s2  }
0x8f: {  	_ = 	snop  }
0x90: {  	(tm) =	ssettm $0x1  }
0x91: {  	s17 =	sld [smem:$0x3FFB];
	_ =	sdelay $0x3  }
0x92: {  	_ =	strace s17  }
0x93: {  	s2 =	sld [smem:$0x3FFC];
	_ =	sdelay $0x3  }
0x94: {  	_ =	strace s2  }
0x95: {  	s2 =	sld [smem:$0x3FFD];
	_ =	sdelay $0x3  }
0x96: {  	_ =	strace s2  }
0x97: {  	_ =	strace $0x8FFFFFFF  }
0x98: {  	s18 =	sld [smem:$0x3FDB];
	_ =	sdelay $0x1  }
0x99: {  	s19 =	simm.s32 $_scs_section_size  }
0x9a: {  	s4 =	simm.s32 $_size__tile_overlayer_lowered;
	s5 =	simm.s32 $_tile_overlayer_lowered  }
0x9b: {  	s22 =	simm.s32 $0x1BFF;
	s21 =	sshll.u32 s5, $0x1;
	s2 =	sadd.s32 s19, s18  }
0x9c: {  	s6 =	simm.s32 $0x0;
	s20 =	sshll.u32 s4, $0x1;
	s4 =	sadd.s32 s21, s2  }
0x9d: {  	[timem:s6], [sflag:s22] =	dma.local [hbm:s4], s20  }
0x9e: {  	_ =	swait.ge [sflag:s22], s20  }
0x9f: {  	s3 =	ssub.s32 $0x0, s20;
	[sflag:s22] =	ssyncset.done $0x0  }
0xa0: {  	[sflag:s22] =	ssyncadd.s32 s3;
	_ =	sdelay $0x1  }
0xa1: {  	s23 =	simm.s32 $0x1B8B  }
0xa2: {  	_ =	swait.ge [sflag:s23], $0x1  }
0xa3: {  	[sflag:s23] =	ssyncset.done $0x0  }
0xa4: {  	s25 =	simm.s32 $0x1B8E;
	s24 =	sld [smem:$0x3FFE];
	[sflag:s23] =	ssyncadd.s32 $0xFFFFFFFF  }
0xa5: {  	s26 =	simm.s32 $execute0_lowered;
	[smem:$0x3FD2] =	sst s25  }
0xa6: {  	s4 =	sshll.u32 s26, $0x1;
	_ =	strace $0x80000052;
	[dreg:$0x1] =	wrdreg $0xFFFFFFFF  }
0xa7: {  	s28 =	simm.s32 $_size_execute0_lowered;
	s2 =	sadd.s32 s2, s4;
	[dreg:$0x0] =	wrdreg $0x0  }
0xa8: {  	s4 =	sshll.u32 s28, $0x1;
	[dreg:$0x2] =	wrdreg s2  }
0xa9: {  	[dreg:$0x3] =	wrdreg s4  }
0xaa: {  	[dreg:$0x4] =	wrdreg $0xC0  }
0xab: {  	_ =	task [dreg:s6], $0x5FFFF  }
0xac: {  	[dreg:$0x1] =	wrdreg $0xFFFFFFFF  }
0xad: {  	[dreg:$0x0] =	wrdreg $0x60  }
0xae: {  	[dreg:$0x2] =	wrdreg s24  }
0xaf: {  	[dreg:$0x3] =	wrdreg $0x7F000  }
0xb0: {  	[dreg:$0x4] =	wrdreg $0x9  }
0xb1: {  	_ =	task.clear_ibuf [dreg:s6], $0x5FFFF;
	_ =	strace $0x90000052  }
0xb2: {  	s29 =	simm.s32 $0x9;
	_ =	strace $0x80000054  }
0xb3: {  	_ =	swait.ge [sflag:s29], $0x1  }
0xb4: {  	[sflag:s29] =	ssyncadd.s32 $0xFFFFFFFF  }
0xb5: {  	_ =	strace $0x90000054  }
0xb6: {  	_ =	sfence  }
0xb7: {  	s30 =	sld [smem:$0x0];
	_ =	sdelay $0x2  }
0xb8: {  	s31 =	sshll.u32 s1, $0xD;
	s1 =	sshrl.u32 s1, $0x2  }
0xb9: {  	s3 =	sand.u32 $0x4000, s31;
	s1 =	sadd.s32 s1, s30  }
0xba: {  	s0 =	sor.u32 s3, s0;
	s1 =	sshll.u32 s1, $0x11  }
0xbb: {  	s0 =	sor.u32 s1, s0  }
0xbc: {  	s0 =	sadd.s32 $0x8F2B, s0  }
0xbd: {  	[sflag:s0] =	ssyncadd.remote.s32 $0x1  }
0xbe: {  	_ =	sfence.sel $0xFFFF  }
0xbf: {  	[dreg:$0x0] =	wrdreg $0xFFFFFFFF;
	(pc) =	sbr.abs _section_cstart, $3  }
0xc0: {  	[dreg:$0x1] =	wrdreg $0xFFFFFFFF  }
0xc1: {  	_ =	task.clear_ibuf [dreg:s6], $0x2FFFF;
	_ =	strace $0x9FFFFFFF  }
0xc2: {  	(tm) =	ssettm $0x7FFFFFFF  }
0xc3: {  	_ =	shalt  }
tec
execute0_lowered:
.L_overlay_start_1:
0x0: {  	(tag) =	ssettag $0x1  }
0x1: {  	s0 =	rddreg [dreg:$0x0]  }
0x2: {  	s1 =	rddreg [dreg:$0x1];
	s3 =	srdreg.scid  }
0x3: {  	s2 =	simm.s32 $0x0;
	s8 =	stileid.u32;
	s12 =	simm.s32 $0x80  }
0x4: {  	s20 =	simm.s32 $0x6F00;
	s21 =	simm.s32 $0x8;
	s22 =	simm.s32 $0x9  }
0x5: {  	s23 =	simm.s32 $0xA;
	s24 =	simm.s32 $0xB;
	s25 =	simm.s32 $0xC  }
0x6: {  	s26 =	simm.s32 $0x7;
	s6 =	sand.u32 $0x1, s3;
	s9 =	smul.u32 $0x4F0, s8  }
0x7: {  	s28 =	simm.s32 $0x0;
	[smem:$0x7FF] =	sst s2;
	s4 =	smul.u32 $0x4F00, s6  }
0x8: {  	s3 =	sadd.s32 $0x11A00, s0;
	s5 =	smul.u32 $0x4E40, s6;
	s7 =	ssub.s32 $0x2, s6  }
0x9: {  	_ =	strace $0x80000053;
	p0 =	seq.s32 s6, $0x0;
	s11 =	sshrl.u32 s7, $0x1  }
0xa: {  	s10 =	sadd.s32 s4, s0;
	s4 =	sadd.s32 $0xCA00, s0;
	s0 =	sadd.s32 s5, s0  }
0xb: {  	s7 =	ssub.s32 s7, s11;
	s31 =	sadd.s32 s9, s10;
	s10 =	sadd.s32 $0x2C00, s10  }
0xc: {  	s6 =	sadd.s32 $0x16A00, s0;
	s7 =	smax.u32 s7, $0x1;
	s4 =	smov.u32 @p0 s3  }
0xd: {  	p0 =	sne.s32 s8, $0x0;
	s8 =	simm.s32 $0xD;
	s5 =	sadd.s32 $0x56600, s31  }
0xe: {  	s9 =	sadd.s32 s9, s10;
	s10 =	simm.s32 $0x2780;
	s11 =	sshrl.u32 @!p0 s1, $0x3  }
.LBB2_1:
0xf: {  	[tilespmem:s2], [sflag:$0xD] =	stream.linear.gather [hbm4b:s5+s2], $0x2780, $0x38;
	[tilespmem:$0xA620] =	vst v63  }
0x10: {  	_ =	swait.ge [sflag:s8], $0x2780  }
0x11: {  	[sflag:s8] =	ssyncset.done $0x0  }
0x12: {  	[sflag:s8] =	ssyncadd.s32 $0xFFFFD880  }
0x13: {  	[tilespmem:s10], [sflag:$0xD] =	stream.linear.gather [hbm4b:s9+s2], $0x2780, $0x38;
	[tilespmem:$0xA620] =	vst v63  }
0x14: {  	_ =	swait.ge [sflag:s8], $0x2780  }
0x15: {  	[sflag:s8] =	ssyncset.done $0x0  }
0x16: {  	s0 =	simm.s32 @!p0 $0x1C0D;
	[sflag:s8] =	ssyncadd.s32 $0xFFFFD880  }
0x17: {  	[spmem:s11], [sflag:s0] =	dma.local @!p0 [hbm:s4], $0x4E40  }
0x18: {  	s0 =	simm.s32 @!p0 $0xD  }
0x19: {  	_ =	swait.ge @!p0 [sflag:s0], $0x4E40  }
0x1a: {  	s19 =	simm.s32 $0x4F00;
	[sflag:s0] =	ssyncset.done @!p0 $0x0  }
0x1b: {  	s13 =	simm.s32 $0x5700;
	s14 =	simm.s32 $0x100;
	[sflag:s0] =	ssyncadd.s32 @!p0 $0xFFFFB1C0  }
0x1c: {  	s15 =	simm.s32 $0x180;
	s16 =	simm.s32 $0x6700;
	[bflag:$0x0] =	sbarrier.arrive $0xFFFF  }
0x1d: {  	[tilespmem:s19], [sflag:$0x1] =	stream.indirect.gather [hbm4b:s3+s12], $0x10, s2, s12, $0xb8;
	[tilespmem:$0xA620] =	vst v63  }
0x1e: {  	s17 =	smul.u32 $0xAB, s2;
	s18 =	simm.s32 $0x200;
	s30 =	simm.s32 $0x1  }
0x1f: {  	[tilespmem:s13], [sflag:$0x2] =	stream.indirect.gather [hbm4b:s3+s12], $0x10, s12, s12, $0xb8;
	[tilespmem:$0xA620] =	vst v63  }
0x20: {  	s0 =	sadd.s32 $0x357, s17;
	s19 =	sshrl.u32 s17, $0xA;
	s13 =	simm.s32 $0x5F00  }
0x21: {  	[tilespmem:s13], [sflag:$0x3] =	stream.indirect.gather [hbm4b:s3+s12], $0x10, s14, s12, $0xb8;
	[tilespmem:$0xA620] =	vst v63  }
0x22: {  	s29 =	simm.s32 $0x2800;
	s0 =	sshrl.u32 s0, $0xA;
	s13 =	sand.u32 $0x3F, s19  }
0x23: {  	p1 =	por $0x0, $0x0;
	s0 =	sand.u32 $0x3F, s0;
	s14 =	smul.u32 $0x6, s13  }
0x24: {  	[tilespmem:s16], [sflag:$0x4] =	stream.indirect.gather [hbm4b:s3+s12], $0x10, s15, s12, $0xb8;
	[tilespmem:$0xA620] =	vst v63  }
0x25: {  	p2 =	por @!p1 $0x1, $0x1;
	s15 =	smul.u32 $0x6, s0;
	s14 =	ssub.s32 $0x0, s14  }
0x26: {  	[tilespmem:s20], [sflag:$0x5] =	stream.indirect.gather [hbm4b:s3+s12], $0x10, s18, s12, $0xb8;
	[tilespmem:$0xA620] =	vst v63  }
0x27: {  	s31 =	simm.s32 $0x300;
	p2 =	por p2, p1;
	s14 =	sand.u32 $0xFF, s14  }
0x28: {  	s13 =	simm.s32 $0x280;
	s15 =	ssub.s32 $0x0, s15;
	s17 =	sadd.s32 $0x1, s14  }
0x29: {  	s16 =	sshll.u32 s14, $0xB;
	s15 =	sadd.s32 $0x5, s15;
	_ =	swait.ge [sflag:s17], $0x800  }
0x2a: {  	s14 =	sadd.s32 $0x7, s14;
	s15 =	sand.u32 $0xFF, s15;
	[sflag:s17] =	ssyncset.done $0x0  }
0x2b: {  	s16 =	sadd.s32 $0x4F00, s16;
	[sflag:s17] =	ssyncadd.s32 $0xFFFFF800;
	s17 =	sadd.s32 @!p2 $0x7, s15  }
0x2c: {  	[spmem:s1] =	stream.indirect.scatter.add.f32 [tilespmem:s16], [sflag:s14], $0x10, s10, s12, $0xb8;
	[tilespmem:$0xA620] =	vst v63  }
0x2d: {  	s0 =	simm.s32 $0x2;
	s16 =	sshll.u32 @!p1 s15, $0xB;
	_ =	swait.ge @!p2 [sflag:s17], $0x800  }
0x2e: {  	s14 =	sadd.s32 @!p1 $0x1, s15;
	s15 =	smul.u32 $0xAB, s30;
	[sflag:s17] =	ssyncset.done @!p2 $0x0  }
0x2f: {  	s16 =	sadd.s32 @!p1 $0x4F00, s16;
	[sflag:s17] =	ssyncadd.s32 @!p2 $0xFFFFF800;
	s17 =	simm.s32 @!p1 $0x80  }
.LBB2_2:
0x30: {  	[tilespmem:s16], [sflag:s14] =	stream.indirect.gather @!p1 [hbm4b:s3+s17], $0x10, s13, s17, $0xb8;
	[tilespmem:$0xA620] =	vst v63  }
0x31: {  	s14 =	smov.u32 s30;
	s30 =	smov.u32 s0;
	s16 =	smov.u32 s29  }
0x32: {  	s0 =	sadd.s32 $0x1, s0;
	s13 =	sshrl.u32 s15, $0xA;
	s15 =	sadd.s32 $0x357, s15  }
0x33: {  	p2 =	sne.s32 s0, $0x4F;
	s13 =	sand.u32 $0x3F, s13;
	s15 =	sshrl.u32 s15, $0xA  }
0x34: {  	s17 =	smul.u32 $0x6, s13;
	s15 =	sand.u32 $0x3F, s15;
	s13 =	smov.u32 s31  }
0x35: {  	s15 =	smul.u32 $0x6, s15  }
0x36: {  	s29 =	sadd.s32 $0x80, s29;
	p1 =	sgt.u32 s14, $0x49;
	s17 =	ssub.s32 s14, s17  }
0x37: {  	p3 =	seq.s32 @!p1 s14, $0x0;
	s17 =	sand.u32 $0xFF, s17;
	s15 =	ssub.s32 s14, s15  }
0x38: {  	s18 =	sshll.u32 s17, $0xB;
	s19 =	sadd.s32 $0x1, s17;
	s17 =	sadd.s32 $0x7, s17  }
0x39: {  	p3 =	por p3, p1;
	s15 =	sadd.s32 $0x5, s15;
	_ =	swait.ge [sflag:s19], $0x800  }
0x3a: {  	s14 =	sand.u32 $0xFF, s15;
	s15 =	sadd.s32 $0x4F00, s18;
	[sflag:s19] =	ssyncset.done $0x0  }
.Ltmp0:
0x3b: {  	s18 =	sadd.s32 @!p3 $0x7, s14;
	[sflag:s19] =	ssyncadd.s32 $0xFFFFF800;
	(pc) =	sbr.rel @p2 .LBB2_2-.Ltmp0, $4  }
0x3c: {  	[spmem:s1] =	stream.indirect.scatter.add.f32 [tilespmem:s15], [sflag:s17], $0x10, s16, s12, $0xb8;
	[tilespmem:$0xA620] =	vst v63  }
0x3d: {  	s15 =	sshll.u32 @!p1 s14, $0xB;
	s14 =	sadd.s32 @!p1 $0x1, s14;
	_ =	swait.ge @!p3 [sflag:s18], $0x800  }
0x3e: {  	s31 =	sadd.s32 $0x80, s31;
	s16 =	sadd.s32 @!p1 $0x4F00, s15;
	[sflag:s18] =	ssyncset.done @!p3 $0x0  }
0x3f: {  	s17 =	simm.s32 @!p1 $0x80;
	s15 =	smul.u32 $0xAB, s30;
	[sflag:s18] =	ssyncadd.s32 @!p3 $0xFFFFF800  }
0x40: {  	[tilespmem:s16], [sflag:s14] =	stream.indirect.gather @!p1 [hbm4b:s3+s17], $0x10, s13, s17, $0xb8;
	[tilespmem:$0xA620] =	vst v63  }
0x41: {  	s0 =	sshrl.u32 s15, $0xA  }
0x42: {  	s17 =	sadd.s32 $0x357, s15;
	s0 =	sand.u32 $0x3F, s0  }
0x43: {  	s13 =	sshrl.u32 s17, $0xA;
	s0 =	smul.u32 $0x6, s0  }
0x44: {  	s13 =	sand.u32 $0x3F, s13  }
0x45: {  	p1 =	sgt.u32 s30, $0x49;
	s13 =	smul.u32 $0x6, s13;
	s0 =	ssub.s32 s30, s0  }
0x46: {  	p2 =	seq.s32 @!p1 s30, $0x0;
	s0 =	sand.u32 $0xFF, s0  }
0x47: {  	p2 =	por p2, p1;
	s13 =	ssub.s32 s30, s13;
	s19 =	sadd.s32 $0x1, s0  }
0x48: {  	s18 =	sshll.u32 s0, $0xB;
	s13 =	sadd.s32 $0x5, s13;
	_ =	swait.ge [sflag:s19], $0x800  }
0x49: {  	s0 =	sadd.s32 $0x7, s0;
	s13 =	sand.u32 $0xFF, s13;
	[sflag:s19] =	ssyncset.done $0x0  }
0x4a: {  	s14 =	sadd.s32 $0x4F00, s18;
	s15 =	sadd.s32 @!p2 $0x7, s13;
	[sflag:s19] =	ssyncadd.s32 $0xFFFFF800  }
0x4b: {  	[spmem:s1] =	stream.indirect.scatter.add.f32 [tilespmem:s14], [sflag:s0], $0x10, s29, s12, $0xb8;
	[tilespmem:$0xA620] =	vst v63  }
0x4c: {  	_ =	swait.ge @!p2 [sflag:s15], $0x800  }
0x4d: {  	s0 =	sshll.u32 @!p1 s13, $0xB;
	s13 =	sadd.s32 @!p1 $0x1, s13;
	[sflag:s15] =	ssyncset.done @!p2 $0x0  }
0x4e: {  	s14 =	simm.s32 @!p1 $0x80;
	s0 =	sadd.s32 @!p1 $0x4F00, s0;
	[sflag:s15] =	ssyncadd.s32 @!p2 $0xFFFFF800  }
0x4f: {  	[tilespmem:s0], [sflag:s13] =	stream.indirect.gather @!p1 [hbm4b:s3+s14], $0x10, s31, s14, $0xb8;
	[tilespmem:$0xA620] =	vst v63  }
0x50: {  	_ =	swait.ge [sflag:s21], $0x800  }
0x51: {  	[sflag:s21] =	ssyncset.done $0x0  }
0x52: {  	[sflag:s21] =	ssyncadd.s32 $0xFFFFF800  }
0x53: {  	_ =	swait.ge [sflag:s22], $0x800  }
0x54: {  	[sflag:s22] =	ssyncset.done $0x0  }
0x55: {  	[sflag:s22] =	ssyncadd.s32 $0xFFFFF800  }
0x56: {  	_ =	swait.ge [sflag:s23], $0x800  }
0x57: {  	[sflag:s23] =	ssyncset.done $0x0  }
0x58: {  	[sflag:s23] =	ssyncadd.s32 $0xFFFFF800  }
0x59: {  	_ =	swait.ge [sflag:s24], $0x800  }
0x5a: {  	[sflag:s24] =	ssyncset.done $0x0  }
0x5b: {  	[sflag:s24] =	ssyncadd.s32 $0xFFFFF800  }
0x5c: {  	_ =	swait.ge [sflag:s25], $0x800  }
0x5d: {  	[sflag:s25] =	ssyncset.done $0x0  }
0x5e: {  	[sflag:s25] =	ssyncadd.s32 $0xFFFFF800  }
0x5f: {  	_ =	swait.ge [sflag:s26], $0x800  }
0x60: {  	[sflag:s26] =	ssyncset.done $0x0  }
0x61: {  	s28 =	sadd.s32 $0x1, s28;
	[sflag:s26] =	ssyncadd.s32 $0xFFFFF800  }
0x62: {  	s0 =	simm.s32 @!p0 $0x1C0D;
	p1 =	sne.s32 s28, s7;
	[bflag:$0x0] =	sbarrier.arrive $0xFFFF  }
0x63: {  	[hbm:s6], [sflag:s0] =	dma.local @!p0 [spmem:s11], $0x4E40  }
.Ltmp1:
0x64: {  	_ = 	snop;
	(pc) =	sbr.rel @p1 .LBB2_1-.Ltmp1, $4  }
0x65: {  	s0 =	simm.s32 @!p0 $0xD  }
0x66: {  	_ =	swait.ge @!p0 [sflag:s0], $0x4E40  }
0x67: {  	[sflag:s0] =	ssyncset.done @!p0 $0x0  }
0x68: {  	[sflag:s0] =	ssyncadd.s32 @!p0 $0xFFFFB1C0  }
0x69: {  	_ =	sfence.sel $0x180000  }
0x6a: {  	[bflag:$0x0] =	sbarrier.arrive $0xFFFF  }
0x6b: {  	_ =	strace $0x90000053  }
0x6c: {  	[bflag:$0x2] =	sbarrier.arrive $0xFFFF  }
0x6d: {  	s0 =	rddreg [dreg:$0x2]  }
0x6e: {  	s0 =	sadd.s32 @!p0 $0x100000, s0  }
0x6f: {  	[sflag:s0] =	ssyncadd.tile.s32 @!p0 $0x1;
	_ =	shalt  }
.Lfunc_end2:
_tile_overlayer_lowered:
.L_overlay_start_2:
0x70: {  	(tag) =	ssettag $0x2  }
0x71: {  	s0 =	rddreg [dreg:$0x0];
	s2 =	stileid.u32  }
0x72: {  	s1 =	rddreg [dreg:$0x1];
	p0 =	sne.s32 s2, $0x0  }
0x73: {  	s3 =	rddreg [dreg:$0x2];
	[bflag:$0x3] =	sbarrier.arrive $0xFFFF;
	s2 =	simm.s32 @!p0 $0x1C0D  }
0x74: {  	[timem:s3], [sflag:s2] =	dma.local @!p0 [hbm:s0], s1  }
0x75: {  	s0 =	simm.s32 @!p0 $0xD  }
0x76: {  	_ =	swait.ge @!p0 [sflag:s0], s1  }
0x77: {  	s1 =	ssub.s32 @!p0 $0x0, s1;
	[sflag:s0] =	ssyncset.done @!p0 $0x0  }
0x78: {  	[sflag:s0] =	ssyncadd.s32 @!p0 s1  }
0x79: {  	[bflag:$0x3] =	sbarrier.arrive $0xFFFF  }
0x7a: {  	_ =	shalt  }

</sc_bundles>
